<compile_context>
chip_gen: v7x
topology: tpu7x:2x2x1
jax: 0.10.2.dev20260603
libtpu: 0.0.44.dev20260713+nightly
codegen_flags: <defaults>
</compile_context>

<pallas_src>
import functools

import numpy as np
import jax
import jax.numpy as jnp
from jax import lax
from jax.experimental import pallas as pl
from jax.experimental.pallas import tpu as pltpu
from jax.experimental.pallas import tpu_sc as plsc

_B = 16384
_F = 26
_D = 16
_RT = 2600000
_FS = 100000
_OFF = np.concatenate([[0], np.cumsum([_FS] * _F)[:-1]]).astype(np.int32)

_CB = 8192
_NBLK = (_RT + _CB - 1) // _CB
_RTP = _NBLK * _CB


def _tprime_body(tt_ref, w1e_ref, o_ref):
    i = pl.program_id(0)
    r0 = i * _CB
    f0 = r0 // _FS
    bnd = (f0 + 1) * _FS
    I = tt_ref[...]
    W0 = w1e_ref[pl.ds(f0 * _D, _D), :]
    W1b = w1e_ref[pl.ds(jnp.minimum(f0 + 1, _F) * _D, _D), :]
    TA = lax.dot_general(I, W0, (((0,), (0,)), ((), ())),
                         preferred_element_type=jnp.float32)
    TB = lax.dot_general(I, W1b, (((0,), (0,)), ((), ())),
                         preferred_element_type=jnp.float32)
    rid = r0 + lax.broadcasted_iota(jnp.int32, (_CB, 1), 0)
    T = jnp.where(rid < bnd, TA, TB)
    for j in range(8):
        o_ref[:, 16 * j:16 * (j + 1)] = T[1024 * j:1024 * (j + 1), :]


def _tprime(tt, w1e):
    return pl.pallas_call(
        _tprime_body,
        grid=(_NBLK,),
        in_specs=[
            pl.BlockSpec((_D, _CB), lambda i: (0, i)),
            pl.BlockSpec(((_F + 1) * _D, _D), lambda i: (0, 0)),
        ],
        out_specs=pl.BlockSpec((_CB // 8, 128), lambda i: (i, 0)),
        out_shape=jax.ShapeDtypeStruct((_RTP // 8, 128), jnp.float32),
    )(tt, w1e)


_NC = 2
_NS = 16
_NW = _NC * _NS
_BPW = _B // _NW
_CHB = 128
_NCH = _BPW // _CHB
_ROWS = _CHB * _F

_i16 = lambda: lax.iota(jnp.int32, 16)


def _take(v, idx):
    return jnp.take(v, idx)


def _scmlp_body(idx_hbm, tp_hbm, wv_hbm, out_hbm,
                idx_v, rows_v, wv_v, out_v, sem):
    wid = lax.axis_index("s") * _NC + lax.axis_index("c")
    base_rows = wid * _BPW * _F
    base_out = wid * _BPW
    pltpu.sync_copy(wv_hbm, wv_v)
    b1v = wv_v[0, :]
    w2f = wv_v[1, :]
    b2v = wv_v[2, :]
    w3v = wv_v[3, :]
    b3v = wv_v[4, :]
    lanes = _i16()
    perm_rep = lanes & 3
    perm1 = (lanes + 1) & 15
    perm2 = (lanes + 2) & 15
    perm4 = (lanes + 4) & 15
    perm8 = (lanes + 8) & 15

    for c in range(_NCH):
        off = base_rows + c * _ROWS
        pltpu.sync_copy(idx_hbm.at[pl.ds(off, _ROWS)], idx_v)
        pltpu.async_copy(tp_hbm.at[idx_v], rows_v, sem).wait()

        def batch_body(bb, acc):
            s = rows_v[bb * _F + 0, :]
            for t in range(1, _F):
                s = s + rows_v[bb * _F + t, :]
            h1 = jnp.maximum(s + b1v, 0.0)
            hrep = _take(h1, perm_rep)
            p = hrep * w2f
            g = p + _take(p, perm1)
            g = g + _take(g, perm2)
            h2 = jnp.maximum(g + b2v, 0.0)
            p2 = h2 * w3v
            t_ = p2 + _take(p2, perm8)
            t_ = t_ + _take(t_, perm4)
            t_ = t_ + _take(t_, perm2)
            t_ = t_ + _take(t_, perm1)
            logit = t_ + b3v
            sig = 1.0 / (1.0 + jnp.exp(-logit))
            return jnp.where(lanes == (bb & 15), sig, acc)

        def group_body(g, carry):
            acc = jnp.zeros((16,), jnp.float32)
            acc = lax.fori_loop(g * 16, (g + 1) * 16,
                                lambda bb, a: batch_body(bb, a), acc)
            out_v[pl.ds(c * _CHB + g * 16, 16)] = acc
            return carry

        lax.fori_loop(0, _CHB // 16, group_body, 0)

    pltpu.sync_copy(out_v, out_hbm.at[pl.ds(base_out, _BPW)])


_scmlp = functools.partial(
    pl.kernel,
    out_type=jax.ShapeDtypeStruct((_B,), jnp.float32),
    mesh=plsc.VectorSubcoreMesh(core_axis_name="c", subcore_axis_name="s"),
    scratch_types=[
        pltpu.VMEM((_ROWS,), jnp.int32),
        pltpu.VMEM((_ROWS, _D), jnp.float32),
        pltpu.VMEM((5, 16), jnp.float32),
        pltpu.VMEM((_BPW,), jnp.float32),
        pltpu.SemaphoreType.DMA,
    ],
    compiler_params=pltpu.CompilerParams(use_tc_tiling_on_sc=False),
)(_scmlp_body)


def kernel(x, table, W1, b1, W2, b2, W3, b3):
    r = (x + jnp.asarray(_OFF)[None, :]).reshape(-1)
    rem = r % _CB
    idx = 8 * (1024 * (r // _CB) + rem % 1024) + rem // 1024
    w1e = jnp.zeros(((_F + 1) * _D, _D), jnp.float32)
    w1e = w1e.at[: _F * _D, :4].set(W1)
    tp = _tprime(table.T, w1e)
    tp = tp.reshape(_RTP, _D)
    wv = jnp.zeros((5, 16), jnp.float32)
    wv = wv.at[0, :4].set(b1)
    wv = wv.at[1, :].set(W2.T.reshape(16))
    wv = wv.at[2, ::4].set(b2)
    wv = wv.at[3, ::4].set(W3[:, 0])
    wv = wv.at[4, :].set(b3[0])
    return _scmlp(idx, tp, wv)

# --- scband reference (transcript-rebuilt; emitter-appended) ---
"""Pipeline reference for scband-dnnmodel-4080218931344 (READ-ONLY COPY).

The authoritative reference and input builder live on the scoring server;
editing this copy changes nothing except your own understanding.
"""

import jax, jax.numpy as jnp
import numpy as np

FIELD_DIMS = [100000] * 26
EMBED_DIM = 16
BATCH = 16384
OFFSETS = jnp.asarray(np.concatenate([[0], np.cumsum(FIELD_DIMS)[:-1]]).astype(np.int32))


def setup_inputs(seed: int = 0) -> dict:
    key = jax.random.key(seed)
    ks = jax.random.split(key, 8)
    x = jax.random.randint(ks[0], (BATCH, len(FIELD_DIMS)), 0, 100000, dtype=jnp.int32)
    total_rows = int(sum(FIELD_DIMS))
    table = jax.random.normal(ks[1], (total_rows, EMBED_DIM), dtype=jnp.float32) * 0.02
    d = len(FIELD_DIMS) * EMBED_DIM
    W1 = jax.random.normal(ks[2], (d, 4), dtype=jnp.float32) * (1.0 / np.sqrt(d))
    b1 = jnp.zeros((4,), jnp.float32)
    W2 = jax.random.normal(ks[3], (4, 4), dtype=jnp.float32) * 0.5
    b2 = jnp.zeros((4,), jnp.float32)
    W3 = jax.random.normal(ks[4], (4, 1), dtype=jnp.float32) * 0.5
    b3 = jnp.zeros((1,), jnp.float32)
    return {"x": x, "table": table, "W1": W1, "b1": b1, "W2": W2, "b2": b2, "W3": W3, "b3": b3}


def reference(x, table, W1, b1, W2, b2, W3, b3):
    # FeaturesEmbedding: per-field offset then single shared-table gather
    idx = x + OFFSETS[None, :]
    embed_x = jnp.take(table, idx, axis=0)  # [B, F, D]
    h = embed_x.reshape(embed_x.shape[0], -1)  # [B, F*D]
    h = jax.nn.relu(h @ W1 + b1)
    h = jax.nn.relu(h @ W2 + b2)
    logits = (h @ W3 + b3)[:, 0]
    return jax.nn.sigmoid(logits)

if __name__ == "__main__":
    import jax
    _d = setup_inputs()
    print(jax.jit(kernel)(*tuple(_d.values())))

</pallas_src>

<mosaic_0001>
#map = affine_map<(d0, d1) -> (0)>
#map1 = affine_map<(d0, d1) -> (0, 0)>
module attributes {stable_mosaic.version = 14 : i64} {
  func.func @_scmlp_body(%arg0: i32, %arg1: i32, %arg2: memref<425984xi32, #tpu.memory_space<hbm>>, %arg3: memref<2605056x16xf32, #tpu.memory_space<hbm>>, %arg4: memref<5x16xf32, #tpu.memory_space<hbm>>, %arg5: memref<16384xf32, #tpu.memory_space<hbm>>, %arg6: memref<3328xi32, #tpu.memory_space<vmem>>, %arg7: memref<3328x16xf32, #tpu.memory_space<vmem>>, %arg8: memref<5x16xf32, #tpu.memory_space<vmem>>, %arg9: memref<512xf32, #tpu.memory_space<vmem>>, %arg10: memref<!tpu.dma_semaphore, #tpu.memory_space<semaphore_mem>>) attributes {dimension_semantics = [#tpu.dimension_semantics<core_parallel>, #tpu.dimension_semantics<subcore_parallel>], iteration_bounds = array<i64: 2, 16>, scalar_prefetch = 0 : i64, scratch_operands = 5 : i64, tpu.core_type = #tpu.core_type<sc_vector_subcore>, window_params = [{transform_indices = #map}, {transform_indices = #map1}, {transform_indices = #map1}, {transform_indices = #map}]} {
    %mul3A = arith.constant 2 : i32
    %mul3A_0 = arith.muli %arg1, %mul3A : i32
    %add3A = arith.addi %mul3A_0, %arg0 : i32
    %mul3A_1 = arith.constant 512 : i32
    %mul3A_2 = arith.muli %add3A, %mul3A_1 : i32
    %mul3A_3 = arith.constant 26 : i32
    %mul3A_4 = arith.muli %mul3A_2, %mul3A_3 : i32
    %mul3A_5 = arith.constant 512 : i32
    %mul3A_6 = arith.muli %add3A, %mul3A_5 : i32
    "tpu.region"() ({
      %run_scoped3A = tpu.sem_alloc : memref<!tpu.dma_semaphore, #tpu.memory_space<semaphore_mem>>
      tpu.enqueue_dma source(%arg4 : memref<5x16xf32, #tpu.memory_space<hbm>>) target(%arg8 : memref<5x16xf32, #tpu.memory_space<vmem>>) target_semaphore(%run_scoped3A : memref<!tpu.dma_semaphore, #tpu.memory_space<semaphore_mem>>)
      tpu.wait_dma2 semaphore(%run_scoped3A : memref<!tpu.dma_semaphore, #tpu.memory_space<semaphore_mem>>) src(%arg4 : memref<5x16xf32, #tpu.memory_space<hbm>>) dst(%arg8 : memref<5x16xf32, #tpu.memory_space<vmem>>)
      tpu.yield
    }) : () -> ()
    %get3A = arith.constant 0 : i32
    %get3A_7 = arith.index_cast %get3A : i32 to index
    %get3A_8 = arith.constant 0 : index
    %get3A_9 = tpu.vector_load %arg8[%get3A_7, %get3A_8] {strides = array<i32>} : memref<5x16xf32, #tpu.memory_space<vmem>>, vector<1x16xf32>,
    %get3A_10 = vector.shape_cast %get3A_9 : vector<1x16xf32> to vector<16xf32>
    %get3A_11 = arith.constant 1 : i32
    %get3A_12 = arith.index_cast %get3A_11 : i32 to index
    %get3A_13 = arith.constant 0 : index
    %get3A_14 = tpu.vector_load %arg8[%get3A_12, %get3A_13] {strides = array<i32>} : memref<5x16xf32, #tpu.memory_space<vmem>>, vector<1x16xf32>,
    %get3A_15 = vector.shape_cast %get3A_14 : vector<1x16xf32> to vector<16xf32>
    %get3A_16 = arith.constant 2 : i32
    %get3A_17 = arith.index_cast %get3A_16 : i32 to index
    %get3A_18 = arith.constant 0 : index
    %get3A_19 = tpu.vector_load %arg8[%get3A_17, %get3A_18] {strides = array<i32>} : memref<5x16xf32, #tpu.memory_space<vmem>>, vector<1x16xf32>,
    %get3A_20 = vector.shape_cast %get3A_19 : vector<1x16xf32> to vector<16xf32>
    %get3A_21 = arith.constant 3 : i32
    %get3A_22 = arith.index_cast %get3A_21 : i32 to index
    %get3A_23 = arith.constant 0 : index
    %get3A_24 = tpu.vector_load %arg8[%get3A_22, %get3A_23] {strides = array<i32>} : memref<5x16xf32, #tpu.memory_space<vmem>>, vector<1x16xf32>,
    %get3A_25 = vector.shape_cast %get3A_24 : vector<1x16xf32> to vector<16xf32>
    %get3A_26 = arith.constant 4 : i32
    %get3A_27 = arith.index_cast %get3A_26 : i32 to index
    %get3A_28 = arith.constant 0 : index
    %get3A_29 = tpu.vector_load %arg8[%get3A_27, %get3A_28] {strides = array<i32>} : memref<5x16xf32, #tpu.memory_space<vmem>>, vector<1x16xf32>,
    %get3A_30 = vector.shape_cast %get3A_29 : vector<1x16xf32> to vector<16xf32>
    %iota3A = tpu.iota {dimensions = array<i32: 0>} : vector<16xi32>
    %and3A = arith.constant 3 : i32
    %and3A_31 = vector.broadcast %and3A : i32 to vector<16xi32>
    %and3A_32 = arith.andi %iota3A, %and3A_31 : vector<16xi32>
    %add3A_33 = arith.constant 1 : i32
    %add3A_34 = vector.broadcast %add3A_33 : i32 to vector<16xi32>
    %add3A_35 = arith.addi %iota3A, %add3A_34 : vector<16xi32>
    %and3A_36 = arith.constant 15 : i32
    %and3A_37 = vector.broadcast %and3A_36 : i32 to vector<16xi32>
    %and3A_38 = arith.andi %add3A_35, %and3A_37 : vector<16xi32>
    %add3A_39 = arith.constant 2 : i32
    %add3A_40 = vector.broadcast %add3A_39 : i32 to vector<16xi32>
    %add3A_41 = arith.addi %iota3A, %add3A_40 : vector<16xi32>
    %and3A_42 = arith.constant 15 : i32
    %and3A_43 = vector.broadcast %and3A_42 : i32 to vector<16xi32>
    %and3A_44 = arith.andi %add3A_41, %and3A_43 : vector<16xi32>
    %add3A_45 = arith.constant 4 : i32
    %add3A_46 = vector.broadcast %add3A_45 : i32 to vector<16xi32>
    %add3A_47 = arith.addi %iota3A, %add3A_46 : vector<16xi32>
    %and3A_48 = arith.constant 15 : i32
    %and3A_49 = vector.broadcast %and3A_48 : i32 to vector<16xi32>
    %and3A_50 = arith.andi %add3A_47, %and3A_49 : vector<16xi32>
    %add3A_51 = arith.constant 8 : i32
    %add3A_52 = vector.broadcast %add3A_51 : i32 to vector<16xi32>
    %add3A_53 = arith.addi %iota3A, %add3A_52 : vector<16xi32>
    %and3A_54 = arith.constant 15 : i32
    %and3A_55 = vector.broadcast %and3A_54 : i32 to vector<16xi32>
    %and3A_56 = arith.andi %add3A_53, %and3A_55 : vector<16xi32>
    %add3A_57 = arith.constant 0 : i32
    %add3A_58 = arith.addi %mul3A_4, %add3A_57 : i32
    "tpu.region"() ({
      %run_scoped3A = tpu.sem_alloc : memref<!tpu.dma_semaphore, #tpu.memory_space<semaphore_mem>>
      %dma_start3A_110 = tpu.memref_slice %arg2[%add3A_58] : memref<425984xi32, #tpu.memory_space<hbm>> -> memref<3328xi32, #tpu.memory_space<hbm>>
      %dma_start3A_111 = tpu.memref_slice %arg2[%add3A_58] : memref<425984xi32, #tpu.memory_space<hbm>> -> memref<3328xi32, #tpu.memory_space<hbm>>
      tpu.enqueue_dma source(%dma_start3A_111 : memref<3328xi32, #tpu.memory_space<hbm>>) target(%arg6 : memref<3328xi32, #tpu.memory_space<vmem>>) target_semaphore(%run_scoped3A : memref<!tpu.dma_semaphore, #tpu.memory_space<semaphore_mem>>)
      %dma_wait3A_112 = tpu.memref_slice %arg2[%add3A_58] : memref<425984xi32, #tpu.memory_space<hbm>> -> memref<3328xi32, #tpu.memory_space<hbm>>
      %dma_wait3A_113 = tpu.memref_slice %arg2[%add3A_58] : memref<425984xi32, #tpu.memory_space<hbm>> -> memref<3328xi32, #tpu.memory_space<hbm>>
      tpu.wait_dma2 semaphore(%run_scoped3A : memref<!tpu.dma_semaphore, #tpu.memory_space<semaphore_mem>>) src(%dma_wait3A_113 : memref<3328xi32, #tpu.memory_space<hbm>>) dst(%arg6 : memref<3328xi32, #tpu.memory_space<vmem>>)
      tpu.yield
    }) : () -> ()
    %dma_start3A = arith.constant 0 : i32
    %dma_start3A_59 = arith.constant 0 : i32
    %dma_start3A_60 = tpu.memref_slice %arg3[%dma_start3A, %dma_start3A_59] : memref<2605056x16xf32, #tpu.memory_space<hbm>> -> memref<2605056x16xf32, #tpu.memory_space<hbm>>
    tpu.enqueue_indirect_dma source(%dma_start3A_60 : memref<2605056x16xf32, #tpu.memory_space<hbm>>) target(%arg7 : memref<3328x16xf32, #tpu.memory_space<vmem>>) offsets(%arg6 : memref<3328xi32, #tpu.memory_space<vmem>>) semaphore(%arg10 : memref<!tpu.dma_semaphore, #tpu.memory_space<semaphore_mem>>)
    %dma_wait3A = arith.constant 0 : i32
    %dma_wait3A_61 = arith.constant 0 : i32
    %dma_wait3A_62 = tpu.memref_slice %arg3[%dma_wait3A, %dma_wait3A_61] : memref<2605056x16xf32, #tpu.memory_space<hbm>> -> memref<2605056x16xf32, #tpu.memory_space<hbm>>
    tpu.wait_indirect_dma semaphore(%arg10 : memref<!tpu.dma_semaphore, #tpu.memory_space<semaphore_mem>>) src(%dma_wait3A_62 : memref<2605056x16xf32, #tpu.memory_space<hbm>>) dst(%arg7 : memref<3328x16xf32, #tpu.memory_space<vmem>>)
    %scan3A = arith.constant 0 : i32
    %scan3A_63 = arith.constant 0 : i32
    %scan3A_64 = arith.constant 8 : i32
    %scan3A_65 = arith.addi %scan3A_63, %scan3A_64 : i32
    %scan3A_66 = arith.constant 1 : i32
    scf.for %scan3A_110 = %scan3A_63 to %scan3A_65 step %scan3A_66  : i32 {
      %broadcast_in_dim3A = arith.constant 0.000000e+00 : f32
      %broadcast_in_dim3A_111 = vector.broadcast %broadcast_in_dim3A : f32 to vector<16xf32>
      %mul3A_112 = arith.constant 16 : i32
      %mul3A_113 = arith.muli %scan3A_110, %mul3A_112 : i32
      %add3A_114 = arith.constant 1 : i32
      %add3A_115 = arith.addi %scan3A_110, %add3A_114 : i32
      %mul3A_116 = arith.constant 16 : i32
      %mul3A_117 = arith.muli %add3A_115, %mul3A_116 : i32
      %while3A = arith.subi %mul3A_117, %mul3A_113 : i32
      %while3A_118 = arith.addi %mul3A_113, %while3A : i32
      %while3A_119 = arith.constant 1 : i32
      %while3A_120 = arith.divsi %while3A, %while3A_119 : i32
      %while3A_121 = arith.muli %while3A_120, %while3A_119 : i32
      %while3A_122 = arith.addi %mul3A_113, %while3A_121 : i32
      %while3A_123 = arith.constant 1 : i32
      %while3A_124 = scf.for %while3A_134 = %mul3A_113 to %while3A_122 step %while3A_123 iter_args(%while3A_135 = %broadcast_in_dim3A_111) -> (vector<16xf32>)  : i32 {
        %mul3A_136 = arith.constant 26 : i32
        %mul3A_137 = arith.muli %while3A_134, %mul3A_136 : i32
        %add3A_138 = arith.constant 0 : i32
        %add3A_139 = arith.addi %mul3A_137, %add3A_138 : i32
        %get3A_140 = arith.index_cast %add3A_139 : i32 to index
        %get3A_141 = arith.constant 0 : index
        %get3A_142 = tpu.vector_load %arg7[%get3A_140, %get3A_141] {strides = array<i32>} : memref<3328x16xf32, #tpu.memory_space<vmem>>, vector<1x16xf32>,
        %get3A_143 = vector.shape_cast %get3A_142 : vector<1x16xf32> to vector<16xf32>
        %mul3A_144 = arith.constant 26 : i32
        %mul3A_145 = arith.muli %while3A_134, %mul3A_144 : i32
        %add3A_146 = arith.constant 1 : i32
        %add3A_147 = arith.addi %mul3A_145, %add3A_146 : i32
        %get3A_148 = arith.index_cast %add3A_147 : i32 to index
        %get3A_149 = arith.constant 0 : index
        %get3A_150 = tpu.vector_load %arg7[%get3A_148, %get3A_149] {strides = array<i32>} : memref<3328x16xf32, #tpu.memory_space<vmem>>, vector<1x16xf32>,
        %get3A_151 = vector.shape_cast %get3A_150 : vector<1x16xf32> to vector<16xf32>
        %add3A_152 = arith.addf %get3A_143, %get3A_151 : vector<16xf32>
        %mul3A_153 = arith.constant 26 : i32
        %mul3A_154 = arith.muli %while3A_134, %mul3A_153 : i32
        %add3A_155 = arith.constant 2 : i32
        %add3A_156 = arith.addi %mul3A_154, %add3A_155 : i32
        %get3A_157 = arith.index_cast %add3A_156 : i32 to index
        %get3A_158 = arith.constant 0 : index
        %get3A_159 = tpu.vector_load %arg7[%get3A_157, %get3A_158] {strides = array<i32>} : memref<3328x16xf32, #tpu.memory_space<vmem>>, vector<1x16xf32>,
        %get3A_160 = vector.shape_cast %get3A_159 : vector<1x16xf32> to vector<16xf32>
        %add3A_161 = arith.addf %add3A_152, %get3A_160 : vector<16xf32>
        %mul3A_162 = arith.constant 26 : i32
        %mul3A_163 = arith.muli %while3A_134, %mul3A_162 : i32
        %add3A_164 = arith.constant 3 : i32
        %add3A_165 = arith.addi %mul3A_163, %add3A_164 : i32
        %get3A_166 = arith.index_cast %add3A_165 : i32 to index
        %get3A_167 = arith.constant 0 : index
        %get3A_168 = tpu.vector_load %arg7[%get3A_166, %get3A_167] {strides = array<i32>} : memref<3328x16xf32, #tpu.memory_space<vmem>>, vector<1x16xf32>,
        %get3A_169 = vector.shape_cast %get3A_168 : vector<1x16xf32> to vector<16xf32>
        %add3A_170 = arith.addf %add3A_161, %get3A_169 : vector<16xf32>
        %mul3A_171 = arith.constant 26 : i32
        %mul3A_172 = arith.muli %while3A_134, %mul3A_171 : i32
        %add3A_173 = arith.constant 4 : i32
        %add3A_174 = arith.addi %mul3A_172, %add3A_173 : i32
        %get3A_175 = arith.index_cast %add3A_174 : i32 to index
        %get3A_176 = arith.constant 0 : index
        %get3A_177 = tpu.vector_load %arg7[%get3A_175, %get3A_176] {strides = array<i32>} : memref<3328x16xf32, #tpu.memory_space<vmem>>, vector<1x16xf32>,
        %get3A_178 = vector.shape_cast %get3A_177 : vector<1x16xf32> to vector<16xf32>
        %add3A_179 = arith.addf %add3A_170, %get3A_178 : vector<16xf32>
        %mul3A_180 = arith.constant 26 : i32
        %mul3A_181 = arith.muli %while3A_134, %mul3A_180 : i32
        %add3A_182 = arith.constant 5 : i32
        %add3A_183 = arith.addi %mul3A_181, %add3A_182 : i32
        %get3A_184 = arith.index_cast %add3A_183 : i32 to index
        %get3A_185 = arith.constant 0 : index
        %get3A_186 = tpu.vector_load %arg7[%get3A_184, %get3A_185] {strides = array<i32>} : memref<3328x16xf32, #tpu.memory_space<vmem>>, vector<1x16xf32>,
        %get3A_187 = vector.shape_cast %get3A_186 : vector<1x16xf32> to vector<16xf32>
        %add3A_188 = arith.addf %add3A_179, %get3A_187 : vector<16xf32>
        %mul3A_189 = arith.constant 26 : i32
        %mul3A_190 = arith.muli %while3A_134, %mul3A_189 : i32
        %add3A_191 = arith.constant 6 : i32
        %add3A_192 = arith.addi %mul3A_190, %add3A_191 : i32
        %get3A_193 = arith.index_cast %add3A_192 : i32 to index
        %get3A_194 = arith.constant 0 : index
        %get3A_195 = tpu.vector_load %arg7[%get3A_193, %get3A_194] {strides = array<i32>} : memref<3328x16xf32, #tpu.memory_space<vmem>>, vector<1x16xf32>,
        %get3A_196 = vector.shape_cast %get3A_195 : vector<1x16xf32> to vector<16xf32>
        %add3A_197 = arith.addf %add3A_188, %get3A_196 : vector<16xf32>
        %mul3A_198 = arith.constant 26 : i32
        %mul3A_199 = arith.muli %while3A_134, %mul3A_198 : i32
        %add3A_200 = arith.constant 7 : i32
        %add3A_201 = arith.addi %mul3A_199, %add3A_200 : i32
        %get3A_202 = arith.index_cast %add3A_201 : i32 to index
        %get3A_203 = arith.constant 0 : index
        %get3A_204 = tpu.vector_load %arg7[%get3A_202, %get3A_203] {strides = array<i32>} : memref<3328x16xf32, #tpu.memory_space<vmem>>, vector<1x16xf32>,
        %get3A_205 = vector.shape_cast %get3A_204 : vector<1x16xf32> to vector<16xf32>
        %add3A_206 = arith.addf %add3A_197, %get3A_205 : vector<16xf32>
        %mul3A_207 = arith.constant 26 : i32
        %mul3A_208 = arith.muli %while3A_134, %mul3A_207 : i32
        %add3A_209 = arith.constant 8 : i32
        %add3A_210 = arith.addi %mul3A_208, %add3A_209 : i32
        %get3A_211 = arith.index_cast %add3A_210 : i32 to index
        %get3A_212 = arith.constant 0 : index
        %get3A_213 = tpu.vector_load %arg7[%get3A_211, %get3A_212] {strides = array<i32>} : memref<3328x16xf32, #tpu.memory_space<vmem>>, vector<1x16xf32>,
        %get3A_214 = vector.shape_cast %get3A_213 : vector<1x16xf32> to vector<16xf32>
        %add3A_215 = arith.addf %add3A_206, %get3A_214 : vector<16xf32>
        %mul3A_216 = arith.constant 26 : i32
        %mul3A_217 = arith.muli %while3A_134, %mul3A_216 : i32
        %add3A_218 = arith.constant 9 : i32
        %add3A_219 = arith.addi %mul3A_217, %add3A_218 : i32
        %get3A_220 = arith.index_cast %add3A_219 : i32 to index
        %get3A_221 = arith.constant 0 : index
        %get3A_222 = tpu.vector_load %arg7[%get3A_220, %get3A_221] {strides = array<i32>} : memref<3328x16xf32, #tpu.memory_space<vmem>>, vector<1x16xf32>,
        %get3A_223 = vector.shape_cast %get3A_222 : vector<1x16xf32> to vector<16xf32>
        %add3A_224 = arith.addf %add3A_215, %get3A_223 : vector<16xf32>
        %mul3A_225 = arith.constant 26 : i32
        %mul3A_226 = arith.muli %while3A_134, %mul3A_225 : i32
        %add3A_227 = arith.constant 10 : i32
        %add3A_228 = arith.addi %mul3A_226, %add3A_227 : i32
        %get3A_229 = arith.index_cast %add3A_228 : i32 to index
        %get3A_230 = arith.constant 0 : index
        %get3A_231 = tpu.vector_load %arg7[%get3A_229, %get3A_230] {strides = array<i32>} : memref<3328x16xf32, #tpu.memory_space<vmem>>, vector<1x16xf32>,
        %get3A_232 = vector.shape_cast %get3A_231 : vector<1x16xf32> to vector<16xf32>
        %add3A_233 = arith.addf %add3A_224, %get3A_232 : vector<16xf32>
        %mul3A_234 = arith.constant 26 : i32
        %mul3A_235 = arith.muli %while3A_134, %mul3A_234 : i32
        %add3A_236 = arith.constant 11 : i32
        %add3A_237 = arith.addi %mul3A_235, %add3A_236 : i32
        %get3A_238 = arith.index_cast %add3A_237 : i32 to index
        %get3A_239 = arith.constant 0 : index
        %get3A_240 = tpu.vector_load %arg7[%get3A_238, %get3A_239] {strides = array<i32>} : memref<3328x16xf32, #tpu.memory_space<vmem>>, vector<1x16xf32>,
        %get3A_241 = vector.shape_cast %get3A_240 : vector<1x16xf32> to vector<16xf32>
        %add3A_242 = arith.addf %add3A_233, %get3A_241 : vector<16xf32>
        %mul3A_243 = arith.constant 26 : i32
        %mul3A_244 = arith.muli %while3A_134, %mul3A_243 : i32
        %add3A_245 = arith.constant 12 : i32
        %add3A_246 = arith.addi %mul3A_244, %add3A_245 : i32
        %get3A_247 = arith.index_cast %add3A_246 : i32 to index
        %get3A_248 = arith.constant 0 : index
        %get3A_249 = tpu.vector_load %arg7[%get3A_247, %get3A_248] {strides = array<i32>} : memref<3328x16xf32, #tpu.memory_space<vmem>>, vector<1x16xf32>,
        %get3A_250 = vector.shape_cast %get3A_249 : vector<1x16xf32> to vector<16xf32>
        %add3A_251 = arith.addf %add3A_242, %get3A_250 : vector<16xf32>
        %mul3A_252 = arith.constant 26 : i32
        %mul3A_253 = arith.muli %while3A_134, %mul3A_252 : i32
        %add3A_254 = arith.constant 13 : i32
        %add3A_255 = arith.addi %mul3A_253, %add3A_254 : i32
        %get3A_256 = arith.index_cast %add3A_255 : i32 to index
        %get3A_257 = arith.constant 0 : index
        %get3A_258 = tpu.vector_load %arg7[%get3A_256, %get3A_257] {strides = array<i32>} : memref<3328x16xf32, #tpu.memory_space<vmem>>, vector<1x16xf32>,
        %get3A_259 = vector.shape_cast %get3A_258 : vector<1x16xf32> to vector<16xf32>
        %add3A_260 = arith.addf %add3A_251, %get3A_259 : vector<16xf32>
        %mul3A_261 = arith.constant 26 : i32
        %mul3A_262 = arith.muli %while3A_134, %mul3A_261 : i32
        %add3A_263 = arith.constant 14 : i32
        %add3A_264 = arith.addi %mul3A_262, %add3A_263 : i32
        %get3A_265 = arith.index_cast %add3A_264 : i32 to index
        %get3A_266 = arith.constant 0 : index
        %get3A_267 = tpu.vector_load %arg7[%get3A_265, %get3A_266] {strides = array<i32>} : memref<3328x16xf32, #tpu.memory_space<vmem>>, vector<1x16xf32>,
        %get3A_268 = vector.shape_cast %get3A_267 : vector<1x16xf32> to vector<16xf32>
        %add3A_269 = arith.addf %add3A_260, %get3A_268 : vector<16xf32>
        %mul3A_270 = arith.constant 26 : i32
        %mul3A_271 = arith.muli %while3A_134, %mul3A_270 : i32
        %add3A_272 = arith.constant 15 : i32
        %add3A_273 = arith.addi %mul3A_271, %add3A_272 : i32
        %get3A_274 = arith.index_cast %add3A_273 : i32 to index
        %get3A_275 = arith.constant 0 : index
        %get3A_276 = tpu.vector_load %arg7[%get3A_274, %get3A_275] {strides = array<i32>} : memref<3328x16xf32, #tpu.memory_space<vmem>>, vector<1x16xf32>,
        %get3A_277 = vector.shape_cast %get3A_276 : vector<1x16xf32> to vector<16xf32>
        %add3A_278 = arith.addf %add3A_269, %get3A_277 : vector<16xf32>
        %mul3A_279 = arith.constant 26 : i32
        %mul3A_280 = arith.muli %while3A_134, %mul3A_279 : i32
        %add3A_281 = arith.constant 16 : i32
        %add3A_282 = arith.addi %mul3A_280, %add3A_281 : i32
        %get3A_283 = arith.index_cast %add3A_282 : i32 to index
        %get3A_284 = arith.constant 0 : index
        %get3A_285 = tpu.vector_load %arg7[%get3A_283, %get3A_284] {strides = array<i32>} : memref<3328x16xf32, #tpu.memory_space<vmem>>, vector<1x16xf32>,
        %get3A_286 = vector.shape_cast %get3A_285 : vector<1x16xf32> to vector<16xf32>
        %add3A_287 = arith.addf %add3A_278, %get3A_286 : vector<16xf32>
        %mul3A_288 = arith.constant 26 : i32
        %mul3A_289 = arith.muli %while3A_134, %mul3A_288 : i32
        %add3A_290 = arith.constant 17 : i32
        %add3A_291 = arith.addi %mul3A_289, %add3A_290 : i32
        %get3A_292 = arith.index_cast %add3A_291 : i32 to index
        %get3A_293 = arith.constant 0 : index
        %get3A_294 = tpu.vector_load %arg7[%get3A_292, %get3A_293] {strides = array<i32>} : memref<3328x16xf32, #tpu.memory_space<vmem>>, vector<1x16xf32>,
        %get3A_295 = vector.shape_cast %get3A_294 : vector<1x16xf32> to vector<16xf32>
        %add3A_296 = arith.addf %add3A_287, %get3A_295 : vector<16xf32>
        %mul3A_297 = arith.constant 26 : i32
        %mul3A_298 = arith.muli %while3A_134, %mul3A_297 : i32
        %add3A_299 = arith.constant 18 : i32
        %add3A_300 = arith.addi %mul3A_298, %add3A_299 : i32
        %get3A_301 = arith.index_cast %add3A_300 : i32 to index
        %get3A_302 = arith.constant 0 : index
        %get3A_303 = tpu.vector_load %arg7[%get3A_301, %get3A_302] {strides = array<i32>} : memref<3328x16xf32, #tpu.memory_space<vmem>>, vector<1x16xf32>,
        %get3A_304 = vector.shape_cast %get3A_303 : vector<1x16xf32> to vector<16xf32>
        %add3A_305 = arith.addf %add3A_296, %get3A_304 : vector<16xf32>
        %mul3A_306 = arith.constant 26 : i32
        %mul3A_307 = arith.muli %while3A_134, %mul3A_306 : i32
        %add3A_308 = arith.constant 19 : i32
        %add3A_309 = arith.addi %mul3A_307, %add3A_308 : i32
        %get3A_310 = arith.index_cast %add3A_309 : i32 to index
        %get3A_311 = arith.constant 0 : index
        %get3A_312 = tpu.vector_load %arg7[%get3A_310, %get3A_311] {strides = array<i32>} : memref<3328x16xf32, #tpu.memory_space<vmem>>, vector<1x16xf32>,
        %get3A_313 = vector.shape_cast %get3A_312 : vector<1x16xf32> to vector<16xf32>
        %add3A_314 = arith.addf %add3A_305, %get3A_313 : vector<16xf32>
        %mul3A_315 = arith.constant 26 : i32
        %mul3A_316 = arith.muli %while3A_134, %mul3A_315 : i32
        %add3A_317 = arith.constant 20 : i32
        %add3A_318 = arith.addi %mul3A_316, %add3A_317 : i32
        %get3A_319 = arith.index_cast %add3A_318 : i32 to index
        %get3A_320 = arith.constant 0 : index
        %get3A_321 = tpu.vector_load %arg7[%get3A_319, %get3A_320] {strides = array<i32>} : memref<3328x16xf32, #tpu.memory_space<vmem>>, vector<1x16xf32>,
        %get3A_322 = vector.shape_cast %get3A_321 : vector<1x16xf32> to vector<16xf32>
        %add3A_323 = arith.addf %add3A_314, %get3A_322 : vector<16xf32>
        %mul3A_324 = arith.constant 26 : i32
        %mul3A_325 = arith.muli %while3A_134, %mul3A_324 : i32
        %add3A_326 = arith.constant 21 : i32
        %add3A_327 = arith.addi %mul3A_325, %add3A_326 : i32
        %get3A_328 = arith.index_cast %add3A_327 : i32 to index
        %get3A_329 = arith.constant 0 : index
        %get3A_330 = tpu.vector_load %arg7[%get3A_328, %get3A_329] {strides = array<i32>} : memref<3328x16xf32, #tpu.memory_space<vmem>>, vector<1x16xf32>,
        %get3A_331 = vector.shape_cast %get3A_330 : vector<1x16xf32> to vector<16xf32>
        %add3A_332 = arith.addf %add3A_323, %get3A_331 : vector<16xf32>
        %mul3A_333 = arith.constant 26 : i32
        %mul3A_334 = arith.muli %while3A_134, %mul3A_333 : i32
        %add3A_335 = arith.constant 22 : i32
        %add3A_336 = arith.addi %mul3A_334, %add3A_335 : i32
        %get3A_337 = arith.index_cast %add3A_336 : i32 to index
        %get3A_338 = arith.constant 0 : index
        %get3A_339 = tpu.vector_load %arg7[%get3A_337, %get3A_338] {strides = array<i32>} : memref<3328x16xf32, #tpu.memory_space<vmem>>, vector<1x16xf32>,
        %get3A_340 = vector.shape_cast %get3A_339 : vector<1x16xf32> to vector<16xf32>
        %add3A_341 = arith.addf %add3A_332, %get3A_340 : vector<16xf32>
        %mul3A_342 = arith.constant 26 : i32
        %mul3A_343 = arith.muli %while3A_134, %mul3A_342 : i32
        %add3A_344 = arith.constant 23 : i32
        %add3A_345 = arith.addi %mul3A_343, %add3A_344 : i32
        %get3A_346 = arith.index_cast %add3A_345 : i32 to index
        %get3A_347 = arith.constant 0 : index
        %get3A_348 = tpu.vector_load %arg7[%get3A_346, %get3A_347] {strides = array<i32>} : memref<3328x16xf32, #tpu.memory_space<vmem>>, vector<1x16xf32>,
        %get3A_349 = vector.shape_cast %get3A_348 : vector<1x16xf32> to vector<16xf32>
        %add3A_350 = arith.addf %add3A_341, %get3A_349 : vector<16xf32>
        %mul3A_351 = arith.constant 26 : i32
        %mul3A_352 = arith.muli %while3A_134, %mul3A_351 : i32
        %add3A_353 = arith.constant 24 : i32
        %add3A_354 = arith.addi %mul3A_352, %add3A_353 : i32
        %get3A_355 = arith.index_cast %add3A_354 : i32 to index
        %get3A_356 = arith.constant 0 : index
        %get3A_357 = tpu.vector_load %arg7[%get3A_355, %get3A_356] {strides = array<i32>} : memref<3328x16xf32, #tpu.memory_space<vmem>>, vector<1x16xf32>,
        %get3A_358 = vector.shape_cast %get3A_357 : vector<1x16xf32> to vector<16xf32>
        %add3A_359 = arith.addf %add3A_350, %get3A_358 : vector<16xf32>
        %mul3A_360 = arith.constant 26 : i32
        %mul3A_361 = arith.muli %while3A_134, %mul3A_360 : i32
        %add3A_362 = arith.constant 25 : i32
        %add3A_363 = arith.addi %mul3A_361, %add3A_362 : i32
        %get3A_364 = arith.index_cast %add3A_363 : i32 to index
        %get3A_365 = arith.constant 0 : index
        %get3A_366 = tpu.vector_load %arg7[%get3A_364, %get3A_365] {strides = array<i32>} : memref<3328x16xf32, #tpu.memory_space<vmem>>, vector<1x16xf32>,
        %get3A_367 = vector.shape_cast %get3A_366 : vector<1x16xf32> to vector<16xf32>
        %add3A_368 = arith.addf %add3A_359, %get3A_367 : vector<16xf32>
        %add3A_369 = arith.addf %add3A_368, %get3A_10 : vector<16xf32>
        %max3A = arith.constant 0.000000e+00 : f32
        %max3A_370 = vector.broadcast %max3A : f32 to vector<16xf32>
        %max3A_371 = arith.maximumf %add3A_369, %max3A_370 : vector<16xf32>
        %lt3A = arith.constant 0 : i32
        %lt3A_372 = vector.broadcast %lt3A : i32 to vector<16xi32>
        %lt3A_373 = arith.cmpi slt, %and3A_32, %lt3A_372 : vector<16xi32>
        %add3A_374 = arith.constant 16 : i32
        %add3A_375 = vector.broadcast %add3A_374 : i32 to vector<16xi32>
        %add3A_376 = arith.addi %and3A_32, %add3A_375 : vector<16xi32>
        %select_n3A = arith.select %lt3A_373, %add3A_376, %and3A_32 : vector<16xi1>, vector<16xi32>
        %broadcast_in_dim3A_377 = vector.shape_cast %select_n3A : vector<16xi32> to vector<16x1xi32>
        %gather3A = vector.shape_cast %broadcast_in_dim3A_377 : vector<16x1xi32> to vector<16xi32>
        %gather3A_378 = tpu.dynamic_gather %max3A_371[%gather3A] in [0] : vector<16xf32>, vector<16xi32> -> vector<16xf32>
        %mul3A_379 = arith.mulf %gather3A_378, %get3A_15 : vector<16xf32>
        %lt3A_380 = arith.constant 0 : i32
        %lt3A_381 = vector.broadcast %lt3A_380 : i32 to vector<16xi32>
        %lt3A_382 = arith.cmpi slt, %and3A_38, %lt3A_381 : vector<16xi32>
        %add3A_383 = arith.constant 16 : i32
        %add3A_384 = vector.broadcast %add3A_383 : i32 to vector<16xi32>
        %add3A_385 = arith.addi %and3A_38, %add3A_384 : vector<16xi32>
        %select_n3A_386 = arith.select %lt3A_382, %add3A_385, %and3A_38 : vector<16xi1>, vector<16xi32>
        %broadcast_in_dim3A_387 = vector.shape_cast %select_n3A_386 : vector<16xi32> to vector<16x1xi32>
        %gather3A_388 = vector.shape_cast %broadcast_in_dim3A_387 : vector<16x1xi32> to vector<16xi32>
        %gather3A_389 = tpu.dynamic_gather %mul3A_379[%gather3A_388] in [0] : vector<16xf32>, vector<16xi32> -> vector<16xf32>
        %add3A_390 = arith.addf %mul3A_379, %gather3A_389 : vector<16xf32>
        %lt3A_391 = arith.constant 0 : i32
        %lt3A_392 = vector.broadcast %lt3A_391 : i32 to vector<16xi32>
        %lt3A_393 = arith.cmpi slt, %and3A_44, %lt3A_392 : vector<16xi32>
        %add3A_394 = arith.constant 16 : i32
        %add3A_395 = vector.broadcast %add3A_394 : i32 to vector<16xi32>
        %add3A_396 = arith.addi %and3A_44, %add3A_395 : vector<16xi32>
        %select_n3A_397 = arith.select %lt3A_393, %add3A_396, %and3A_44 : vector<16xi1>, vector<16xi32>
        %broadcast_in_dim3A_398 = vector.shape_cast %select_n3A_397 : vector<16xi32> to vector<16x1xi32>
        %gather3A_399 = vector.shape_cast %broadcast_in_dim3A_398 : vector<16x1xi32> to vector<16xi32>
        %gather3A_400 = tpu.dynamic_gather %add3A_390[%gather3A_399] in [0] : vector<16xf32>, vector<16xi32> -> vector<16xf32>
        %add3A_401 = arith.addf %add3A_390, %gather3A_400 : vector<16xf32>
        %add3A_402 = arith.addf %add3A_401, %get3A_20 : vector<16xf32>
        %max3A_403 = arith.constant 0.000000e+00 : f32
        %max3A_404 = vector.broadcast %max3A_403 : f32 to vector<16xf32>
        %max3A_405 = arith.maximumf %add3A_402, %max3A_404 : vector<16xf32>
        %mul3A_406 = arith.mulf %max3A_405, %get3A_25 : vector<16xf32>
        %lt3A_407 = arith.constant 0 : i32
        %lt3A_408 = vector.broadcast %lt3A_407 : i32 to vector<16xi32>
        %lt3A_409 = arith.cmpi slt, %and3A_56, %lt3A_408 : vector<16xi32>
        %add3A_410 = arith.constant 16 : i32
        %add3A_411 = vector.broadcast %add3A_410 : i32 to vector<16xi32>
        %add3A_412 = arith.addi %and3A_56, %add3A_411 : vector<16xi32>
        %select_n3A_413 = arith.select %lt3A_409, %add3A_412, %and3A_56 : vector<16xi1>, vector<16xi32>
        %broadcast_in_dim3A_414 = vector.shape_cast %select_n3A_413 : vector<16xi32> to vector<16x1xi32>
        %gather3A_415 = vector.shape_cast %broadcast_in_dim3A_414 : vector<16x1xi32> to vector<16xi32>
        %gather3A_416 = tpu.dynamic_gather %mul3A_406[%gather3A_415] in [0] : vector<16xf32>, vector<16xi32> -> vector<16xf32>
        %add3A_417 = arith.addf %mul3A_406, %gather3A_416 : vector<16xf32>
        %lt3A_418 = arith.constant 0 : i32
        %lt3A_419 = vector.broadcast %lt3A_418 : i32 to vector<16xi32>
        %lt3A_420 = arith.cmpi slt, %and3A_50, %lt3A_419 : vector<16xi32>
        %add3A_421 = arith.constant 16 : i32
        %add3A_422 = vector.broadcast %add3A_421 : i32 to vector<16xi32>
        %add3A_423 = arith.addi %and3A_50, %add3A_422 : vector<16xi32>
        %select_n3A_424 = arith.select %lt3A_420, %add3A_423, %and3A_50 : vector<16xi1>, vector<16xi32>
        %broadcast_in_dim3A_425 = vector.shape_cast %select_n3A_424 : vector<16xi32> to vector<16x1xi32>
        %gather3A_426 = vector.shape_cast %broadcast_in_dim3A_425 : vector<16x1xi32> to vector<16xi32>
        %gather3A_427 = tpu.dynamic_gather %add3A_417[%gather3A_426] in [0] : vector<16xf32>, vector<16xi32> -> vector<16xf32>
        %add3A_428 = arith.addf %add3A_417, %gather3A_427 : vector<16xf32>
        %lt3A_429 = arith.constant 0 : i32
        %lt3A_430 = vector.broadcast %lt3A_429 : i32 to vector<16xi32>
        %lt3A_431 = arith.cmpi slt, %and3A_44, %lt3A_430 : vector<16xi32>
        %add3A_432 = arith.constant 16 : i32
        %add3A_433 = vector.broadcast %add3A_432 : i32 to vector<16xi32>
        %add3A_434 = arith.addi %and3A_44, %add3A_433 : vector<16xi32>
        %select_n3A_435 = arith.select %lt3A_431, %add3A_434, %and3A_44 : vector<16xi1>, vector<16xi32>
        %broadcast_in_dim3A_436 = vector.shape_cast %select_n3A_435 : vector<16xi32> to vector<16x1xi32>
        %gather3A_437 = vector.shape_cast %broadcast_in_dim3A_436 : vector<16x1xi32> to vector<16xi32>
        %gather3A_438 = tpu.dynamic_gather %add3A_428[%gather3A_437] in [0] : vector<16xf32>, vector<16xi32> -> vector<16xf32>
        %add3A_439 = arith.addf %add3A_428, %gather3A_438 : vector<16xf32>
        %lt3A_440 = arith.constant 0 : i32
        %lt3A_441 = vector.broadcast %lt3A_440 : i32 to vector<16xi32>
        %lt3A_442 = arith.cmpi slt, %and3A_38, %lt3A_441 : vector<16xi32>
        %add3A_443 = arith.constant 16 : i32
        %add3A_444 = vector.broadcast %add3A_443 : i32 to vector<16xi32>
        %add3A_445 = arith.addi %and3A_38, %add3A_444 : vector<16xi32>
        %select_n3A_446 = arith.select %lt3A_442, %add3A_445, %and3A_38 : vector<16xi1>, vector<16xi32>
        %broadcast_in_dim3A_447 = vector.shape_cast %select_n3A_446 : vector<16xi32> to vector<16x1xi32>
        %gather3A_448 = vector.shape_cast %broadcast_in_dim3A_447 : vector<16x1xi32> to vector<16xi32>
        %gather3A_449 = tpu.dynamic_gather %add3A_439[%gather3A_448] in [0] : vector<16xf32>, vector<16xi32> -> vector<16xf32>
        %add3A_450 = arith.addf %add3A_439, %gather3A_449 : vector<16xf32>
        %add3A_451 = arith.addf %add3A_450, %get3A_30 : vector<16xf32>
        %neg3A = arith.constant 0.000000e+00 : f32
        %neg3A_452 = vector.broadcast %neg3A : f32 to vector<16xf32>
        %neg3A_453 = arith.subf %neg3A_452, %add3A_451 : vector<16xf32>
        %exp3A = math.exp %neg3A_453 : vector<16xf32>
        %add3A_454 = arith.constant 1.000000e+00 : f32
        %add3A_455 = vector.broadcast %add3A_454 : f32 to vector<16xf32>
        %add3A_456 = arith.addf %add3A_455, %exp3A : vector<16xf32>
        %div3A = arith.constant 1.000000e+00 : f32
        %div3A_457 = vector.broadcast %div3A : f32 to vector<16xf32>
        %div3A_458 = arith.divf %div3A_457, %add3A_456 : vector<16xf32>
        %and3A_459 = arith.constant 15 : i32
        %and3A_460 = arith.andi %while3A_134, %and3A_459 : i32
        %eq3A = vector.broadcast %and3A_460 : i32 to vector<16xi32>
        %eq3A_461 = arith.cmpi eq, %iota3A, %eq3A : vector<16xi32>
        %select_n3A_462 = arith.select %eq3A_461, %div3A_458, %while3A_135 : vector<16xi1>, vector<16xf32>
        scf.yield %select_n3A_462 : vector<16xf32>
      }
      %while3A_125 = arith.constant 1 : i32
      %while3A_126 = scf.for %while3A_134 = %while3A_122 to %while3A_118 step %while3A_125 iter_args(%while3A_135 = %while3A_124) -> (vector<16xf32>)  : i32 {
        %mul3A_136 = arith.constant 26 : i32
        %mul3A_137 = arith.muli %while3A_134, %mul3A_136 : i32
        %add3A_138 = arith.constant 0 : i32
        %add3A_139 = arith.addi %mul3A_137, %add3A_138 : i32
        %get3A_140 = arith.index_cast %add3A_139 : i32 to index
        %get3A_141 = arith.constant 0 : index
        %get3A_142 = tpu.vector_load %arg7[%get3A_140, %get3A_141] {strides = array<i32>} : memref<3328x16xf32, #tpu.memory_space<vmem>>, vector<1x16xf32>,
        %get3A_143 = vector.shape_cast %get3A_142 : vector<1x16xf32> to vector<16xf32>
        %mul3A_144 = arith.constant 26 : i32
        %mul3A_145 = arith.muli %while3A_134, %mul3A_144 : i32
        %add3A_146 = arith.constant 1 : i32
        %add3A_147 = arith.addi %mul3A_145, %add3A_146 : i32
        %get3A_148 = arith.index_cast %add3A_147 : i32 to index
        %get3A_149 = arith.constant 0 : index
        %get3A_150 = tpu.vector_load %arg7[%get3A_148, %get3A_149] {strides = array<i32>} : memref<3328x16xf32, #tpu.memory_space<vmem>>, vector<1x16xf32>,
        %get3A_151 = vector.shape_cast %get3A_150 : vector<1x16xf32> to vector<16xf32>
        %add3A_152 = arith.addf %get3A_143, %get3A_151 : vector<16xf32>
        %mul3A_153 = arith.constant 26 : i32
        %mul3A_154 = arith.muli %while3A_134, %mul3A_153 : i32
        %add3A_155 = arith.constant 2 : i32
        %add3A_156 = arith.addi %mul3A_154, %add3A_155 : i32
        %get3A_157 = arith.index_cast %add3A_156 : i32 to index
        %get3A_158 = arith.constant 0 : index
        %get3A_159 = tpu.vector_load %arg7[%get3A_157, %get3A_158] {strides = array<i32>} : memref<3328x16xf32, #tpu.memory_space<vmem>>, vector<1x16xf32>,
        %get3A_160 = vector.shape_cast %get3A_159 : vector<1x16xf32> to vector<16xf32>
        %add3A_161 = arith.addf %add3A_152, %get3A_160 : vector<16xf32>
        %mul3A_162 = arith.constant 26 : i32
        %mul3A_163 = arith.muli %while3A_134, %mul3A_162 : i32
        %add3A_164 = arith.constant 3 : i32
        %add3A_165 = arith.addi %mul3A_163, %add3A_164 : i32
        %get3A_166 = arith.index_cast %add3A_165 : i32 to index
        %get3A_167 = arith.constant 0 : index
        %get3A_168 = tpu.vector_load %arg7[%get3A_166, %get3A_167] {strides = array<i32>} : memref<3328x16xf32, #tpu.memory_space<vmem>>, vector<1x16xf32>,
        %get3A_169 = vector.shape_cast %get3A_168 : vector<1x16xf32> to vector<16xf32>
        %add3A_170 = arith.addf %add3A_161, %get3A_169 : vector<16xf32>
        %mul3A_171 = arith.constant 26 : i32
        %mul3A_172 = arith.muli %while3A_134, %mul3A_171 : i32
        %add3A_173 = arith.constant 4 : i32
        %add3A_174 = arith.addi %mul3A_172, %add3A_173 : i32
        %get3A_175 = arith.index_cast %add3A_174 : i32 to index
        %get3A_176 = arith.constant 0 : index
        %get3A_177 = tpu.vector_load %arg7[%get3A_175, %get3A_176] {strides = array<i32>} : memref<3328x16xf32, #tpu.memory_space<vmem>>, vector<1x16xf32>,
        %get3A_178 = vector.shape_cast %get3A_177 : vector<1x16xf32> to vector<16xf32>
        %add3A_179 = arith.addf %add3A_170, %get3A_178 : vector<16xf32>
        %mul3A_180 = arith.constant 26 : i32
        %mul3A_181 = arith.muli %while3A_134, %mul3A_180 : i32
        %add3A_182 = arith.constant 5 : i32
        %add3A_183 = arith.addi %mul3A_181, %add3A_182 : i32
        %get3A_184 = arith.index_cast %add3A_183 : i32 to index
        %get3A_185 = arith.constant 0 : index
        %get3A_186 = tpu.vector_load %arg7[%get3A_184, %get3A_185] {strides = array<i32>} : memref<3328x16xf32, #tpu.memory_space<vmem>>, vector<1x16xf32>,
        %get3A_187 = vector.shape_cast %get3A_186 : vector<1x16xf32> to vector<16xf32>
        %add3A_188 = arith.addf %add3A_179, %get3A_187 : vector<16xf32>
        %mul3A_189 = arith.constant 26 : i32
        %mul3A_190 = arith.muli %while3A_134, %mul3A_189 : i32
        %add3A_191 = arith.constant 6 : i32
        %add3A_192 = arith.addi %mul3A_190, %add3A_191 : i32
        %get3A_193 = arith.index_cast %add3A_192 : i32 to index
        %get3A_194 = arith.constant 0 : index
        %get3A_195 = tpu.vector_load %arg7[%get3A_193, %get3A_194] {strides = array<i32>} : memref<3328x16xf32, #tpu.memory_space<vmem>>, vector<1x16xf32>,
        %get3A_196 = vector.shape_cast %get3A_195 : vector<1x16xf32> to vector<16xf32>
        %add3A_197 = arith.addf %add3A_188, %get3A_196 : vector<16xf32>
        %mul3A_198 = arith.constant 26 : i32
        %mul3A_199 = arith.muli %while3A_134, %mul3A_198 : i32
        %add3A_200 = arith.constant 7 : i32
        %add3A_201 = arith.addi %mul3A_199, %add3A_200 : i32
        %get3A_202 = arith.index_cast %add3A_201 : i32 to index
        %get3A_203 = arith.constant 0 : index
        %get3A_204 = tpu.vector_load %arg7[%get3A_202, %get3A_203] {strides = array<i32>} : memref<3328x16xf32, #tpu.memory_space<vmem>>, vector<1x16xf32>,
        %get3A_205 = vector.shape_cast %get3A_204 : vector<1x16xf32> to vector<16xf32>
        %add3A_206 = arith.addf %add3A_197, %get3A_205 : vector<16xf32>
        %mul3A_207 = arith.constant 26 : i32
        %mul3A_208 = arith.muli %while3A_134, %mul3A_207 : i32
        %add3A_209 = arith.constant 8 : i32
        %add3A_210 = arith.addi %mul3A_208, %add3A_209 : i32
        %get3A_211 = arith.index_cast %add3A_210 : i32 to index
        %get3A_212 = arith.constant 0 : index
        %get3A_213 = tpu.vector_load %arg7[%get3A_211, %get3A_212] {strides = array<i32>} : memref<3328x16xf32, #tpu.memory_space<vmem>>, vector<1x16xf32>,
        %get3A_214 = vector.shape_cast %get3A_213 : vector<1x16xf32> to vector<16xf32>
        %add3A_215 = arith.addf %add3A_206, %get3A_214 : vector<16xf32>
        %mul3A_216 = arith.constant 26 : i32
        %mul3A_217 = arith.muli %while3A_134, %mul3A_216 : i32
        %add3A_218 = arith.constant 9 : i32
        %add3A_219 = arith.addi %mul3A_217, %add3A_218 : i32
        %get3A_220 = arith.index_cast %add3A_219 : i32 to index
        %get3A_221 = arith.constant 0 : index
        %get3A_222 = tpu.vector_load %arg7[%get3A_220, %get3A_221] {strides = array<i32>} : memref<3328x16xf32, #tpu.memory_space<vmem>>, vector<1x16xf32>,
        %get3A_223 = vector.shape_cast %get3A_222 : vector<1x16xf32> to vector<16xf32>
        %add3A_224 = arith.addf %add3A_215, %get3A_223 : vector<16xf32>
        %mul3A_225 = arith.constant 26 : i32
        %mul3A_226 = arith.muli %while3A_134, %mul3A_225 : i32
        %add3A_227 = arith.constant 10 : i32
        %add3A_228 = arith.addi %mul3A_226, %add3A_227 : i32
        %get3A_229 = arith.index_cast %add3A_228 : i32 to index
        %get3A_230 = arith.constant 0 : index
        %get3A_231 = tpu.vector_load %arg7[%get3A_229, %get3A_230] {strides = array<i32>} : memref<3328x16xf32, #tpu.memory_space<vmem>>, vector<1x16xf32>,
        %get3A_232 = vector.shape_cast %get3A_231 : vector<1x16xf32> to vector<16xf32>
        %add3A_233 = arith.addf %add3A_224, %get3A_232 : vector<16xf32>
        %mul3A_234 = arith.constant 26 : i32
        %mul3A_235 = arith.muli %while3A_134, %mul3A_234 : i32
        %add3A_236 = arith.constant 11 : i32
        %add3A_237 = arith.addi %mul3A_235, %add3A_236 : i32
        %get3A_238 = arith.index_cast %add3A_237 : i32 to index
        %get3A_239 = arith.constant 0 : index
        %get3A_240 = tpu.vector_load %arg7[%get3A_238, %get3A_239] {strides = array<i32>} : memref<3328x16xf32, #tpu.memory_space<vmem>>, vector<1x16xf32>,
        %get3A_241 = vector.shape_cast %get3A_240 : vector<1x16xf32> to vector<16xf32>
        %add3A_242 = arith.addf %add3A_233, %get3A_241 : vector<16xf32>
        %mul3A_243 = arith.constant 26 : i32
        %mul3A_244 = arith.muli %while3A_134, %mul3A_243 : i32
        %add3A_245 = arith.constant 12 : i32
        %add3A_246 = arith.addi %mul3A_244, %add3A_245 : i32
        %get3A_247 = arith.index_cast %add3A_246 : i32 to index
        %get3A_248 = arith.constant 0 : index
        %get3A_249 = tpu.vector_load %arg7[%get3A_247, %get3A_248] {strides = array<i32>} : memref<3328x16xf32, #tpu.memory_space<vmem>>, vector<1x16xf32>,
        %get3A_250 = vector.shape_cast %get3A_249 : vector<1x16xf32> to vector<16xf32>
        %add3A_251 = arith.addf %add3A_242, %get3A_250 : vector<16xf32>
        %mul3A_252 = arith.constant 26 : i32
        %mul3A_253 = arith.muli %while3A_134, %mul3A_252 : i32
        %add3A_254 = arith.constant 13 : i32
        %add3A_255 = arith.addi %mul3A_253, %add3A_254 : i32
        %get3A_256 = arith.index_cast %add3A_255 : i32 to index
        %get3A_257 = arith.constant 0 : index
        %get3A_258 = tpu.vector_load %arg7[%get3A_256, %get3A_257] {strides = array<i32>} : memref<3328x16xf32, #tpu.memory_space<vmem>>, vector<1x16xf32>,
        %get3A_259 = vector.shape_cast %get3A_258 : vector<1x16xf32> to vector<16xf32>
        %add3A_260 = arith.addf %add3A_251, %get3A_259 : vector<16xf32>
        %mul3A_261 = arith.constant 26 : i32
        %mul3A_262 = arith.muli %while3A_134, %mul3A_261 : i32
        %add3A_263 = arith.constant 14 : i32
        %add3A_264 = arith.addi %mul3A_262, %add3A_263 : i32
        %get3A_265 = arith.index_cast %add3A_264 : i32 to index
        %get3A_266 = arith.constant 0 : index
        %get3A_267 = tpu.vector_load %arg7[%get3A_265, %get3A_266] {strides = array<i32>} : memref<3328x16xf32, #tpu.memory_space<vmem>>, vector<1x16xf32>,
        %get3A_268 = vector.shape_cast %get3A_267 : vector<1x16xf32> to vector<16xf32>
        %add3A_269 = arith.addf %add3A_260, %get3A_268 : vector<16xf32>
        %mul3A_270 = arith.constant 26 : i32
        %mul3A_271 = arith.muli %while3A_134, %mul3A_270 : i32
        %add3A_272 = arith.constant 15 : i32
        %add3A_273 = arith.addi %mul3A_271, %add3A_272 : i32
        %get3A_274 = arith.index_cast %add3A_273 : i32 to index
        %get3A_275 = arith.constant 0 : index
        %get3A_276 = tpu.vector_load %arg7[%get3A_274, %get3A_275] {strides = array<i32>} : memref<3328x16xf32, #tpu.memory_space<vmem>>, vector<1x16xf32>,
        %get3A_277 = vector.shape_cast %get3A_276 : vector<1x16xf32> to vector<16xf32>
        %add3A_278 = arith.addf %add3A_269, %get3A_277 : vector<16xf32>
        %mul3A_279 = arith.constant 26 : i32
        %mul3A_280 = arith.muli %while3A_134, %mul3A_279 : i32
        %add3A_281 = arith.constant 16 : i32
        %add3A_282 = arith.addi %mul3A_280, %add3A_281 : i32
        %get3A_283 = arith.index_cast %add3A_282 : i32 to index
        %get3A_284 = arith.constant 0 : index
        %get3A_285 = tpu.vector_load %arg7[%get3A_283, %get3A_284] {strides = array<i32>} : memref<3328x16xf32, #tpu.memory_space<vmem>>, vector<1x16xf32>,
        %get3A_286 = vector.shape_cast %get3A_285 : vector<1x16xf32> to vector<16xf32>
        %add3A_287 = arith.addf %add3A_278, %get3A_286 : vector<16xf32>
        %mul3A_288 = arith.constant 26 : i32
        %mul3A_289 = arith.muli %while3A_134, %mul3A_288 : i32
        %add3A_290 = arith.constant 17 : i32
        %add3A_291 = arith.addi %mul3A_289, %add3A_290 : i32
        %get3A_292 = arith.index_cast %add3A_291 : i32 to index
        %get3A_293 = arith.constant 0 : index
        %get3A_294 = tpu.vector_load %arg7[%get3A_292, %get3A_293] {strides = array<i32>} : memref<3328x16xf32, #tpu.memory_space<vmem>>, vector<1x16xf32>,
        %get3A_295 = vector.shape_cast %get3A_294 : vector<1x16xf32> to vector<16xf32>
        %add3A_296 = arith.addf %add3A_287, %get3A_295 : vector<16xf32>
        %mul3A_297 = arith.constant 26 : i32
        %mul3A_298 = arith.muli %while3A_134, %mul3A_297 : i32
        %add3A_299 = arith.constant 18 : i32
        %add3A_300 = arith.addi %mul3A_298, %add3A_299 : i32
        %get3A_301 = arith.index_cast %add3A_300 : i32 to index
        %get3A_302 = arith.constant 0 : index
        %get3A_303 = tpu.vector_load %arg7[%get3A_301, %get3A_302] {strides = array<i32>} : memref<3328x16xf32, #tpu.memory_space<vmem>>, vector<1x16xf32>,
        %get3A_304 = vector.shape_cast %get3A_303 : vector<1x16xf32> to vector<16xf32>
        %add3A_305 = arith.addf %add3A_296, %get3A_304 : vector<16xf32>
        %mul3A_306 = arith.constant 26 : i32
        %mul3A_307 = arith.muli %while3A_134, %mul3A_306 : i32
        %add3A_308 = arith.constant 19 : i32
        %add3A_309 = arith.addi %mul3A_307, %add3A_308 : i32
        %get3A_310 = arith.index_cast %add3A_309 : i32 to index
        %get3A_311 = arith.constant 0 : index
        %get3A_312 = tpu.vector_load %arg7[%get3A_310, %get3A_311] {strides = array<i32>} : memref<3328x16xf32, #tpu.memory_space<vmem>>, vector<1x16xf32>,
        %get3A_313 = vector.shape_cast %get3A_312 : vector<1x16xf32> to vector<16xf32>
        %add3A_314 = arith.addf %add3A_305, %get3A_313 : vector<16xf32>
        %mul3A_315 = arith.constant 26 : i32
        %mul3A_316 = arith.muli %while3A_134, %mul3A_315 : i32
        %add3A_317 = arith.constant 20 : i32
        %add3A_318 = arith.addi %mul3A_316, %add3A_317 : i32
        %get3A_319 = arith.index_cast %add3A_318 : i32 to index
        %get3A_320 = arith.constant 0 : index
        %get3A_321 = tpu.vector_load %arg7[%get3A_319, %get3A_320] {strides = array<i32>} : memref<3328x16xf32, #tpu.memory_space<vmem>>, vector<1x16xf32>,
        %get3A_322 = vector.shape_cast %get3A_321 : vector<1x16xf32> to vector<16xf32>
        %add3A_323 = arith.addf %add3A_314, %get3A_322 : vector<16xf32>
        %mul3A_324 = arith.constant 26 : i32
        %mul3A_325 = arith.muli %while3A_134, %mul3A_324 : i32
        %add3A_326 = arith.constant 21 : i32
        %add3A_327 = arith.addi %mul3A_325, %add3A_326 : i32
        %get3A_328 = arith.index_cast %add3A_327 : i32 to index
        %get3A_329 = arith.constant 0 : index
        %get3A_330 = tpu.vector_load %arg7[%get3A_328, %get3A_329] {strides = array<i32>} : memref<3328x16xf32, #tpu.memory_space<vmem>>, vector<1x16xf32>,
        %get3A_331 = vector.shape_cast %get3A_330 : vector<1x16xf32> to vector<16xf32>
        %add3A_332 = arith.addf %add3A_323, %get3A_331 : vector<16xf32>
        %mul3A_333 = arith.constant 26 : i32
        %mul3A_334 = arith.muli %while3A_134, %mul3A_333 : i32
        %add3A_335 = arith.constant 22 : i32
        %add3A_336 = arith.addi %mul3A_334, %add3A_335 : i32
        %get3A_337 = arith.index_cast %add3A_336 : i32 to index
        %get3A_338 = arith.constant 0 : index
        %get3A_339 = tpu.vector_load %arg7[%get3A_337, %get3A_338] {strides = array<i32>} : memref<3328x16xf32, #tpu.memory_space<vmem>>, vector<1x16xf32>,
        %get3A_340 = vector.shape_cast %get3A_339 : vector<1x16xf32> to vector<16xf32>
        %add3A_341 = arith.addf %add3A_332, %get3A_340 : vector<16xf32>
        %mul3A_342 = arith.constant 26 : i32
        %mul3A_343 = arith.muli %while3A_134, %mul3A_342 : i32
        %add3A_344 = arith.constant 23 : i32
        %add3A_345 = arith.addi %mul3A_343, %add3A_344 : i32
        %get3A_346 = arith.index_cast %add3A_345 : i32 to index
        %get3A_347 = arith.constant 0 : index
        %get3A_348 = tpu.vector_load %arg7[%get3A_346, %get3A_347] {strides = array<i32>} : memref<3328x16xf32, #tpu.memory_space<vmem>>, vector<1x16xf32>,
        %get3A_349 = vector.shape_cast %get3A_348 : vector<1x16xf32> to vector<16xf32>
        %add3A_350 = arith.addf %add3A_341, %get3A_349 : vector<16xf32>
        %mul3A_351 = arith.constant 26 : i32
        %mul3A_352 = arith.muli %while3A_134, %mul3A_351 : i32
        %add3A_353 = arith.constant 24 : i32
        %add3A_354 = arith.addi %mul3A_352, %add3A_353 : i32
        %get3A_355 = arith.index_cast %add3A_354 : i32 to index
        %get3A_356 = arith.constant 0 : index
        %get3A_357 = tpu.vector_load %arg7[%get3A_355, %get3A_356] {strides = array<i32>} : memref<3328x16xf32, #tpu.memory_space<vmem>>, vector<1x16xf32>,
        %get3A_358 = vector.shape_cast %get3A_357 : vector<1x16xf32> to vector<16xf32>
        %add3A_359 = arith.addf %add3A_350, %get3A_358 : vector<16xf32>
        %mul3A_360 = arith.constant 26 : i32
        %mul3A_361 = arith.muli %while3A_134, %mul3A_360 : i32
        %add3A_362 = arith.constant 25 : i32
        %add3A_363 = arith.addi %mul3A_361, %add3A_362 : i32
        %get3A_364 = arith.index_cast %add3A_363 : i32 to index
        %get3A_365 = arith.constant 0 : index
        %get3A_366 = tpu.vector_load %arg7[%get3A_364, %get3A_365] {strides = array<i32>} : memref<3328x16xf32, #tpu.memory_space<vmem>>, vector<1x16xf32>,
        %get3A_367 = vector.shape_cast %get3A_366 : vector<1x16xf32> to vector<16xf32>
        %add3A_368 = arith.addf %add3A_359, %get3A_367 : vector<16xf32>
        %add3A_369 = arith.addf %add3A_368, %get3A_10 : vector<16xf32>
        %max3A = arith.constant 0.000000e+00 : f32
        %max3A_370 = vector.broadcast %max3A : f32 to vector<16xf32>
        %max3A_371 = arith.maximumf %add3A_369, %max3A_370 : vector<16xf32>
        %lt3A = arith.constant 0 : i32
        %lt3A_372 = vector.broadcast %lt3A : i32 to vector<16xi32>
        %lt3A_373 = arith.cmpi slt, %and3A_32, %lt3A_372 : vector<16xi32>
        %add3A_374 = arith.constant 16 : i32
        %add3A_375 = vector.broadcast %add3A_374 : i32 to vector<16xi32>
        %add3A_376 = arith.addi %and3A_32, %add3A_375 : vector<16xi32>
        %select_n3A = arith.select %lt3A_373, %add3A_376, %and3A_32 : vector<16xi1>, vector<16xi32>
        %broadcast_in_dim3A_377 = vector.shape_cast %select_n3A : vector<16xi32> to vector<16x1xi32>
        %gather3A = vector.shape_cast %broadcast_in_dim3A_377 : vector<16x1xi32> to vector<16xi32>
        %gather3A_378 = tpu.dynamic_gather %max3A_371[%gather3A] in [0] : vector<16xf32>, vector<16xi32> -> vector<16xf32>
        %mul3A_379 = arith.mulf %gather3A_378, %get3A_15 : vector<16xf32>
        %lt3A_380 = arith.constant 0 : i32
        %lt3A_381 = vector.broadcast %lt3A_380 : i32 to vector<16xi32>
        %lt3A_382 = arith.cmpi slt, %and3A_38, %lt3A_381 : vector<16xi32>
        %add3A_383 = arith.constant 16 : i32
        %add3A_384 = vector.broadcast %add3A_383 : i32 to vector<16xi32>
        %add3A_385 = arith.addi %and3A_38, %add3A_384 : vector<16xi32>
        %select_n3A_386 = arith.select %lt3A_382, %add3A_385, %and3A_38 : vector<16xi1>, vector<16xi32>
        %broadcast_in_dim3A_387 = vector.shape_cast %select_n3A_386 : vector<16xi32> to vector<16x1xi32>
        %gather3A_388 = vector.shape_cast %broadcast_in_dim3A_387 : vector<16x1xi32> to vector<16xi32>
        %gather3A_389 = tpu.dynamic_gather %mul3A_379[%gather3A_388] in [0] : vector<16xf32>, vector<16xi32> -> vector<16xf32>
        %add3A_390 = arith.addf %mul3A_379, %gather3A_389 : vector<16xf32>
        %lt3A_391 = arith.constant 0 : i32
        %lt3A_392 = vector.broadcast %lt3A_391 : i32 to vector<16xi32>
        %lt3A_393 = arith.cmpi slt, %and3A_44, %lt3A_392 : vector<16xi32>
        %add3A_394 = arith.constant 16 : i32
        %add3A_395 = vector.broadcast %add3A_394 : i32 to vector<16xi32>
        %add3A_396 = arith.addi %and3A_44, %add3A_395 : vector<16xi32>
        %select_n3A_397 = arith.select %lt3A_393, %add3A_396, %and3A_44 : vector<16xi1>, vector<16xi32>
        %broadcast_in_dim3A_398 = vector.shape_cast %select_n3A_397 : vector<16xi32> to vector<16x1xi32>
        %gather3A_399 = vector.shape_cast %broadcast_in_dim3A_398 : vector<16x1xi32> to vector<16xi32>
        %gather3A_400 = tpu.dynamic_gather %add3A_390[%gather3A_399] in [0] : vector<16xf32>, vector<16xi32> -> vector<16xf32>
        %add3A_401 = arith.addf %add3A_390, %gather3A_400 : vector<16xf32>
        %add3A_402 = arith.addf %add3A_401, %get3A_20 : vector<16xf32>
        %max3A_403 = arith.constant 0.000000e+00 : f32
        %max3A_404 = vector.broadcast %max3A_403 : f32 to vector<16xf32>
        %max3A_405 = arith.maximumf %add3A_402, %max3A_404 : vector<16xf32>
        %mul3A_406 = arith.mulf %max3A_405, %get3A_25 : vector<16xf32>
        %lt3A_407 = arith.constant 0 : i32
        %lt3A_408 = vector.broadcast %lt3A_407 : i32 to vector<16xi32>
        %lt3A_409 = arith.cmpi slt, %and3A_56, %lt3A_408 : vector<16xi32>
        %add3A_410 = arith.constant 16 : i32
        %add3A_411 = vector.broadcast %add3A_410 : i32 to vector<16xi32>
        %add3A_412 = arith.addi %and3A_56, %add3A_411 : vector<16xi32>
        %select_n3A_413 = arith.select %lt3A_409, %add3A_412, %and3A_56 : vector<16xi1>, vector<16xi32>
        %broadcast_in_dim3A_414 = vector.shape_cast %select_n3A_413 : vector<16xi32> to vector<16x1xi32>
        %gather3A_415 = vector.shape_cast %broadcast_in_dim3A_414 : vector<16x1xi32> to vector<16xi32>
        %gather3A_416 = tpu.dynamic_gather %mul3A_406[%gather3A_415] in [0] : vector<16xf32>, vector<16xi32> -> vector<16xf32>
        %add3A_417 = arith.addf %mul3A_406, %gather3A_416 : vector<16xf32>
        %lt3A_418 = arith.constant 0 : i32
        %lt3A_419 = vector.broadcast %lt3A_418 : i32 to vector<16xi32>
        %lt3A_420 = arith.cmpi slt, %and3A_50, %lt3A_419 : vector<16xi32>
        %add3A_421 = arith.constant 16 : i32
        %add3A_422 = vector.broadcast %add3A_421 : i32 to vector<16xi32>
        %add3A_423 = arith.addi %and3A_50, %add3A_422 : vector<16xi32>
        %select_n3A_424 = arith.select %lt3A_420, %add3A_423, %and3A_50 : vector<16xi1>, vector<16xi32>
        %broadcast_in_dim3A_425 = vector.shape_cast %select_n3A_424 : vector<16xi32> to vector<16x1xi32>
        %gather3A_426 = vector.shape_cast %broadcast_in_dim3A_425 : vector<16x1xi32> to vector<16xi32>
        %gather3A_427 = tpu.dynamic_gather %add3A_417[%gather3A_426] in [0] : vector<16xf32>, vector<16xi32> -> vector<16xf32>
        %add3A_428 = arith.addf %add3A_417, %gather3A_427 : vector<16xf32>
        %lt3A_429 = arith.constant 0 : i32
        %lt3A_430 = vector.broadcast %lt3A_429 : i32 to vector<16xi32>
        %lt3A_431 = arith.cmpi slt, %and3A_44, %lt3A_430 : vector<16xi32>
        %add3A_432 = arith.constant 16 : i32
        %add3A_433 = vector.broadcast %add3A_432 : i32 to vector<16xi32>
        %add3A_434 = arith.addi %and3A_44, %add3A_433 : vector<16xi32>
        %select_n3A_435 = arith.select %lt3A_431, %add3A_434, %and3A_44 : vector<16xi1>, vector<16xi32>
        %broadcast_in_dim3A_436 = vector.shape_cast %select_n3A_435 : vector<16xi32> to vector<16x1xi32>
        %gather3A_437 = vector.shape_cast %broadcast_in_dim3A_436 : vector<16x1xi32> to vector<16xi32>
        %gather3A_438 = tpu.dynamic_gather %add3A_428[%gather3A_437] in [0] : vector<16xf32>, vector<16xi32> -> vector<16xf32>
        %add3A_439 = arith.addf %add3A_428, %gather3A_438 : vector<16xf32>
        %lt3A_440 = arith.constant 0 : i32
        %lt3A_441 = vector.broadcast %lt3A_440 : i32 to vector<16xi32>
        %lt3A_442 = arith.cmpi slt, %and3A_38, %lt3A_441 : vector<16xi32>
        %add3A_443 = arith.constant 16 : i32
        %add3A_444 = vector.broadcast %add3A_443 : i32 to vector<16xi32>
        %add3A_445 = arith.addi %and3A_38, %add3A_444 : vector<16xi32>
        %select_n3A_446 = arith.select %lt3A_442, %add3A_445, %and3A_38 : vector<16xi1>, vector<16xi32>
        %broadcast_in_dim3A_447 = vector.shape_cast %select_n3A_446 : vector<16xi32> to vector<16x1xi32>
        %gather3A_448 = vector.shape_cast %broadcast_in_dim3A_447 : vector<16x1xi32> to vector<16xi32>
        %gather3A_449 = tpu.dynamic_gather %add3A_439[%gather3A_448] in [0] : vector<16xf32>, vector<16xi32> -> vector<16xf32>
        %add3A_450 = arith.addf %add3A_439, %gather3A_449 : vector<16xf32>
        %add3A_451 = arith.addf %add3A_450, %get3A_30 : vector<16xf32>
        %neg3A = arith.constant 0.000000e+00 : f32
        %neg3A_452 = vector.broadcast %neg3A : f32 to vector<16xf32>
        %neg3A_453 = arith.subf %neg3A_452, %add3A_451 : vector<16xf32>
        %exp3A = math.exp %neg3A_453 : vector<16xf32>
        %add3A_454 = arith.constant 1.000000e+00 : f32
        %add3A_455 = vector.broadcast %add3A_454 : f32 to vector<16xf32>
        %add3A_456 = arith.addf %add3A_455, %exp3A : vector<16xf32>
        %div3A = arith.constant 1.000000e+00 : f32
        %div3A_457 = vector.broadcast %div3A : f32 to vector<16xf32>
        %div3A_458 = arith.divf %div3A_457, %add3A_456 : vector<16xf32>
        %and3A_459 = arith.constant 15 : i32
        %and3A_460 = arith.andi %while3A_134, %and3A_459 : i32
        %eq3A = vector.broadcast %and3A_460 : i32 to vector<16xi32>
        %eq3A_461 = arith.cmpi eq, %iota3A, %eq3A : vector<16xi32>
        %select_n3A_462 = arith.select %eq3A_461, %div3A_458, %while3A_135 : vector<16xi1>, vector<16xf32>
        scf.yield %select_n3A_462 : vector<16xf32>
      }
      %mul3A_127 = arith.constant 16 : i32
      %mul3A_128 = arith.muli %scan3A_110, %mul3A_127 : i32
      %add3A_129 = arith.constant 0 : i32
      %add3A_130 = arith.addi %add3A_129, %mul3A_128 : i32
      %swap3A = arith.index_cast %add3A_130 : i32 to index
      %swap3A_131 = tpu.vector_load %arg9[%swap3A] {strides = array<i32>} : memref<512xf32, #tpu.memory_space<vmem>>, vector<16xf32>,
      %swap3A_132 = vector.shape_cast %swap3A_131 : vector<16xf32> to vector<16xf32>
      %swap3A_133 = vector.shape_cast %while3A_126 : vector<16xf32> to vector<16xf32>
      tpu.vector_store %arg9[%swap3A], %swap3A_133 {strides = array<i32>} : memref<512xf32, #tpu.memory_space<vmem>>, vector<16xf32>,
    }
    %scan3A_67 = arith.constant 8 : i32
    %add3A_68 = arith.constant 3328 : i32
    %add3A_69 = arith.addi %mul3A_4, %add3A_68 : i32
    "tpu.region"() ({
      %run_scoped3A = tpu.sem_alloc : memref<!tpu.dma_semaphore, #tpu.memory_space<semaphore_mem>>
      %dma_start3A_110 = tpu.memref_slice %arg2[%add3A_69] : memref<425984xi32, #tpu.memory_space<hbm>> -> memref<3328xi32, #tpu.memory_space<hbm>>
      %dma_start3A_111 = tpu.memref_slice %arg2[%add3A_69] : memref<425984xi32, #tpu.memory_space<hbm>> -> memref<3328xi32, #tpu.memory_space<hbm>>
      tpu.enqueue_dma source(%dma_start3A_111 : memref<3328xi32, #tpu.memory_space<hbm>>) target(%arg6 : memref<3328xi32, #tpu.memory_space<vmem>>) target_semaphore(%run_scoped3A : memref<!tpu.dma_semaphore, #tpu.memory_space<semaphore_mem>>)
      %dma_wait3A_112 = tpu.memref_slice %arg2[%add3A_69] : memref<425984xi32, #tpu.memory_space<hbm>> -> memref<3328xi32, #tpu.memory_space<hbm>>
      %dma_wait3A_113 = tpu.memref_slice %arg2[%add3A_69] : memref<425984xi32, #tpu.memory_space<hbm>> -> memref<3328xi32, #tpu.memory_space<hbm>>
      tpu.wait_dma2 semaphore(%run_scoped3A : memref<!tpu.dma_semaphore, #tpu.memory_space<semaphore_mem>>) src(%dma_wait3A_113 : memref<3328xi32, #tpu.memory_space<hbm>>) dst(%arg6 : memref<3328xi32, #tpu.memory_space<vmem>>)
      tpu.yield
    }) : () -> ()
    %dma_start3A_70 = arith.constant 0 : i32
    %dma_start3A_71 = arith.constant 0 : i32
    %dma_start3A_72 = tpu.memref_slice %arg3[%dma_start3A_70, %dma_start3A_71] : memref<2605056x16xf32, #tpu.memory_space<hbm>> -> memref<2605056x16xf32, #tpu.memory_space<hbm>>
    tpu.enqueue_indirect_dma source(%dma_start3A_72 : memref<2605056x16xf32, #tpu.memory_space<hbm>>) target(%arg7 : memref<3328x16xf32, #tpu.memory_space<vmem>>) offsets(%arg6 : memref<3328xi32, #tpu.memory_space<vmem>>) semaphore(%arg10 : memref<!tpu.dma_semaphore, #tpu.memory_space<semaphore_mem>>)
    %dma_wait3A_73 = arith.constant 0 : i32
    %dma_wait3A_74 = arith.constant 0 : i32
    %dma_wait3A_75 = tpu.memref_slice %arg3[%dma_wait3A_73, %dma_wait3A_74] : memref<2605056x16xf32, #tpu.memory_space<hbm>> -> memref<2605056x16xf32, #tpu.memory_space<hbm>>
    tpu.wait_indirect_dma semaphore(%arg10 : memref<!tpu.dma_semaphore, #tpu.memory_space<semaphore_mem>>) src(%dma_wait3A_75 : memref<2605056x16xf32, #tpu.memory_space<hbm>>) dst(%arg7 : memref<3328x16xf32, #tpu.memory_space<vmem>>)
    %scan3A_76 = arith.constant 0 : i32
    %scan3A_77 = arith.constant 0 : i32
    %scan3A_78 = arith.constant 8 : i32
    %scan3A_79 = arith.addi %scan3A_77, %scan3A_78 : i32
    %scan3A_80 = arith.constant 1 : i32
    scf.for %scan3A_110 = %scan3A_77 to %scan3A_79 step %scan3A_80  : i32 {
      %broadcast_in_dim3A = arith.constant 0.000000e+00 : f32
      %broadcast_in_dim3A_111 = vector.broadcast %broadcast_in_dim3A : f32 to vector<16xf32>
      %mul3A_112 = arith.constant 16 : i32
      %mul3A_113 = arith.muli %scan3A_110, %mul3A_112 : i32
      %add3A_114 = arith.constant 1 : i32
      %add3A_115 = arith.addi %scan3A_110, %add3A_114 : i32
      %mul3A_116 = arith.constant 16 : i32
      %mul3A_117 = arith.muli %add3A_115, %mul3A_116 : i32
      %while3A = arith.subi %mul3A_117, %mul3A_113 : i32
      %while3A_118 = arith.addi %mul3A_113, %while3A : i32
      %while3A_119 = arith.constant 1 : i32
      %while3A_120 = arith.divsi %while3A, %while3A_119 : i32
      %while3A_121 = arith.muli %while3A_120, %while3A_119 : i32
      %while3A_122 = arith.addi %mul3A_113, %while3A_121 : i32
      %while3A_123 = arith.constant 1 : i32
      %while3A_124 = scf.for %while3A_134 = %mul3A_113 to %while3A_122 step %while3A_123 iter_args(%while3A_135 = %broadcast_in_dim3A_111) -> (vector<16xf32>)  : i32 {
        %mul3A_136 = arith.constant 26 : i32
        %mul3A_137 = arith.muli %while3A_134, %mul3A_136 : i32
        %add3A_138 = arith.constant 0 : i32
        %add3A_139 = arith.addi %mul3A_137, %add3A_138 : i32
        %get3A_140 = arith.index_cast %add3A_139 : i32 to index
        %get3A_141 = arith.constant 0 : index
        %get3A_142 = tpu.vector_load %arg7[%get3A_140, %get3A_141] {strides = array<i32>} : memref<3328x16xf32, #tpu.memory_space<vmem>>, vector<1x16xf32>,
        %get3A_143 = vector.shape_cast %get3A_142 : vector<1x16xf32> to vector<16xf32>
        %mul3A_144 = arith.constant 26 : i32
        %mul3A_145 = arith.muli %while3A_134, %mul3A_144 : i32
        %add3A_146 = arith.constant 1 : i32
        %add3A_147 = arith.addi %mul3A_145, %add3A_146 : i32
        %get3A_148 = arith.index_cast %add3A_147 : i32 to index
        %get3A_149 = arith.constant 0 : index
        %get3A_150 = tpu.vector_load %arg7[%get3A_148, %get3A_149] {strides = array<i32>} : memref<3328x16xf32, #tpu.memory_space<vmem>>, vector<1x16xf32>,
        %get3A_151 = vector.shape_cast %get3A_150 : vector<1x16xf32> to vector<16xf32>
        %add3A_152 = arith.addf %get3A_143, %get3A_151 : vector<16xf32>
        %mul3A_153 = arith.constant 26 : i32
        %mul3A_154 = arith.muli %while3A_134, %mul3A_153 : i32
        %add3A_155 = arith.constant 2 : i32
        %add3A_156 = arith.addi %mul3A_154, %add3A_155 : i32
        %get3A_157 = arith.index_cast %add3A_156 : i32 to index
        %get3A_158 = arith.constant 0 : index
        %get3A_159 = tpu.vector_load %arg7[%get3A_157, %get3A_158] {strides = array<i32>} : memref<3328x16xf32, #tpu.memory_space<vmem>>, vector<1x16xf32>,
        %get3A_160 = vector.shape_cast %get3A_159 : vector<1x16xf32> to vector<16xf32>
        %add3A_161 = arith.addf %add3A_152, %get3A_160 : vector<16xf32>
        %mul3A_162 = arith.constant 26 : i32
        %mul3A_163 = arith.muli %while3A_134, %mul3A_162 : i32
        %add3A_164 = arith.constant 3 : i32
        %add3A_165 = arith.addi %mul3A_163, %add3A_164 : i32
        %get3A_166 = arith.index_cast %add3A_165 : i32 to index
        %get3A_167 = arith.constant 0 : index
        %get3A_168 = tpu.vector_load %arg7[%get3A_166, %get3A_167] {strides = array<i32>} : memref<3328x16xf32, #tpu.memory_space<vmem>>, vector<1x16xf32>,
        %get3A_169 = vector.shape_cast %get3A_168 : vector<1x16xf32> to vector<16xf32>
        %add3A_170 = arith.addf %add3A_161, %get3A_169 : vector<16xf32>
        %mul3A_171 = arith.constant 26 : i32
        %mul3A_172 = arith.muli %while3A_134, %mul3A_171 : i32
        %add3A_173 = arith.constant 4 : i32
        %add3A_174 = arith.addi %mul3A_172, %add3A_173 : i32
        %get3A_175 = arith.index_cast %add3A_174 : i32 to index
        %get3A_176 = arith.constant 0 : index
        %get3A_177 = tpu.vector_load %arg7[%get3A_175, %get3A_176] {strides = array<i32>} : memref<3328x16xf32, #tpu.memory_space<vmem>>, vector<1x16xf32>,
        %get3A_178 = vector.shape_cast %get3A_177 : vector<1x16xf32> to vector<16xf32>
        %add3A_179 = arith.addf %add3A_170, %get3A_178 : vector<16xf32>
        %mul3A_180 = arith.constant 26 : i32
        %mul3A_181 = arith.muli %while3A_134, %mul3A_180 : i32
        %add3A_182 = arith.constant 5 : i32
        %add3A_183 = arith.addi %mul3A_181, %add3A_182 : i32
        %get3A_184 = arith.index_cast %add3A_183 : i32 to index
        %get3A_185 = arith.constant 0 : index
        %get3A_186 = tpu.vector_load %arg7[%get3A_184, %get3A_185] {strides = array<i32>} : memref<3328x16xf32, #tpu.memory_space<vmem>>, vector<1x16xf32>,
        %get3A_187 = vector.shape_cast %get3A_186 : vector<1x16xf32> to vector<16xf32>
        %add3A_188 = arith.addf %add3A_179, %get3A_187 : vector<16xf32>
        %mul3A_189 = arith.constant 26 : i32
        %mul3A_190 = arith.muli %while3A_134, %mul3A_189 : i32
        %add3A_191 = arith.constant 6 : i32
        %add3A_192 = arith.addi %mul3A_190, %add3A_191 : i32
        %get3A_193 = arith.index_cast %add3A_192 : i32 to index
        %get3A_194 = arith.constant 0 : index
        %get3A_195 = tpu.vector_load %arg7[%get3A_193, %get3A_194] {strides = array<i32>} : memref<3328x16xf32, #tpu.memory_space<vmem>>, vector<1x16xf32>,
        %get3A_196 = vector.shape_cast %get3A_195 : vector<1x16xf32> to vector<16xf32>
        %add3A_197 = arith.addf %add3A_188, %get3A_196 : vector<16xf32>
        %mul3A_198 = arith.constant 26 : i32
        %mul3A_199 = arith.muli %while3A_134, %mul3A_198 : i32
        %add3A_200 = arith.constant 7 : i32
        %add3A_201 = arith.addi %mul3A_199, %add3A_200 : i32
        %get3A_202 = arith.index_cast %add3A_201 : i32 to index
        %get3A_203 = arith.constant 0 : index
        %get3A_204 = tpu.vector_load %arg7[%get3A_202, %get3A_203] {strides = array<i32>} : memref<3328x16xf32, #tpu.memory_space<vmem>>, vector<1x16xf32>,
        %get3A_205 = vector.shape_cast %get3A_204 : vector<1x16xf32> to vector<16xf32>
        %add3A_206 = arith.addf %add3A_197, %get3A_205 : vector<16xf32>
        %mul3A_207 = arith.constant 26 : i32
        %mul3A_208 = arith.muli %while3A_134, %mul3A_207 : i32
        %add3A_209 = arith.constant 8 : i32
        %add3A_210 = arith.addi %mul3A_208, %add3A_209 : i32
        %get3A_211 = arith.index_cast %add3A_210 : i32 to index
        %get3A_212 = arith.constant 0 : index
        %get3A_213 = tpu.vector_load %arg7[%get3A_211, %get3A_212] {strides = array<i32>} : memref<3328x16xf32, #tpu.memory_space<vmem>>, vector<1x16xf32>,
        %get3A_214 = vector.shape_cast %get3A_213 : vector<1x16xf32> to vector<16xf32>
        %add3A_215 = arith.addf %add3A_206, %get3A_214 : vector<16xf32>
        %mul3A_216 = arith.constant 26 : i32
        %mul3A_217 = arith.muli %while3A_134, %mul3A_216 : i32
        %add3A_218 = arith.constant 9 : i32
        %add3A_219 = arith.addi %mul3A_217, %add3A_218 : i32
        %get3A_220 = arith.index_cast %add3A_219 : i32 to index
        %get3A_221 = arith.constant 0 : index
        %get3A_222 = tpu.vector_load %arg7[%get3A_220, %get3A_221] {strides = array<i32>} : memref<3328x16xf32, #tpu.memory_space<vmem>>, vector<1x16xf32>,
        %get3A_223 = vector.shape_cast %get3A_222 : vector<1x16xf32> to vector<16xf32>
        %add3A_224 = arith.addf %add3A_215, %get3A_223 : vector<16xf32>
        %mul3A_225 = arith.constant 26 : i32
        %mul3A_226 = arith.muli %while3A_134, %mul3A_225 : i32
        %add3A_227 = arith.constant 10 : i32
        %add3A_228 = arith.addi %mul3A_226, %add3A_227 : i32
        %get3A_229 = arith.index_cast %add3A_228 : i32 to index
        %get3A_230 = arith.constant 0 : index
        %get3A_231 = tpu.vector_load %arg7[%get3A_229, %get3A_230] {strides = array<i32>} : memref<3328x16xf32, #tpu.memory_space<vmem>>, vector<1x16xf32>,
        %get3A_232 = vector.shape_cast %get3A_231 : vector<1x16xf32> to vector<16xf32>
        %add3A_233 = arith.addf %add3A_224, %get3A_232 : vector<16xf32>
        %mul3A_234 = arith.constant 26 : i32
        %mul3A_235 = arith.muli %while3A_134, %mul3A_234 : i32
        %add3A_236 = arith.constant 11 : i32
        %add3A_237 = arith.addi %mul3A_235, %add3A_236 : i32
        %get3A_238 = arith.index_cast %add3A_237 : i32 to index
        %get3A_239 = arith.constant 0 : index
        %get3A_240 = tpu.vector_load %arg7[%get3A_238, %get3A_239] {strides = array<i32>} : memref<3328x16xf32, #tpu.memory_space<vmem>>, vector<1x16xf32>,
        %get3A_241 = vector.shape_cast %get3A_240 : vector<1x16xf32> to vector<16xf32>
        %add3A_242 = arith.addf %add3A_233, %get3A_241 : vector<16xf32>
        %mul3A_243 = arith.constant 26 : i32
        %mul3A_244 = arith.muli %while3A_134, %mul3A_243 : i32
        %add3A_245 = arith.constant 12 : i32
        %add3A_246 = arith.addi %mul3A_244, %add3A_245 : i32
        %get3A_247 = arith.index_cast %add3A_246 : i32 to index
        %get3A_248 = arith.constant 0 : index
        %get3A_249 = tpu.vector_load %arg7[%get3A_247, %get3A_248] {strides = array<i32>} : memref<3328x16xf32, #tpu.memory_space<vmem>>, vector<1x16xf32>,
        %get3A_250 = vector.shape_cast %get3A_249 : vector<1x16xf32> to vector<16xf32>
        %add3A_251 = arith.addf %add3A_242, %get3A_250 : vector<16xf32>
        %mul3A_252 = arith.constant 26 : i32
        %mul3A_253 = arith.muli %while3A_134, %mul3A_252 : i32
        %add3A_254 = arith.constant 13 : i32
        %add3A_255 = arith.addi %mul3A_253, %add3A_254 : i32
        %get3A_256 = arith.index_cast %add3A_255 : i32 to index
        %get3A_257 = arith.constant 0 : index
        %get3A_258 = tpu.vector_load %arg7[%get3A_256, %get3A_257] {strides = array<i32>} : memref<3328x16xf32, #tpu.memory_space<vmem>>, vector<1x16xf32>,
        %get3A_259 = vector.shape_cast %get3A_258 : vector<1x16xf32> to vector<16xf32>
        %add3A_260 = arith.addf %add3A_251, %get3A_259 : vector<16xf32>
        %mul3A_261 = arith.constant 26 : i32
        %mul3A_262 = arith.muli %while3A_134, %mul3A_261 : i32
        %add3A_263 = arith.constant 14 : i32
        %add3A_264 = arith.addi %mul3A_262, %add3A_263 : i32
        %get3A_265 = arith.index_cast %add3A_264 : i32 to index
        %get3A_266 = arith.constant 0 : index
        %get3A_267 = tpu.vector_load %arg7[%get3A_265, %get3A_266] {strides = array<i32>} : memref<3328x16xf32, #tpu.memory_space<vmem>>, vector<1x16xf32>,
        %get3A_268 = vector.shape_cast %get3A_267 : vector<1x16xf32> to vector<16xf32>
        %add3A_269 = arith.addf %add3A_260, %get3A_268 : vector<16xf32>
        %mul3A_270 = arith.constant 26 : i32
        %mul3A_271 = arith.muli %while3A_134, %mul3A_270 : i32
        %add3A_272 = arith.constant 15 : i32
        %add3A_273 = arith.addi %mul3A_271, %add3A_272 : i32
        %get3A_274 = arith.index_cast %add3A_273 : i32 to index
        %get3A_275 = arith.constant 0 : index
        %get3A_276 = tpu.vector_load %arg7[%get3A_274, %get3A_275] {strides = array<i32>} : memref<3328x16xf32, #tpu.memory_space<vmem>>, vector<1x16xf32>,
        %get3A_277 = vector.shape_cast %get3A_276 : vector<1x16xf32> to vector<16xf32>
        %add3A_278 = arith.addf %add3A_269, %get3A_277 : vector<16xf32>
        %mul3A_279 = arith.constant 26 : i32
        %mul3A_280 = arith.muli %while3A_134, %mul3A_279 : i32
        %add3A_281 = arith.constant 16 : i32
        %add3A_282 = arith.addi %mul3A_280, %add3A_281 : i32
        %get3A_283 = arith.index_cast %add3A_282 : i32 to index
        %get3A_284 = arith.constant 0 : index
        %get3A_285 = tpu.vector_load %arg7[%get3A_283, %get3A_284] {strides = array<i32>} : memref<3328x16xf32, #tpu.memory_space<vmem>>, vector<1x16xf32>,
        %get3A_286 = vector.shape_cast %get3A_285 : vector<1x16xf32> to vector<16xf32>
        %add3A_287 = arith.addf %add3A_278, %get3A_286 : vector<16xf32>
        %mul3A_288 = arith.constant 26 : i32
        %mul3A_289 = arith.muli %while3A_134, %mul3A_288 : i32
        %add3A_290 = arith.constant 17 : i32
        %add3A_291 = arith.addi %mul3A_289, %add3A_290 : i32
        %get3A_292 = arith.index_cast %add3A_291 : i32 to index
        %get3A_293 = arith.constant 0 : index
        %get3A_294 = tpu.vector_load %arg7[%get3A_292, %get3A_293] {strides = array<i32>} : memref<3328x16xf32, #tpu.memory_space<vmem>>, vector<1x16xf32>,
        %get3A_295 = vector.shape_cast %get3A_294 : vector<1x16xf32> to vector<16xf32>
        %add3A_296 = arith.addf %add3A_287, %get3A_295 : vector<16xf32>
        %mul3A_297 = arith.constant 26 : i32
        %mul3A_298 = arith.muli %while3A_134, %mul3A_297 : i32
        %add3A_299 = arith.constant 18 : i32
        %add3A_300 = arith.addi %mul3A_298, %add3A_299 : i32
        %get3A_301 = arith.index_cast %add3A_300 : i32 to index
        %get3A_302 = arith.constant 0 : index
        %get3A_303 = tpu.vector_load %arg7[%get3A_301, %get3A_302] {strides = array<i32>} : memref<3328x16xf32, #tpu.memory_space<vmem>>, vector<1x16xf32>,
        %get3A_304 = vector.shape_cast %get3A_303 : vector<1x16xf32> to vector<16xf32>
        %add3A_305 = arith.addf %add3A_296, %get3A_304 : vector<16xf32>
        %mul3A_306 = arith.constant 26 : i32
        %mul3A_307 = arith.muli %while3A_134, %mul3A_306 : i32
        %add3A_308 = arith.constant 19 : i32
        %add3A_309 = arith.addi %mul3A_307, %add3A_308 : i32
        %get3A_310 = arith.index_cast %add3A_309 : i32 to index
        %get3A_311 = arith.constant 0 : index
        %get3A_312 = tpu.vector_load %arg7[%get3A_310, %get3A_311] {strides = array<i32>} : memref<3328x16xf32, #tpu.memory_space<vmem>>, vector<1x16xf32>,
        %get3A_313 = vector.shape_cast %get3A_312 : vector<1x16xf32> to vector<16xf32>
        %add3A_314 = arith.addf %add3A_305, %get3A_313 : vector<16xf32>
        %mul3A_315 = arith.constant 26 : i32
        %mul3A_316 = arith.muli %while3A_134, %mul3A_315 : i32
        %add3A_317 = arith.constant 20 : i32
        %add3A_318 = arith.addi %mul3A_316, %add3A_317 : i32
        %get3A_319 = arith.index_cast %add3A_318 : i32 to index
        %get3A_320 = arith.constant 0 : index
        %get3A_321 = tpu.vector_load %arg7[%get3A_319, %get3A_320] {strides = array<i32>} : memref<3328x16xf32, #tpu.memory_space<vmem>>, vector<1x16xf32>,
        %get3A_322 = vector.shape_cast %get3A_321 : vector<1x16xf32> to vector<16xf32>
        %add3A_323 = arith.addf %add3A_314, %get3A_322 : vector<16xf32>
        %mul3A_324 = arith.constant 26 : i32
        %mul3A_325 = arith.muli %while3A_134, %mul3A_324 : i32
        %add3A_326 = arith.constant 21 : i32
        %add3A_327 = arith.addi %mul3A_325, %add3A_326 : i32
        %get3A_328 = arith.index_cast %add3A_327 : i32 to index
        %get3A_329 = arith.constant 0 : index
        %get3A_330 = tpu.vector_load %arg7[%get3A_328, %get3A_329] {strides = array<i32>} : memref<3328x16xf32, #tpu.memory_space<vmem>>, vector<1x16xf32>,
        %get3A_331 = vector.shape_cast %get3A_330 : vector<1x16xf32> to vector<16xf32>
        %add3A_332 = arith.addf %add3A_323, %get3A_331 : vector<16xf32>
        %mul3A_333 = arith.constant 26 : i32
        %mul3A_334 = arith.muli %while3A_134, %mul3A_333 : i32
        %add3A_335 = arith.constant 22 : i32
        %add3A_336 = arith.addi %mul3A_334, %add3A_335 : i32
        %get3A_337 = arith.index_cast %add3A_336 : i32 to index
        %get3A_338 = arith.constant 0 : index
        %get3A_339 = tpu.vector_load %arg7[%get3A_337, %get3A_338] {strides = array<i32>} : memref<3328x16xf32, #tpu.memory_space<vmem>>, vector<1x16xf32>,
        %get3A_340 = vector.shape_cast %get3A_339 : vector<1x16xf32> to vector<16xf32>
        %add3A_341 = arith.addf %add3A_332, %get3A_340 : vector<16xf32>
        %mul3A_342 = arith.constant 26 : i32
        %mul3A_343 = arith.muli %while3A_134, %mul3A_342 : i32
        %add3A_344 = arith.constant 23 : i32
        %add3A_345 = arith.addi %mul3A_343, %add3A_344 : i32
        %get3A_346 = arith.index_cast %add3A_345 : i32 to index
        %get3A_347 = arith.constant 0 : index
        %get3A_348 = tpu.vector_load %arg7[%get3A_346, %get3A_347] {strides = array<i32>} : memref<3328x16xf32, #tpu.memory_space<vmem>>, vector<1x16xf32>,
        %get3A_349 = vector.shape_cast %get3A_348 : vector<1x16xf32> to vector<16xf32>
        %add3A_350 = arith.addf %add3A_341, %get3A_349 : vector<16xf32>
        %mul3A_351 = arith.constant 26 : i32
        %mul3A_352 = arith.muli %while3A_134, %mul3A_351 : i32
        %add3A_353 = arith.constant 24 : i32
        %add3A_354 = arith.addi %mul3A_352, %add3A_353 : i32
        %get3A_355 = arith.index_cast %add3A_354 : i32 to index
        %get3A_356 = arith.constant 0 : index
        %get3A_357 = tpu.vector_load %arg7[%get3A_355, %get3A_356] {strides = array<i32>} : memref<3328x16xf32, #tpu.memory_space<vmem>>, vector<1x16xf32>,
        %get3A_358 = vector.shape_cast %get3A_357 : vector<1x16xf32> to vector<16xf32>
        %add3A_359 = arith.addf %add3A_350, %get3A_358 : vector<16xf32>
        %mul3A_360 = arith.constant 26 : i32
        %mul3A_361 = arith.muli %while3A_134, %mul3A_360 : i32
        %add3A_362 = arith.constant 25 : i32
        %add3A_363 = arith.addi %mul3A_361, %add3A_362 : i32
        %get3A_364 = arith.index_cast %add3A_363 : i32 to index
        %get3A_365 = arith.constant 0 : index
        %get3A_366 = tpu.vector_load %arg7[%get3A_364, %get3A_365] {strides = array<i32>} : memref<3328x16xf32, #tpu.memory_space<vmem>>, vector<1x16xf32>,
        %get3A_367 = vector.shape_cast %get3A_366 : vector<1x16xf32> to vector<16xf32>
        %add3A_368 = arith.addf %add3A_359, %get3A_367 : vector<16xf32>
        %add3A_369 = arith.addf %add3A_368, %get3A_10 : vector<16xf32>
        %max3A = arith.constant 0.000000e+00 : f32
        %max3A_370 = vector.broadcast %max3A : f32 to vector<16xf32>
        %max3A_371 = arith.maximumf %add3A_369, %max3A_370 : vector<16xf32>
        %lt3A = arith.constant 0 : i32
        %lt3A_372 = vector.broadcast %lt3A : i32 to vector<16xi32>
        %lt3A_373 = arith.cmpi slt, %and3A_32, %lt3A_372 : vector<16xi32>
        %add3A_374 = arith.constant 16 : i32
        %add3A_375 = vector.broadcast %add3A_374 : i32 to vector<16xi32>
        %add3A_376 = arith.addi %and3A_32, %add3A_375 : vector<16xi32>
        %select_n3A = arith.select %lt3A_373, %add3A_376, %and3A_32 : vector<16xi1>, vector<16xi32>
        %broadcast_in_dim3A_377 = vector.shape_cast %select_n3A : vector<16xi32> to vector<16x1xi32>
        %gather3A = vector.shape_cast %broadcast_in_dim3A_377 : vector<16x1xi32> to vector<16xi32>
        %gather3A_378 = tpu.dynamic_gather %max3A_371[%gather3A] in [0] : vector<16xf32>, vector<16xi32> -> vector<16xf32>
        %mul3A_379 = arith.mulf %gather3A_378, %get3A_15 : vector<16xf32>
        %lt3A_380 = arith.constant 0 : i32
        %lt3A_381 = vector.broadcast %lt3A_380 : i32 to vector<16xi32>
        %lt3A_382 = arith.cmpi slt, %and3A_38, %lt3A_381 : vector<16xi32>
        %add3A_383 = arith.constant 16 : i32
        %add3A_384 = vector.broadcast %add3A_383 : i32 to vector<16xi32>
        %add3A_385 = arith.addi %and3A_38, %add3A_384 : vector<16xi32>
        %select_n3A_386 = arith.select %lt3A_382, %add3A_385, %and3A_38 : vector<16xi1>, vector<16xi32>
        %broadcast_in_dim3A_387 = vector.shape_cast %select_n3A_386 : vector<16xi32> to vector<16x1xi32>
        %gather3A_388 = vector.shape_cast %broadcast_in_dim3A_387 : vector<16x1xi32> to vector<16xi32>
        %gather3A_389 = tpu.dynamic_gather %mul3A_379[%gather3A_388] in [0] : vector<16xf32>, vector<16xi32> -> vector<16xf32>
        %add3A_390 = arith.addf %mul3A_379, %gather3A_389 : vector<16xf32>
        %lt3A_391 = arith.constant 0 : i32
        %lt3A_392 = vector.broadcast %lt3A_391 : i32 to vector<16xi32>
        %lt3A_393 = arith.cmpi slt, %and3A_44, %lt3A_392 : vector<16xi32>
        %add3A_394 = arith.constant 16 : i32
        %add3A_395 = vector.broadcast %add3A_394 : i32 to vector<16xi32>
        %add3A_396 = arith.addi %and3A_44, %add3A_395 : vector<16xi32>
        %select_n3A_397 = arith.select %lt3A_393, %add3A_396, %and3A_44 : vector<16xi1>, vector<16xi32>
        %broadcast_in_dim3A_398 = vector.shape_cast %select_n3A_397 : vector<16xi32> to vector<16x1xi32>
        %gather3A_399 = vector.shape_cast %broadcast_in_dim3A_398 : vector<16x1xi32> to vector<16xi32>
        %gather3A_400 = tpu.dynamic_gather %add3A_390[%gather3A_399] in [0] : vector<16xf32>, vector<16xi32> -> vector<16xf32>
        %add3A_401 = arith.addf %add3A_390, %gather3A_400 : vector<16xf32>
        %add3A_402 = arith.addf %add3A_401, %get3A_20 : vector<16xf32>
        %max3A_403 = arith.constant 0.000000e+00 : f32
        %max3A_404 = vector.broadcast %max3A_403 : f32 to vector<16xf32>
        %max3A_405 = arith.maximumf %add3A_402, %max3A_404 : vector<16xf32>
        %mul3A_406 = arith.mulf %max3A_405, %get3A_25 : vector<16xf32>
        %lt3A_407 = arith.constant 0 : i32
        %lt3A_408 = vector.broadcast %lt3A_407 : i32 to vector<16xi32>
        %lt3A_409 = arith.cmpi slt, %and3A_56, %lt3A_408 : vector<16xi32>
        %add3A_410 = arith.constant 16 : i32
        %add3A_411 = vector.broadcast %add3A_410 : i32 to vector<16xi32>
        %add3A_412 = arith.addi %and3A_56, %add3A_411 : vector<16xi32>
        %select_n3A_413 = arith.select %lt3A_409, %add3A_412, %and3A_56 : vector<16xi1>, vector<16xi32>
        %broadcast_in_dim3A_414 = vector.shape_cast %select_n3A_413 : vector<16xi32> to vector<16x1xi32>
        %gather3A_415 = vector.shape_cast %broadcast_in_dim3A_414 : vector<16x1xi32> to vector<16xi32>
        %gather3A_416 = tpu.dynamic_gather %mul3A_406[%gather3A_415] in [0] : vector<16xf32>, vector<16xi32> -> vector<16xf32>
        %add3A_417 = arith.addf %mul3A_406, %gather3A_416 : vector<16xf32>
        %lt3A_418 = arith.constant 0 : i32
        %lt3A_419 = vector.broadcast %lt3A_418 : i32 to vector<16xi32>
        %lt3A_420 = arith.cmpi slt, %and3A_50, %lt3A_419 : vector<16xi32>
        %add3A_421 = arith.constant 16 : i32
        %add3A_422 = vector.broadcast %add3A_421 : i32 to vector<16xi32>
        %add3A_423 = arith.addi %and3A_50, %add3A_422 : vector<16xi32>
        %select_n3A_424 = arith.select %lt3A_420, %add3A_423, %and3A_50 : vector<16xi1>, vector<16xi32>
        %broadcast_in_dim3A_425 = vector.shape_cast %select_n3A_424 : vector<16xi32> to vector<16x1xi32>
        %gather3A_426 = vector.shape_cast %broadcast_in_dim3A_425 : vector<16x1xi32> to vector<16xi32>
        %gather3A_427 = tpu.dynamic_gather %add3A_417[%gather3A_426] in [0] : vector<16xf32>, vector<16xi32> -> vector<16xf32>
        %add3A_428 = arith.addf %add3A_417, %gather3A_427 : vector<16xf32>
        %lt3A_429 = arith.constant 0 : i32
        %lt3A_430 = vector.broadcast %lt3A_429 : i32 to vector<16xi32>
        %lt3A_431 = arith.cmpi slt, %and3A_44, %lt3A_430 : vector<16xi32>
        %add3A_432 = arith.constant 16 : i32
        %add3A_433 = vector.broadcast %add3A_432 : i32 to vector<16xi32>
        %add3A_434 = arith.addi %and3A_44, %add3A_433 : vector<16xi32>
        %select_n3A_435 = arith.select %lt3A_431, %add3A_434, %and3A_44 : vector<16xi1>, vector<16xi32>
        %broadcast_in_dim3A_436 = vector.shape_cast %select_n3A_435 : vector<16xi32> to vector<16x1xi32>
        %gather3A_437 = vector.shape_cast %broadcast_in_dim3A_436 : vector<16x1xi32> to vector<16xi32>
        %gather3A_438 = tpu.dynamic_gather %add3A_428[%gather3A_437] in [0] : vector<16xf32>, vector<16xi32> -> vector<16xf32>
        %add3A_439 = arith.addf %add3A_428, %gather3A_438 : vector<16xf32>
        %lt3A_440 = arith.constant 0 : i32
        %lt3A_441 = vector.broadcast %lt3A_440 : i32 to vector<16xi32>
        %lt3A_442 = arith.cmpi slt, %and3A_38, %lt3A_441 : vector<16xi32>
        %add3A_443 = arith.constant 16 : i32
        %add3A_444 = vector.broadcast %add3A_443 : i32 to vector<16xi32>
        %add3A_445 = arith.addi %and3A_38, %add3A_444 : vector<16xi32>
        %select_n3A_446 = arith.select %lt3A_442, %add3A_445, %and3A_38 : vector<16xi1>, vector<16xi32>
        %broadcast_in_dim3A_447 = vector.shape_cast %select_n3A_446 : vector<16xi32> to vector<16x1xi32>
        %gather3A_448 = vector.shape_cast %broadcast_in_dim3A_447 : vector<16x1xi32> to vector<16xi32>
        %gather3A_449 = tpu.dynamic_gather %add3A_439[%gather3A_448] in [0] : vector<16xf32>, vector<16xi32> -> vector<16xf32>
        %add3A_450 = arith.addf %add3A_439, %gather3A_449 : vector<16xf32>
        %add3A_451 = arith.addf %add3A_450, %get3A_30 : vector<16xf32>
        %neg3A = arith.constant 0.000000e+00 : f32
        %neg3A_452 = vector.broadcast %neg3A : f32 to vector<16xf32>
        %neg3A_453 = arith.subf %neg3A_452, %add3A_451 : vector<16xf32>
        %exp3A = math.exp %neg3A_453 : vector<16xf32>
        %add3A_454 = arith.constant 1.000000e+00 : f32
        %add3A_455 = vector.broadcast %add3A_454 : f32 to vector<16xf32>
        %add3A_456 = arith.addf %add3A_455, %exp3A : vector<16xf32>
        %div3A = arith.constant 1.000000e+00 : f32
        %div3A_457 = vector.broadcast %div3A : f32 to vector<16xf32>
        %div3A_458 = arith.divf %div3A_457, %add3A_456 : vector<16xf32>
        %and3A_459 = arith.constant 15 : i32
        %and3A_460 = arith.andi %while3A_134, %and3A_459 : i32
        %eq3A = vector.broadcast %and3A_460 : i32 to vector<16xi32>
        %eq3A_461 = arith.cmpi eq, %iota3A, %eq3A : vector<16xi32>
        %select_n3A_462 = arith.select %eq3A_461, %div3A_458, %while3A_135 : vector<16xi1>, vector<16xf32>
        scf.yield %select_n3A_462 : vector<16xf32>
      }
      %while3A_125 = arith.constant 1 : i32
      %while3A_126 = scf.for %while3A_134 = %while3A_122 to %while3A_118 step %while3A_125 iter_args(%while3A_135 = %while3A_124) -> (vector<16xf32>)  : i32 {
        %mul3A_136 = arith.constant 26 : i32
        %mul3A_137 = arith.muli %while3A_134, %mul3A_136 : i32
        %add3A_138 = arith.constant 0 : i32
        %add3A_139 = arith.addi %mul3A_137, %add3A_138 : i32
        %get3A_140 = arith.index_cast %add3A_139 : i32 to index
        %get3A_141 = arith.constant 0 : index
        %get3A_142 = tpu.vector_load %arg7[%get3A_140, %get3A_141] {strides = array<i32>} : memref<3328x16xf32, #tpu.memory_space<vmem>>, vector<1x16xf32>,
        %get3A_143 = vector.shape_cast %get3A_142 : vector<1x16xf32> to vector<16xf32>
        %mul3A_144 = arith.constant 26 : i32
        %mul3A_145 = arith.muli %while3A_134, %mul3A_144 : i32
        %add3A_146 = arith.constant 1 : i32
        %add3A_147 = arith.addi %mul3A_145, %add3A_146 : i32
        %get3A_148 = arith.index_cast %add3A_147 : i32 to index
        %get3A_149 = arith.constant 0 : index
        %get3A_150 = tpu.vector_load %arg7[%get3A_148, %get3A_149] {strides = array<i32>} : memref<3328x16xf32, #tpu.memory_space<vmem>>, vector<1x16xf32>,
        %get3A_151 = vector.shape_cast %get3A_150 : vector<1x16xf32> to vector<16xf32>
        %add3A_152 = arith.addf %get3A_143, %get3A_151 : vector<16xf32>
        %mul3A_153 = arith.constant 26 : i32
        %mul3A_154 = arith.muli %while3A_134, %mul3A_153 : i32
        %add3A_155 = arith.constant 2 : i32
        %add3A_156 = arith.addi %mul3A_154, %add3A_155 : i32
        %get3A_157 = arith.index_cast %add3A_156 : i32 to index
        %get3A_158 = arith.constant 0 : index
        %get3A_159 = tpu.vector_load %arg7[%get3A_157, %get3A_158] {strides = array<i32>} : memref<3328x16xf32, #tpu.memory_space<vmem>>, vector<1x16xf32>,
        %get3A_160 = vector.shape_cast %get3A_159 : vector<1x16xf32> to vector<16xf32>
        %add3A_161 = arith.addf %add3A_152, %get3A_160 : vector<16xf32>
        %mul3A_162 = arith.constant 26 : i32
        %mul3A_163 = arith.muli %while3A_134, %mul3A_162 : i32
        %add3A_164 = arith.constant 3 : i32
        %add3A_165 = arith.addi %mul3A_163, %add3A_164 : i32
        %get3A_166 = arith.index_cast %add3A_165 : i32 to index
        %get3A_167 = arith.constant 0 : index
        %get3A_168 = tpu.vector_load %arg7[%get3A_166, %get3A_167] {strides = array<i32>} : memref<3328x16xf32, #tpu.memory_space<vmem>>, vector<1x16xf32>,
        %get3A_169 = vector.shape_cast %get3A_168 : vector<1x16xf32> to vector<16xf32>
        %add3A_170 = arith.addf %add3A_161, %get3A_169 : vector<16xf32>
        %mul3A_171 = arith.constant 26 : i32
        %mul3A_172 = arith.muli %while3A_134, %mul3A_171 : i32
        %add3A_173 = arith.constant 4 : i32
        %add3A_174 = arith.addi %mul3A_172, %add3A_173 : i32
        %get3A_175 = arith.index_cast %add3A_174 : i32 to index
        %get3A_176 = arith.constant 0 : index
        %get3A_177 = tpu.vector_load %arg7[%get3A_175, %get3A_176] {strides = array<i32>} : memref<3328x16xf32, #tpu.memory_space<vmem>>, vector<1x16xf32>,
        %get3A_178 = vector.shape_cast %get3A_177 : vector<1x16xf32> to vector<16xf32>
        %add3A_179 = arith.addf %add3A_170, %get3A_178 : vector<16xf32>
        %mul3A_180 = arith.constant 26 : i32
        %mul3A_181 = arith.muli %while3A_134, %mul3A_180 : i32
        %add3A_182 = arith.constant 5 : i32
        %add3A_183 = arith.addi %mul3A_181, %add3A_182 : i32
        %get3A_184 = arith.index_cast %add3A_183 : i32 to index
        %get3A_185 = arith.constant 0 : index
        %get3A_186 = tpu.vector_load %arg7[%get3A_184, %get3A_185] {strides = array<i32>} : memref<3328x16xf32, #tpu.memory_space<vmem>>, vector<1x16xf32>,
        %get3A_187 = vector.shape_cast %get3A_186 : vector<1x16xf32> to vector<16xf32>
        %add3A_188 = arith.addf %add3A_179, %get3A_187 : vector<16xf32>
        %mul3A_189 = arith.constant 26 : i32
        %mul3A_190 = arith.muli %while3A_134, %mul3A_189 : i32
        %add3A_191 = arith.constant 6 : i32
        %add3A_192 = arith.addi %mul3A_190, %add3A_191 : i32
        %get3A_193 = arith.index_cast %add3A_192 : i32 to index
        %get3A_194 = arith.constant 0 : index
        %get3A_195 = tpu.vector_load %arg7[%get3A_193, %get3A_194] {strides = array<i32>} : memref<3328x16xf32, #tpu.memory_space<vmem>>, vector<1x16xf32>,
        %get3A_196 = vector.shape_cast %get3A_195 : vector<1x16xf32> to vector<16xf32>
        %add3A_197 = arith.addf %add3A_188, %get3A_196 : vector<16xf32>
        %mul3A_198 = arith.constant 26 : i32
        %mul3A_199 = arith.muli %while3A_134, %mul3A_198 : i32
        %add3A_200 = arith.constant 7 : i32
        %add3A_201 = arith.addi %mul3A_199, %add3A_200 : i32
        %get3A_202 = arith.index_cast %add3A_201 : i32 to index
        %get3A_203 = arith.constant 0 : index
        %get3A_204 = tpu.vector_load %arg7[%get3A_202, %get3A_203] {strides = array<i32>} : memref<3328x16xf32, #tpu.memory_space<vmem>>, vector<1x16xf32>,
        %get3A_205 = vector.shape_cast %get3A_204 : vector<1x16xf32> to vector<16xf32>
        %add3A_206 = arith.addf %add3A_197, %get3A_205 : vector<16xf32>
        %mul3A_207 = arith.constant 26 : i32
        %mul3A_208 = arith.muli %while3A_134, %mul3A_207 : i32
        %add3A_209 = arith.constant 8 : i32
        %add3A_210 = arith.addi %mul3A_208, %add3A_209 : i32
        %get3A_211 = arith.index_cast %add3A_210 : i32 to index
        %get3A_212 = arith.constant 0 : index
        %get3A_213 = tpu.vector_load %arg7[%get3A_211, %get3A_212] {strides = array<i32>} : memref<3328x16xf32, #tpu.memory_space<vmem>>, vector<1x16xf32>,
        %get3A_214 = vector.shape_cast %get3A_213 : vector<1x16xf32> to vector<16xf32>
        %add3A_215 = arith.addf %add3A_206, %get3A_214 : vector<16xf32>
        %mul3A_216 = arith.constant 26 : i32
        %mul3A_217 = arith.muli %while3A_134, %mul3A_216 : i32
        %add3A_218 = arith.constant 9 : i32
        %add3A_219 = arith.addi %mul3A_217, %add3A_218 : i32
        %get3A_220 = arith.index_cast %add3A_219 : i32 to index
        %get3A_221 = arith.constant 0 : index
        %get3A_222 = tpu.vector_load %arg7[%get3A_220, %get3A_221] {strides = array<i32>} : memref<3328x16xf32, #tpu.memory_space<vmem>>, vector<1x16xf32>,
        %get3A_223 = vector.shape_cast %get3A_222 : vector<1x16xf32> to vector<16xf32>
        %add3A_224 = arith.addf %add3A_215, %get3A_223 : vector<16xf32>
        %mul3A_225 = arith.constant 26 : i32
        %mul3A_226 = arith.muli %while3A_134, %mul3A_225 : i32
        %add3A_227 = arith.constant 10 : i32
        %add3A_228 = arith.addi %mul3A_226, %add3A_227 : i32
        %get3A_229 = arith.index_cast %add3A_228 : i32 to index
        %get3A_230 = arith.constant 0 : index
        %get3A_231 = tpu.vector_load %arg7[%get3A_229, %get3A_230] {strides = array<i32>} : memref<3328x16xf32, #tpu.memory_space<vmem>>, vector<1x16xf32>,
        %get3A_232 = vector.shape_cast %get3A_231 : vector<1x16xf32> to vector<16xf32>
        %add3A_233 = arith.addf %add3A_224, %get3A_232 : vector<16xf32>
        %mul3A_234 = arith.constant 26 : i32
        %mul3A_235 = arith.muli %while3A_134, %mul3A_234 : i32
        %add3A_236 = arith.constant 11 : i32
        %add3A_237 = arith.addi %mul3A_235, %add3A_236 : i32
        %get3A_238 = arith.index_cast %add3A_237 : i32 to index
        %get3A_239 = arith.constant 0 : index
        %get3A_240 = tpu.vector_load %arg7[%get3A_238, %get3A_239] {strides = array<i32>} : memref<3328x16xf32, #tpu.memory_space<vmem>>, vector<1x16xf32>,
        %get3A_241 = vector.shape_cast %get3A_240 : vector<1x16xf32> to vector<16xf32>
        %add3A_242 = arith.addf %add3A_233, %get3A_241 : vector<16xf32>
        %mul3A_243 = arith.constant 26 : i32
        %mul3A_244 = arith.muli %while3A_134, %mul3A_243 : i32
        %add3A_245 = arith.constant 12 : i32
        %add3A_246 = arith.addi %mul3A_244, %add3A_245 : i32
        %get3A_247 = arith.index_cast %add3A_246 : i32 to index
        %get3A_248 = arith.constant 0 : index
        %get3A_249 = tpu.vector_load %arg7[%get3A_247, %get3A_248] {strides = array<i32>} : memref<3328x16xf32, #tpu.memory_space<vmem>>, vector<1x16xf32>,
        %get3A_250 = vector.shape_cast %get3A_249 : vector<1x16xf32> to vector<16xf32>
        %add3A_251 = arith.addf %add3A_242, %get3A_250 : vector<16xf32>
        %mul3A_252 = arith.constant 26 : i32
        %mul3A_253 = arith.muli %while3A_134, %mul3A_252 : i32
        %add3A_254 = arith.constant 13 : i32
        %add3A_255 = arith.addi %mul3A_253, %add3A_254 : i32
        %get3A_256 = arith.index_cast %add3A_255 : i32 to index
        %get3A_257 = arith.constant 0 : index
        %get3A_258 = tpu.vector_load %arg7[%get3A_256, %get3A_257] {strides = array<i32>} : memref<3328x16xf32, #tpu.memory_space<vmem>>, vector<1x16xf32>,
        %get3A_259 = vector.shape_cast %get3A_258 : vector<1x16xf32> to vector<16xf32>
        %add3A_260 = arith.addf %add3A_251, %get3A_259 : vector<16xf32>
        %mul3A_261 = arith.constant 26 : i32
        %mul3A_262 = arith.muli %while3A_134, %mul3A_261 : i32
        %add3A_263 = arith.constant 14 : i32
        %add3A_264 = arith.addi %mul3A_262, %add3A_263 : i32
        %get3A_265 = arith.index_cast %add3A_264 : i32 to index
        %get3A_266 = arith.constant 0 : index
        %get3A_267 = tpu.vector_load %arg7[%get3A_265, %get3A_266] {strides = array<i32>} : memref<3328x16xf32, #tpu.memory_space<vmem>>, vector<1x16xf32>,
        %get3A_268 = vector.shape_cast %get3A_267 : vector<1x16xf32> to vector<16xf32>
        %add3A_269 = arith.addf %add3A_260, %get3A_268 : vector<16xf32>
        %mul3A_270 = arith.constant 26 : i32
        %mul3A_271 = arith.muli %while3A_134, %mul3A_270 : i32
        %add3A_272 = arith.constant 15 : i32
        %add3A_273 = arith.addi %mul3A_271, %add3A_272 : i32
        %get3A_274 = arith.index_cast %add3A_273 : i32 to index
        %get3A_275 = arith.constant 0 : index
        %get3A_276 = tpu.vector_load %arg7[%get3A_274, %get3A_275] {strides = array<i32>} : memref<3328x16xf32, #tpu.memory_space<vmem>>, vector<1x16xf32>,
        %get3A_277 = vector.shape_cast %get3A_276 : vector<1x16xf32> to vector<16xf32>
        %add3A_278 = arith.addf %add3A_269, %get3A_277 : vector<16xf32>
        %mul3A_279 = arith.constant 26 : i32
        %mul3A_280 = arith.muli %while3A_134, %mul3A_279 : i32
        %add3A_281 = arith.constant 16 : i32
        %add3A_282 = arith.addi %mul3A_280, %add3A_281 : i32
        %get3A_283 = arith.index_cast %add3A_282 : i32 to index
        %get3A_284 = arith.constant 0 : index
        %get3A_285 = tpu.vector_load %arg7[%get3A_283, %get3A_284] {strides = array<i32>} : memref<3328x16xf32, #tpu.memory_space<vmem>>, vector<1x16xf32>,
        %get3A_286 = vector.shape_cast %get3A_285 : vector<1x16xf32> to vector<16xf32>
        %add3A_287 = arith.addf %add3A_278, %get3A_286 : vector<16xf32>
        %mul3A_288 = arith.constant 26 : i32
        %mul3A_289 = arith.muli %while3A_134, %mul3A_288 : i32
        %add3A_290 = arith.constant 17 : i32
        %add3A_291 = arith.addi %mul3A_289, %add3A_290 : i32
        %get3A_292 = arith.index_cast %add3A_291 : i32 to index
        %get3A_293 = arith.constant 0 : index
        %get3A_294 = tpu.vector_load %arg7[%get3A_292, %get3A_293] {strides = array<i32>} : memref<3328x16xf32, #tpu.memory_space<vmem>>, vector<1x16xf32>,
        %get3A_295 = vector.shape_cast %get3A_294 : vector<1x16xf32> to vector<16xf32>
        %add3A_296 = arith.addf %add3A_287, %get3A_295 : vector<16xf32>
        %mul3A_297 = arith.constant 26 : i32
        %mul3A_298 = arith.muli %while3A_134, %mul3A_297 : i32
        %add3A_299 = arith.constant 18 : i32
        %add3A_300 = arith.addi %mul3A_298, %add3A_299 : i32
        %get3A_301 = arith.index_cast %add3A_300 : i32 to index
        %get3A_302 = arith.constant 0 : index
        %get3A_303 = tpu.vector_load %arg7[%get3A_301, %get3A_302] {strides = array<i32>} : memref<3328x16xf32, #tpu.memory_space<vmem>>, vector<1x16xf32>,
        %get3A_304 = vector.shape_cast %get3A_303 : vector<1x16xf32> to vector<16xf32>
        %add3A_305 = arith.addf %add3A_296, %get3A_304 : vector<16xf32>
        %mul3A_306 = arith.constant 26 : i32
        %mul3A_307 = arith.muli %while3A_134, %mul3A_306 : i32
        %add3A_308 = arith.constant 19 : i32
        %add3A_309 = arith.addi %mul3A_307, %add3A_308 : i32
        %get3A_310 = arith.index_cast %add3A_309 : i32 to index
        %get3A_311 = arith.constant 0 : index
        %get3A_312 = tpu.vector_load %arg7[%get3A_310, %get3A_311] {strides = array<i32>} : memref<3328x16xf32, #tpu.memory_space<vmem>>, vector<1x16xf32>,
        %get3A_313 = vector.shape_cast %get3A_312 : vector<1x16xf32> to vector<16xf32>
        %add3A_314 = arith.addf %add3A_305, %get3A_313 : vector<16xf32>
        %mul3A_315 = arith.constant 26 : i32
        %mul3A_316 = arith.muli %while3A_134, %mul3A_315 : i32
        %add3A_317 = arith.constant 20 : i32
        %add3A_318 = arith.addi %mul3A_316, %add3A_317 : i32
        %get3A_319 = arith.index_cast %add3A_318 : i32 to index
        %get3A_320 = arith.constant 0 : index
        %get3A_321 = tpu.vector_load %arg7[%get3A_319, %get3A_320] {strides = array<i32>} : memref<3328x16xf32, #tpu.memory_space<vmem>>, vector<1x16xf32>,
        %get3A_322 = vector.shape_cast %get3A_321 : vector<1x16xf32> to vector<16xf32>
        %add3A_323 = arith.addf %add3A_314, %get3A_322 : vector<16xf32>
        %mul3A_324 = arith.constant 26 : i32
        %mul3A_325 = arith.muli %while3A_134, %mul3A_324 : i32
        %add3A_326 = arith.constant 21 : i32
        %add3A_327 = arith.addi %mul3A_325, %add3A_326 : i32
        %get3A_328 = arith.index_cast %add3A_327 : i32 to index
        %get3A_329 = arith.constant 0 : index
        %get3A_330 = tpu.vector_load %arg7[%get3A_328, %get3A_329] {strides = array<i32>} : memref<3328x16xf32, #tpu.memory_space<vmem>>, vector<1x16xf32>,
        %get3A_331 = vector.shape_cast %get3A_330 : vector<1x16xf32> to vector<16xf32>
        %add3A_332 = arith.addf %add3A_323, %get3A_331 : vector<16xf32>
        %mul3A_333 = arith.constant 26 : i32
        %mul3A_334 = arith.muli %while3A_134, %mul3A_333 : i32
        %add3A_335 = arith.constant 22 : i32
        %add3A_336 = arith.addi %mul3A_334, %add3A_335 : i32
        %get3A_337 = arith.index_cast %add3A_336 : i32 to index
        %get3A_338 = arith.constant 0 : index
        %get3A_339 = tpu.vector_load %arg7[%get3A_337, %get3A_338] {strides = array<i32>} : memref<3328x16xf32, #tpu.memory_space<vmem>>, vector<1x16xf32>,
        %get3A_340 = vector.shape_cast %get3A_339 : vector<1x16xf32> to vector<16xf32>
        %add3A_341 = arith.addf %add3A_332, %get3A_340 : vector<16xf32>
        %mul3A_342 = arith.constant 26 : i32
        %mul3A_343 = arith.muli %while3A_134, %mul3A_342 : i32
        %add3A_344 = arith.constant 23 : i32
        %add3A_345 = arith.addi %mul3A_343, %add3A_344 : i32
        %get3A_346 = arith.index_cast %add3A_345 : i32 to index
        %get3A_347 = arith.constant 0 : index
        %get3A_348 = tpu.vector_load %arg7[%get3A_346, %get3A_347] {strides = array<i32>} : memref<3328x16xf32, #tpu.memory_space<vmem>>, vector<1x16xf32>,
        %get3A_349 = vector.shape_cast %get3A_348 : vector<1x16xf32> to vector<16xf32>
        %add3A_350 = arith.addf %add3A_341, %get3A_349 : vector<16xf32>
        %mul3A_351 = arith.constant 26 : i32
        %mul3A_352 = arith.muli %while3A_134, %mul3A_351 : i32
        %add3A_353 = arith.constant 24 : i32
        %add3A_354 = arith.addi %mul3A_352, %add3A_353 : i32
        %get3A_355 = arith.index_cast %add3A_354 : i32 to index
        %get3A_356 = arith.constant 0 : index
        %get3A_357 = tpu.vector_load %arg7[%get3A_355, %get3A_356] {strides = array<i32>} : memref<3328x16xf32, #tpu.memory_space<vmem>>, vector<1x16xf32>,
        %get3A_358 = vector.shape_cast %get3A_357 : vector<1x16xf32> to vector<16xf32>
        %add3A_359 = arith.addf %add3A_350, %get3A_358 : vector<16xf32>
        %mul3A_360 = arith.constant 26 : i32
        %mul3A_361 = arith.muli %while3A_134, %mul3A_360 : i32
        %add3A_362 = arith.constant 25 : i32
        %add3A_363 = arith.addi %mul3A_361, %add3A_362 : i32
        %get3A_364 = arith.index_cast %add3A_363 : i32 to index
        %get3A_365 = arith.constant 0 : index
        %get3A_366 = tpu.vector_load %arg7[%get3A_364, %get3A_365] {strides = array<i32>} : memref<3328x16xf32, #tpu.memory_space<vmem>>, vector<1x16xf32>,
        %get3A_367 = vector.shape_cast %get3A_366 : vector<1x16xf32> to vector<16xf32>
        %add3A_368 = arith.addf %add3A_359, %get3A_367 : vector<16xf32>
        %add3A_369 = arith.addf %add3A_368, %get3A_10 : vector<16xf32>
        %max3A = arith.constant 0.000000e+00 : f32
        %max3A_370 = vector.broadcast %max3A : f32 to vector<16xf32>
        %max3A_371 = arith.maximumf %add3A_369, %max3A_370 : vector<16xf32>
        %lt3A = arith.constant 0 : i32
        %lt3A_372 = vector.broadcast %lt3A : i32 to vector<16xi32>
        %lt3A_373 = arith.cmpi slt, %and3A_32, %lt3A_372 : vector<16xi32>
        %add3A_374 = arith.constant 16 : i32
        %add3A_375 = vector.broadcast %add3A_374 : i32 to vector<16xi32>
        %add3A_376 = arith.addi %and3A_32, %add3A_375 : vector<16xi32>
        %select_n3A = arith.select %lt3A_373, %add3A_376, %and3A_32 : vector<16xi1>, vector<16xi32>
        %broadcast_in_dim3A_377 = vector.shape_cast %select_n3A : vector<16xi32> to vector<16x1xi32>
        %gather3A = vector.shape_cast %broadcast_in_dim3A_377 : vector<16x1xi32> to vector<16xi32>
        %gather3A_378 = tpu.dynamic_gather %max3A_371[%gather3A] in [0] : vector<16xf32>, vector<16xi32> -> vector<16xf32>
        %mul3A_379 = arith.mulf %gather3A_378, %get3A_15 : vector<16xf32>
        %lt3A_380 = arith.constant 0 : i32
        %lt3A_381 = vector.broadcast %lt3A_380 : i32 to vector<16xi32>
        %lt3A_382 = arith.cmpi slt, %and3A_38, %lt3A_381 : vector<16xi32>
        %add3A_383 = arith.constant 16 : i32
        %add3A_384 = vector.broadcast %add3A_383 : i32 to vector<16xi32>
        %add3A_385 = arith.addi %and3A_38, %add3A_384 : vector<16xi32>
        %select_n3A_386 = arith.select %lt3A_382, %add3A_385, %and3A_38 : vector<16xi1>, vector<16xi32>
        %broadcast_in_dim3A_387 = vector.shape_cast %select_n3A_386 : vector<16xi32> to vector<16x1xi32>
        %gather3A_388 = vector.shape_cast %broadcast_in_dim3A_387 : vector<16x1xi32> to vector<16xi32>
        %gather3A_389 = tpu.dynamic_gather %mul3A_379[%gather3A_388] in [0] : vector<16xf32>, vector<16xi32> -> vector<16xf32>
        %add3A_390 = arith.addf %mul3A_379, %gather3A_389 : vector<16xf32>
        %lt3A_391 = arith.constant 0 : i32
        %lt3A_392 = vector.broadcast %lt3A_391 : i32 to vector<16xi32>
        %lt3A_393 = arith.cmpi slt, %and3A_44, %lt3A_392 : vector<16xi32>
        %add3A_394 = arith.constant 16 : i32
        %add3A_395 = vector.broadcast %add3A_394 : i32 to vector<16xi32>
        %add3A_396 = arith.addi %and3A_44, %add3A_395 : vector<16xi32>
        %select_n3A_397 = arith.select %lt3A_393, %add3A_396, %and3A_44 : vector<16xi1>, vector<16xi32>
        %broadcast_in_dim3A_398 = vector.shape_cast %select_n3A_397 : vector<16xi32> to vector<16x1xi32>
        %gather3A_399 = vector.shape_cast %broadcast_in_dim3A_398 : vector<16x1xi32> to vector<16xi32>
        %gather3A_400 = tpu.dynamic_gather %add3A_390[%gather3A_399] in [0] : vector<16xf32>, vector<16xi32> -> vector<16xf32>
        %add3A_401 = arith.addf %add3A_390, %gather3A_400 : vector<16xf32>
        %add3A_402 = arith.addf %add3A_401, %get3A_20 : vector<16xf32>
        %max3A_403 = arith.constant 0.000000e+00 : f32
        %max3A_404 = vector.broadcast %max3A_403 : f32 to vector<16xf32>
        %max3A_405 = arith.maximumf %add3A_402, %max3A_404 : vector<16xf32>
        %mul3A_406 = arith.mulf %max3A_405, %get3A_25 : vector<16xf32>
        %lt3A_407 = arith.constant 0 : i32
        %lt3A_408 = vector.broadcast %lt3A_407 : i32 to vector<16xi32>
        %lt3A_409 = arith.cmpi slt, %and3A_56, %lt3A_408 : vector<16xi32>
        %add3A_410 = arith.constant 16 : i32
        %add3A_411 = vector.broadcast %add3A_410 : i32 to vector<16xi32>
        %add3A_412 = arith.addi %and3A_56, %add3A_411 : vector<16xi32>
        %select_n3A_413 = arith.select %lt3A_409, %add3A_412, %and3A_56 : vector<16xi1>, vector<16xi32>
        %broadcast_in_dim3A_414 = vector.shape_cast %select_n3A_413 : vector<16xi32> to vector<16x1xi32>
        %gather3A_415 = vector.shape_cast %broadcast_in_dim3A_414 : vector<16x1xi32> to vector<16xi32>
        %gather3A_416 = tpu.dynamic_gather %mul3A_406[%gather3A_415] in [0] : vector<16xf32>, vector<16xi32> -> vector<16xf32>
        %add3A_417 = arith.addf %mul3A_406, %gather3A_416 : vector<16xf32>
        %lt3A_418 = arith.constant 0 : i32
        %lt3A_419 = vector.broadcast %lt3A_418 : i32 to vector<16xi32>
        %lt3A_420 = arith.cmpi slt, %and3A_50, %lt3A_419 : vector<16xi32>
        %add3A_421 = arith.constant 16 : i32
        %add3A_422 = vector.broadcast %add3A_421 : i32 to vector<16xi32>
        %add3A_423 = arith.addi %and3A_50, %add3A_422 : vector<16xi32>
        %select_n3A_424 = arith.select %lt3A_420, %add3A_423, %and3A_50 : vector<16xi1>, vector<16xi32>
        %broadcast_in_dim3A_425 = vector.shape_cast %select_n3A_424 : vector<16xi32> to vector<16x1xi32>
        %gather3A_426 = vector.shape_cast %broadcast_in_dim3A_425 : vector<16x1xi32> to vector<16xi32>
        %gather3A_427 = tpu.dynamic_gather %add3A_417[%gather3A_426] in [0] : vector<16xf32>, vector<16xi32> -> vector<16xf32>
        %add3A_428 = arith.addf %add3A_417, %gather3A_427 : vector<16xf32>
        %lt3A_429 = arith.constant 0 : i32
        %lt3A_430 = vector.broadcast %lt3A_429 : i32 to vector<16xi32>
        %lt3A_431 = arith.cmpi slt, %and3A_44, %lt3A_430 : vector<16xi32>
        %add3A_432 = arith.constant 16 : i32
        %add3A_433 = vector.broadcast %add3A_432 : i32 to vector<16xi32>
        %add3A_434 = arith.addi %and3A_44, %add3A_433 : vector<16xi32>
        %select_n3A_435 = arith.select %lt3A_431, %add3A_434, %and3A_44 : vector<16xi1>, vector<16xi32>
        %broadcast_in_dim3A_436 = vector.shape_cast %select_n3A_435 : vector<16xi32> to vector<16x1xi32>
        %gather3A_437 = vector.shape_cast %broadcast_in_dim3A_436 : vector<16x1xi32> to vector<16xi32>
        %gather3A_438 = tpu.dynamic_gather %add3A_428[%gather3A_437] in [0] : vector<16xf32>, vector<16xi32> -> vector<16xf32>
        %add3A_439 = arith.addf %add3A_428, %gather3A_438 : vector<16xf32>
        %lt3A_440 = arith.constant 0 : i32
        %lt3A_441 = vector.broadcast %lt3A_440 : i32 to vector<16xi32>
        %lt3A_442 = arith.cmpi slt, %and3A_38, %lt3A_441 : vector<16xi32>
        %add3A_443 = arith.constant 16 : i32
        %add3A_444 = vector.broadcast %add3A_443 : i32 to vector<16xi32>
        %add3A_445 = arith.addi %and3A_38, %add3A_444 : vector<16xi32>
        %select_n3A_446 = arith.select %lt3A_442, %add3A_445, %and3A_38 : vector<16xi1>, vector<16xi32>
        %broadcast_in_dim3A_447 = vector.shape_cast %select_n3A_446 : vector<16xi32> to vector<16x1xi32>
        %gather3A_448 = vector.shape_cast %broadcast_in_dim3A_447 : vector<16x1xi32> to vector<16xi32>
        %gather3A_449 = tpu.dynamic_gather %add3A_439[%gather3A_448] in [0] : vector<16xf32>, vector<16xi32> -> vector<16xf32>
        %add3A_450 = arith.addf %add3A_439, %gather3A_449 : vector<16xf32>
        %add3A_451 = arith.addf %add3A_450, %get3A_30 : vector<16xf32>
        %neg3A = arith.constant 0.000000e+00 : f32
        %neg3A_452 = vector.broadcast %neg3A : f32 to vector<16xf32>
        %neg3A_453 = arith.subf %neg3A_452, %add3A_451 : vector<16xf32>
        %exp3A = math.exp %neg3A_453 : vector<16xf32>
        %add3A_454 = arith.constant 1.000000e+00 : f32
        %add3A_455 = vector.broadcast %add3A_454 : f32 to vector<16xf32>
        %add3A_456 = arith.addf %add3A_455, %exp3A : vector<16xf32>
        %div3A = arith.constant 1.000000e+00 : f32
        %div3A_457 = vector.broadcast %div3A : f32 to vector<16xf32>
        %div3A_458 = arith.divf %div3A_457, %add3A_456 : vector<16xf32>
        %and3A_459 = arith.constant 15 : i32
        %and3A_460 = arith.andi %while3A_134, %and3A_459 : i32
        %eq3A = vector.broadcast %and3A_460 : i32 to vector<16xi32>
        %eq3A_461 = arith.cmpi eq, %iota3A, %eq3A : vector<16xi32>
        %select_n3A_462 = arith.select %eq3A_461, %div3A_458, %while3A_135 : vector<16xi1>, vector<16xf32>
        scf.yield %select_n3A_462 : vector<16xf32>
      }
      %mul3A_127 = arith.constant 16 : i32
      %mul3A_128 = arith.muli %scan3A_110, %mul3A_127 : i32
      %add3A_129 = arith.constant 128 : i32
      %add3A_130 = arith.addi %add3A_129, %mul3A_128 : i32
      %swap3A = arith.index_cast %add3A_130 : i32 to index
      %swap3A_131 = tpu.vector_load %arg9[%swap3A] {strides = array<i32>} : memref<512xf32, #tpu.memory_space<vmem>>, vector<16xf32>,
      %swap3A_132 = vector.shape_cast %swap3A_131 : vector<16xf32> to vector<16xf32>
      %swap3A_133 = vector.shape_cast %while3A_126 : vector<16xf32> to vector<16xf32>
      tpu.vector_store %arg9[%swap3A], %swap3A_133 {strides = array<i32>} : memref<512xf32, #tpu.memory_space<vmem>>, vector<16xf32>,
    }
    %scan3A_81 = arith.constant 8 : i32
    %add3A_82 = arith.constant 6656 : i32
    %add3A_83 = arith.addi %mul3A_4, %add3A_82 : i32
    "tpu.region"() ({
      %run_scoped3A = tpu.sem_alloc : memref<!tpu.dma_semaphore, #tpu.memory_space<semaphore_mem>>
      %dma_start3A_110 = tpu.memref_slice %arg2[%add3A_83] : memref<425984xi32, #tpu.memory_space<hbm>> -> memref<3328xi32, #tpu.memory_space<hbm>>
      %dma_start3A_111 = tpu.memref_slice %arg2[%add3A_83] : memref<425984xi32, #tpu.memory_space<hbm>> -> memref<3328xi32, #tpu.memory_space<hbm>>
      tpu.enqueue_dma source(%dma_start3A_111 : memref<3328xi32, #tpu.memory_space<hbm>>) target(%arg6 : memref<3328xi32, #tpu.memory_space<vmem>>) target_semaphore(%run_scoped3A : memref<!tpu.dma_semaphore, #tpu.memory_space<semaphore_mem>>)
      %dma_wait3A_112 = tpu.memref_slice %arg2[%add3A_83] : memref<425984xi32, #tpu.memory_space<hbm>> -> memref<3328xi32, #tpu.memory_space<hbm>>
      %dma_wait3A_113 = tpu.memref_slice %arg2[%add3A_83] : memref<425984xi32, #tpu.memory_space<hbm>> -> memref<3328xi32, #tpu.memory_space<hbm>>
      tpu.wait_dma2 semaphore(%run_scoped3A : memref<!tpu.dma_semaphore, #tpu.memory_space<semaphore_mem>>) src(%dma_wait3A_113 : memref<3328xi32, #tpu.memory_space<hbm>>) dst(%arg6 : memref<3328xi32, #tpu.memory_space<vmem>>)
      tpu.yield
    }) : () -> ()
    %dma_start3A_84 = arith.constant 0 : i32
    %dma_start3A_85 = arith.constant 0 : i32
    %dma_start3A_86 = tpu.memref_slice %arg3[%dma_start3A_84, %dma_start3A_85] : memref<2605056x16xf32, #tpu.memory_space<hbm>> -> memref<2605056x16xf32, #tpu.memory_space<hbm>>
    tpu.enqueue_indirect_dma source(%dma_start3A_86 : memref<2605056x16xf32, #tpu.memory_space<hbm>>) target(%arg7 : memref<3328x16xf32, #tpu.memory_space<vmem>>) offsets(%arg6 : memref<3328xi32, #tpu.memory_space<vmem>>) semaphore(%arg10 : memref<!tpu.dma_semaphore, #tpu.memory_space<semaphore_mem>>)
    %dma_wait3A_87 = arith.constant 0 : i32
    %dma_wait3A_88 = arith.constant 0 : i32
    %dma_wait3A_89 = tpu.memref_slice %arg3[%dma_wait3A_87, %dma_wait3A_88] : memref<2605056x16xf32, #tpu.memory_space<hbm>> -> memref<2605056x16xf32, #tpu.memory_space<hbm>>
    tpu.wait_indirect_dma semaphore(%arg10 : memref<!tpu.dma_semaphore, #tpu.memory_space<semaphore_mem>>) src(%dma_wait3A_89 : memref<2605056x16xf32, #tpu.memory_space<hbm>>) dst(%arg7 : memref<3328x16xf32, #tpu.memory_space<vmem>>)
    %scan3A_90 = arith.constant 0 : i32
    %scan3A_91 = arith.constant 0 : i32
    %scan3A_92 = arith.constant 8 : i32
    %scan3A_93 = arith.addi %scan3A_91, %scan3A_92 : i32
    %scan3A_94 = arith.constant 1 : i32
    scf.for %scan3A_110 = %scan3A_91 to %scan3A_93 step %scan3A_94  : i32 {
      %broadcast_in_dim3A = arith.constant 0.000000e+00 : f32
      %broadcast_in_dim3A_111 = vector.broadcast %broadcast_in_dim3A : f32 to vector<16xf32>
      %mul3A_112 = arith.constant 16 : i32
      %mul3A_113 = arith.muli %scan3A_110, %mul3A_112 : i32
      %add3A_114 = arith.constant 1 : i32
      %add3A_115 = arith.addi %scan3A_110, %add3A_114 : i32
      %mul3A_116 = arith.constant 16 : i32
      %mul3A_117 = arith.muli %add3A_115, %mul3A_116 : i32
      %while3A = arith.subi %mul3A_117, %mul3A_113 : i32
      %while3A_118 = arith.addi %mul3A_113, %while3A : i32
      %while3A_119 = arith.constant 1 : i32
      %while3A_120 = arith.divsi %while3A, %while3A_119 : i32
      %while3A_121 = arith.muli %while3A_120, %while3A_119 : i32
      %while3A_122 = arith.addi %mul3A_113, %while3A_121 : i32
      %while3A_123 = arith.constant 1 : i32
      %while3A_124 = scf.for %while3A_134 = %mul3A_113 to %while3A_122 step %while3A_123 iter_args(%while3A_135 = %broadcast_in_dim3A_111) -> (vector<16xf32>)  : i32 {
        %mul3A_136 = arith.constant 26 : i32
        %mul3A_137 = arith.muli %while3A_134, %mul3A_136 : i32
        %add3A_138 = arith.constant 0 : i32
        %add3A_139 = arith.addi %mul3A_137, %add3A_138 : i32
        %get3A_140 = arith.index_cast %add3A_139 : i32 to index
        %get3A_141 = arith.constant 0 : index
        %get3A_142 = tpu.vector_load %arg7[%get3A_140, %get3A_141] {strides = array<i32>} : memref<3328x16xf32, #tpu.memory_space<vmem>>, vector<1x16xf32>,
        %get3A_143 = vector.shape_cast %get3A_142 : vector<1x16xf32> to vector<16xf32>
        %mul3A_144 = arith.constant 26 : i32
        %mul3A_145 = arith.muli %while3A_134, %mul3A_144 : i32
        %add3A_146 = arith.constant 1 : i32
        %add3A_147 = arith.addi %mul3A_145, %add3A_146 : i32
        %get3A_148 = arith.index_cast %add3A_147 : i32 to index
        %get3A_149 = arith.constant 0 : index
        %get3A_150 = tpu.vector_load %arg7[%get3A_148, %get3A_149] {strides = array<i32>} : memref<3328x16xf32, #tpu.memory_space<vmem>>, vector<1x16xf32>,
        %get3A_151 = vector.shape_cast %get3A_150 : vector<1x16xf32> to vector<16xf32>
        %add3A_152 = arith.addf %get3A_143, %get3A_151 : vector<16xf32>
        %mul3A_153 = arith.constant 26 : i32
        %mul3A_154 = arith.muli %while3A_134, %mul3A_153 : i32
        %add3A_155 = arith.constant 2 : i32
        %add3A_156 = arith.addi %mul3A_154, %add3A_155 : i32
        %get3A_157 = arith.index_cast %add3A_156 : i32 to index
        %get3A_158 = arith.constant 0 : index
        %get3A_159 = tpu.vector_load %arg7[%get3A_157, %get3A_158] {strides = array<i32>} : memref<3328x16xf32, #tpu.memory_space<vmem>>, vector<1x16xf32>,
        %get3A_160 = vector.shape_cast %get3A_159 : vector<1x16xf32> to vector<16xf32>
        %add3A_161 = arith.addf %add3A_152, %get3A_160 : vector<16xf32>
        %mul3A_162 = arith.constant 26 : i32
        %mul3A_163 = arith.muli %while3A_134, %mul3A_162 : i32
        %add3A_164 = arith.constant 3 : i32
        %add3A_165 = arith.addi %mul3A_163, %add3A_164 : i32
        %get3A_166 = arith.index_cast %add3A_165 : i32 to index
        %get3A_167 = arith.constant 0 : index
        %get3A_168 = tpu.vector_load %arg7[%get3A_166, %get3A_167] {strides = array<i32>} : memref<3328x16xf32, #tpu.memory_space<vmem>>, vector<1x16xf32>,
        %get3A_169 = vector.shape_cast %get3A_168 : vector<1x16xf32> to vector<16xf32>
        %add3A_170 = arith.addf %add3A_161, %get3A_169 : vector<16xf32>
        %mul3A_171 = arith.constant 26 : i32
        %mul3A_172 = arith.muli %while3A_134, %mul3A_171 : i32
        %add3A_173 = arith.constant 4 : i32
        %add3A_174 = arith.addi %mul3A_172, %add3A_173 : i32
        %get3A_175 = arith.index_cast %add3A_174 : i32 to index
        %get3A_176 = arith.constant 0 : index
        %get3A_177 = tpu.vector_load %arg7[%get3A_175, %get3A_176] {strides = array<i32>} : memref<3328x16xf32, #tpu.memory_space<vmem>>, vector<1x16xf32>,
        %get3A_178 = vector.shape_cast %get3A_177 : vector<1x16xf32> to vector<16xf32>
        %add3A_179 = arith.addf %add3A_170, %get3A_178 : vector<16xf32>
        %mul3A_180 = arith.constant 26 : i32
        %mul3A_181 = arith.muli %while3A_134, %mul3A_180 : i32
        %add3A_182 = arith.constant 5 : i32
        %add3A_183 = arith.addi %mul3A_181, %add3A_182 : i32
        %get3A_184 = arith.index_cast %add3A_183 : i32 to index
        %get3A_185 = arith.constant 0 : index
        %get3A_186 = tpu.vector_load %arg7[%get3A_184, %get3A_185] {strides = array<i32>} : memref<3328x16xf32, #tpu.memory_space<vmem>>, vector<1x16xf32>,
        %get3A_187 = vector.shape_cast %get3A_186 : vector<1x16xf32> to vector<16xf32>
        %add3A_188 = arith.addf %add3A_179, %get3A_187 : vector<16xf32>
        %mul3A_189 = arith.constant 26 : i32
        %mul3A_190 = arith.muli %while3A_134, %mul3A_189 : i32
        %add3A_191 = arith.constant 6 : i32
        %add3A_192 = arith.addi %mul3A_190, %add3A_191 : i32
        %get3A_193 = arith.index_cast %add3A_192 : i32 to index
        %get3A_194 = arith.constant 0 : index
        %get3A_195 = tpu.vector_load %arg7[%get3A_193, %get3A_194] {strides = array<i32>} : memref<3328x16xf32, #tpu.memory_space<vmem>>, vector<1x16xf32>,
        %get3A_196 = vector.shape_cast %get3A_195 : vector<1x16xf32> to vector<16xf32>
        %add3A_197 = arith.addf %add3A_188, %get3A_196 : vector<16xf32>
        %mul3A_198 = arith.constant 26 : i32
        %mul3A_199 = arith.muli %while3A_134, %mul3A_198 : i32
        %add3A_200 = arith.constant 7 : i32
        %add3A_201 = arith.addi %mul3A_199, %add3A_200 : i32
        %get3A_202 = arith.index_cast %add3A_201 : i32 to index
        %get3A_203 = arith.constant 0 : index
        %get3A_204 = tpu.vector_load %arg7[%get3A_202, %get3A_203] {strides = array<i32>} : memref<3328x16xf32, #tpu.memory_space<vmem>>, vector<1x16xf32>,
        %get3A_205 = vector.shape_cast %get3A_204 : vector<1x16xf32> to vector<16xf32>
        %add3A_206 = arith.addf %add3A_197, %get3A_205 : vector<16xf32>
        %mul3A_207 = arith.constant 26 : i32
        %mul3A_208 = arith.muli %while3A_134, %mul3A_207 : i32
        %add3A_209 = arith.constant 8 : i32
        %add3A_210 = arith.addi %mul3A_208, %add3A_209 : i32
        %get3A_211 = arith.index_cast %add3A_210 : i32 to index
        %get3A_212 = arith.constant 0 : index
        %get3A_213 = tpu.vector_load %arg7[%get3A_211, %get3A_212] {strides = array<i32>} : memref<3328x16xf32, #tpu.memory_space<vmem>>, vector<1x16xf32>,
        %get3A_214 = vector.shape_cast %get3A_213 : vector<1x16xf32> to vector<16xf32>
        %add3A_215 = arith.addf %add3A_206, %get3A_214 : vector<16xf32>
        %mul3A_216 = arith.constant 26 : i32
        %mul3A_217 = arith.muli %while3A_134, %mul3A_216 : i32
        %add3A_218 = arith.constant 9 : i32
        %add3A_219 = arith.addi %mul3A_217, %add3A_218 : i32
        %get3A_220 = arith.index_cast %add3A_219 : i32 to index
        %get3A_221 = arith.constant 0 : index
        %get3A_222 = tpu.vector_load %arg7[%get3A_220, %get3A_221] {strides = array<i32>} : memref<3328x16xf32, #tpu.memory_space<vmem>>, vector<1x16xf32>,
        %get3A_223 = vector.shape_cast %get3A_222 : vector<1x16xf32> to vector<16xf32>
        %add3A_224 = arith.addf %add3A_215, %get3A_223 : vector<16xf32>
        %mul3A_225 = arith.constant 26 : i32
        %mul3A_226 = arith.muli %while3A_134, %mul3A_225 : i32
        %add3A_227 = arith.constant 10 : i32
        %add3A_228 = arith.addi %mul3A_226, %add3A_227 : i32
        %get3A_229 = arith.index_cast %add3A_228 : i32 to index
        %get3A_230 = arith.constant 0 : index
        %get3A_231 = tpu.vector_load %arg7[%get3A_229, %get3A_230] {strides = array<i32>} : memref<3328x16xf32, #tpu.memory_space<vmem>>, vector<1x16xf32>,
        %get3A_232 = vector.shape_cast %get3A_231 : vector<1x16xf32> to vector<16xf32>
        %add3A_233 = arith.addf %add3A_224, %get3A_232 : vector<16xf32>
        %mul3A_234 = arith.constant 26 : i32
        %mul3A_235 = arith.muli %while3A_134, %mul3A_234 : i32
        %add3A_236 = arith.constant 11 : i32
        %add3A_237 = arith.addi %mul3A_235, %add3A_236 : i32
        %get3A_238 = arith.index_cast %add3A_237 : i32 to index
        %get3A_239 = arith.constant 0 : index
        %get3A_240 = tpu.vector_load %arg7[%get3A_238, %get3A_239] {strides = array<i32>} : memref<3328x16xf32, #tpu.memory_space<vmem>>, vector<1x16xf32>,
        %get3A_241 = vector.shape_cast %get3A_240 : vector<1x16xf32> to vector<16xf32>
        %add3A_242 = arith.addf %add3A_233, %get3A_241 : vector<16xf32>
        %mul3A_243 = arith.constant 26 : i32
        %mul3A_244 = arith.muli %while3A_134, %mul3A_243 : i32
        %add3A_245 = arith.constant 12 : i32
        %add3A_246 = arith.addi %mul3A_244, %add3A_245 : i32
        %get3A_247 = arith.index_cast %add3A_246 : i32 to index
        %get3A_248 = arith.constant 0 : index
        %get3A_249 = tpu.vector_load %arg7[%get3A_247, %get3A_248] {strides = array<i32>} : memref<3328x16xf32, #tpu.memory_space<vmem>>, vector<1x16xf32>,
        %get3A_250 = vector.shape_cast %get3A_249 : vector<1x16xf32> to vector<16xf32>
        %add3A_251 = arith.addf %add3A_242, %get3A_250 : vector<16xf32>
        %mul3A_252 = arith.constant 26 : i32
        %mul3A_253 = arith.muli %while3A_134, %mul3A_252 : i32
        %add3A_254 = arith.constant 13 : i32
        %add3A_255 = arith.addi %mul3A_253, %add3A_254 : i32
        %get3A_256 = arith.index_cast %add3A_255 : i32 to index
        %get3A_257 = arith.constant 0 : index
        %get3A_258 = tpu.vector_load %arg7[%get3A_256, %get3A_257] {strides = array<i32>} : memref<3328x16xf32, #tpu.memory_space<vmem>>, vector<1x16xf32>,
        %get3A_259 = vector.shape_cast %get3A_258 : vector<1x16xf32> to vector<16xf32>
        %add3A_260 = arith.addf %add3A_251, %get3A_259 : vector<16xf32>
        %mul3A_261 = arith.constant 26 : i32
        %mul3A_262 = arith.muli %while3A_134, %mul3A_261 : i32
        %add3A_263 = arith.constant 14 : i32
        %add3A_264 = arith.addi %mul3A_262, %add3A_263 : i32
        %get3A_265 = arith.index_cast %add3A_264 : i32 to index
        %get3A_266 = arith.constant 0 : index
        %get3A_267 = tpu.vector_load %arg7[%get3A_265, %get3A_266] {strides = array<i32>} : memref<3328x16xf32, #tpu.memory_space<vmem>>, vector<1x16xf32>,
        %get3A_268 = vector.shape_cast %get3A_267 : vector<1x16xf32> to vector<16xf32>
        %add3A_269 = arith.addf %add3A_260, %get3A_268 : vector<16xf32>
        %mul3A_270 = arith.constant 26 : i32
        %mul3A_271 = arith.muli %while3A_134, %mul3A_270 : i32
        %add3A_272 = arith.constant 15 : i32
        %add3A_273 = arith.addi %mul3A_271, %add3A_272 : i32
        %get3A_274 = arith.index_cast %add3A_273 : i32 to index
        %get3A_275 = arith.constant 0 : index
        %get3A_276 = tpu.vector_load %arg7[%get3A_274, %get3A_275] {strides = array<i32>} : memref<3328x16xf32, #tpu.memory_space<vmem>>, vector<1x16xf32>,
        %get3A_277 = vector.shape_cast %get3A_276 : vector<1x16xf32> to vector<16xf32>
        %add3A_278 = arith.addf %add3A_269, %get3A_277 : vector<16xf32>
        %mul3A_279 = arith.constant 26 : i32
        %mul3A_280 = arith.muli %while3A_134, %mul3A_279 : i32
        %add3A_281 = arith.constant 16 : i32
        %add3A_282 = arith.addi %mul3A_280, %add3A_281 : i32
        %get3A_283 = arith.index_cast %add3A_282 : i32 to index
        %get3A_284 = arith.constant 0 : index
        %get3A_285 = tpu.vector_load %arg7[%get3A_283, %get3A_284] {strides = array<i32>} : memref<3328x16xf32, #tpu.memory_space<vmem>>, vector<1x16xf32>,
        %get3A_286 = vector.shape_cast %get3A_285 : vector<1x16xf32> to vector<16xf32>
        %add3A_287 = arith.addf %add3A_278, %get3A_286 : vector<16xf32>
        %mul3A_288 = arith.constant 26 : i32
        %mul3A_289 = arith.muli %while3A_134, %mul3A_288 : i32
        %add3A_290 = arith.constant 17 : i32
        %add3A_291 = arith.addi %mul3A_289, %add3A_290 : i32
        %get3A_292 = arith.index_cast %add3A_291 : i32 to index
        %get3A_293 = arith.constant 0 : index
        %get3A_294 = tpu.vector_load %arg7[%get3A_292, %get3A_293] {strides = array<i32>} : memref<3328x16xf32, #tpu.memory_space<vmem>>, vector<1x16xf32>,
        %get3A_295 = vector.shape_cast %get3A_294 : vector<1x16xf32> to vector<16xf32>
        %add3A_296 = arith.addf %add3A_287, %get3A_295 : vector<16xf32>
        %mul3A_297 = arith.constant 26 : i32
        %mul3A_298 = arith.muli %while3A_134, %mul3A_297 : i32
        %add3A_299 = arith.constant 18 : i32
        %add3A_300 = arith.addi %mul3A_298, %add3A_299 : i32
        %get3A_301 = arith.index_cast %add3A_300 : i32 to index
        %get3A_302 = arith.constant 0 : index
        %get3A_303 = tpu.vector_load %arg7[%get3A_301, %get3A_302] {strides = array<i32>} : memref<3328x16xf32, #tpu.memory_space<vmem>>, vector<1x16xf32>,
        %get3A_304 = vector.shape_cast %get3A_303 : vector<1x16xf32> to vector<16xf32>
        %add3A_305 = arith.addf %add3A_296, %get3A_304 : vector<16xf32>
        %mul3A_306 = arith.constant 26 : i32
        %mul3A_307 = arith.muli %while3A_134, %mul3A_306 : i32
        %add3A_308 = arith.constant 19 : i32
        %add3A_309 = arith.addi %mul3A_307, %add3A_308 : i32
        %get3A_310 = arith.index_cast %add3A_309 : i32 to index
        %get3A_311 = arith.constant 0 : index
        %get3A_312 = tpu.vector_load %arg7[%get3A_310, %get3A_311] {strides = array<i32>} : memref<3328x16xf32, #tpu.memory_space<vmem>>, vector<1x16xf32>,
        %get3A_313 = vector.shape_cast %get3A_312 : vector<1x16xf32> to vector<16xf32>
        %add3A_314 = arith.addf %add3A_305, %get3A_313 : vector<16xf32>
        %mul3A_315 = arith.constant 26 : i32
        %mul3A_316 = arith.muli %while3A_134, %mul3A_315 : i32
        %add3A_317 = arith.constant 20 : i32
        %add3A_318 = arith.addi %mul3A_316, %add3A_317 : i32
        %get3A_319 = arith.index_cast %add3A_318 : i32 to index
        %get3A_320 = arith.constant 0 : index
        %get3A_321 = tpu.vector_load %arg7[%get3A_319, %get3A_320] {strides = array<i32>} : memref<3328x16xf32, #tpu.memory_space<vmem>>, vector<1x16xf32>,
        %get3A_322 = vector.shape_cast %get3A_321 : vector<1x16xf32> to vector<16xf32>
        %add3A_323 = arith.addf %add3A_314, %get3A_322 : vector<16xf32>
        %mul3A_324 = arith.constant 26 : i32
        %mul3A_325 = arith.muli %while3A_134, %mul3A_324 : i32
        %add3A_326 = arith.constant 21 : i32
        %add3A_327 = arith.addi %mul3A_325, %add3A_326 : i32
        %get3A_328 = arith.index_cast %add3A_327 : i32 to index
        %get3A_329 = arith.constant 0 : index
        %get3A_330 = tpu.vector_load %arg7[%get3A_328, %get3A_329] {strides = array<i32>} : memref<3328x16xf32, #tpu.memory_space<vmem>>, vector<1x16xf32>,
        %get3A_331 = vector.shape_cast %get3A_330 : vector<1x16xf32> to vector<16xf32>
        %add3A_332 = arith.addf %add3A_323, %get3A_331 : vector<16xf32>
        %mul3A_333 = arith.constant 26 : i32
        %mul3A_334 = arith.muli %while3A_134, %mul3A_333 : i32
        %add3A_335 = arith.constant 22 : i32
        %add3A_336 = arith.addi %mul3A_334, %add3A_335 : i32
        %get3A_337 = arith.index_cast %add3A_336 : i32 to index
        %get3A_338 = arith.constant 0 : index
        %get3A_339 = tpu.vector_load %arg7[%get3A_337, %get3A_338] {strides = array<i32>} : memref<3328x16xf32, #tpu.memory_space<vmem>>, vector<1x16xf32>,
        %get3A_340 = vector.shape_cast %get3A_339 : vector<1x16xf32> to vector<16xf32>
        %add3A_341 = arith.addf %add3A_332, %get3A_340 : vector<16xf32>
        %mul3A_342 = arith.constant 26 : i32
        %mul3A_343 = arith.muli %while3A_134, %mul3A_342 : i32
        %add3A_344 = arith.constant 23 : i32
        %add3A_345 = arith.addi %mul3A_343, %add3A_344 : i32
        %get3A_346 = arith.index_cast %add3A_345 : i32 to index
        %get3A_347 = arith.constant 0 : index
        %get3A_348 = tpu.vector_load %arg7[%get3A_346, %get3A_347] {strides = array<i32>} : memref<3328x16xf32, #tpu.memory_space<vmem>>, vector<1x16xf32>,
        %get3A_349 = vector.shape_cast %get3A_348 : vector<1x16xf32> to vector<16xf32>
        %add3A_350 = arith.addf %add3A_341, %get3A_349 : vector<16xf32>
        %mul3A_351 = arith.constant 26 : i32
        %mul3A_352 = arith.muli %while3A_134, %mul3A_351 : i32
        %add3A_353 = arith.constant 24 : i32
        %add3A_354 = arith.addi %mul3A_352, %add3A_353 : i32
        %get3A_355 = arith.index_cast %add3A_354 : i32 to index
        %get3A_356 = arith.constant 0 : index
        %get3A_357 = tpu.vector_load %arg7[%get3A_355, %get3A_356] {strides = array<i32>} : memref<3328x16xf32, #tpu.memory_space<vmem>>, vector<1x16xf32>,
        %get3A_358 = vector.shape_cast %get3A_357 : vector<1x16xf32> to vector<16xf32>
        %add3A_359 = arith.addf %add3A_350, %get3A_358 : vector<16xf32>
        %mul3A_360 = arith.constant 26 : i32
        %mul3A_361 = arith.muli %while3A_134, %mul3A_360 : i32
        %add3A_362 = arith.constant 25 : i32
        %add3A_363 = arith.addi %mul3A_361, %add3A_362 : i32
        %get3A_364 = arith.index_cast %add3A_363 : i32 to index
        %get3A_365 = arith.constant 0 : index
        %get3A_366 = tpu.vector_load %arg7[%get3A_364, %get3A_365] {strides = array<i32>} : memref<3328x16xf32, #tpu.memory_space<vmem>>, vector<1x16xf32>,
        %get3A_367 = vector.shape_cast %get3A_366 : vector<1x16xf32> to vector<16xf32>
        %add3A_368 = arith.addf %add3A_359, %get3A_367 : vector<16xf32>
        %add3A_369 = arith.addf %add3A_368, %get3A_10 : vector<16xf32>
        %max3A = arith.constant 0.000000e+00 : f32
        %max3A_370 = vector.broadcast %max3A : f32 to vector<16xf32>
        %max3A_371 = arith.maximumf %add3A_369, %max3A_370 : vector<16xf32>
        %lt3A = arith.constant 0 : i32
        %lt3A_372 = vector.broadcast %lt3A : i32 to vector<16xi32>
        %lt3A_373 = arith.cmpi slt, %and3A_32, %lt3A_372 : vector<16xi32>
        %add3A_374 = arith.constant 16 : i32
        %add3A_375 = vector.broadcast %add3A_374 : i32 to vector<16xi32>
        %add3A_376 = arith.addi %and3A_32, %add3A_375 : vector<16xi32>
        %select_n3A = arith.select %lt3A_373, %add3A_376, %and3A_32 : vector<16xi1>, vector<16xi32>
        %broadcast_in_dim3A_377 = vector.shape_cast %select_n3A : vector<16xi32> to vector<16x1xi32>
        %gather3A = vector.shape_cast %broadcast_in_dim3A_377 : vector<16x1xi32> to vector<16xi32>
        %gather3A_378 = tpu.dynamic_gather %max3A_371[%gather3A] in [0] : vector<16xf32>, vector<16xi32> -> vector<16xf32>
        %mul3A_379 = arith.mulf %gather3A_378, %get3A_15 : vector<16xf32>
        %lt3A_380 = arith.constant 0 : i32
        %lt3A_381 = vector.broadcast %lt3A_380 : i32 to vector<16xi32>
        %lt3A_382 = arith.cmpi slt, %and3A_38, %lt3A_381 : vector<16xi32>
        %add3A_383 = arith.constant 16 : i32
        %add3A_384 = vector.broadcast %add3A_383 : i32 to vector<16xi32>
        %add3A_385 = arith.addi %and3A_38, %add3A_384 : vector<16xi32>
        %select_n3A_386 = arith.select %lt3A_382, %add3A_385, %and3A_38 : vector<16xi1>, vector<16xi32>
        %broadcast_in_dim3A_387 = vector.shape_cast %select_n3A_386 : vector<16xi32> to vector<16x1xi32>
        %gather3A_388 = vector.shape_cast %broadcast_in_dim3A_387 : vector<16x1xi32> to vector<16xi32>
        %gather3A_389 = tpu.dynamic_gather %mul3A_379[%gather3A_388] in [0] : vector<16xf32>, vector<16xi32> -> vector<16xf32>
        %add3A_390 = arith.addf %mul3A_379, %gather3A_389 : vector<16xf32>
        %lt3A_391 = arith.constant 0 : i32
        %lt3A_392 = vector.broadcast %lt3A_391 : i32 to vector<16xi32>
        %lt3A_393 = arith.cmpi slt, %and3A_44, %lt3A_392 : vector<16xi32>
        %add3A_394 = arith.constant 16 : i32
        %add3A_395 = vector.broadcast %add3A_394 : i32 to vector<16xi32>
        %add3A_396 = arith.addi %and3A_44, %add3A_395 : vector<16xi32>
        %select_n3A_397 = arith.select %lt3A_393, %add3A_396, %and3A_44 : vector<16xi1>, vector<16xi32>
        %broadcast_in_dim3A_398 = vector.shape_cast %select_n3A_397 : vector<16xi32> to vector<16x1xi32>
        %gather3A_399 = vector.shape_cast %broadcast_in_dim3A_398 : vector<16x1xi32> to vector<16xi32>
        %gather3A_400 = tpu.dynamic_gather %add3A_390[%gather3A_399] in [0] : vector<16xf32>, vector<16xi32> -> vector<16xf32>
        %add3A_401 = arith.addf %add3A_390, %gather3A_400 : vector<16xf32>
        %add3A_402 = arith.addf %add3A_401, %get3A_20 : vector<16xf32>
        %max3A_403 = arith.constant 0.000000e+00 : f32
        %max3A_404 = vector.broadcast %max3A_403 : f32 to vector<16xf32>
        %max3A_405 = arith.maximumf %add3A_402, %max3A_404 : vector<16xf32>
        %mul3A_406 = arith.mulf %max3A_405, %get3A_25 : vector<16xf32>
        %lt3A_407 = arith.constant 0 : i32
        %lt3A_408 = vector.broadcast %lt3A_407 : i32 to vector<16xi32>
        %lt3A_409 = arith.cmpi slt, %and3A_56, %lt3A_408 : vector<16xi32>
        %add3A_410 = arith.constant 16 : i32
        %add3A_411 = vector.broadcast %add3A_410 : i32 to vector<16xi32>
        %add3A_412 = arith.addi %and3A_56, %add3A_411 : vector<16xi32>
        %select_n3A_413 = arith.select %lt3A_409, %add3A_412, %and3A_56 : vector<16xi1>, vector<16xi32>
        %broadcast_in_dim3A_414 = vector.shape_cast %select_n3A_413 : vector<16xi32> to vector<16x1xi32>
        %gather3A_415 = vector.shape_cast %broadcast_in_dim3A_414 : vector<16x1xi32> to vector<16xi32>
        %gather3A_416 = tpu.dynamic_gather %mul3A_406[%gather3A_415] in [0] : vector<16xf32>, vector<16xi32> -> vector<16xf32>
        %add3A_417 = arith.addf %mul3A_406, %gather3A_416 : vector<16xf32>
        %lt3A_418 = arith.constant 0 : i32
        %lt3A_419 = vector.broadcast %lt3A_418 : i32 to vector<16xi32>
        %lt3A_420 = arith.cmpi slt, %and3A_50, %lt3A_419 : vector<16xi32>
        %add3A_421 = arith.constant 16 : i32
        %add3A_422 = vector.broadcast %add3A_421 : i32 to vector<16xi32>
        %add3A_423 = arith.addi %and3A_50, %add3A_422 : vector<16xi32>
        %select_n3A_424 = arith.select %lt3A_420, %add3A_423, %and3A_50 : vector<16xi1>, vector<16xi32>
        %broadcast_in_dim3A_425 = vector.shape_cast %select_n3A_424 : vector<16xi32> to vector<16x1xi32>
        %gather3A_426 = vector.shape_cast %broadcast_in_dim3A_425 : vector<16x1xi32> to vector<16xi32>
        %gather3A_427 = tpu.dynamic_gather %add3A_417[%gather3A_426] in [0] : vector<16xf32>, vector<16xi32> -> vector<16xf32>
        %add3A_428 = arith.addf %add3A_417, %gather3A_427 : vector<16xf32>
        %lt3A_429 = arith.constant 0 : i32
        %lt3A_430 = vector.broadcast %lt3A_429 : i32 to vector<16xi32>
        %lt3A_431 = arith.cmpi slt, %and3A_44, %lt3A_430 : vector<16xi32>
        %add3A_432 = arith.constant 16 : i32
        %add3A_433 = vector.broadcast %add3A_432 : i32 to vector<16xi32>
        %add3A_434 = arith.addi %and3A_44, %add3A_433 : vector<16xi32>
        %select_n3A_435 = arith.select %lt3A_431, %add3A_434, %and3A_44 : vector<16xi1>, vector<16xi32>
        %broadcast_in_dim3A_436 = vector.shape_cast %select_n3A_435 : vector<16xi32> to vector<16x1xi32>
        %gather3A_437 = vector.shape_cast %broadcast_in_dim3A_436 : vector<16x1xi32> to vector<16xi32>
        %gather3A_438 = tpu.dynamic_gather %add3A_428[%gather3A_437] in [0] : vector<16xf32>, vector<16xi32> -> vector<16xf32>
        %add3A_439 = arith.addf %add3A_428, %gather3A_438 : vector<16xf32>
        %lt3A_440 = arith.constant 0 : i32
        %lt3A_441 = vector.broadcast %lt3A_440 : i32 to vector<16xi32>
        %lt3A_442 = arith.cmpi slt, %and3A_38, %lt3A_441 : vector<16xi32>
        %add3A_443 = arith.constant 16 : i32
        %add3A_444 = vector.broadcast %add3A_443 : i32 to vector<16xi32>
        %add3A_445 = arith.addi %and3A_38, %add3A_444 : vector<16xi32>
        %select_n3A_446 = arith.select %lt3A_442, %add3A_445, %and3A_38 : vector<16xi1>, vector<16xi32>
        %broadcast_in_dim3A_447 = vector.shape_cast %select_n3A_446 : vector<16xi32> to vector<16x1xi32>
        %gather3A_448 = vector.shape_cast %broadcast_in_dim3A_447 : vector<16x1xi32> to vector<16xi32>
        %gather3A_449 = tpu.dynamic_gather %add3A_439[%gather3A_448] in [0] : vector<16xf32>, vector<16xi32> -> vector<16xf32>
        %add3A_450 = arith.addf %add3A_439, %gather3A_449 : vector<16xf32>
        %add3A_451 = arith.addf %add3A_450, %get3A_30 : vector<16xf32>
        %neg3A = arith.constant 0.000000e+00 : f32
        %neg3A_452 = vector.broadcast %neg3A : f32 to vector<16xf32>
        %neg3A_453 = arith.subf %neg3A_452, %add3A_451 : vector<16xf32>
        %exp3A = math.exp %neg3A_453 : vector<16xf32>
        %add3A_454 = arith.constant 1.000000e+00 : f32
        %add3A_455 = vector.broadcast %add3A_454 : f32 to vector<16xf32>
        %add3A_456 = arith.addf %add3A_455, %exp3A : vector<16xf32>
        %div3A = arith.constant 1.000000e+00 : f32
        %div3A_457 = vector.broadcast %div3A : f32 to vector<16xf32>
        %div3A_458 = arith.divf %div3A_457, %add3A_456 : vector<16xf32>
        %and3A_459 = arith.constant 15 : i32
        %and3A_460 = arith.andi %while3A_134, %and3A_459 : i32
        %eq3A = vector.broadcast %and3A_460 : i32 to vector<16xi32>
        %eq3A_461 = arith.cmpi eq, %iota3A, %eq3A : vector<16xi32>
        %select_n3A_462 = arith.select %eq3A_461, %div3A_458, %while3A_135 : vector<16xi1>, vector<16xf32>
        scf.yield %select_n3A_462 : vector<16xf32>
      }
      %while3A_125 = arith.constant 1 : i32
      %while3A_126 = scf.for %while3A_134 = %while3A_122 to %while3A_118 step %while3A_125 iter_args(%while3A_135 = %while3A_124) -> (vector<16xf32>)  : i32 {
        %mul3A_136 = arith.constant 26 : i32
        %mul3A_137 = arith.muli %while3A_134, %mul3A_136 : i32
        %add3A_138 = arith.constant 0 : i32
        %add3A_139 = arith.addi %mul3A_137, %add3A_138 : i32
        %get3A_140 = arith.index_cast %add3A_139 : i32 to index
        %get3A_141 = arith.constant 0 : index
        %get3A_142 = tpu.vector_load %arg7[%get3A_140, %get3A_141] {strides = array<i32>} : memref<3328x16xf32, #tpu.memory_space<vmem>>, vector<1x16xf32>,
        %get3A_143 = vector.shape_cast %get3A_142 : vector<1x16xf32> to vector<16xf32>
        %mul3A_144 = arith.constant 26 : i32
        %mul3A_145 = arith.muli %while3A_134, %mul3A_144 : i32
        %add3A_146 = arith.constant 1 : i32
        %add3A_147 = arith.addi %mul3A_145, %add3A_146 : i32
        %get3A_148 = arith.index_cast %add3A_147 : i32 to index
        %get3A_149 = arith.constant 0 : index
        %get3A_150 = tpu.vector_load %arg7[%get3A_148, %get3A_149] {strides = array<i32>} : memref<3328x16xf32, #tpu.memory_space<vmem>>, vector<1x16xf32>,
        %get3A_151 = vector.shape_cast %get3A_150 : vector<1x16xf32> to vector<16xf32>
        %add3A_152 = arith.addf %get3A_143, %get3A_151 : vector<16xf32>
        %mul3A_153 = arith.constant 26 : i32
        %mul3A_154 = arith.muli %while3A_134, %mul3A_153 : i32
        %add3A_155 = arith.constant 2 : i32
        %add3A_156 = arith.addi %mul3A_154, %add3A_155 : i32
        %get3A_157 = arith.index_cast %add3A_156 : i32 to index
        %get3A_158 = arith.constant 0 : index
        %get3A_159 = tpu.vector_load %arg7[%get3A_157, %get3A_158] {strides = array<i32>} : memref<3328x16xf32, #tpu.memory_space<vmem>>, vector<1x16xf32>,
        %get3A_160 = vector.shape_cast %get3A_159 : vector<1x16xf32> to vector<16xf32>
        %add3A_161 = arith.addf %add3A_152, %get3A_160 : vector<16xf32>
        %mul3A_162 = arith.constant 26 : i32
        %mul3A_163 = arith.muli %while3A_134, %mul3A_162 : i32
        %add3A_164 = arith.constant 3 : i32
        %add3A_165 = arith.addi %mul3A_163, %add3A_164 : i32
        %get3A_166 = arith.index_cast %add3A_165 : i32 to index
        %get3A_167 = arith.constant 0 : index
        %get3A_168 = tpu.vector_load %arg7[%get3A_166, %get3A_167] {strides = array<i32>} : memref<3328x16xf32, #tpu.memory_space<vmem>>, vector<1x16xf32>,
        %get3A_169 = vector.shape_cast %get3A_168 : vector<1x16xf32> to vector<16xf32>
        %add3A_170 = arith.addf %add3A_161, %get3A_169 : vector<16xf32>
        %mul3A_171 = arith.constant 26 : i32
        %mul3A_172 = arith.muli %while3A_134, %mul3A_171 : i32
        %add3A_173 = arith.constant 4 : i32
        %add3A_174 = arith.addi %mul3A_172, %add3A_173 : i32
        %get3A_175 = arith.index_cast %add3A_174 : i32 to index
        %get3A_176 = arith.constant 0 : index
        %get3A_177 = tpu.vector_load %arg7[%get3A_175, %get3A_176] {strides = array<i32>} : memref<3328x16xf32, #tpu.memory_space<vmem>>, vector<1x16xf32>,
        %get3A_178 = vector.shape_cast %get3A_177 : vector<1x16xf32> to vector<16xf32>
        %add3A_179 = arith.addf %add3A_170, %get3A_178 : vector<16xf32>
        %mul3A_180 = arith.constant 26 : i32
        %mul3A_181 = arith.muli %while3A_134, %mul3A_180 : i32
        %add3A_182 = arith.constant 5 : i32
        %add3A_183 = arith.addi %mul3A_181, %add3A_182 : i32
        %get3A_184 = arith.index_cast %add3A_183 : i32 to index
        %get3A_185 = arith.constant 0 : index
        %get3A_186 = tpu.vector_load %arg7[%get3A_184, %get3A_185] {strides = array<i32>} : memref<3328x16xf32, #tpu.memory_space<vmem>>, vector<1x16xf32>,
        %get3A_187 = vector.shape_cast %get3A_186 : vector<1x16xf32> to vector<16xf32>
        %add3A_188 = arith.addf %add3A_179, %get3A_187 : vector<16xf32>
        %mul3A_189 = arith.constant 26 : i32
        %mul3A_190 = arith.muli %while3A_134, %mul3A_189 : i32
        %add3A_191 = arith.constant 6 : i32
        %add3A_192 = arith.addi %mul3A_190, %add3A_191 : i32
        %get3A_193 = arith.index_cast %add3A_192 : i32 to index
        %get3A_194 = arith.constant 0 : index
        %get3A_195 = tpu.vector_load %arg7[%get3A_193, %get3A_194] {strides = array<i32>} : memref<3328x16xf32, #tpu.memory_space<vmem>>, vector<1x16xf32>,
        %get3A_196 = vector.shape_cast %get3A_195 : vector<1x16xf32> to vector<16xf32>
        %add3A_197 = arith.addf %add3A_188, %get3A_196 : vector<16xf32>
        %mul3A_198 = arith.constant 26 : i32
        %mul3A_199 = arith.muli %while3A_134, %mul3A_198 : i32
        %add3A_200 = arith.constant 7 : i32
        %add3A_201 = arith.addi %mul3A_199, %add3A_200 : i32
        %get3A_202 = arith.index_cast %add3A_201 : i32 to index
        %get3A_203 = arith.constant 0 : index
        %get3A_204 = tpu.vector_load %arg7[%get3A_202, %get3A_203] {strides = array<i32>} : memref<3328x16xf32, #tpu.memory_space<vmem>>, vector<1x16xf32>,
        %get3A_205 = vector.shape_cast %get3A_204 : vector<1x16xf32> to vector<16xf32>
        %add3A_206 = arith.addf %add3A_197, %get3A_205 : vector<16xf32>
        %mul3A_207 = arith.constant 26 : i32
        %mul3A_208 = arith.muli %while3A_134, %mul3A_207 : i32
        %add3A_209 = arith.constant 8 : i32
        %add3A_210 = arith.addi %mul3A_208, %add3A_209 : i32
        %get3A_211 = arith.index_cast %add3A_210 : i32 to index
        %get3A_212 = arith.constant 0 : index
        %get3A_213 = tpu.vector_load %arg7[%get3A_211, %get3A_212] {strides = array<i32>} : memref<3328x16xf32, #tpu.memory_space<vmem>>, vector<1x16xf32>,
        %get3A_214 = vector.shape_cast %get3A_213 : vector<1x16xf32> to vector<16xf32>
        %add3A_215 = arith.addf %add3A_206, %get3A_214 : vector<16xf32>
        %mul3A_216 = arith.constant 26 : i32
        %mul3A_217 = arith.muli %while3A_134, %mul3A_216 : i32
        %add3A_218 = arith.constant 9 : i32
        %add3A_219 = arith.addi %mul3A_217, %add3A_218 : i32
        %get3A_220 = arith.index_cast %add3A_219 : i32 to index
        %get3A_221 = arith.constant 0 : index
        %get3A_222 = tpu.vector_load %arg7[%get3A_220, %get3A_221] {strides = array<i32>} : memref<3328x16xf32, #tpu.memory_space<vmem>>, vector<1x16xf32>,
        %get3A_223 = vector.shape_cast %get3A_222 : vector<1x16xf32> to vector<16xf32>
        %add3A_224 = arith.addf %add3A_215, %get3A_223 : vector<16xf32>
        %mul3A_225 = arith.constant 26 : i32
        %mul3A_226 = arith.muli %while3A_134, %mul3A_225 : i32
        %add3A_227 = arith.constant 10 : i32
        %add3A_228 = arith.addi %mul3A_226, %add3A_227 : i32
        %get3A_229 = arith.index_cast %add3A_228 : i32 to index
        %get3A_230 = arith.constant 0 : index
        %get3A_231 = tpu.vector_load %arg7[%get3A_229, %get3A_230] {strides = array<i32>} : memref<3328x16xf32, #tpu.memory_space<vmem>>, vector<1x16xf32>,
        %get3A_232 = vector.shape_cast %get3A_231 : vector<1x16xf32> to vector<16xf32>
        %add3A_233 = arith.addf %add3A_224, %get3A_232 : vector<16xf32>
        %mul3A_234 = arith.constant 26 : i32
        %mul3A_235 = arith.muli %while3A_134, %mul3A_234 : i32
        %add3A_236 = arith.constant 11 : i32
        %add3A_237 = arith.addi %mul3A_235, %add3A_236 : i32
        %get3A_238 = arith.index_cast %add3A_237 : i32 to index
        %get3A_239 = arith.constant 0 : index
        %get3A_240 = tpu.vector_load %arg7[%get3A_238, %get3A_239] {strides = array<i32>} : memref<3328x16xf32, #tpu.memory_space<vmem>>, vector<1x16xf32>,
        %get3A_241 = vector.shape_cast %get3A_240 : vector<1x16xf32> to vector<16xf32>
        %add3A_242 = arith.addf %add3A_233, %get3A_241 : vector<16xf32>
        %mul3A_243 = arith.constant 26 : i32
        %mul3A_244 = arith.muli %while3A_134, %mul3A_243 : i32
        %add3A_245 = arith.constant 12 : i32
        %add3A_246 = arith.addi %mul3A_244, %add3A_245 : i32
        %get3A_247 = arith.index_cast %add3A_246 : i32 to index
        %get3A_248 = arith.constant 0 : index
        %get3A_249 = tpu.vector_load %arg7[%get3A_247, %get3A_248] {strides = array<i32>} : memref<3328x16xf32, #tpu.memory_space<vmem>>, vector<1x16xf32>,
        %get3A_250 = vector.shape_cast %get3A_249 : vector<1x16xf32> to vector<16xf32>
        %add3A_251 = arith.addf %add3A_242, %get3A_250 : vector<16xf32>
        %mul3A_252 = arith.constant 26 : i32
        %mul3A_253 = arith.muli %while3A_134, %mul3A_252 : i32
        %add3A_254 = arith.constant 13 : i32
        %add3A_255 = arith.addi %mul3A_253, %add3A_254 : i32
        %get3A_256 = arith.index_cast %add3A_255 : i32 to index
        %get3A_257 = arith.constant 0 : index
        %get3A_258 = tpu.vector_load %arg7[%get3A_256, %get3A_257] {strides = array<i32>} : memref<3328x16xf32, #tpu.memory_space<vmem>>, vector<1x16xf32>,
        %get3A_259 = vector.shape_cast %get3A_258 : vector<1x16xf32> to vector<16xf32>
        %add3A_260 = arith.addf %add3A_251, %get3A_259 : vector<16xf32>
        %mul3A_261 = arith.constant 26 : i32
        %mul3A_262 = arith.muli %while3A_134, %mul3A_261 : i32
        %add3A_263 = arith.constant 14 : i32
        %add3A_264 = arith.addi %mul3A_262, %add3A_263 : i32
        %get3A_265 = arith.index_cast %add3A_264 : i32 to index
        %get3A_266 = arith.constant 0 : index
        %get3A_267 = tpu.vector_load %arg7[%get3A_265, %get3A_266] {strides = array<i32>} : memref<3328x16xf32, #tpu.memory_space<vmem>>, vector<1x16xf32>,
        %get3A_268 = vector.shape_cast %get3A_267 : vector<1x16xf32> to vector<16xf32>
        %add3A_269 = arith.addf %add3A_260, %get3A_268 : vector<16xf32>
        %mul3A_270 = arith.constant 26 : i32
        %mul3A_271 = arith.muli %while3A_134, %mul3A_270 : i32
        %add3A_272 = arith.constant 15 : i32
        %add3A_273 = arith.addi %mul3A_271, %add3A_272 : i32
        %get3A_274 = arith.index_cast %add3A_273 : i32 to index
        %get3A_275 = arith.constant 0 : index
        %get3A_276 = tpu.vector_load %arg7[%get3A_274, %get3A_275] {strides = array<i32>} : memref<3328x16xf32, #tpu.memory_space<vmem>>, vector<1x16xf32>,
        %get3A_277 = vector.shape_cast %get3A_276 : vector<1x16xf32> to vector<16xf32>
        %add3A_278 = arith.addf %add3A_269, %get3A_277 : vector<16xf32>
        %mul3A_279 = arith.constant 26 : i32
        %mul3A_280 = arith.muli %while3A_134, %mul3A_279 : i32
        %add3A_281 = arith.constant 16 : i32
        %add3A_282 = arith.addi %mul3A_280, %add3A_281 : i32
        %get3A_283 = arith.index_cast %add3A_282 : i32 to index
        %get3A_284 = arith.constant 0 : index
        %get3A_285 = tpu.vector_load %arg7[%get3A_283, %get3A_284] {strides = array<i32>} : memref<3328x16xf32, #tpu.memory_space<vmem>>, vector<1x16xf32>,
        %get3A_286 = vector.shape_cast %get3A_285 : vector<1x16xf32> to vector<16xf32>
        %add3A_287 = arith.addf %add3A_278, %get3A_286 : vector<16xf32>
        %mul3A_288 = arith.constant 26 : i32
        %mul3A_289 = arith.muli %while3A_134, %mul3A_288 : i32
        %add3A_290 = arith.constant 17 : i32
        %add3A_291 = arith.addi %mul3A_289, %add3A_290 : i32
        %get3A_292 = arith.index_cast %add3A_291 : i32 to index
        %get3A_293 = arith.constant 0 : index
        %get3A_294 = tpu.vector_load %arg7[%get3A_292, %get3A_293] {strides = array<i32>} : memref<3328x16xf32, #tpu.memory_space<vmem>>, vector<1x16xf32>,
        %get3A_295 = vector.shape_cast %get3A_294 : vector<1x16xf32> to vector<16xf32>
        %add3A_296 = arith.addf %add3A_287, %get3A_295 : vector<16xf32>
        %mul3A_297 = arith.constant 26 : i32
        %mul3A_298 = arith.muli %while3A_134, %mul3A_297 : i32
        %add3A_299 = arith.constant 18 : i32
        %add3A_300 = arith.addi %mul3A_298, %add3A_299 : i32
        %get3A_301 = arith.index_cast %add3A_300 : i32 to index
        %get3A_302 = arith.constant 0 : index
        %get3A_303 = tpu.vector_load %arg7[%get3A_301, %get3A_302] {strides = array<i32>} : memref<3328x16xf32, #tpu.memory_space<vmem>>, vector<1x16xf32>,
        %get3A_304 = vector.shape_cast %get3A_303 : vector<1x16xf32> to vector<16xf32>
        %add3A_305 = arith.addf %add3A_296, %get3A_304 : vector<16xf32>
        %mul3A_306 = arith.constant 26 : i32
        %mul3A_307 = arith.muli %while3A_134, %mul3A_306 : i32
        %add3A_308 = arith.constant 19 : i32
        %add3A_309 = arith.addi %mul3A_307, %add3A_308 : i32
        %get3A_310 = arith.index_cast %add3A_309 : i32 to index
        %get3A_311 = arith.constant 0 : index
        %get3A_312 = tpu.vector_load %arg7[%get3A_310, %get3A_311] {strides = array<i32>} : memref<3328x16xf32, #tpu.memory_space<vmem>>, vector<1x16xf32>,
        %get3A_313 = vector.shape_cast %get3A_312 : vector<1x16xf32> to vector<16xf32>
        %add3A_314 = arith.addf %add3A_305, %get3A_313 : vector<16xf32>
        %mul3A_315 = arith.constant 26 : i32
        %mul3A_316 = arith.muli %while3A_134, %mul3A_315 : i32
        %add3A_317 = arith.constant 20 : i32
        %add3A_318 = arith.addi %mul3A_316, %add3A_317 : i32
        %get3A_319 = arith.index_cast %add3A_318 : i32 to index
        %get3A_320 = arith.constant 0 : index
        %get3A_321 = tpu.vector_load %arg7[%get3A_319, %get3A_320] {strides = array<i32>} : memref<3328x16xf32, #tpu.memory_space<vmem>>, vector<1x16xf32>,
        %get3A_322 = vector.shape_cast %get3A_321 : vector<1x16xf32> to vector<16xf32>
        %add3A_323 = arith.addf %add3A_314, %get3A_322 : vector<16xf32>
        %mul3A_324 = arith.constant 26 : i32
        %mul3A_325 = arith.muli %while3A_134, %mul3A_324 : i32
        %add3A_326 = arith.constant 21 : i32
        %add3A_327 = arith.addi %mul3A_325, %add3A_326 : i32
        %get3A_328 = arith.index_cast %add3A_327 : i32 to index
        %get3A_329 = arith.constant 0 : index
        %get3A_330 = tpu.vector_load %arg7[%get3A_328, %get3A_329] {strides = array<i32>} : memref<3328x16xf32, #tpu.memory_space<vmem>>, vector<1x16xf32>,
        %get3A_331 = vector.shape_cast %get3A_330 : vector<1x16xf32> to vector<16xf32>
        %add3A_332 = arith.addf %add3A_323, %get3A_331 : vector<16xf32>
        %mul3A_333 = arith.constant 26 : i32
        %mul3A_334 = arith.muli %while3A_134, %mul3A_333 : i32
        %add3A_335 = arith.constant 22 : i32
        %add3A_336 = arith.addi %mul3A_334, %add3A_335 : i32
        %get3A_337 = arith.index_cast %add3A_336 : i32 to index
        %get3A_338 = arith.constant 0 : index
        %get3A_339 = tpu.vector_load %arg7[%get3A_337, %get3A_338] {strides = array<i32>} : memref<3328x16xf32, #tpu.memory_space<vmem>>, vector<1x16xf32>,
        %get3A_340 = vector.shape_cast %get3A_339 : vector<1x16xf32> to vector<16xf32>
        %add3A_341 = arith.addf %add3A_332, %get3A_340 : vector<16xf32>
        %mul3A_342 = arith.constant 26 : i32
        %mul3A_343 = arith.muli %while3A_134, %mul3A_342 : i32
        %add3A_344 = arith.constant 23 : i32
        %add3A_345 = arith.addi %mul3A_343, %add3A_344 : i32
        %get3A_346 = arith.index_cast %add3A_345 : i32 to index
        %get3A_347 = arith.constant 0 : index
        %get3A_348 = tpu.vector_load %arg7[%get3A_346, %get3A_347] {strides = array<i32>} : memref<3328x16xf32, #tpu.memory_space<vmem>>, vector<1x16xf32>,
        %get3A_349 = vector.shape_cast %get3A_348 : vector<1x16xf32> to vector<16xf32>
        %add3A_350 = arith.addf %add3A_341, %get3A_349 : vector<16xf32>
        %mul3A_351 = arith.constant 26 : i32
        %mul3A_352 = arith.muli %while3A_134, %mul3A_351 : i32
        %add3A_353 = arith.constant 24 : i32
        %add3A_354 = arith.addi %mul3A_352, %add3A_353 : i32
        %get3A_355 = arith.index_cast %add3A_354 : i32 to index
        %get3A_356 = arith.constant 0 : index
        %get3A_357 = tpu.vector_load %arg7[%get3A_355, %get3A_356] {strides = array<i32>} : memref<3328x16xf32, #tpu.memory_space<vmem>>, vector<1x16xf32>,
        %get3A_358 = vector.shape_cast %get3A_357 : vector<1x16xf32> to vector<16xf32>
        %add3A_359 = arith.addf %add3A_350, %get3A_358 : vector<16xf32>
        %mul3A_360 = arith.constant 26 : i32
        %mul3A_361 = arith.muli %while3A_134, %mul3A_360 : i32
        %add3A_362 = arith.constant 25 : i32
        %add3A_363 = arith.addi %mul3A_361, %add3A_362 : i32
        %get3A_364 = arith.index_cast %add3A_363 : i32 to index
        %get3A_365 = arith.constant 0 : index
        %get3A_366 = tpu.vector_load %arg7[%get3A_364, %get3A_365] {strides = array<i32>} : memref<3328x16xf32, #tpu.memory_space<vmem>>, vector<1x16xf32>,
        %get3A_367 = vector.shape_cast %get3A_366 : vector<1x16xf32> to vector<16xf32>
        %add3A_368 = arith.addf %add3A_359, %get3A_367 : vector<16xf32>
        %add3A_369 = arith.addf %add3A_368, %get3A_10 : vector<16xf32>
        %max3A = arith.constant 0.000000e+00 : f32
        %max3A_370 = vector.broadcast %max3A : f32 to vector<16xf32>
        %max3A_371 = arith.maximumf %add3A_369, %max3A_370 : vector<16xf32>
        %lt3A = arith.constant 0 : i32
        %lt3A_372 = vector.broadcast %lt3A : i32 to vector<16xi32>
        %lt3A_373 = arith.cmpi slt, %and3A_32, %lt3A_372 : vector<16xi32>
        %add3A_374 = arith.constant 16 : i32
        %add3A_375 = vector.broadcast %add3A_374 : i32 to vector<16xi32>
        %add3A_376 = arith.addi %and3A_32, %add3A_375 : vector<16xi32>
        %select_n3A = arith.select %lt3A_373, %add3A_376, %and3A_32 : vector<16xi1>, vector<16xi32>
        %broadcast_in_dim3A_377 = vector.shape_cast %select_n3A : vector<16xi32> to vector<16x1xi32>
        %gather3A = vector.shape_cast %broadcast_in_dim3A_377 : vector<16x1xi32> to vector<16xi32>
        %gather3A_378 = tpu.dynamic_gather %max3A_371[%gather3A] in [0] : vector<16xf32>, vector<16xi32> -> vector<16xf32>
        %mul3A_379 = arith.mulf %gather3A_378, %get3A_15 : vector<16xf32>
        %lt3A_380 = arith.constant 0 : i32
        %lt3A_381 = vector.broadcast %lt3A_380 : i32 to vector<16xi32>
        %lt3A_382 = arith.cmpi slt, %and3A_38, %lt3A_381 : vector<16xi32>
        %add3A_383 = arith.constant 16 : i32
        %add3A_384 = vector.broadcast %add3A_383 : i32 to vector<16xi32>
        %add3A_385 = arith.addi %and3A_38, %add3A_384 : vector<16xi32>
        %select_n3A_386 = arith.select %lt3A_382, %add3A_385, %and3A_38 : vector<16xi1>, vector<16xi32>
        %broadcast_in_dim3A_387 = vector.shape_cast %select_n3A_386 : vector<16xi32> to vector<16x1xi32>
        %gather3A_388 = vector.shape_cast %broadcast_in_dim3A_387 : vector<16x1xi32> to vector<16xi32>
        %gather3A_389 = tpu.dynamic_gather %mul3A_379[%gather3A_388] in [0] : vector<16xf32>, vector<16xi32> -> vector<16xf32>
        %add3A_390 = arith.addf %mul3A_379, %gather3A_389 : vector<16xf32>
        %lt3A_391 = arith.constant 0 : i32
        %lt3A_392 = vector.broadcast %lt3A_391 : i32 to vector<16xi32>
        %lt3A_393 = arith.cmpi slt, %and3A_44, %lt3A_392 : vector<16xi32>
        %add3A_394 = arith.constant 16 : i32
        %add3A_395 = vector.broadcast %add3A_394 : i32 to vector<16xi32>
        %add3A_396 = arith.addi %and3A_44, %add3A_395 : vector<16xi32>
        %select_n3A_397 = arith.select %lt3A_393, %add3A_396, %and3A_44 : vector<16xi1>, vector<16xi32>
        %broadcast_in_dim3A_398 = vector.shape_cast %select_n3A_397 : vector<16xi32> to vector<16x1xi32>
        %gather3A_399 = vector.shape_cast %broadcast_in_dim3A_398 : vector<16x1xi32> to vector<16xi32>
        %gather3A_400 = tpu.dynamic_gather %add3A_390[%gather3A_399] in [0] : vector<16xf32>, vector<16xi32> -> vector<16xf32>
        %add3A_401 = arith.addf %add3A_390, %gather3A_400 : vector<16xf32>
        %add3A_402 = arith.addf %add3A_401, %get3A_20 : vector<16xf32>
        %max3A_403 = arith.constant 0.000000e+00 : f32
        %max3A_404 = vector.broadcast %max3A_403 : f32 to vector<16xf32>
        %max3A_405 = arith.maximumf %add3A_402, %max3A_404 : vector<16xf32>
        %mul3A_406 = arith.mulf %max3A_405, %get3A_25 : vector<16xf32>
        %lt3A_407 = arith.constant 0 : i32
        %lt3A_408 = vector.broadcast %lt3A_407 : i32 to vector<16xi32>
        %lt3A_409 = arith.cmpi slt, %and3A_56, %lt3A_408 : vector<16xi32>
        %add3A_410 = arith.constant 16 : i32
        %add3A_411 = vector.broadcast %add3A_410 : i32 to vector<16xi32>
        %add3A_412 = arith.addi %and3A_56, %add3A_411 : vector<16xi32>
        %select_n3A_413 = arith.select %lt3A_409, %add3A_412, %and3A_56 : vector<16xi1>, vector<16xi32>
        %broadcast_in_dim3A_414 = vector.shape_cast %select_n3A_413 : vector<16xi32> to vector<16x1xi32>
        %gather3A_415 = vector.shape_cast %broadcast_in_dim3A_414 : vector<16x1xi32> to vector<16xi32>
        %gather3A_416 = tpu.dynamic_gather %mul3A_406[%gather3A_415] in [0] : vector<16xf32>, vector<16xi32> -> vector<16xf32>
        %add3A_417 = arith.addf %mul3A_406, %gather3A_416 : vector<16xf32>
        %lt3A_418 = arith.constant 0 : i32
        %lt3A_419 = vector.broadcast %lt3A_418 : i32 to vector<16xi32>
        %lt3A_420 = arith.cmpi slt, %and3A_50, %lt3A_419 : vector<16xi32>
        %add3A_421 = arith.constant 16 : i32
        %add3A_422 = vector.broadcast %add3A_421 : i32 to vector<16xi32>
        %add3A_423 = arith.addi %and3A_50, %add3A_422 : vector<16xi32>
        %select_n3A_424 = arith.select %lt3A_420, %add3A_423, %and3A_50 : vector<16xi1>, vector<16xi32>
        %broadcast_in_dim3A_425 = vector.shape_cast %select_n3A_424 : vector<16xi32> to vector<16x1xi32>
        %gather3A_426 = vector.shape_cast %broadcast_in_dim3A_425 : vector<16x1xi32> to vector<16xi32>
        %gather3A_427 = tpu.dynamic_gather %add3A_417[%gather3A_426] in [0] : vector<16xf32>, vector<16xi32> -> vector<16xf32>
        %add3A_428 = arith.addf %add3A_417, %gather3A_427 : vector<16xf32>
        %lt3A_429 = arith.constant 0 : i32
        %lt3A_430 = vector.broadcast %lt3A_429 : i32 to vector<16xi32>
        %lt3A_431 = arith.cmpi slt, %and3A_44, %lt3A_430 : vector<16xi32>
        %add3A_432 = arith.constant 16 : i32
        %add3A_433 = vector.broadcast %add3A_432 : i32 to vector<16xi32>
        %add3A_434 = arith.addi %and3A_44, %add3A_433 : vector<16xi32>
        %select_n3A_435 = arith.select %lt3A_431, %add3A_434, %and3A_44 : vector<16xi1>, vector<16xi32>
        %broadcast_in_dim3A_436 = vector.shape_cast %select_n3A_435 : vector<16xi32> to vector<16x1xi32>
        %gather3A_437 = vector.shape_cast %broadcast_in_dim3A_436 : vector<16x1xi32> to vector<16xi32>
        %gather3A_438 = tpu.dynamic_gather %add3A_428[%gather3A_437] in [0] : vector<16xf32>, vector<16xi32> -> vector<16xf32>
        %add3A_439 = arith.addf %add3A_428, %gather3A_438 : vector<16xf32>
        %lt3A_440 = arith.constant 0 : i32
        %lt3A_441 = vector.broadcast %lt3A_440 : i32 to vector<16xi32>
        %lt3A_442 = arith.cmpi slt, %and3A_38, %lt3A_441 : vector<16xi32>
        %add3A_443 = arith.constant 16 : i32
        %add3A_444 = vector.broadcast %add3A_443 : i32 to vector<16xi32>
        %add3A_445 = arith.addi %and3A_38, %add3A_444 : vector<16xi32>
        %select_n3A_446 = arith.select %lt3A_442, %add3A_445, %and3A_38 : vector<16xi1>, vector<16xi32>
        %broadcast_in_dim3A_447 = vector.shape_cast %select_n3A_446 : vector<16xi32> to vector<16x1xi32>
        %gather3A_448 = vector.shape_cast %broadcast_in_dim3A_447 : vector<16x1xi32> to vector<16xi32>
        %gather3A_449 = tpu.dynamic_gather %add3A_439[%gather3A_448] in [0] : vector<16xf32>, vector<16xi32> -> vector<16xf32>
        %add3A_450 = arith.addf %add3A_439, %gather3A_449 : vector<16xf32>
        %add3A_451 = arith.addf %add3A_450, %get3A_30 : vector<16xf32>
        %neg3A = arith.constant 0.000000e+00 : f32
        %neg3A_452 = vector.broadcast %neg3A : f32 to vector<16xf32>
        %neg3A_453 = arith.subf %neg3A_452, %add3A_451 : vector<16xf32>
        %exp3A = math.exp %neg3A_453 : vector<16xf32>
        %add3A_454 = arith.constant 1.000000e+00 : f32
        %add3A_455 = vector.broadcast %add3A_454 : f32 to vector<16xf32>
        %add3A_456 = arith.addf %add3A_455, %exp3A : vector<16xf32>
        %div3A = arith.constant 1.000000e+00 : f32
        %div3A_457 = vector.broadcast %div3A : f32 to vector<16xf32>
        %div3A_458 = arith.divf %div3A_457, %add3A_456 : vector<16xf32>
        %and3A_459 = arith.constant 15 : i32
        %and3A_460 = arith.andi %while3A_134, %and3A_459 : i32
        %eq3A = vector.broadcast %and3A_460 : i32 to vector<16xi32>
        %eq3A_461 = arith.cmpi eq, %iota3A, %eq3A : vector<16xi32>
        %select_n3A_462 = arith.select %eq3A_461, %div3A_458, %while3A_135 : vector<16xi1>, vector<16xf32>
        scf.yield %select_n3A_462 : vector<16xf32>
      }
      %mul3A_127 = arith.constant 16 : i32
      %mul3A_128 = arith.muli %scan3A_110, %mul3A_127 : i32
      %add3A_129 = arith.constant 256 : i32
      %add3A_130 = arith.addi %add3A_129, %mul3A_128 : i32
      %swap3A = arith.index_cast %add3A_130 : i32 to index
      %swap3A_131 = tpu.vector_load %arg9[%swap3A] {strides = array<i32>} : memref<512xf32, #tpu.memory_space<vmem>>, vector<16xf32>,
      %swap3A_132 = vector.shape_cast %swap3A_131 : vector<16xf32> to vector<16xf32>
      %swap3A_133 = vector.shape_cast %while3A_126 : vector<16xf32> to vector<16xf32>
      tpu.vector_store %arg9[%swap3A], %swap3A_133 {strides = array<i32>} : memref<512xf32, #tpu.memory_space<vmem>>, vector<16xf32>,
    }
    %scan3A_95 = arith.constant 8 : i32
    %add3A_96 = arith.constant 9984 : i32
    %add3A_97 = arith.addi %mul3A_4, %add3A_96 : i32
    "tpu.region"() ({
      %run_scoped3A = tpu.sem_alloc : memref<!tpu.dma_semaphore, #tpu.memory_space<semaphore_mem>>
      %dma_start3A_110 = tpu.memref_slice %arg2[%add3A_97] : memref<425984xi32, #tpu.memory_space<hbm>> -> memref<3328xi32, #tpu.memory_space<hbm>>
      %dma_start3A_111 = tpu.memref_slice %arg2[%add3A_97] : memref<425984xi32, #tpu.memory_space<hbm>> -> memref<3328xi32, #tpu.memory_space<hbm>>
      tpu.enqueue_dma source(%dma_start3A_111 : memref<3328xi32, #tpu.memory_space<hbm>>) target(%arg6 : memref<3328xi32, #tpu.memory_space<vmem>>) target_semaphore(%run_scoped3A : memref<!tpu.dma_semaphore, #tpu.memory_space<semaphore_mem>>)
      %dma_wait3A_112 = tpu.memref_slice %arg2[%add3A_97] : memref<425984xi32, #tpu.memory_space<hbm>> -> memref<3328xi32, #tpu.memory_space<hbm>>
      %dma_wait3A_113 = tpu.memref_slice %arg2[%add3A_97] : memref<425984xi32, #tpu.memory_space<hbm>> -> memref<3328xi32, #tpu.memory_space<hbm>>
      tpu.wait_dma2 semaphore(%run_scoped3A : memref<!tpu.dma_semaphore, #tpu.memory_space<semaphore_mem>>) src(%dma_wait3A_113 : memref<3328xi32, #tpu.memory_space<hbm>>) dst(%arg6 : memref<3328xi32, #tpu.memory_space<vmem>>)
      tpu.yield
    }) : () -> ()
    %dma_start3A_98 = arith.constant 0 : i32
    %dma_start3A_99 = arith.constant 0 : i32
    %dma_start3A_100 = tpu.memref_slice %arg3[%dma_start3A_98, %dma_start3A_99] : memref<2605056x16xf32, #tpu.memory_space<hbm>> -> memref<2605056x16xf32, #tpu.memory_space<hbm>>
    tpu.enqueue_indirect_dma source(%dma_start3A_100 : memref<2605056x16xf32, #tpu.memory_space<hbm>>) target(%arg7 : memref<3328x16xf32, #tpu.memory_space<vmem>>) offsets(%arg6 : memref<3328xi32, #tpu.memory_space<vmem>>) semaphore(%arg10 : memref<!tpu.dma_semaphore, #tpu.memory_space<semaphore_mem>>)
    %dma_wait3A_101 = arith.constant 0 : i32
    %dma_wait3A_102 = arith.constant 0 : i32
    %dma_wait3A_103 = tpu.memref_slice %arg3[%dma_wait3A_101, %dma_wait3A_102] : memref<2605056x16xf32, #tpu.memory_space<hbm>> -> memref<2605056x16xf32, #tpu.memory_space<hbm>>
    tpu.wait_indirect_dma semaphore(%arg10 : memref<!tpu.dma_semaphore, #tpu.memory_space<semaphore_mem>>) src(%dma_wait3A_103 : memref<2605056x16xf32, #tpu.memory_space<hbm>>) dst(%arg7 : memref<3328x16xf32, #tpu.memory_space<vmem>>)
    %scan3A_104 = arith.constant 0 : i32
    %scan3A_105 = arith.constant 0 : i32
    %scan3A_106 = arith.constant 8 : i32
    %scan3A_107 = arith.addi %scan3A_105, %scan3A_106 : i32
    %scan3A_108 = arith.constant 1 : i32
    scf.for %scan3A_110 = %scan3A_105 to %scan3A_107 step %scan3A_108  : i32 {
      %broadcast_in_dim3A = arith.constant 0.000000e+00 : f32
      %broadcast_in_dim3A_111 = vector.broadcast %broadcast_in_dim3A : f32 to vector<16xf32>
      %mul3A_112 = arith.constant 16 : i32
      %mul3A_113 = arith.muli %scan3A_110, %mul3A_112 : i32
      %add3A_114 = arith.constant 1 : i32
      %add3A_115 = arith.addi %scan3A_110, %add3A_114 : i32
      %mul3A_116 = arith.constant 16 : i32
      %mul3A_117 = arith.muli %add3A_115, %mul3A_116 : i32
      %while3A = arith.subi %mul3A_117, %mul3A_113 : i32
      %while3A_118 = arith.addi %mul3A_113, %while3A : i32
      %while3A_119 = arith.constant 1 : i32
      %while3A_120 = arith.divsi %while3A, %while3A_119 : i32
      %while3A_121 = arith.muli %while3A_120, %while3A_119 : i32
      %while3A_122 = arith.addi %mul3A_113, %while3A_121 : i32
      %while3A_123 = arith.constant 1 : i32
      %while3A_124 = scf.for %while3A_134 = %mul3A_113 to %while3A_122 step %while3A_123 iter_args(%while3A_135 = %broadcast_in_dim3A_111) -> (vector<16xf32>)  : i32 {
        %mul3A_136 = arith.constant 26 : i32
        %mul3A_137 = arith.muli %while3A_134, %mul3A_136 : i32
        %add3A_138 = arith.constant 0 : i32
        %add3A_139 = arith.addi %mul3A_137, %add3A_138 : i32
        %get3A_140 = arith.index_cast %add3A_139 : i32 to index
        %get3A_141 = arith.constant 0 : index
        %get3A_142 = tpu.vector_load %arg7[%get3A_140, %get3A_141] {strides = array<i32>} : memref<3328x16xf32, #tpu.memory_space<vmem>>, vector<1x16xf32>,
        %get3A_143 = vector.shape_cast %get3A_142 : vector<1x16xf32> to vector<16xf32>
        %mul3A_144 = arith.constant 26 : i32
        %mul3A_145 = arith.muli %while3A_134, %mul3A_144 : i32
        %add3A_146 = arith.constant 1 : i32
        %add3A_147 = arith.addi %mul3A_145, %add3A_146 : i32
        %get3A_148 = arith.index_cast %add3A_147 : i32 to index
        %get3A_149 = arith.constant 0 : index
        %get3A_150 = tpu.vector_load %arg7[%get3A_148, %get3A_149] {strides = array<i32>} : memref<3328x16xf32, #tpu.memory_space<vmem>>, vector<1x16xf32>,
        %get3A_151 = vector.shape_cast %get3A_150 : vector<1x16xf32> to vector<16xf32>
        %add3A_152 = arith.addf %get3A_143, %get3A_151 : vector<16xf32>
        %mul3A_153 = arith.constant 26 : i32
        %mul3A_154 = arith.muli %while3A_134, %mul3A_153 : i32
        %add3A_155 = arith.constant 2 : i32
        %add3A_156 = arith.addi %mul3A_154, %add3A_155 : i32
        %get3A_157 = arith.index_cast %add3A_156 : i32 to index
        %get3A_158 = arith.constant 0 : index
        %get3A_159 = tpu.vector_load %arg7[%get3A_157, %get3A_158] {strides = array<i32>} : memref<3328x16xf32, #tpu.memory_space<vmem>>, vector<1x16xf32>,
        %get3A_160 = vector.shape_cast %get3A_159 : vector<1x16xf32> to vector<16xf32>
        %add3A_161 = arith.addf %add3A_152, %get3A_160 : vector<16xf32>
        %mul3A_162 = arith.constant 26 : i32
        %mul3A_163 = arith.muli %while3A_134, %mul3A_162 : i32
        %add3A_164 = arith.constant 3 : i32
        %add3A_165 = arith.addi %mul3A_163, %add3A_164 : i32
        %get3A_166 = arith.index_cast %add3A_165 : i32 to index
        %get3A_167 = arith.constant 0 : index
        %get3A_168 = tpu.vector_load %arg7[%get3A_166, %get3A_167] {strides = array<i32>} : memref<3328x16xf32, #tpu.memory_space<vmem>>, vector<1x16xf32>,
        %get3A_169 = vector.shape_cast %get3A_168 : vector<1x16xf32> to vector<16xf32>
        %add3A_170 = arith.addf %add3A_161, %get3A_169 : vector<16xf32>
        %mul3A_171 = arith.constant 26 : i32
        %mul3A_172 = arith.muli %while3A_134, %mul3A_171 : i32
        %add3A_173 = arith.constant 4 : i32
        %add3A_174 = arith.addi %mul3A_172, %add3A_173 : i32
        %get3A_175 = arith.index_cast %add3A_174 : i32 to index
        %get3A_176 = arith.constant 0 : index
        %get3A_177 = tpu.vector_load %arg7[%get3A_175, %get3A_176] {strides = array<i32>} : memref<3328x16xf32, #tpu.memory_space<vmem>>, vector<1x16xf32>,
        %get3A_178 = vector.shape_cast %get3A_177 : vector<1x16xf32> to vector<16xf32>
        %add3A_179 = arith.addf %add3A_170, %get3A_178 : vector<16xf32>
        %mul3A_180 = arith.constant 26 : i32
        %mul3A_181 = arith.muli %while3A_134, %mul3A_180 : i32
        %add3A_182 = arith.constant 5 : i32
        %add3A_183 = arith.addi %mul3A_181, %add3A_182 : i32
        %get3A_184 = arith.index_cast %add3A_183 : i32 to index
        %get3A_185 = arith.constant 0 : index
        %get3A_186 = tpu.vector_load %arg7[%get3A_184, %get3A_185] {strides = array<i32>} : memref<3328x16xf32, #tpu.memory_space<vmem>>, vector<1x16xf32>,
        %get3A_187 = vector.shape_cast %get3A_186 : vector<1x16xf32> to vector<16xf32>
        %add3A_188 = arith.addf %add3A_179, %get3A_187 : vector<16xf32>
        %mul3A_189 = arith.constant 26 : i32
        %mul3A_190 = arith.muli %while3A_134, %mul3A_189 : i32
        %add3A_191 = arith.constant 6 : i32
        %add3A_192 = arith.addi %mul3A_190, %add3A_191 : i32
        %get3A_193 = arith.index_cast %add3A_192 : i32 to index
        %get3A_194 = arith.constant 0 : index
        %get3A_195 = tpu.vector_load %arg7[%get3A_193, %get3A_194] {strides = array<i32>} : memref<3328x16xf32, #tpu.memory_space<vmem>>, vector<1x16xf32>,
        %get3A_196 = vector.shape_cast %get3A_195 : vector<1x16xf32> to vector<16xf32>
        %add3A_197 = arith.addf %add3A_188, %get3A_196 : vector<16xf32>
        %mul3A_198 = arith.constant 26 : i32
        %mul3A_199 = arith.muli %while3A_134, %mul3A_198 : i32
        %add3A_200 = arith.constant 7 : i32
        %add3A_201 = arith.addi %mul3A_199, %add3A_200 : i32
        %get3A_202 = arith.index_cast %add3A_201 : i32 to index
        %get3A_203 = arith.constant 0 : index
        %get3A_204 = tpu.vector_load %arg7[%get3A_202, %get3A_203] {strides = array<i32>} : memref<3328x16xf32, #tpu.memory_space<vmem>>, vector<1x16xf32>,
        %get3A_205 = vector.shape_cast %get3A_204 : vector<1x16xf32> to vector<16xf32>
        %add3A_206 = arith.addf %add3A_197, %get3A_205 : vector<16xf32>
        %mul3A_207 = arith.constant 26 : i32
        %mul3A_208 = arith.muli %while3A_134, %mul3A_207 : i32
        %add3A_209 = arith.constant 8 : i32
        %add3A_210 = arith.addi %mul3A_208, %add3A_209 : i32
        %get3A_211 = arith.index_cast %add3A_210 : i32 to index
        %get3A_212 = arith.constant 0 : index
        %get3A_213 = tpu.vector_load %arg7[%get3A_211, %get3A_212] {strides = array<i32>} : memref<3328x16xf32, #tpu.memory_space<vmem>>, vector<1x16xf32>,
        %get3A_214 = vector.shape_cast %get3A_213 : vector<1x16xf32> to vector<16xf32>
        %add3A_215 = arith.addf %add3A_206, %get3A_214 : vector<16xf32>
        %mul3A_216 = arith.constant 26 : i32
        %mul3A_217 = arith.muli %while3A_134, %mul3A_216 : i32
        %add3A_218 = arith.constant 9 : i32
        %add3A_219 = arith.addi %mul3A_217, %add3A_218 : i32
        %get3A_220 = arith.index_cast %add3A_219 : i32 to index
        %get3A_221 = arith.constant 0 : index
        %get3A_222 = tpu.vector_load %arg7[%get3A_220, %get3A_221] {strides = array<i32>} : memref<3328x16xf32, #tpu.memory_space<vmem>>, vector<1x16xf32>,
        %get3A_223 = vector.shape_cast %get3A_222 : vector<1x16xf32> to vector<16xf32>
        %add3A_224 = arith.addf %add3A_215, %get3A_223 : vector<16xf32>
        %mul3A_225 = arith.constant 26 : i32
        %mul3A_226 = arith.muli %while3A_134, %mul3A_225 : i32
        %add3A_227 = arith.constant 10 : i32
        %add3A_228 = arith.addi %mul3A_226, %add3A_227 : i32
        %get3A_229 = arith.index_cast %add3A_228 : i32 to index
        %get3A_230 = arith.constant 0 : index
        %get3A_231 = tpu.vector_load %arg7[%get3A_229, %get3A_230] {strides = array<i32>} : memref<3328x16xf32, #tpu.memory_space<vmem>>, vector<1x16xf32>,
        %get3A_232 = vector.shape_cast %get3A_231 : vector<1x16xf32> to vector<16xf32>
        %add3A_233 = arith.addf %add3A_224, %get3A_232 : vector<16xf32>
        %mul3A_234 = arith.constant 26 : i32
        %mul3A_235 = arith.muli %while3A_134, %mul3A_234 : i32
        %add3A_236 = arith.constant 11 : i32
        %add3A_237 = arith.addi %mul3A_235, %add3A_236 : i32
        %get3A_238 = arith.index_cast %add3A_237 : i32 to index
        %get3A_239 = arith.constant 0 : index
        %get3A_240 = tpu.vector_load %arg7[%get3A_238, %get3A_239] {strides = array<i32>} : memref<3328x16xf32, #tpu.memory_space<vmem>>, vector<1x16xf32>,
        %get3A_241 = vector.shape_cast %get3A_240 : vector<1x16xf32> to vector<16xf32>
        %add3A_242 = arith.addf %add3A_233, %get3A_241 : vector<16xf32>
        %mul3A_243 = arith.constant 26 : i32
        %mul3A_244 = arith.muli %while3A_134, %mul3A_243 : i32
        %add3A_245 = arith.constant 12 : i32
        %add3A_246 = arith.addi %mul3A_244, %add3A_245 : i32
        %get3A_247 = arith.index_cast %add3A_246 : i32 to index
        %get3A_248 = arith.constant 0 : index
        %get3A_249 = tpu.vector_load %arg7[%get3A_247, %get3A_248] {strides = array<i32>} : memref<3328x16xf32, #tpu.memory_space<vmem>>, vector<1x16xf32>,
        %get3A_250 = vector.shape_cast %get3A_249 : vector<1x16xf32> to vector<16xf32>
        %add3A_251 = arith.addf %add3A_242, %get3A_250 : vector<16xf32>
        %mul3A_252 = arith.constant 26 : i32
        %mul3A_253 = arith.muli %while3A_134, %mul3A_252 : i32
        %add3A_254 = arith.constant 13 : i32
        %add3A_255 = arith.addi %mul3A_253, %add3A_254 : i32
        %get3A_256 = arith.index_cast %add3A_255 : i32 to index
        %get3A_257 = arith.constant 0 : index
        %get3A_258 = tpu.vector_load %arg7[%get3A_256, %get3A_257] {strides = array<i32>} : memref<3328x16xf32, #tpu.memory_space<vmem>>, vector<1x16xf32>,
        %get3A_259 = vector.shape_cast %get3A_258 : vector<1x16xf32> to vector<16xf32>
        %add3A_260 = arith.addf %add3A_251, %get3A_259 : vector<16xf32>
        %mul3A_261 = arith.constant 26 : i32
        %mul3A_262 = arith.muli %while3A_134, %mul3A_261 : i32
        %add3A_263 = arith.constant 14 : i32
        %add3A_264 = arith.addi %mul3A_262, %add3A_263 : i32
        %get3A_265 = arith.index_cast %add3A_264 : i32 to index
        %get3A_266 = arith.constant 0 : index
        %get3A_267 = tpu.vector_load %arg7[%get3A_265, %get3A_266] {strides = array<i32>} : memref<3328x16xf32, #tpu.memory_space<vmem>>, vector<1x16xf32>,
        %get3A_268 = vector.shape_cast %get3A_267 : vector<1x16xf32> to vector<16xf32>
        %add3A_269 = arith.addf %add3A_260, %get3A_268 : vector<16xf32>
        %mul3A_270 = arith.constant 26 : i32
        %mul3A_271 = arith.muli %while3A_134, %mul3A_270 : i32
        %add3A_272 = arith.constant 15 : i32
        %add3A_273 = arith.addi %mul3A_271, %add3A_272 : i32
        %get3A_274 = arith.index_cast %add3A_273 : i32 to index
        %get3A_275 = arith.constant 0 : index
        %get3A_276 = tpu.vector_load %arg7[%get3A_274, %get3A_275] {strides = array<i32>} : memref<3328x16xf32, #tpu.memory_space<vmem>>, vector<1x16xf32>,
        %get3A_277 = vector.shape_cast %get3A_276 : vector<1x16xf32> to vector<16xf32>
        %add3A_278 = arith.addf %add3A_269, %get3A_277 : vector<16xf32>
        %mul3A_279 = arith.constant 26 : i32
        %mul3A_280 = arith.muli %while3A_134, %mul3A_279 : i32
        %add3A_281 = arith.constant 16 : i32
        %add3A_282 = arith.addi %mul3A_280, %add3A_281 : i32
        %get3A_283 = arith.index_cast %add3A_282 : i32 to index
        %get3A_284 = arith.constant 0 : index
        %get3A_285 = tpu.vector_load %arg7[%get3A_283, %get3A_284] {strides = array<i32>} : memref<3328x16xf32, #tpu.memory_space<vmem>>, vector<1x16xf32>,
        %get3A_286 = vector.shape_cast %get3A_285 : vector<1x16xf32> to vector<16xf32>
        %add3A_287 = arith.addf %add3A_278, %get3A_286 : vector<16xf32>
        %mul3A_288 = arith.constant 26 : i32
        %mul3A_289 = arith.muli %while3A_134, %mul3A_288 : i32
        %add3A_290 = arith.constant 17 : i32
        %add3A_291 = arith.addi %mul3A_289, %add3A_290 : i32
        %get3A_292 = arith.index_cast %add3A_291 : i32 to index
        %get3A_293 = arith.constant 0 : index
        %get3A_294 = tpu.vector_load %arg7[%get3A_292, %get3A_293] {strides = array<i32>} : memref<3328x16xf32, #tpu.memory_space<vmem>>, vector<1x16xf32>,
        %get3A_295 = vector.shape_cast %get3A_294 : vector<1x16xf32> to vector<16xf32>
        %add3A_296 = arith.addf %add3A_287, %get3A_295 : vector<16xf32>
        %mul3A_297 = arith.constant 26 : i32
        %mul3A_298 = arith.muli %while3A_134, %mul3A_297 : i32
        %add3A_299 = arith.constant 18 : i32
        %add3A_300 = arith.addi %mul3A_298, %add3A_299 : i32
        %get3A_301 = arith.index_cast %add3A_300 : i32 to index
        %get3A_302 = arith.constant 0 : index
        %get3A_303 = tpu.vector_load %arg7[%get3A_301, %get3A_302] {strides = array<i32>} : memref<3328x16xf32, #tpu.memory_space<vmem>>, vector<1x16xf32>,
        %get3A_304 = vector.shape_cast %get3A_303 : vector<1x16xf32> to vector<16xf32>
        %add3A_305 = arith.addf %add3A_296, %get3A_304 : vector<16xf32>
        %mul3A_306 = arith.constant 26 : i32
        %mul3A_307 = arith.muli %while3A_134, %mul3A_306 : i32
        %add3A_308 = arith.constant 19 : i32
        %add3A_309 = arith.addi %mul3A_307, %add3A_308 : i32
        %get3A_310 = arith.index_cast %add3A_309 : i32 to index
        %get3A_311 = arith.constant 0 : index
        %get3A_312 = tpu.vector_load %arg7[%get3A_310, %get3A_311] {strides = array<i32>} : memref<3328x16xf32, #tpu.memory_space<vmem>>, vector<1x16xf32>,
        %get3A_313 = vector.shape_cast %get3A_312 : vector<1x16xf32> to vector<16xf32>
        %add3A_314 = arith.addf %add3A_305, %get3A_313 : vector<16xf32>
        %mul3A_315 = arith.constant 26 : i32
        %mul3A_316 = arith.muli %while3A_134, %mul3A_315 : i32
        %add3A_317 = arith.constant 20 : i32
        %add3A_318 = arith.addi %mul3A_316, %add3A_317 : i32
        %get3A_319 = arith.index_cast %add3A_318 : i32 to index
        %get3A_320 = arith.constant 0 : index
        %get3A_321 = tpu.vector_load %arg7[%get3A_319, %get3A_320] {strides = array<i32>} : memref<3328x16xf32, #tpu.memory_space<vmem>>, vector<1x16xf32>,
        %get3A_322 = vector.shape_cast %get3A_321 : vector<1x16xf32> to vector<16xf32>
        %add3A_323 = arith.addf %add3A_314, %get3A_322 : vector<16xf32>
        %mul3A_324 = arith.constant 26 : i32
        %mul3A_325 = arith.muli %while3A_134, %mul3A_324 : i32
        %add3A_326 = arith.constant 21 : i32
        %add3A_327 = arith.addi %mul3A_325, %add3A_326 : i32
        %get3A_328 = arith.index_cast %add3A_327 : i32 to index
        %get3A_329 = arith.constant 0 : index
        %get3A_330 = tpu.vector_load %arg7[%get3A_328, %get3A_329] {strides = array<i32>} : memref<3328x16xf32, #tpu.memory_space<vmem>>, vector<1x16xf32>,
        %get3A_331 = vector.shape_cast %get3A_330 : vector<1x16xf32> to vector<16xf32>
        %add3A_332 = arith.addf %add3A_323, %get3A_331 : vector<16xf32>
        %mul3A_333 = arith.constant 26 : i32
        %mul3A_334 = arith.muli %while3A_134, %mul3A_333 : i32
        %add3A_335 = arith.constant 22 : i32
        %add3A_336 = arith.addi %mul3A_334, %add3A_335 : i32
        %get3A_337 = arith.index_cast %add3A_336 : i32 to index
        %get3A_338 = arith.constant 0 : index
        %get3A_339 = tpu.vector_load %arg7[%get3A_337, %get3A_338] {strides = array<i32>} : memref<3328x16xf32, #tpu.memory_space<vmem>>, vector<1x16xf32>,
        %get3A_340 = vector.shape_cast %get3A_339 : vector<1x16xf32> to vector<16xf32>
        %add3A_341 = arith.addf %add3A_332, %get3A_340 : vector<16xf32>
        %mul3A_342 = arith.constant 26 : i32
        %mul3A_343 = arith.muli %while3A_134, %mul3A_342 : i32
        %add3A_344 = arith.constant 23 : i32
        %add3A_345 = arith.addi %mul3A_343, %add3A_344 : i32
        %get3A_346 = arith.index_cast %add3A_345 : i32 to index
        %get3A_347 = arith.constant 0 : index
        %get3A_348 = tpu.vector_load %arg7[%get3A_346, %get3A_347] {strides = array<i32>} : memref<3328x16xf32, #tpu.memory_space<vmem>>, vector<1x16xf32>,
        %get3A_349 = vector.shape_cast %get3A_348 : vector<1x16xf32> to vector<16xf32>
        %add3A_350 = arith.addf %add3A_341, %get3A_349 : vector<16xf32>
        %mul3A_351 = arith.constant 26 : i32
        %mul3A_352 = arith.muli %while3A_134, %mul3A_351 : i32
        %add3A_353 = arith.constant 24 : i32
        %add3A_354 = arith.addi %mul3A_352, %add3A_353 : i32
        %get3A_355 = arith.index_cast %add3A_354 : i32 to index
        %get3A_356 = arith.constant 0 : index
        %get3A_357 = tpu.vector_load %arg7[%get3A_355, %get3A_356] {strides = array<i32>} : memref<3328x16xf32, #tpu.memory_space<vmem>>, vector<1x16xf32>,
        %get3A_358 = vector.shape_cast %get3A_357 : vector<1x16xf32> to vector<16xf32>
        %add3A_359 = arith.addf %add3A_350, %get3A_358 : vector<16xf32>
        %mul3A_360 = arith.constant 26 : i32
        %mul3A_361 = arith.muli %while3A_134, %mul3A_360 : i32
        %add3A_362 = arith.constant 25 : i32
        %add3A_363 = arith.addi %mul3A_361, %add3A_362 : i32
        %get3A_364 = arith.index_cast %add3A_363 : i32 to index
        %get3A_365 = arith.constant 0 : index
        %get3A_366 = tpu.vector_load %arg7[%get3A_364, %get3A_365] {strides = array<i32>} : memref<3328x16xf32, #tpu.memory_space<vmem>>, vector<1x16xf32>,
        %get3A_367 = vector.shape_cast %get3A_366 : vector<1x16xf32> to vector<16xf32>
        %add3A_368 = arith.addf %add3A_359, %get3A_367 : vector<16xf32>
        %add3A_369 = arith.addf %add3A_368, %get3A_10 : vector<16xf32>
        %max3A = arith.constant 0.000000e+00 : f32
        %max3A_370 = vector.broadcast %max3A : f32 to vector<16xf32>
        %max3A_371 = arith.maximumf %add3A_369, %max3A_370 : vector<16xf32>
        %lt3A = arith.constant 0 : i32
        %lt3A_372 = vector.broadcast %lt3A : i32 to vector<16xi32>
        %lt3A_373 = arith.cmpi slt, %and3A_32, %lt3A_372 : vector<16xi32>
        %add3A_374 = arith.constant 16 : i32
        %add3A_375 = vector.broadcast %add3A_374 : i32 to vector<16xi32>
        %add3A_376 = arith.addi %and3A_32, %add3A_375 : vector<16xi32>
        %select_n3A = arith.select %lt3A_373, %add3A_376, %and3A_32 : vector<16xi1>, vector<16xi32>
        %broadcast_in_dim3A_377 = vector.shape_cast %select_n3A : vector<16xi32> to vector<16x1xi32>
        %gather3A = vector.shape_cast %broadcast_in_dim3A_377 : vector<16x1xi32> to vector<16xi32>
        %gather3A_378 = tpu.dynamic_gather %max3A_371[%gather3A] in [0] : vector<16xf32>, vector<16xi32> -> vector<16xf32>
        %mul3A_379 = arith.mulf %gather3A_378, %get3A_15 : vector<16xf32>
        %lt3A_380 = arith.constant 0 : i32
        %lt3A_381 = vector.broadcast %lt3A_380 : i32 to vector<16xi32>
        %lt3A_382 = arith.cmpi slt, %and3A_38, %lt3A_381 : vector<16xi32>
        %add3A_383 = arith.constant 16 : i32
        %add3A_384 = vector.broadcast %add3A_383 : i32 to vector<16xi32>
        %add3A_385 = arith.addi %and3A_38, %add3A_384 : vector<16xi32>
        %select_n3A_386 = arith.select %lt3A_382, %add3A_385, %and3A_38 : vector<16xi1>, vector<16xi32>
        %broadcast_in_dim3A_387 = vector.shape_cast %select_n3A_386 : vector<16xi32> to vector<16x1xi32>
        %gather3A_388 = vector.shape_cast %broadcast_in_dim3A_387 : vector<16x1xi32> to vector<16xi32>
        %gather3A_389 = tpu.dynamic_gather %mul3A_379[%gather3A_388] in [0] : vector<16xf32>, vector<16xi32> -> vector<16xf32>
        %add3A_390 = arith.addf %mul3A_379, %gather3A_389 : vector<16xf32>
        %lt3A_391 = arith.constant 0 : i32
        %lt3A_392 = vector.broadcast %lt3A_391 : i32 to vector<16xi32>
        %lt3A_393 = arith.cmpi slt, %and3A_44, %lt3A_392 : vector<16xi32>
        %add3A_394 = arith.constant 16 : i32
        %add3A_395 = vector.broadcast %add3A_394 : i32 to vector<16xi32>
        %add3A_396 = arith.addi %and3A_44, %add3A_395 : vector<16xi32>
        %select_n3A_397 = arith.select %lt3A_393, %add3A_396, %and3A_44 : vector<16xi1>, vector<16xi32>
        %broadcast_in_dim3A_398 = vector.shape_cast %select_n3A_397 : vector<16xi32> to vector<16x1xi32>
        %gather3A_399 = vector.shape_cast %broadcast_in_dim3A_398 : vector<16x1xi32> to vector<16xi32>
        %gather3A_400 = tpu.dynamic_gather %add3A_390[%gather3A_399] in [0] : vector<16xf32>, vector<16xi32> -> vector<16xf32>
        %add3A_401 = arith.addf %add3A_390, %gather3A_400 : vector<16xf32>
        %add3A_402 = arith.addf %add3A_401, %get3A_20 : vector<16xf32>
        %max3A_403 = arith.constant 0.000000e+00 : f32
        %max3A_404 = vector.broadcast %max3A_403 : f32 to vector<16xf32>
        %max3A_405 = arith.maximumf %add3A_402, %max3A_404 : vector<16xf32>
        %mul3A_406 = arith.mulf %max3A_405, %get3A_25 : vector<16xf32>
        %lt3A_407 = arith.constant 0 : i32
        %lt3A_408 = vector.broadcast %lt3A_407 : i32 to vector<16xi32>
        %lt3A_409 = arith.cmpi slt, %and3A_56, %lt3A_408 : vector<16xi32>
        %add3A_410 = arith.constant 16 : i32
        %add3A_411 = vector.broadcast %add3A_410 : i32 to vector<16xi32>
        %add3A_412 = arith.addi %and3A_56, %add3A_411 : vector<16xi32>
        %select_n3A_413 = arith.select %lt3A_409, %add3A_412, %and3A_56 : vector<16xi1>, vector<16xi32>
        %broadcast_in_dim3A_414 = vector.shape_cast %select_n3A_413 : vector<16xi32> to vector<16x1xi32>
        %gather3A_415 = vector.shape_cast %broadcast_in_dim3A_414 : vector<16x1xi32> to vector<16xi32>
        %gather3A_416 = tpu.dynamic_gather %mul3A_406[%gather3A_415] in [0] : vector<16xf32>, vector<16xi32> -> vector<16xf32>
        %add3A_417 = arith.addf %mul3A_406, %gather3A_416 : vector<16xf32>
        %lt3A_418 = arith.constant 0 : i32
        %lt3A_419 = vector.broadcast %lt3A_418 : i32 to vector<16xi32>
        %lt3A_420 = arith.cmpi slt, %and3A_50, %lt3A_419 : vector<16xi32>
        %add3A_421 = arith.constant 16 : i32
        %add3A_422 = vector.broadcast %add3A_421 : i32 to vector<16xi32>
        %add3A_423 = arith.addi %and3A_50, %add3A_422 : vector<16xi32>
        %select_n3A_424 = arith.select %lt3A_420, %add3A_423, %and3A_50 : vector<16xi1>, vector<16xi32>
        %broadcast_in_dim3A_425 = vector.shape_cast %select_n3A_424 : vector<16xi32> to vector<16x1xi32>
        %gather3A_426 = vector.shape_cast %broadcast_in_dim3A_425 : vector<16x1xi32> to vector<16xi32>
        %gather3A_427 = tpu.dynamic_gather %add3A_417[%gather3A_426] in [0] : vector<16xf32>, vector<16xi32> -> vector<16xf32>
        %add3A_428 = arith.addf %add3A_417, %gather3A_427 : vector<16xf32>
        %lt3A_429 = arith.constant 0 : i32
        %lt3A_430 = vector.broadcast %lt3A_429 : i32 to vector<16xi32>
        %lt3A_431 = arith.cmpi slt, %and3A_44, %lt3A_430 : vector<16xi32>
        %add3A_432 = arith.constant 16 : i32
        %add3A_433 = vector.broadcast %add3A_432 : i32 to vector<16xi32>
        %add3A_434 = arith.addi %and3A_44, %add3A_433 : vector<16xi32>
        %select_n3A_435 = arith.select %lt3A_431, %add3A_434, %and3A_44 : vector<16xi1>, vector<16xi32>
        %broadcast_in_dim3A_436 = vector.shape_cast %select_n3A_435 : vector<16xi32> to vector<16x1xi32>
        %gather3A_437 = vector.shape_cast %broadcast_in_dim3A_436 : vector<16x1xi32> to vector<16xi32>
        %gather3A_438 = tpu.dynamic_gather %add3A_428[%gather3A_437] in [0] : vector<16xf32>, vector<16xi32> -> vector<16xf32>
        %add3A_439 = arith.addf %add3A_428, %gather3A_438 : vector<16xf32>
        %lt3A_440 = arith.constant 0 : i32
        %lt3A_441 = vector.broadcast %lt3A_440 : i32 to vector<16xi32>
        %lt3A_442 = arith.cmpi slt, %and3A_38, %lt3A_441 : vector<16xi32>
        %add3A_443 = arith.constant 16 : i32
        %add3A_444 = vector.broadcast %add3A_443 : i32 to vector<16xi32>
        %add3A_445 = arith.addi %and3A_38, %add3A_444 : vector<16xi32>
        %select_n3A_446 = arith.select %lt3A_442, %add3A_445, %and3A_38 : vector<16xi1>, vector<16xi32>
        %broadcast_in_dim3A_447 = vector.shape_cast %select_n3A_446 : vector<16xi32> to vector<16x1xi32>
        %gather3A_448 = vector.shape_cast %broadcast_in_dim3A_447 : vector<16x1xi32> to vector<16xi32>
        %gather3A_449 = tpu.dynamic_gather %add3A_439[%gather3A_448] in [0] : vector<16xf32>, vector<16xi32> -> vector<16xf32>
        %add3A_450 = arith.addf %add3A_439, %gather3A_449 : vector<16xf32>
        %add3A_451 = arith.addf %add3A_450, %get3A_30 : vector<16xf32>
        %neg3A = arith.constant 0.000000e+00 : f32
        %neg3A_452 = vector.broadcast %neg3A : f32 to vector<16xf32>
        %neg3A_453 = arith.subf %neg3A_452, %add3A_451 : vector<16xf32>
        %exp3A = math.exp %neg3A_453 : vector<16xf32>
        %add3A_454 = arith.constant 1.000000e+00 : f32
        %add3A_455 = vector.broadcast %add3A_454 : f32 to vector<16xf32>
        %add3A_456 = arith.addf %add3A_455, %exp3A : vector<16xf32>
        %div3A = arith.constant 1.000000e+00 : f32
        %div3A_457 = vector.broadcast %div3A : f32 to vector<16xf32>
        %div3A_458 = arith.divf %div3A_457, %add3A_456 : vector<16xf32>
        %and3A_459 = arith.constant 15 : i32
        %and3A_460 = arith.andi %while3A_134, %and3A_459 : i32
        %eq3A = vector.broadcast %and3A_460 : i32 to vector<16xi32>
        %eq3A_461 = arith.cmpi eq, %iota3A, %eq3A : vector<16xi32>
        %select_n3A_462 = arith.select %eq3A_461, %div3A_458, %while3A_135 : vector<16xi1>, vector<16xf32>
        scf.yield %select_n3A_462 : vector<16xf32>
      }
      %while3A_125 = arith.constant 1 : i32
      %while3A_126 = scf.for %while3A_134 = %while3A_122 to %while3A_118 step %while3A_125 iter_args(%while3A_135 = %while3A_124) -> (vector<16xf32>)  : i32 {
        %mul3A_136 = arith.constant 26 : i32
        %mul3A_137 = arith.muli %while3A_134, %mul3A_136 : i32
        %add3A_138 = arith.constant 0 : i32
        %add3A_139 = arith.addi %mul3A_137, %add3A_138 : i32
        %get3A_140 = arith.index_cast %add3A_139 : i32 to index
        %get3A_141 = arith.constant 0 : index
        %get3A_142 = tpu.vector_load %arg7[%get3A_140, %get3A_141] {strides = array<i32>} : memref<3328x16xf32, #tpu.memory_space<vmem>>, vector<1x16xf32>,
        %get3A_143 = vector.shape_cast %get3A_142 : vector<1x16xf32> to vector<16xf32>
        %mul3A_144 = arith.constant 26 : i32
        %mul3A_145 = arith.muli %while3A_134, %mul3A_144 : i32
        %add3A_146 = arith.constant 1 : i32
        %add3A_147 = arith.addi %mul3A_145, %add3A_146 : i32
        %get3A_148 = arith.index_cast %add3A_147 : i32 to index
        %get3A_149 = arith.constant 0 : index
        %get3A_150 = tpu.vector_load %arg7[%get3A_148, %get3A_149] {strides = array<i32>} : memref<3328x16xf32, #tpu.memory_space<vmem>>, vector<1x16xf32>,
        %get3A_151 = vector.shape_cast %get3A_150 : vector<1x16xf32> to vector<16xf32>
        %add3A_152 = arith.addf %get3A_143, %get3A_151 : vector<16xf32>
        %mul3A_153 = arith.constant 26 : i32
        %mul3A_154 = arith.muli %while3A_134, %mul3A_153 : i32
        %add3A_155 = arith.constant 2 : i32
        %add3A_156 = arith.addi %mul3A_154, %add3A_155 : i32
        %get3A_157 = arith.index_cast %add3A_156 : i32 to index
        %get3A_158 = arith.constant 0 : index
        %get3A_159 = tpu.vector_load %arg7[%get3A_157, %get3A_158] {strides = array<i32>} : memref<3328x16xf32, #tpu.memory_space<vmem>>, vector<1x16xf32>,
        %get3A_160 = vector.shape_cast %get3A_159 : vector<1x16xf32> to vector<16xf32>
        %add3A_161 = arith.addf %add3A_152, %get3A_160 : vector<16xf32>
        %mul3A_162 = arith.constant 26 : i32
        %mul3A_163 = arith.muli %while3A_134, %mul3A_162 : i32
        %add3A_164 = arith.constant 3 : i32
        %add3A_165 = arith.addi %mul3A_163, %add3A_164 : i32
        %get3A_166 = arith.index_cast %add3A_165 : i32 to index
        %get3A_167 = arith.constant 0 : index
        %get3A_168 = tpu.vector_load %arg7[%get3A_166, %get3A_167] {strides = array<i32>} : memref<3328x16xf32, #tpu.memory_space<vmem>>, vector<1x16xf32>,
        %get3A_169 = vector.shape_cast %get3A_168 : vector<1x16xf32> to vector<16xf32>
        %add3A_170 = arith.addf %add3A_161, %get3A_169 : vector<16xf32>
        %mul3A_171 = arith.constant 26 : i32
        %mul3A_172 = arith.muli %while3A_134, %mul3A_171 : i32
        %add3A_173 = arith.constant 4 : i32
        %add3A_174 = arith.addi %mul3A_172, %add3A_173 : i32
        %get3A_175 = arith.index_cast %add3A_174 : i32 to index
        %get3A_176 = arith.constant 0 : index
        %get3A_177 = tpu.vector_load %arg7[%get3A_175, %get3A_176] {strides = array<i32>} : memref<3328x16xf32, #tpu.memory_space<vmem>>, vector<1x16xf32>,
        %get3A_178 = vector.shape_cast %get3A_177 : vector<1x16xf32> to vector<16xf32>
        %add3A_179 = arith.addf %add3A_170, %get3A_178 : vector<16xf32>
        %mul3A_180 = arith.constant 26 : i32
        %mul3A_181 = arith.muli %while3A_134, %mul3A_180 : i32
        %add3A_182 = arith.constant 5 : i32
        %add3A_183 = arith.addi %mul3A_181, %add3A_182 : i32
        %get3A_184 = arith.index_cast %add3A_183 : i32 to index
        %get3A_185 = arith.constant 0 : index
        %get3A_186 = tpu.vector_load %arg7[%get3A_184, %get3A_185] {strides = array<i32>} : memref<3328x16xf32, #tpu.memory_space<vmem>>, vector<1x16xf32>,
        %get3A_187 = vector.shape_cast %get3A_186 : vector<1x16xf32> to vector<16xf32>
        %add3A_188 = arith.addf %add3A_179, %get3A_187 : vector<16xf32>
        %mul3A_189 = arith.constant 26 : i32
        %mul3A_190 = arith.muli %while3A_134, %mul3A_189 : i32
        %add3A_191 = arith.constant 6 : i32
        %add3A_192 = arith.addi %mul3A_190, %add3A_191 : i32
        %get3A_193 = arith.index_cast %add3A_192 : i32 to index
        %get3A_194 = arith.constant 0 : index
        %get3A_195 = tpu.vector_load %arg7[%get3A_193, %get3A_194] {strides = array<i32>} : memref<3328x16xf32, #tpu.memory_space<vmem>>, vector<1x16xf32>,
        %get3A_196 = vector.shape_cast %get3A_195 : vector<1x16xf32> to vector<16xf32>
        %add3A_197 = arith.addf %add3A_188, %get3A_196 : vector<16xf32>
        %mul3A_198 = arith.constant 26 : i32
        %mul3A_199 = arith.muli %while3A_134, %mul3A_198 : i32
        %add3A_200 = arith.constant 7 : i32
        %add3A_201 = arith.addi %mul3A_199, %add3A_200 : i32
        %get3A_202 = arith.index_cast %add3A_201 : i32 to index
        %get3A_203 = arith.constant 0 : index
        %get3A_204 = tpu.vector_load %arg7[%get3A_202, %get3A_203] {strides = array<i32>} : memref<3328x16xf32, #tpu.memory_space<vmem>>, vector<1x16xf32>,
        %get3A_205 = vector.shape_cast %get3A_204 : vector<1x16xf32> to vector<16xf32>
        %add3A_206 = arith.addf %add3A_197, %get3A_205 : vector<16xf32>
        %mul3A_207 = arith.constant 26 : i32
        %mul3A_208 = arith.muli %while3A_134, %mul3A_207 : i32
        %add3A_209 = arith.constant 8 : i32
        %add3A_210 = arith.addi %mul3A_208, %add3A_209 : i32
        %get3A_211 = arith.index_cast %add3A_210 : i32 to index
        %get3A_212 = arith.constant 0 : index
        %get3A_213 = tpu.vector_load %arg7[%get3A_211, %get3A_212] {strides = array<i32>} : memref<3328x16xf32, #tpu.memory_space<vmem>>, vector<1x16xf32>,
        %get3A_214 = vector.shape_cast %get3A_213 : vector<1x16xf32> to vector<16xf32>
        %add3A_215 = arith.addf %add3A_206, %get3A_214 : vector<16xf32>
        %mul3A_216 = arith.constant 26 : i32
        %mul3A_217 = arith.muli %while3A_134, %mul3A_216 : i32
        %add3A_218 = arith.constant 9 : i32
        %add3A_219 = arith.addi %mul3A_217, %add3A_218 : i32
        %get3A_220 = arith.index_cast %add3A_219 : i32 to index
        %get3A_221 = arith.constant 0 : index
        %get3A_222 = tpu.vector_load %arg7[%get3A_220, %get3A_221] {strides = array<i32>} : memref<3328x16xf32, #tpu.memory_space<vmem>>, vector<1x16xf32>,
        %get3A_223 = vector.shape_cast %get3A_222 : vector<1x16xf32> to vector<16xf32>
        %add3A_224 = arith.addf %add3A_215, %get3A_223 : vector<16xf32>
        %mul3A_225 = arith.constant 26 : i32
        %mul3A_226 = arith.muli %while3A_134, %mul3A_225 : i32
        %add3A_227 = arith.constant 10 : i32
        %add3A_228 = arith.addi %mul3A_226, %add3A_227 : i32
        %get3A_229 = arith.index_cast %add3A_228 : i32 to index
        %get3A_230 = arith.constant 0 : index
        %get3A_231 = tpu.vector_load %arg7[%get3A_229, %get3A_230] {strides = array<i32>} : memref<3328x16xf32, #tpu.memory_space<vmem>>, vector<1x16xf32>,
        %get3A_232 = vector.shape_cast %get3A_231 : vector<1x16xf32> to vector<16xf32>
        %add3A_233 = arith.addf %add3A_224, %get3A_232 : vector<16xf32>
        %mul3A_234 = arith.constant 26 : i32
        %mul3A_235 = arith.muli %while3A_134, %mul3A_234 : i32
        %add3A_236 = arith.constant 11 : i32
        %add3A_237 = arith.addi %mul3A_235, %add3A_236 : i32
        %get3A_238 = arith.index_cast %add3A_237 : i32 to index
        %get3A_239 = arith.constant 0 : index
        %get3A_240 = tpu.vector_load %arg7[%get3A_238, %get3A_239] {strides = array<i32>} : memref<3328x16xf32, #tpu.memory_space<vmem>>, vector<1x16xf32>,
        %get3A_241 = vector.shape_cast %get3A_240 : vector<1x16xf32> to vector<16xf32>
        %add3A_242 = arith.addf %add3A_233, %get3A_241 : vector<16xf32>
        %mul3A_243 = arith.constant 26 : i32
        %mul3A_244 = arith.muli %while3A_134, %mul3A_243 : i32
        %add3A_245 = arith.constant 12 : i32
        %add3A_246 = arith.addi %mul3A_244, %add3A_245 : i32
        %get3A_247 = arith.index_cast %add3A_246 : i32 to index
        %get3A_248 = arith.constant 0 : index
        %get3A_249 = tpu.vector_load %arg7[%get3A_247, %get3A_248] {strides = array<i32>} : memref<3328x16xf32, #tpu.memory_space<vmem>>, vector<1x16xf32>,
        %get3A_250 = vector.shape_cast %get3A_249 : vector<1x16xf32> to vector<16xf32>
        %add3A_251 = arith.addf %add3A_242, %get3A_250 : vector<16xf32>
        %mul3A_252 = arith.constant 26 : i32
        %mul3A_253 = arith.muli %while3A_134, %mul3A_252 : i32
        %add3A_254 = arith.constant 13 : i32
        %add3A_255 = arith.addi %mul3A_253, %add3A_254 : i32
        %get3A_256 = arith.index_cast %add3A_255 : i32 to index
        %get3A_257 = arith.constant 0 : index
        %get3A_258 = tpu.vector_load %arg7[%get3A_256, %get3A_257] {strides = array<i32>} : memref<3328x16xf32, #tpu.memory_space<vmem>>, vector<1x16xf32>,
        %get3A_259 = vector.shape_cast %get3A_258 : vector<1x16xf32> to vector<16xf32>
        %add3A_260 = arith.addf %add3A_251, %get3A_259 : vector<16xf32>
        %mul3A_261 = arith.constant 26 : i32
        %mul3A_262 = arith.muli %while3A_134, %mul3A_261 : i32
        %add3A_263 = arith.constant 14 : i32
        %add3A_264 = arith.addi %mul3A_262, %add3A_263 : i32
        %get3A_265 = arith.index_cast %add3A_264 : i32 to index
        %get3A_266 = arith.constant 0 : index
        %get3A_267 = tpu.vector_load %arg7[%get3A_265, %get3A_266] {strides = array<i32>} : memref<3328x16xf32, #tpu.memory_space<vmem>>, vector<1x16xf32>,
        %get3A_268 = vector.shape_cast %get3A_267 : vector<1x16xf32> to vector<16xf32>
        %add3A_269 = arith.addf %add3A_260, %get3A_268 : vector<16xf32>
        %mul3A_270 = arith.constant 26 : i32
        %mul3A_271 = arith.muli %while3A_134, %mul3A_270 : i32
        %add3A_272 = arith.constant 15 : i32
        %add3A_273 = arith.addi %mul3A_271, %add3A_272 : i32
        %get3A_274 = arith.index_cast %add3A_273 : i32 to index
        %get3A_275 = arith.constant 0 : index
        %get3A_276 = tpu.vector_load %arg7[%get3A_274, %get3A_275] {strides = array<i32>} : memref<3328x16xf32, #tpu.memory_space<vmem>>, vector<1x16xf32>,
        %get3A_277 = vector.shape_cast %get3A_276 : vector<1x16xf32> to vector<16xf32>
        %add3A_278 = arith.addf %add3A_269, %get3A_277 : vector<16xf32>
        %mul3A_279 = arith.constant 26 : i32
        %mul3A_280 = arith.muli %while3A_134, %mul3A_279 : i32
        %add3A_281 = arith.constant 16 : i32
        %add3A_282 = arith.addi %mul3A_280, %add3A_281 : i32
        %get3A_283 = arith.index_cast %add3A_282 : i32 to index
        %get3A_284 = arith.constant 0 : index
        %get3A_285 = tpu.vector_load %arg7[%get3A_283, %get3A_284] {strides = array<i32>} : memref<3328x16xf32, #tpu.memory_space<vmem>>, vector<1x16xf32>,
        %get3A_286 = vector.shape_cast %get3A_285 : vector<1x16xf32> to vector<16xf32>
        %add3A_287 = arith.addf %add3A_278, %get3A_286 : vector<16xf32>
        %mul3A_288 = arith.constant 26 : i32
        %mul3A_289 = arith.muli %while3A_134, %mul3A_288 : i32
        %add3A_290 = arith.constant 17 : i32
        %add3A_291 = arith.addi %mul3A_289, %add3A_290 : i32
        %get3A_292 = arith.index_cast %add3A_291 : i32 to index
        %get3A_293 = arith.constant 0 : index
        %get3A_294 = tpu.vector_load %arg7[%get3A_292, %get3A_293] {strides = array<i32>} : memref<3328x16xf32, #tpu.memory_space<vmem>>, vector<1x16xf32>,
        %get3A_295 = vector.shape_cast %get3A_294 : vector<1x16xf32> to vector<16xf32>
        %add3A_296 = arith.addf %add3A_287, %get3A_295 : vector<16xf32>
        %mul3A_297 = arith.constant 26 : i32
        %mul3A_298 = arith.muli %while3A_134, %mul3A_297 : i32
        %add3A_299 = arith.constant 18 : i32
        %add3A_300 = arith.addi %mul3A_298, %add3A_299 : i32
        %get3A_301 = arith.index_cast %add3A_300 : i32 to index
        %get3A_302 = arith.constant 0 : index
        %get3A_303 = tpu.vector_load %arg7[%get3A_301, %get3A_302] {strides = array<i32>} : memref<3328x16xf32, #tpu.memory_space<vmem>>, vector<1x16xf32>,
        %get3A_304 = vector.shape_cast %get3A_303 : vector<1x16xf32> to vector<16xf32>
        %add3A_305 = arith.addf %add3A_296, %get3A_304 : vector<16xf32>
        %mul3A_306 = arith.constant 26 : i32
        %mul3A_307 = arith.muli %while3A_134, %mul3A_306 : i32
        %add3A_308 = arith.constant 19 : i32
        %add3A_309 = arith.addi %mul3A_307, %add3A_308 : i32
        %get3A_310 = arith.index_cast %add3A_309 : i32 to index
        %get3A_311 = arith.constant 0 : index
        %get3A_312 = tpu.vector_load %arg7[%get3A_310, %get3A_311] {strides = array<i32>} : memref<3328x16xf32, #tpu.memory_space<vmem>>, vector<1x16xf32>,
        %get3A_313 = vector.shape_cast %get3A_312 : vector<1x16xf32> to vector<16xf32>
        %add3A_314 = arith.addf %add3A_305, %get3A_313 : vector<16xf32>
        %mul3A_315 = arith.constant 26 : i32
        %mul3A_316 = arith.muli %while3A_134, %mul3A_315 : i32
        %add3A_317 = arith.constant 20 : i32
        %add3A_318 = arith.addi %mul3A_316, %add3A_317 : i32
        %get3A_319 = arith.index_cast %add3A_318 : i32 to index
        %get3A_320 = arith.constant 0 : index
        %get3A_321 = tpu.vector_load %arg7[%get3A_319, %get3A_320] {strides = array<i32>} : memref<3328x16xf32, #tpu.memory_space<vmem>>, vector<1x16xf32>,
        %get3A_322 = vector.shape_cast %get3A_321 : vector<1x16xf32> to vector<16xf32>
        %add3A_323 = arith.addf %add3A_314, %get3A_322 : vector<16xf32>
        %mul3A_324 = arith.constant 26 : i32
        %mul3A_325 = arith.muli %while3A_134, %mul3A_324 : i32
        %add3A_326 = arith.constant 21 : i32
        %add3A_327 = arith.addi %mul3A_325, %add3A_326 : i32
        %get3A_328 = arith.index_cast %add3A_327 : i32 to index
        %get3A_329 = arith.constant 0 : index
        %get3A_330 = tpu.vector_load %arg7[%get3A_328, %get3A_329] {strides = array<i32>} : memref<3328x16xf32, #tpu.memory_space<vmem>>, vector<1x16xf32>,
        %get3A_331 = vector.shape_cast %get3A_330 : vector<1x16xf32> to vector<16xf32>
        %add3A_332 = arith.addf %add3A_323, %get3A_331 : vector<16xf32>
        %mul3A_333 = arith.constant 26 : i32
        %mul3A_334 = arith.muli %while3A_134, %mul3A_333 : i32
        %add3A_335 = arith.constant 22 : i32
        %add3A_336 = arith.addi %mul3A_334, %add3A_335 : i32
        %get3A_337 = arith.index_cast %add3A_336 : i32 to index
        %get3A_338 = arith.constant 0 : index
        %get3A_339 = tpu.vector_load %arg7[%get3A_337, %get3A_338] {strides = array<i32>} : memref<3328x16xf32, #tpu.memory_space<vmem>>, vector<1x16xf32>,
        %get3A_340 = vector.shape_cast %get3A_339 : vector<1x16xf32> to vector<16xf32>
        %add3A_341 = arith.addf %add3A_332, %get3A_340 : vector<16xf32>
        %mul3A_342 = arith.constant 26 : i32
        %mul3A_343 = arith.muli %while3A_134, %mul3A_342 : i32
        %add3A_344 = arith.constant 23 : i32
        %add3A_345 = arith.addi %mul3A_343, %add3A_344 : i32
        %get3A_346 = arith.index_cast %add3A_345 : i32 to index
        %get3A_347 = arith.constant 0 : index
        %get3A_348 = tpu.vector_load %arg7[%get3A_346, %get3A_347] {strides = array<i32>} : memref<3328x16xf32, #tpu.memory_space<vmem>>, vector<1x16xf32>,
        %get3A_349 = vector.shape_cast %get3A_348 : vector<1x16xf32> to vector<16xf32>
        %add3A_350 = arith.addf %add3A_341, %get3A_349 : vector<16xf32>
        %mul3A_351 = arith.constant 26 : i32
        %mul3A_352 = arith.muli %while3A_134, %mul3A_351 : i32
        %add3A_353 = arith.constant 24 : i32
        %add3A_354 = arith.addi %mul3A_352, %add3A_353 : i32
        %get3A_355 = arith.index_cast %add3A_354 : i32 to index
        %get3A_356 = arith.constant 0 : index
        %get3A_357 = tpu.vector_load %arg7[%get3A_355, %get3A_356] {strides = array<i32>} : memref<3328x16xf32, #tpu.memory_space<vmem>>, vector<1x16xf32>,
        %get3A_358 = vector.shape_cast %get3A_357 : vector<1x16xf32> to vector<16xf32>
        %add3A_359 = arith.addf %add3A_350, %get3A_358 : vector<16xf32>
        %mul3A_360 = arith.constant 26 : i32
        %mul3A_361 = arith.muli %while3A_134, %mul3A_360 : i32
        %add3A_362 = arith.constant 25 : i32
        %add3A_363 = arith.addi %mul3A_361, %add3A_362 : i32
        %get3A_364 = arith.index_cast %add3A_363 : i32 to index
        %get3A_365 = arith.constant 0 : index
        %get3A_366 = tpu.vector_load %arg7[%get3A_364, %get3A_365] {strides = array<i32>} : memref<3328x16xf32, #tpu.memory_space<vmem>>, vector<1x16xf32>,
        %get3A_367 = vector.shape_cast %get3A_366 : vector<1x16xf32> to vector<16xf32>
        %add3A_368 = arith.addf %add3A_359, %get3A_367 : vector<16xf32>
        %add3A_369 = arith.addf %add3A_368, %get3A_10 : vector<16xf32>
        %max3A = arith.constant 0.000000e+00 : f32
        %max3A_370 = vector.broadcast %max3A : f32 to vector<16xf32>
        %max3A_371 = arith.maximumf %add3A_369, %max3A_370 : vector<16xf32>
        %lt3A = arith.constant 0 : i32
        %lt3A_372 = vector.broadcast %lt3A : i32 to vector<16xi32>
        %lt3A_373 = arith.cmpi slt, %and3A_32, %lt3A_372 : vector<16xi32>
        %add3A_374 = arith.constant 16 : i32
        %add3A_375 = vector.broadcast %add3A_374 : i32 to vector<16xi32>
        %add3A_376 = arith.addi %and3A_32, %add3A_375 : vector<16xi32>
        %select_n3A = arith.select %lt3A_373, %add3A_376, %and3A_32 : vector<16xi1>, vector<16xi32>
        %broadcast_in_dim3A_377 = vector.shape_cast %select_n3A : vector<16xi32> to vector<16x1xi32>
        %gather3A = vector.shape_cast %broadcast_in_dim3A_377 : vector<16x1xi32> to vector<16xi32>
        %gather3A_378 = tpu.dynamic_gather %max3A_371[%gather3A] in [0] : vector<16xf32>, vector<16xi32> -> vector<16xf32>
        %mul3A_379 = arith.mulf %gather3A_378, %get3A_15 : vector<16xf32>
        %lt3A_380 = arith.constant 0 : i32
        %lt3A_381 = vector.broadcast %lt3A_380 : i32 to vector<16xi32>
        %lt3A_382 = arith.cmpi slt, %and3A_38, %lt3A_381 : vector<16xi32>
        %add3A_383 = arith.constant 16 : i32
        %add3A_384 = vector.broadcast %add3A_383 : i32 to vector<16xi32>
        %add3A_385 = arith.addi %and3A_38, %add3A_384 : vector<16xi32>
        %select_n3A_386 = arith.select %lt3A_382, %add3A_385, %and3A_38 : vector<16xi1>, vector<16xi32>
        %broadcast_in_dim3A_387 = vector.shape_cast %select_n3A_386 : vector<16xi32> to vector<16x1xi32>
        %gather3A_388 = vector.shape_cast %broadcast_in_dim3A_387 : vector<16x1xi32> to vector<16xi32>
        %gather3A_389 = tpu.dynamic_gather %mul3A_379[%gather3A_388] in [0] : vector<16xf32>, vector<16xi32> -> vector<16xf32>
        %add3A_390 = arith.addf %mul3A_379, %gather3A_389 : vector<16xf32>
        %lt3A_391 = arith.constant 0 : i32
        %lt3A_392 = vector.broadcast %lt3A_391 : i32 to vector<16xi32>
        %lt3A_393 = arith.cmpi slt, %and3A_44, %lt3A_392 : vector<16xi32>
        %add3A_394 = arith.constant 16 : i32
        %add3A_395 = vector.broadcast %add3A_394 : i32 to vector<16xi32>
        %add3A_396 = arith.addi %and3A_44, %add3A_395 : vector<16xi32>
        %select_n3A_397 = arith.select %lt3A_393, %add3A_396, %and3A_44 : vector<16xi1>, vector<16xi32>
        %broadcast_in_dim3A_398 = vector.shape_cast %select_n3A_397 : vector<16xi32> to vector<16x1xi32>
        %gather3A_399 = vector.shape_cast %broadcast_in_dim3A_398 : vector<16x1xi32> to vector<16xi32>
        %gather3A_400 = tpu.dynamic_gather %add3A_390[%gather3A_399] in [0] : vector<16xf32>, vector<16xi32> -> vector<16xf32>
        %add3A_401 = arith.addf %add3A_390, %gather3A_400 : vector<16xf32>
        %add3A_402 = arith.addf %add3A_401, %get3A_20 : vector<16xf32>
        %max3A_403 = arith.constant 0.000000e+00 : f32
        %max3A_404 = vector.broadcast %max3A_403 : f32 to vector<16xf32>
        %max3A_405 = arith.maximumf %add3A_402, %max3A_404 : vector<16xf32>
        %mul3A_406 = arith.mulf %max3A_405, %get3A_25 : vector<16xf32>
        %lt3A_407 = arith.constant 0 : i32
        %lt3A_408 = vector.broadcast %lt3A_407 : i32 to vector<16xi32>
        %lt3A_409 = arith.cmpi slt, %and3A_56, %lt3A_408 : vector<16xi32>
        %add3A_410 = arith.constant 16 : i32
        %add3A_411 = vector.broadcast %add3A_410 : i32 to vector<16xi32>
        %add3A_412 = arith.addi %and3A_56, %add3A_411 : vector<16xi32>
        %select_n3A_413 = arith.select %lt3A_409, %add3A_412, %and3A_56 : vector<16xi1>, vector<16xi32>
        %broadcast_in_dim3A_414 = vector.shape_cast %select_n3A_413 : vector<16xi32> to vector<16x1xi32>
        %gather3A_415 = vector.shape_cast %broadcast_in_dim3A_414 : vector<16x1xi32> to vector<16xi32>
        %gather3A_416 = tpu.dynamic_gather %mul3A_406[%gather3A_415] in [0] : vector<16xf32>, vector<16xi32> -> vector<16xf32>
        %add3A_417 = arith.addf %mul3A_406, %gather3A_416 : vector<16xf32>
        %lt3A_418 = arith.constant 0 : i32
        %lt3A_419 = vector.broadcast %lt3A_418 : i32 to vector<16xi32>
        %lt3A_420 = arith.cmpi slt, %and3A_50, %lt3A_419 : vector<16xi32>
        %add3A_421 = arith.constant 16 : i32
        %add3A_422 = vector.broadcast %add3A_421 : i32 to vector<16xi32>
        %add3A_423 = arith.addi %and3A_50, %add3A_422 : vector<16xi32>
        %select_n3A_424 = arith.select %lt3A_420, %add3A_423, %and3A_50 : vector<16xi1>, vector<16xi32>
        %broadcast_in_dim3A_425 = vector.shape_cast %select_n3A_424 : vector<16xi32> to vector<16x1xi32>
        %gather3A_426 = vector.shape_cast %broadcast_in_dim3A_425 : vector<16x1xi32> to vector<16xi32>
        %gather3A_427 = tpu.dynamic_gather %add3A_417[%gather3A_426] in [0] : vector<16xf32>, vector<16xi32> -> vector<16xf32>
        %add3A_428 = arith.addf %add3A_417, %gather3A_427 : vector<16xf32>
        %lt3A_429 = arith.constant 0 : i32
        %lt3A_430 = vector.broadcast %lt3A_429 : i32 to vector<16xi32>
        %lt3A_431 = arith.cmpi slt, %and3A_44, %lt3A_430 : vector<16xi32>
        %add3A_432 = arith.constant 16 : i32
        %add3A_433 = vector.broadcast %add3A_432 : i32 to vector<16xi32>
        %add3A_434 = arith.addi %and3A_44, %add3A_433 : vector<16xi32>
        %select_n3A_435 = arith.select %lt3A_431, %add3A_434, %and3A_44 : vector<16xi1>, vector<16xi32>
        %broadcast_in_dim3A_436 = vector.shape_cast %select_n3A_435 : vector<16xi32> to vector<16x1xi32>
        %gather3A_437 = vector.shape_cast %broadcast_in_dim3A_436 : vector<16x1xi32> to vector<16xi32>
        %gather3A_438 = tpu.dynamic_gather %add3A_428[%gather3A_437] in [0] : vector<16xf32>, vector<16xi32> -> vector<16xf32>
        %add3A_439 = arith.addf %add3A_428, %gather3A_438 : vector<16xf32>
        %lt3A_440 = arith.constant 0 : i32
        %lt3A_441 = vector.broadcast %lt3A_440 : i32 to vector<16xi32>
        %lt3A_442 = arith.cmpi slt, %and3A_38, %lt3A_441 : vector<16xi32>
        %add3A_443 = arith.constant 16 : i32
        %add3A_444 = vector.broadcast %add3A_443 : i32 to vector<16xi32>
        %add3A_445 = arith.addi %and3A_38, %add3A_444 : vector<16xi32>
        %select_n3A_446 = arith.select %lt3A_442, %add3A_445, %and3A_38 : vector<16xi1>, vector<16xi32>
        %broadcast_in_dim3A_447 = vector.shape_cast %select_n3A_446 : vector<16xi32> to vector<16x1xi32>
        %gather3A_448 = vector.shape_cast %broadcast_in_dim3A_447 : vector<16x1xi32> to vector<16xi32>
        %gather3A_449 = tpu.dynamic_gather %add3A_439[%gather3A_448] in [0] : vector<16xf32>, vector<16xi32> -> vector<16xf32>
        %add3A_450 = arith.addf %add3A_439, %gather3A_449 : vector<16xf32>
        %add3A_451 = arith.addf %add3A_450, %get3A_30 : vector<16xf32>
        %neg3A = arith.constant 0.000000e+00 : f32
        %neg3A_452 = vector.broadcast %neg3A : f32 to vector<16xf32>
        %neg3A_453 = arith.subf %neg3A_452, %add3A_451 : vector<16xf32>
        %exp3A = math.exp %neg3A_453 : vector<16xf32>
        %add3A_454 = arith.constant 1.000000e+00 : f32
        %add3A_455 = vector.broadcast %add3A_454 : f32 to vector<16xf32>
        %add3A_456 = arith.addf %add3A_455, %exp3A : vector<16xf32>
        %div3A = arith.constant 1.000000e+00 : f32
        %div3A_457 = vector.broadcast %div3A : f32 to vector<16xf32>
        %div3A_458 = arith.divf %div3A_457, %add3A_456 : vector<16xf32>
        %and3A_459 = arith.constant 15 : i32
        %and3A_460 = arith.andi %while3A_134, %and3A_459 : i32
        %eq3A = vector.broadcast %and3A_460 : i32 to vector<16xi32>
        %eq3A_461 = arith.cmpi eq, %iota3A, %eq3A : vector<16xi32>
        %select_n3A_462 = arith.select %eq3A_461, %div3A_458, %while3A_135 : vector<16xi1>, vector<16xf32>
        scf.yield %select_n3A_462 : vector<16xf32>
      }
      %mul3A_127 = arith.constant 16 : i32
      %mul3A_128 = arith.muli %scan3A_110, %mul3A_127 : i32
      %add3A_129 = arith.constant 384 : i32
      %add3A_130 = arith.addi %add3A_129, %mul3A_128 : i32
      %swap3A = arith.index_cast %add3A_130 : i32 to index
      %swap3A_131 = tpu.vector_load %arg9[%swap3A] {strides = array<i32>} : memref<512xf32, #tpu.memory_space<vmem>>, vector<16xf32>,
      %swap3A_132 = vector.shape_cast %swap3A_131 : vector<16xf32> to vector<16xf32>
      %swap3A_133 = vector.shape_cast %while3A_126 : vector<16xf32> to vector<16xf32>
      tpu.vector_store %arg9[%swap3A], %swap3A_133 {strides = array<i32>} : memref<512xf32, #tpu.memory_space<vmem>>, vector<16xf32>,
    }
    %scan3A_109 = arith.constant 8 : i32
    "tpu.region"() ({
      %run_scoped3A = tpu.sem_alloc : memref<!tpu.dma_semaphore, #tpu.memory_space<semaphore_mem>>
      %dma_start3A_110 = tpu.memref_slice %arg5[%mul3A_6] : memref<16384xf32, #tpu.memory_space<hbm>> -> memref<512xf32, #tpu.memory_space<hbm>>
      %dma_start3A_111 = tpu.memref_slice %arg5[%mul3A_6] : memref<16384xf32, #tpu.memory_space<hbm>> -> memref<512xf32, #tpu.memory_space<hbm>>
      tpu.enqueue_dma source(%arg9 : memref<512xf32, #tpu.memory_space<vmem>>) target(%dma_start3A_111 : memref<512xf32, #tpu.memory_space<hbm>>) target_semaphore(%run_scoped3A : memref<!tpu.dma_semaphore, #tpu.memory_space<semaphore_mem>>)
      %dma_wait3A_112 = tpu.memref_slice %arg5[%mul3A_6] : memref<16384xf32, #tpu.memory_space<hbm>> -> memref<512xf32, #tpu.memory_space<hbm>>
      %dma_wait3A_113 = tpu.memref_slice %arg5[%mul3A_6] : memref<16384xf32, #tpu.memory_space<hbm>> -> memref<512xf32, #tpu.memory_space<hbm>>
      tpu.wait_dma2 semaphore(%run_scoped3A : memref<!tpu.dma_semaphore, #tpu.memory_space<semaphore_mem>>) src(%arg9 : memref<512xf32, #tpu.memory_space<vmem>>) dst(%dma_wait3A_113 : memref<512xf32, #tpu.memory_space<hbm>>)
      tpu.yield
    }) : () -> ()
    return
  }
}

module attributes {stable_mosaic.version = 14 : i64} {
  func.func @_tprime_body(%arg0: i32, %arg1: memref<16x8192xf32, #tpu.memory_space<vmem>>, %arg2: memref<432x16xf32, #tpu.memory_space<vmem>>, %arg3: memref<1024x128xf32, #tpu.memory_space<vmem>>) attributes {dimension_semantics = [#tpu.dimension_semantics<arbitrary>], iteration_bounds = array<i64: 318>, scalar_prefetch = 0 : i64, scratch_operands = 0 : i64, tpu.core_type = #tpu.core_type<tc>, window_params = [{transform_indices = @transform_0, window_bounds = array<i64: 16, 8192>}, {pipeline_mode = #tpu.pipeline_mode<synchronous>, transform_indices = @transform_1, window_bounds = array<i64: 432, 16>}, {transform_indices = @transform_2, window_bounds = array<i64: 1024, 128>}]} {
    %mul3A = arith.constant 8192 : i32
    %mul3A_0 = arith.muli %arg0, %mul3A : i32
    %jit3A = arith.constant 100000 : i32
    %div3A = arith.divsi %mul3A_0, %jit3A : i32
    %sign3A = arith.constant 0 : i32
    %sign3A_1 = arith.cmpi sgt, %mul3A_0, %sign3A : i32
    %sign3A_2 = arith.extui %sign3A_1 : i1 to i32
    %sign3A_3 = arith.constant 0 : i32
    %sign3A_4 = arith.cmpi slt, %mul3A_0, %sign3A_3 : i32
    %sign3A_5 = arith.extui %sign3A_4 : i1 to i32
    %sign3A_6 = arith.subi %sign3A_2, %sign3A_5 : i32
    %sign3A_7 = arith.constant 0 : i32
    %sign3A_8 = arith.cmpi sgt, %jit3A, %sign3A_7 : i32
    %sign3A_9 = arith.extui %sign3A_8 : i1 to i32
    %sign3A_10 = arith.constant 0 : i32
    %sign3A_11 = arith.cmpi slt, %jit3A, %sign3A_10 : i32
    %sign3A_12 = arith.extui %sign3A_11 : i1 to i32
    %sign3A_13 = arith.subi %sign3A_9, %sign3A_12 : i32
    %ne3A = arith.cmpi ne, %sign3A_6, %sign3A_13 : i32
    %rem3A = arith.remsi %mul3A_0, %jit3A : i32
    %ne3A_14 = arith.constant 0 : i32
    %ne3A_15 = arith.cmpi ne, %rem3A, %ne3A_14 : i32
    %and3A = arith.andi %ne3A, %ne3A_15 : i1
    %sub3A = arith.constant 1 : i32
    %sub3A_16 = arith.subi %div3A, %sub3A : i32
    %select_n3A = arith.select %and3A, %sub3A_16, %div3A : i32
    %add3A = arith.constant 1 : i32
    %add3A_17 = arith.addi %select_n3A, %add3A : i32
    %mul3A_18 = arith.constant 100000 : i32
    %mul3A_19 = arith.muli %add3A_17, %mul3A_18 : i32
    %get3A = arith.constant 0 : index
    %get3A_20 = arith.constant 0 : index
    %get3A_21 = vector.load %arg1[%get3A, %get3A_20] : memref<16x8192xf32, #tpu.memory_space<vmem>>, vector<16x8192xf32>
    %mul3A_22 = arith.constant 16 : i32
    %mul3A_23 = arith.muli %select_n3A, %mul3A_22 : i32
    %get3A_24 = arith.index_cast %mul3A_23 : i32 to index
    %get3A_25 = arith.constant 0 : index
    %get3A_26 = vector.load %arg2[%get3A_24, %get3A_25] : memref<432x16xf32, #tpu.memory_space<vmem>>, vector<16x16xf32>
    %add3A_27 = arith.constant 1 : i32
    %add3A_28 = arith.addi %select_n3A, %add3A_27 : i32
    %min3A = arith.constant 26 : i32
    %min3A_29 = arith.minsi %add3A_28, %min3A : i32
    %mul3A_30 = arith.constant 16 : i32
    %mul3A_31 = arith.muli %min3A_29, %mul3A_30 : i32
    %get3A_32 = arith.index_cast %mul3A_31 : i32 to index
    %get3A_33 = arith.constant 0 : index
    %get3A_34 = vector.load %arg2[%get3A_32, %get3A_33] : memref<432x16xf32, #tpu.memory_space<vmem>>, vector<16x16xf32>
    %dot_general3A = arith.constant dense<0.000000e+00> : vector<8192x16xf32>
    %dot_general3A_35 = tpu.matmul %get3A_21, %get3A_26, %dot_general3A {dimension_numbers = #tpu.dot_dimension_numbers<[0], [0], [1], [1], [0, 1, 1, 1], [], []>, transpose_lhs_hint = false} : vector<16x8192xf32>, vector<16x16xf32>, vector<8192x16xf32> -> vector<8192x16xf32>
    %dot_general3A_36 = arith.constant dense<0.000000e+00> : vector<8192x16xf32>
    %dot_general3A_37 = tpu.matmul %get3A_21, %get3A_34, %dot_general3A_36 {dimension_numbers = #tpu.dot_dimension_numbers<[0], [0], [1], [1], [0, 1, 1, 1], [], []>, transpose_lhs_hint = false} : vector<16x8192xf32>, vector<16x16xf32>, vector<8192x16xf32> -> vector<8192x16xf32>
    %iota3A = tpu.iota {dimensions = array<i32: 0>} : vector<8192x1xi32>
    %add3A_38 = vector.broadcast %mul3A_0 : i32 to vector<8192x1xi32>
    %add3A_39 = arith.addi %add3A_38, %iota3A : vector<8192x1xi32>
    %lt3A = vector.broadcast %mul3A_19 : i32 to vector<8192x1xi32>
    %lt3A_40 = arith.cmpi slt, %add3A_39, %lt3A : vector<8192x1xi32>
    %broadcast_in_dim3A = vector.shape_cast %lt3A_40 : vector<8192x1xi1> to vector<8192x1xi1>
    %broadcast_in_dim3A_41 = vector.broadcast %broadcast_in_dim3A : vector<8192x1xi1> to vector<8192x16xi1>
    %select_n3A_42 = arith.select %broadcast_in_dim3A_41, %dot_general3A_35, %dot_general3A_37 : vector<8192x16xi1>, vector<8192x16xf32>
    %slice3A = vector.extract_strided_slice %select_n3A_42 {offsets = [0, 0], sizes = [1024, 16], strides = [1, 1]} : vector<8192x16xf32> to vector<1024x16xf32>
    %swap3A = arith.constant 0 : index
    %swap3A_43 = arith.constant 0 : index
    %swap3A_44 = vector.load %arg3[%swap3A, %swap3A_43] : memref<1024x128xf32, #tpu.memory_space<vmem>>, vector<1024x16xf32>
    tpu.vector_store %arg3[%swap3A, %swap3A_43], %slice3A {strides = array<i32>} : memref<1024x128xf32, #tpu.memory_space<vmem>>, vector<1024x16xf32>,
    %slice3A_45 = vector.extract_strided_slice %select_n3A_42 {offsets = [1024, 0], sizes = [1024, 16], strides = [1, 1]} : vector<8192x16xf32> to vector<1024x16xf32>
    %swap3A_46 = arith.constant 0 : index
    %swap3A_47 = arith.constant 16 : index
    %swap3A_48 = vector.load %arg3[%swap3A_46, %swap3A_47] : memref<1024x128xf32, #tpu.memory_space<vmem>>, vector<1024x16xf32>
    tpu.vector_store %arg3[%swap3A_46, %swap3A_47], %slice3A_45 {strides = array<i32>} : memref<1024x128xf32, #tpu.memory_space<vmem>>, vector<1024x16xf32>,
    %slice3A_49 = vector.extract_strided_slice %select_n3A_42 {offsets = [2048, 0], sizes = [1024, 16], strides = [1, 1]} : vector<8192x16xf32> to vector<1024x16xf32>
    %swap3A_50 = arith.constant 0 : index
    %swap3A_51 = arith.constant 32 : index
    %swap3A_52 = vector.load %arg3[%swap3A_50, %swap3A_51] : memref<1024x128xf32, #tpu.memory_space<vmem>>, vector<1024x16xf32>
    tpu.vector_store %arg3[%swap3A_50, %swap3A_51], %slice3A_49 {strides = array<i32>} : memref<1024x128xf32, #tpu.memory_space<vmem>>, vector<1024x16xf32>,
    %slice3A_53 = vector.extract_strided_slice %select_n3A_42 {offsets = [3072, 0], sizes = [1024, 16], strides = [1, 1]} : vector<8192x16xf32> to vector<1024x16xf32>
    %swap3A_54 = arith.constant 0 : index
    %swap3A_55 = arith.constant 48 : index
    %swap3A_56 = vector.load %arg3[%swap3A_54, %swap3A_55] : memref<1024x128xf32, #tpu.memory_space<vmem>>, vector<1024x16xf32>
    tpu.vector_store %arg3[%swap3A_54, %swap3A_55], %slice3A_53 {strides = array<i32>} : memref<1024x128xf32, #tpu.memory_space<vmem>>, vector<1024x16xf32>,
    %slice3A_57 = vector.extract_strided_slice %select_n3A_42 {offsets = [4096, 0], sizes = [1024, 16], strides = [1, 1]} : vector<8192x16xf32> to vector<1024x16xf32>
    %swap3A_58 = arith.constant 0 : index
    %swap3A_59 = arith.constant 64 : index
    %swap3A_60 = vector.load %arg3[%swap3A_58, %swap3A_59] : memref<1024x128xf32, #tpu.memory_space<vmem>>, vector<1024x16xf32>
    tpu.vector_store %arg3[%swap3A_58, %swap3A_59], %slice3A_57 {strides = array<i32>} : memref<1024x128xf32, #tpu.memory_space<vmem>>, vector<1024x16xf32>,
    %slice3A_61 = vector.extract_strided_slice %select_n3A_42 {offsets = [5120, 0], sizes = [1024, 16], strides = [1, 1]} : vector<8192x16xf32> to vector<1024x16xf32>
    %swap3A_62 = arith.constant 0 : index
    %swap3A_63 = arith.constant 80 : index
    %swap3A_64 = vector.load %arg3[%swap3A_62, %swap3A_63] : memref<1024x128xf32, #tpu.memory_space<vmem>>, vector<1024x16xf32>
    tpu.vector_store %arg3[%swap3A_62, %swap3A_63], %slice3A_61 {strides = array<i32>} : memref<1024x128xf32, #tpu.memory_space<vmem>>, vector<1024x16xf32>,
    %slice3A_65 = vector.extract_strided_slice %select_n3A_42 {offsets = [6144, 0], sizes = [1024, 16], strides = [1, 1]} : vector<8192x16xf32> to vector<1024x16xf32>
    %swap3A_66 = arith.constant 0 : index
    %swap3A_67 = arith.constant 96 : index
    %swap3A_68 = vector.load %arg3[%swap3A_66, %swap3A_67] : memref<1024x128xf32, #tpu.memory_space<vmem>>, vector<1024x16xf32>
    tpu.vector_store %arg3[%swap3A_66, %swap3A_67], %slice3A_65 {strides = array<i32>} : memref<1024x128xf32, #tpu.memory_space<vmem>>, vector<1024x16xf32>,
    %slice3A_69 = vector.extract_strided_slice %select_n3A_42 {offsets = [7168, 0], sizes = [1024, 16], strides = [1, 1]} : vector<8192x16xf32> to vector<1024x16xf32>
    %swap3A_70 = arith.constant 0 : index
    %swap3A_71 = arith.constant 112 : index
    %swap3A_72 = vector.load %arg3[%swap3A_70, %swap3A_71] : memref<1024x128xf32, #tpu.memory_space<vmem>>, vector<1024x16xf32>
    tpu.vector_store %arg3[%swap3A_70, %swap3A_71], %slice3A_69 {strides = array<i32>} : memref<1024x128xf32, #tpu.memory_space<vmem>>, vector<1024x16xf32>,
    return
  }
  func.func @transform_0(%arg0: i32) -> (i32, i32) {
    %c0_i32 = arith.constant 0 : i32
    %c0_i32_0 = arith.constant 0 : i32
    return %c0_i32, %arg0 : i32, i32
  }
  func.func @transform_1(%arg0: i32) -> (i32, i32) {
    %c0_i32 = arith.constant 0 : i32
    %c0_i32_0 = arith.constant 0 : i32
    %c0_i32_1 = arith.constant 0 : i32
    return %c0_i32, %c0_i32_0 : i32, i32
  }
  func.func @transform_2(%arg0: i32) -> (i32, i32) {
    %c0_i32 = arith.constant 0 : i32
    %c0_i32_0 = arith.constant 0 : i32
    return %arg0, %c0_i32 : i32, i32
  }
}

</mosaic_0001>

<sc_bundles>
// kernel: kernel.4.cloned.1.call-start
scs
__scs_entry_jumppad:
0x0: {  	(pc) =	sbr.rel $0x88, $3  }
0x1: {  	(tag) =	ssettag $0x0;
	lr =	simm.s32 $0x1  }
0x2: {  	[smem:$0x3F99] =	sst lr;
	_ =	strace $0xD0000000  }
0x3: {  	_ = 	snop  }
0x4: {  	_ = 	snop  }
0x5: {  	_ = 	snop  }
0x6: {  	_ = 	snop  }
0x7: {  	_ = 	snop  }
__scs_overlays_trampoline_lowered:
0x8: {  	[smem:$0x3FA8] =	sst s0  }
0x9: {  	[smem:$0x3FA9] =	sst s1  }
0xa: {  	[smem:$0x3FAA] =	sst s2  }
0xb: {  	[smem:$0x3FAB] =	sst s3  }
0xc: {  	[smem:$0x3FAC] =	sst s4  }
0xd: {  	[smem:$0x3FAD] =	sst s5  }
0xe: {  	[smem:$0x3FAE] =	sst s6  }
0xf: {  	[smem:$0x3FAF] =	sst s7  }
0x10: {  	[smem:$0x3FB0] =	sst s8  }
0x11: {  	[smem:$0x3FB1] =	sst s9;
	s0 =	simm.s32 @!p0 $0x0  }
0x12: {  	s1 =	sld [smem:$0x3F97];
	s0 =	simm.s32 @p0 $0x1  }
0x13: {  	[smem:$0x3FB2] =	sst s0;
	s0 =	simm.s32 @!p1 $0x0  }
0x14: {  	s2 =	sld [smem:$0x3F96];
	s0 =	simm.s32 @p1 $0x1  }
0x15: {  	[smem:$0x3FB3] =	sst s0;
	s0 =	simm.s32 @!p2 $0x0  }
0x16: {  	s3 =	sld [smem:$0x3FDB];
	s0 =	simm.s32 @p2 $0x1  }
0x17: {  	s4 =	simm.s32 $0x1BF5;
	[smem:$0x3FB5] =	sst s0  }
0x18: {  	s0 =	sld [smem:$0x3F98];
	_ =	swait.ge [sflag:s4], $0x0  }
0x19: {  	s7 =	sld [smem:$0x3F99]  }
0x1a: {  	s8 =	sadd.s32 $0xFFFFE003, lr  }
0x1b: {  	s9 =	sadd.s32 $0xFFFFFEF7, lr;
	s5 =	simm.s32 $0xFFFFFFFF;
	p2 =	slt.u32 s8, $0xFFFFF086  }
0x1c: {  	p1 =	slt.u32 s9, $0xF7A;
	s5 =	simm.s32 @!p2 $0x0  }
0x1d: {  	s5 =	simm.s32 @p1 $0x1;
	p0 =	seq.s32 s7, s2  }
0x1e: {  	s7 =	smul.u32 @!p0 $0xF7A, s2;
	p2 =	seq.s32 @!p0 s5, $0x0  }
0x1f: {  	s9 =	smul.u32 $0xF7A, s1;
	s8 =	simm.s32 @!p0 $0x1BF5;
	p2 =	por !p2, p0  }
0x20: {  	[sflag:s8] =	ssyncset.s32 @!p0 $0xFFFFF086;
	s6 =	sadd.s32 @!p0 s3, s7;
	s7 =	simm.s32 @!p0 $0x108  }
0x21: {  	s3 =	sadd.s32 s3, s9;
	s6 =	sadd.s32 @!p0 $0x88, s6;
	s7 =	simm.s32 @p2 $0x1082  }
0x22: {  	[simem:s7], [sflag:s8] =	dma.local @!p0 [hbm:s6], $0xF7A  }
0x23: {  	s9 =	sor.u32 $0xD0000000, s2;
	s6 =	simm.s32 $0x108;
	_ =	swait.ge @!p0 [sflag:s8], $0x0  }
0x24: {  	s3 =	sadd.s32 $0x88, s3;
	s6 =	simm.s32 @!p1 $0x1082;
	[sflag:s4] =	ssyncset.s32 $0xFFFFF086  }
0x25: {  	[simem:s6], [sflag:s4] =	dma.local [hbm:s3], $0xF7A  }
0x26: {  	[smem:$0x3F99] =	sst s1;
	(tag) =	ssettag s2;
	_ =	strace s9  }
0x27: {  	s1 =	sld [smem:$0x3FA9]  }
0x28: {  	s2 =	sld [smem:$0x3FAA]  }
0x29: {  	s4 =	sld [smem:$0x3FAC]  }
0x2a: {  	p0 =	seq.s32 s5, $0x0;
	s5 =	sld [smem:$0x3FAD]  }
0x2b: {  	s6 =	sld [smem:$0x3FAE]  }
0x2c: {  	s7 =	sld [smem:$0x3FAF]  }
0x2d: {  	s3 =	simm.s32 $0x108;
	s8 =	sld [smem:$0x3FB0]  }
0x2e: {  	s3 =	simm.s32 @!p0 $0x1082;
	s9 =	sld [smem:$0x3FB1]  }
0x2f: {  	lr =	sadd.s32 s0, s3;
	s0 =	sld [smem:$0x3FA8]  }
0x30: {  	s3 =	sld [smem:$0x3FAB]  }
0x31: {  	[smem:$0x3FB4] =	sst s10  }
0x32: {  	s10 =	sld [smem:$0x3FB2];
	_ =	sdelay $0x3  }
0x33: {  	p0 =	seq.s32 s10, $0x1;
	s10 =	sld [smem:$0x3FB4];
	_ =	sdelay $0x3  }
0x34: {  	[smem:$0x3FB4] =	sst s10  }
0x35: {  	s10 =	sld [smem:$0x3FB3];
	_ =	sdelay $0x3  }
0x36: {  	p1 =	seq.s32 s10, $0x1;
	s10 =	sld [smem:$0x3FB4];
	_ =	sdelay $0x3  }
0x37: {  	[smem:$0x3FB4] =	sst s10  }
0x38: {  	s10 =	sld [smem:$0x3FB5]  }
0x39: {  	_ = 	snop;
	(pc) =	sbr.ind lr, $3  }
0x3a: {  	_ = 	snop  }
0x3b: {  	_ = 	snop  }
0x3c: {  	p2 =	seq.s32 s10, $0x1;
	s10 =	sld [smem:$0x3FB4]  }
0x3d: {  	_ =	shalt  }
0x3e: {  	_ =	shalt  }
0x3f: {  	_ =	shalt  }
0x40: {  	_ =	shalt  }
0x41: {  	_ =	shalt  }
0x42: {  	_ =	shalt  }
0x43: {  	_ =	shalt  }
0x44: {  	_ =	shalt  }
0x45: {  	_ =	shalt  }
0x46: {  	_ =	shalt  }
0x47: {  	_ =	shalt  }
0x48: {  	_ =	shalt  }
0x49: {  	_ =	shalt  }
0x4a: {  	_ =	shalt  }
0x4b: {  	_ =	shalt  }
0x4c: {  	_ =	shalt  }
0x4d: {  	_ =	shalt  }
0x4e: {  	_ =	shalt  }
0x4f: {  	_ =	shalt  }
0x50: {  	_ =	shalt  }
0x51: {  	_ =	shalt  }
0x52: {  	_ =	shalt  }
0x53: {  	_ =	shalt  }
0x54: {  	_ =	shalt  }
0x55: {  	_ =	shalt  }
0x56: {  	_ =	shalt  }
0x57: {  	_ =	shalt  }
0x58: {  	_ =	shalt  }
0x59: {  	_ =	shalt  }
0x5a: {  	_ =	shalt  }
0x5b: {  	_ =	shalt  }
0x5c: {  	_ =	shalt  }
0x5d: {  	_ =	shalt  }
0x5e: {  	_ =	shalt  }
0x5f: {  	_ =	shalt  }
0x60: {  	_ =	shalt  }
0x61: {  	_ =	shalt  }
0x62: {  	_ =	shalt  }
0x63: {  	_ =	shalt  }
0x64: {  	_ =	shalt  }
0x65: {  	_ =	shalt  }
0x66: {  	_ =	shalt  }
0x67: {  	_ =	shalt  }
0x68: {  	_ =	shalt  }
0x69: {  	_ =	shalt  }
0x6a: {  	_ =	shalt  }
0x6b: {  	_ =	shalt  }
0x6c: {  	_ =	shalt  }
0x6d: {  	_ =	shalt  }
0x6e: {  	_ =	shalt  }
0x6f: {  	_ =	shalt  }
0x70: {  	_ =	shalt  }
0x71: {  	_ =	shalt  }
0x72: {  	_ =	shalt  }
0x73: {  	_ =	shalt  }
0x74: {  	_ =	shalt  }
0x75: {  	_ =	shalt  }
0x76: {  	_ =	shalt  }
0x77: {  	_ =	shalt  }
0x78: {  	_ =	shalt  }
0x79: {  	_ =	shalt  }
0x7a: {  	_ =	shalt  }
0x7b: {  	_ =	shalt  }
0x7c: {  	_ =	shalt  }
0x7d: {  	_ =	shalt  }
0x7e: {  	_ =	shalt  }
0x7f: {  	_ =	shalt  }
0x80: {  	_ =	shalt  }
0x81: {  	_ =	shalt  }
0x82: {  	_ =	shalt  }
0x83: {  	_ =	shalt  }
0x84: {  	_ =	shalt  }
0x85: {  	_ =	shalt  }
0x86: {  	_ =	shalt  }
0x87: {  	_ =	shalt  }
.Lfunc_end0:
.L_simem_size_0:
called_computation_lowered:
.L_overlay_start_0:
0x88: {  	s2 =	sld [smem:$0x3FD9]  }
0x89: {  	s3 =	sld [smem:$0x3FFE];
	_ =	sdelay $0x1  }
0x8a: {  	s1 =	srdreg.scid  }
0x8b: {  	s0 =	sand.u32 $0x1, s1  }
0x8c: {  	s17 =	sshll.u32 s0, $0xA;
	s2 =	sadd.s32 s3, s2  }
0x8d: {  	s2 =	sadd.s32 s2, s17  }
0x8e: {  	[smem:$0x3FC0] =	sst s2  }
0x8f: {  	_ = 	snop  }
0x90: {  	s2 =	sld [smem:$0x3FD0];
	(tm) =	ssettm $0x1  }
0x91: {  	s18 =	sld [smem:$0x3FFB];
	_ =	sdelay $0x3  }
0x92: {  	_ =	strace s18  }
0x93: {  	s3 =	sld [smem:$0x3FFC];
	_ =	sdelay $0x3  }
0x94: {  	_ =	strace s3  }
0x95: {  	s3 =	sld [smem:$0x3FFD];
	_ =	sdelay $0x3  }
0x96: {  	_ =	strace s3  }
0x97: {  	_ =	strace $0x8FFFFFFF  }
0x98: {  	s19 =	sld [smem:$0x3FDB];
	_ =	sdelay $0x1  }
0x99: {  	s4 =	simm.s32 $_scs_section_size  }
0x9a: {  	s5 =	simm.s32 $_size__tile_overlayer_lowered;
	s6 =	simm.s32 $_tile_overlayer_lowered  }
0x9b: {  	s22 =	simm.s32 $0x1BFF;
	s21 =	sshll.u32 s6, $0x1;
	s3 =	sadd.s32 s4, s19  }
0x9c: {  	s7 =	simm.s32 $0x0;
	s20 =	sshll.u32 s5, $0x1;
	s5 =	sadd.s32 s21, s3  }
0x9d: {  	[timem:s7], [sflag:s22] =	dma.local [hbm:s5], s20  }
0x9e: {  	_ =	swait.ge [sflag:s22], s20  }
0x9f: {  	s4 =	ssub.s32 $0x0, s20;
	[sflag:s22] =	ssyncset.done $0x0  }
0xa0: {  	[sflag:s22] =	ssyncadd.s32 s4;
	_ =	sdelay $0x1  }
0xa1: {  	s23 =	simm.s32 $0x1B8B  }
0xa2: {  	_ =	swait.ge [sflag:s23], $0x1  }
0xa3: {  	[sflag:s23] =	ssyncset.done $0x0  }
0xa4: {  	s25 =	simm.s32 $0x1B8E;
	s24 =	sld [smem:$0x3FFE];
	[sflag:s23] =	ssyncadd.s32 $0xFFFFFFFF  }
0xa5: {  	s26 =	simm.s32 $execute0_lowered;
	[smem:$0x3FD2] =	sst s25  }
0xa6: {  	s5 =	sshll.u32 s26, $0x1;
	_ =	strace $0x80000046;
	[dreg:$0x1] =	wrdreg $0xFFFFFFFF  }
0xa7: {  	s28 =	simm.s32 $_size_execute0_lowered;
	s3 =	sadd.s32 s3, s5;
	[dreg:$0x0] =	wrdreg $0x0  }
0xa8: {  	s5 =	sshll.u32 s28, $0x1;
	[dreg:$0x2] =	wrdreg s3  }
0xa9: {  	[dreg:$0x3] =	wrdreg s5  }
0xaa: {  	[dreg:$0x4] =	wrdreg $0xC0  }
0xab: {  	_ =	task [dreg:s7], $0x5FFFF  }
0xac: {  	[dreg:$0x1] =	wrdreg $0xFFFFFFFF  }
0xad: {  	[dreg:$0x0] =	wrdreg $0x60  }
0xae: {  	[dreg:$0x2] =	wrdreg s24  }
0xaf: {  	[dreg:$0x3] =	wrdreg s2  }
0xb0: {  	[dreg:$0x4] =	wrdreg $0x9  }
0xb1: {  	_ =	task.clear_ibuf [dreg:s7], $0x5FFFF;
	_ =	strace $0x90000046  }
0xb2: {  	s29 =	simm.s32 $0x9;
	_ =	strace $0x80000048  }
0xb3: {  	_ =	swait.ge [sflag:s29], $0x1  }
0xb4: {  	[sflag:s29] =	ssyncadd.s32 $0xFFFFFFFF  }
0xb5: {  	_ =	strace $0x90000048  }
0xb6: {  	_ =	sfence  }
0xb7: {  	s30 =	sld [smem:$0x0];
	_ =	sdelay $0x2  }
0xb8: {  	s31 =	sshll.u32 s1, $0xD;
	s1 =	sshrl.u32 s1, $0x2  }
0xb9: {  	s3 =	sand.u32 $0x4000, s31;
	s1 =	sadd.s32 s1, s30  }
0xba: {  	s0 =	sor.u32 s3, s0;
	s1 =	sshll.u32 s1, $0x11  }
0xbb: {  	s0 =	sor.u32 s1, s0  }
0xbc: {  	s0 =	sadd.s32 $0x8F2B, s0  }
0xbd: {  	[sflag:s0] =	ssyncadd.remote.s32 $0x1  }
0xbe: {  	_ =	sfence.sel $0xFFFF  }
0xbf: {  	[dreg:$0x0] =	wrdreg $0xFFFFFFFF;
	(pc) =	sbr.abs _section_cstart, $3  }
0xc0: {  	[dreg:$0x1] =	wrdreg $0xFFFFFFFF  }
0xc1: {  	_ =	task.clear_ibuf [dreg:s7], $0x2FFFF;
	_ =	strace $0x9FFFFFFF  }
0xc2: {  	(tm) =	ssettm $0x7FFFFFFF  }
0xc3: {  	_ =	shalt  }
tec
execute0_lowered:
.L_overlay_start_1:
0x0: {  	(tag) =	ssettag $0x1  }
0x1: {  	v0 =	vimm.s32 $0xFEDCBA9;
	v1 =	vimm.s32 $0x87654321  }
0x2: {  	s1 =	srdreg.scid;
	s4 =	rddreg [dreg:$0x0];
	v2 =	vimm.s32 $0x10FEDCBA;
	v0 =	vunpack.c.l.s4.s8 v0;
	v1 =	vunpack.c.l.s4.s8 v1  }
0x3: {  	s0 =	stileid.u32;
	s9 =	rddreg [dreg:$0x1];
	v3 =	vimm.s32 $0x98765432;
	s2 =	simm.s32 $0x0;
	v5 =	vimm.s32 $0x3210FEDC;
	v6 =	vimm.s32 $0xBA987654  }
0x4: {  	s13 =	simm.s32 $0xD00;
	s14 =	simm.s32 $0x1;
	s15 =	simm.s32 $0xDD50;
	v2 =	vunpack.c.l.s4.s8 v2;
	v0 =	vunpack.c.0.s8.s32 v0;
	v1 =	vunpack.c.0.s8.s32 v1  }
0x5: {  	s3 =	sand.u32 $0x1, s1;
	s30 =	sshll.u32 s0, $0x1;
	s1 =	rddreg [dreg:$0x2];
	v3 =	vunpack.c.l.s4.s8 v3;
	v5 =	vunpack.c.l.s4.s8 v5;
	v6 =	vunpack.c.l.s4.s8 v6  }
0x6: {  	s16 =	simm.s32 $0x0;
	[smem:$0x7FF] =	sst s2;
	s8 =	sor.u32 s3, s30;
	v4 =	vcombine.low v1, v0;
	v0 =	vunpack.c.0.s8.s32 v2;
	v1 =	vimm.s32 $0xFEDCBA98  }
0x7: {  	_ =	strace $0x80000047;
	s6 =	ssub.s32 $0x2, s3;
	s5 =	smul.u32 $0x3400, s8;
	v2 =	vunpack.c.0.s8.s32 v3;
	v3 =	vimm.s32 $0x76543210;
	v1 =	vunpack.c.l.s4.s8 v1  }
0x8: {  	s3 =	sadd.s32 $0xDA00, s4;
	s31 =	sshrl.u32 s6, $0x1;
	s12 =	sshll.u32 s8, $0x6;
	v5 =	vunpack.c.0.s8.s32 v5;
	v6 =	vunpack.c.0.s8.s32 v6;
	v3 =	vunpack.c.l.s4.s8 v3  }
0x9: {  	s11 =	ssub.s32 s6, s31;
	s9 =	sadd.s32 s9, s12;
	s5 =	sshrl.u32 s5, $0x3;
	v1 =	vunpack.c.0.s8.s32 v1  }
0xa: {  	s12 =	simm.s32 $0x2;
	v5 =	vcombine.low v6, v5;
	s10 =	sadd.s32 s5, s4;
	s4 =	sadd.s32 $0xD800, s4;
	v7 =	vcombine.low v2, v0;
	v2 =	vunpack.c.0.s8.s32 v3  }
0xb: {  	s5 =	sadd.s32 $0x800, s10;
	s6 =	sadd.s32 $0x9A0, s10;
	s7 =	sadd.s32 $0xB40, s10;
	v0 =	vlaneseq.u32;
	v3 =	vand.u32 $0xF, v4;
	v1 =	vand.u32 $0xF, v1  }
0xc: {  	s8 =	sadd.s32 $0xCE0, s10;
	s10 =	smax.u32 s11, $0x1;
	s11 =	simm.s32 $0xDD00;
	v4 =	vand.u32 $0xF, v7;
	v1 =	vcombine.low v1, v2;
	v2 =	vand.u32 $0x3, v0  }
.LBB2_1:
0xd: {  	[tilespmem:s11], [sflag:$0x2] =	stream.linear.gather [hbm4b:s4+s2], $0x50, $0x38;
	[tilespmem:$0xDF50] =	vst v63  }
0xe: {  	_ =	swait.ge [sflag:s12], $0x50  }
0xf: {  	[sflag:s12] =	ssyncset.done $0x0  }
0x10: {  	[sflag:s12] =	ssyncadd.s32 $0xFFFFFFB0  }
0x11: {  	v6 =	vld [tilespmem:$0xDD00]  }
0x12: {  	v7 =	vld [tilespmem:$0xDD10]  }
0x13: {  	v8 =	vld [tilespmem:$0xDD20]  }
0x14: {  	v9 =	vld [tilespmem:$0xDD30]  }
0x15: {  	v10 =	vld [tilespmem:$0xDD40];
	[tilespmem:s2], [sflag:$0x2] =	stream.linear.gather [hbm4b:s5+s2], $0xD00, $0x38  }
0x16: {  	_ =	swait.ge [sflag:s12], $0xD00  }
0x17: {  	[sflag:s12] =	ssyncset.done $0x0  }
0x18: {  	[sflag:s12] =	ssyncadd.s32 $0xFFFFF300  }
0x19: {  	[tilespmem:s13], [sflag:$0x1] =	stream.indirect.gather [hbm4b:s3+s13], $0x10, s2, s13, $0xb8;
	[tilespmem:$0xDF50] =	vst v63  }
0x1a: {  	_ =	swait.ge [sflag:s14], $0xD000  }
0x1b: {  	[sflag:s14] =	ssyncset.done $0x0  }
0x1c: {  	s17 =	simm.s32 $0xDD0;
	s18 =	simm.s32 $0x0;
	[sflag:s14] =	ssyncadd.s32 $0xFFFF3000  }
.LBB2_2:
0x1d: {  	v11 =	vld [tilespmem:s17+$0xFFFFFF30]  }
0x1e: {  	v12 =	vld [tilespmem:s17+$0xFFFFFF40];
	_ =	sdelay $0x1  }
0x1f: {  	v13 =	vld [tilespmem:s17+$0xFFFFFF50];
	_ =	sdelay $0x1  }
0x20: {  	v14 =	vld [tilespmem:s17+$0xFFFFFF60]  }
0x21: {  	v11 =	vadd.f32 v12, v11  }
0x22: {  	v12 =	vld [tilespmem:s17+$0xFFFFFF70]  }
0x23: {  	v11 =	vadd.f32 v13, v11  }
0x24: {  	v13 =	vld [tilespmem:s17+$0xFFFFFF80]  }
0x25: {  	v11 =	vadd.f32 v14, v11  }
0x26: {  	v15 =	vld [tilespmem:s17+$0xFFFFFF90]  }
0x27: {  	v16 =	vld [tilespmem:s17+$0xFFFFFFB0];
	v11 =	vadd.f32 v12, v11  }
0x28: {  	v14 =	vld [tilespmem:s17+$0xFFFFFFA0]  }
0x29: {  	v17 =	vld [tilespmem:s17+$0xFFFFFFD0];
	v11 =	vadd.f32 v13, v11  }
0x2a: {  	v18 =	vld [tilespmem:s17+$0xFFFFFFF0]  }
0x2b: {  	v20 =	vld [tilespmem:s17+$0x10];
	v11 =	vadd.f32 v15, v11  }
0x2c: {  	v12 =	vld [tilespmem:s17+$0xFFFFFFC0]  }
0x2d: {  	s20 =	sadd.s32 $0x1A0, s17;
	v21 =	vld [tilespmem:s17+$0xC0];
	v11 =	vadd.f32 v14, v11  }
0x2e: {  	v19 =	vld [tilespmem:s20+$0xFFFFFF40]  }
0x2f: {  	v22 =	vld [tilespmem:s20+$0xFFFFFF60];
	v11 =	vadd.f32 v16, v11  }
0x30: {  	v13 =	vld [tilespmem:s17+$0xFFFFFFE0]  }
0x31: {  	v15 =	vld [tilespmem:s20+$0xFFFFFF30];
	v11 =	vadd.f32 v12, v11  }
0x32: {  	v23 =	vld [tilespmem:s20+$0xFFFFFF70]  }
0x33: {  	v16 =	vld [tilespmem:s20+$0xFFFFFF50];
	v11 =	vadd.f32 v17, v11  }
0x34: {  	v14 =	vld [tilespmem:s17+$0x0]  }
0x35: {  	v12 =	vld [tilespmem:s17+$0x20];
	v11 =	vadd.f32 v13, v11  }
0x36: {  	v17 =	vld [tilespmem:s17+$0x30];
	v13 =	vadd.f32 v19, v15  }
0x37: {  	v15 =	vld [tilespmem:s17+$0x40];
	v11 =	vadd.f32 v18, v11  }
0x38: {  	v19 =	vld [tilespmem:s20+$0xFFFFFF80];
	v13 =	vadd.f32 v16, v13  }
0x39: {  	v16 =	vld [tilespmem:s17+$0x50];
	v11 =	vadd.f32 v14, v11  }
0x3a: {  	v18 =	vld [tilespmem:s20+$0xFFFFFF90];
	v13 =	vadd.f32 v22, v13  }
0x3b: {  	v14 =	vld [tilespmem:s17+$0x60];
	v11 =	vadd.f32 v20, v11  }
0x3c: {  	v22 =	vld [tilespmem:s20+$0xFFFFFFA0];
	v13 =	vadd.f32 v23, v13  }
0x3d: {  	v20 =	vld [tilespmem:s17+$0x70];
	v11 =	vadd.f32 v12, v11  }
0x3e: {  	v23 =	vld [tilespmem:s20+$0xFFFFFFB0];
	v12 =	vadd.f32 v19, v13  }
0x3f: {  	v13 =	vld [tilespmem:s17+$0x80];
	v11 =	vadd.f32 v17, v11  }
0x40: {  	v19 =	vld [tilespmem:s17+$0x90];
	v12 =	vadd.f32 v18, v12  }
0x41: {  	v17 =	vld [tilespmem:s20+$0xFFFFFFC0];
	v11 =	vadd.f32 v15, v11  }
0x42: {  	v18 =	vld [tilespmem:s17+$0xA0];
	v12 =	vadd.f32 v22, v12  }
0x43: {  	v15 =	vld [tilespmem:s20+$0xFFFFFFD0];
	v11 =	vadd.f32 v16, v11  }
0x44: {  	v22 =	vld [tilespmem:s17+$0xB0];
	v12 =	vadd.f32 v23, v12  }
0x45: {  	v16 =	vld [tilespmem:s20+$0xFFFFFFE0];
	v11 =	vadd.f32 v14, v11  }
0x46: {  	s19 =	sadd.s32 $0x1A0, s20;
	v23 =	vld [tilespmem:s20+$0xFFFFFFF0];
	v12 =	vadd.f32 v17, v12  }
0x47: {  	v14 =	vld [tilespmem:s19+$0xFFFFFF30];
	v11 =	vadd.f32 v20, v11  }
0x48: {  	v17 =	vld [tilespmem:s19+$0xFFFFFF40];
	v12 =	vadd.f32 v15, v12  }
0x49: {  	v15 =	vld [tilespmem:s20+$0x0];
	v11 =	vadd.f32 v13, v11  }
0x4a: {  	v20 =	vld [tilespmem:s20+$0x10];
	v12 =	vadd.f32 v16, v12  }
0x4b: {  	v13 =	vld [tilespmem:s19+$0xFFFFFF50];
	v11 =	vadd.f32 v19, v11  }
0x4c: {  	v16 =	vld [tilespmem:s20+$0xC0];
	v12 =	vadd.f32 v23, v12  }
0x4d: {  	v19 =	vld [tilespmem:s20+$0x20];
	v11 =	vadd.f32 v18, v11  }
0x4e: {  	v23 =	vld [tilespmem:s19+$0xFFFFFF60];
	v12 =	vadd.f32 v15, v12  }
0x4f: {  	v14 =	vadd.f32 v17, v14;
	v15 =	vld [tilespmem:s20+$0x30];
	v11 =	vadd.f32 v22, v11  }
0x50: {  	v17 =	vld [tilespmem:s19+$0xFFFFFF70];
	v12 =	vadd.f32 v20, v12  }
0x51: {  	v18 =	vld [tilespmem:s20+$0x40];
	v13 =	vadd.f32 v13, v14;
	v11 =	vadd.f32 v21, v11  }
0x52: {  	v14 =	vld [tilespmem:s19+$0xFFFFFF80];
	v12 =	vadd.f32 v19, v12  }
0x53: {  	v13 =	vadd.f32 v23, v13;
	v19 =	vld [tilespmem:s20+$0x50];
	v11 =	vadd.f32 v11, v6  }
0x54: {  	v20 =	vld [tilespmem:s19+$0xFFFFFF90];
	v12 =	vadd.f32 v15, v12  }
0x55: {  	v13 =	vadd.f32 v17, v13;
	v15 =	vld [tilespmem:s20+$0x60];
	v11 =	vmax.f32 v11, $0.0e+00  }
0x56: {  	v17 =	vld [tilespmem:s19+$0xFFFFFFA0];
	v12 =	vadd.f32 v18, v12;
	v11 =	vperm.xlane v11, v2  }
0x57: {  	v13 =	vadd.f32 v14, v13;
	v18 =	vld [tilespmem:s20+$0x70]  }
0x58: {  	v14 =	vld [tilespmem:s19+$0xFFFFFFB0];
	v12 =	vadd.f32 v19, v12;
	v11 =	vmul.f32 v11, v7  }
0x59: {  	v13 =	vadd.f32 v20, v13;
	v19 =	vld [tilespmem:s20+$0x80]  }
0x5a: {  	v12 =	vadd.f32 v15, v12;
	v15 =	vld [tilespmem:s19+$0xFFFFFFC0];
	v21 =	vperm.xlane v11, v3  }
0x5b: {  	v20 =	vld [tilespmem:s20+$0x90];
	v13 =	vadd.f32 v17, v13  }
0x5c: {  	v12 =	vadd.f32 v18, v12;
	v18 =	vld [tilespmem:s19+$0xFFFFFFD0];
	v11 =	vadd.f32 v21, v11  }
0x5d: {  	v17 =	vld [tilespmem:s20+$0xA0];
	v13 =	vadd.f32 v14, v13  }
0x5e: {  	v12 =	vadd.f32 v19, v12;
	v19 =	vld [tilespmem:s19+$0xFFFFFFE0];
	v21 =	vperm.xlane v11, v4  }
0x5f: {  	v14 =	vld [tilespmem:s20+$0xB0];
	v13 =	vadd.f32 v15, v13  }
0x60: {  	s25 =	sadd.s32 $0x1A0, s19;
	v15 =	vld [tilespmem:s19+$0xFFFFFFF0];
	v12 =	vadd.f32 v20, v12;
	v11 =	vadd.f32 v21, v11  }
0x61: {  	v20 =	vld [tilespmem:s25+$0xFFFFFF30];
	v13 =	vadd.f32 v18, v13  }
0x62: {  	v12 =	vadd.f32 v17, v12;
	v17 =	vld [tilespmem:s19+$0x0];
	v11 =	vadd.f32 v11, v8  }
0x63: {  	v21 =	vld [tilespmem:s25+$0xFFFFFF40];
	v13 =	vadd.f32 v19, v13  }
0x64: {  	v18 =	vld [tilespmem:s19+$0x10];
	v11 =	vmax.f32 v11, $0.0e+00  }
0x65: {  	v12 =	vadd.f32 v14, v12;
	v14 =	vld [tilespmem:s25+$0xFFFFFF50];
	v13 =	vadd.f32 v15, v13;
	v11 =	vmul.f32 v11, v9  }
0x66: {  	v15 =	vld [tilespmem:s19+$0x20]  }
0x67: {  	v12 =	vadd.f32 v16, v12;
	v16 =	vld [tilespmem:s25+$0xFFFFFF60];
	v13 =	vadd.f32 v17, v13;
	v17 =	vperm.xlane v11, v1  }
0x68: {  	v19 =	vadd.f32 v21, v20;
	v20 =	vld [tilespmem:s19+$0x30]  }
0x69: {  	v21 =	vld [tilespmem:s25+$0xFFFFFF70];
	v13 =	vadd.f32 v18, v13;
	v11 =	vadd.f32 v11, v17  }
0x6a: {  	v14 =	vadd.f32 v14, v19;
	v17 =	vld [tilespmem:s19+$0x40]  }
0x6b: {  	v18 =	vld [tilespmem:s25+$0xFFFFFF80];
	v13 =	vadd.f32 v15, v13;
	v15 =	vperm.xlane v11, v5  }
0x6c: {  	v12 =	vadd.f32 v12, v6;
	v14 =	vadd.f32 v16, v14;
	v16 =	vld [tilespmem:s19+$0x50]  }
0x6d: {  	v19 =	vld [tilespmem:s25+$0xFFFFFF90];
	v13 =	vadd.f32 v20, v13;
	v11 =	vadd.f32 v11, v15  }
0x6e: {  	v14 =	vadd.f32 v21, v14;
	v15 =	vld [tilespmem:s19+$0x60]  }
0x6f: {  	v12 =	vmax.f32 v12, $0.0e+00;
	v13 =	vadd.f32 v17, v13;
	v21 =	vperm.xlane v11, v4  }
0x70: {  	v12 =	vperm.xlane v12, v2;
	v14 =	vadd.f32 v18, v14;
	v18 =	vld [tilespmem:s19+$0x70]  }
0x71: {  	v13 =	vadd.f32 v16, v13;
	v11 =	vadd.f32 v11, v21  }
0x72: {  	v12 =	vmul.f32 v12, v7;
	v16 =	vld [tilespmem:s19+$0x80]  }
0x73: {  	v20 =	vld [tilespmem:s25+$0xFFFFFFA0];
	v14 =	vadd.f32 v19, v14;
	v13 =	vadd.f32 v15, v13;
	v19 =	vperm.xlane v11, v3  }
0x74: {  	v17 =	vperm.xlane v12, v3;
	v15 =	vld [tilespmem:s19+$0x90]  }
0x75: {  	v13 =	vadd.f32 v18, v13;
	v11 =	vadd.f32 v11, v19  }
0x76: {  	v12 =	vadd.f32 v17, v12;
	v21 =	vld [tilespmem:s19+$0xA0]  }
0x77: {  	v23 =	vld [tilespmem:s25+$0xFFFFFFB0];
	v13 =	vadd.f32 v16, v13;
	v11 =	vadd.f32 v11, v10  }
0x78: {  	v17 =	vperm.xlane v12, v4;
	v14 =	vadd.f32 v20, v14  }
0x79: {  	v20 =	vld [tilespmem:s25+$0xFFFFFFC0];
	v13 =	vadd.f32 v15, v13;
	v11 =	vsub.f32 $0.0e+00, v11  }
0x7a: {  	v22 =	vld [tilespmem:s19+$0xC0];
	v12 =	vadd.f32 v17, v12  }
0x7b: {  	v17 =	vld [tilespmem:s25+$0xFFFFFFD0];
	v13 =	vadd.f32 v21, v13;
	v21 =	vmul.f32 $1.442695020e+00, v11  }
0x7c: {  	v14 =	vadd.f32 v23, v14;
	v23 =	vld [tilespmem:s25+$0xFFFFFFE0];
	v12 =	vadd.f32 v12, v8  }
0x7d: {  	s26 =	sadd.s32 $0x1A0, s25;
	v19 =	vld [tilespmem:s19+$0xB0];
	(erf) = vpow2.f32 v21  }
0x7e: {  	v18 =	vld [tilespmem:s26+$0xFFFFFF40];
	v14 =	vadd.f32 v20, v14;
	v12 =	vmax.f32 v12, $0.0e+00  }
0x7f: {  	v20 =	vld [tilespmem:s25+$0xFFFFFFF0];
	v12 =	vmul.f32 v12, v9  }
0x80: {  	v16 =	vld [tilespmem:s26+$0xFFFFFF30];
	v14 =	vadd.f32 v17, v14  }
0x81: {  	v15 =	vld [tilespmem:s25+$0x0];
	v17 =	vperm.xlane v12, v1  }
0x82: {  	s23 =	simm.s32 $0x0;
	v23 =	vadd.f32 v23, v14;
	v14 =	vld [tilespmem:s25+$0x10];
	v24 =	vadd.f32 v19, v13  }
0x83: {  	s22 =	simm.s32 $0x1;
	s21 =	simm.s32 $0x2;
	s24 =	simm.s32 $0x3;
	v19 =	vld [tilespmem:s26+$0xFFFFFF50];
	v13 =	vadd.f32 v12, v17  }
0x84: {  	s28 =	simm.s32 $0x5;
	s20 =	simm.s32 $0x4;
	s19 =	sshll.u32 s18, $0x4;
	v11 =	vimm.f32 $0.0e+00;
	v20 =	vadd.f32 v20, v23;
	v12 =	vld [tilespmem:s25+$0xC0];
	v17 =	vadd.f32 v22, v24  }
.LBB2_3:
0x85: {  	p0 =	sne.s32 s28, $0xF;
	v16 =	vadd.f32 v18, v16;
	v18 =	vld [tilespmem:s25+$0x20];
	v21 =	vperm.xlane v13, v5  }
0x86: {  	v22 =	vld [tilespmem:s26+$0xFFFFFF60];
	v15 =	vadd.f32 v15, v20;
	v17 =	vadd.f32 v17, v6;
	v20 =	vpop (erf)  }
0x87: {  	v23 =	vld [tilespmem:s25+$0x30];
	v13 =	vadd.f32 v13, v21;
	v20 =	vadd.f32 $1.000000000e+00, v20  }
0x88: {  	v16 =	vadd.f32 v19, v16;
	v19 =	vld [tilespmem:s26+$0xFFFFFF70];
	v14 =	vadd.f32 v14, v15  }
0x89: {  	v17 =	vmax.f32 v17, $0.0e+00;
	v15 =	vld [tilespmem:s25+$0x40];
	v21 =	vperm.xlane v13, v4;
	(erf) = vrcp.f32 v20  }
0x8a: {  	v17 =	vperm.xlane v17, v2;
	v20 =	vld [tilespmem:s26+$0xFFFFFF80];
	v14 =	vadd.f32 v18, v14  }
0x8b: {  	v16 =	vadd.f32 v22, v16;
	v18 =	vld [tilespmem:s25+$0x50];
	v13 =	vadd.f32 v13, v21  }
0x8c: {  	v17 =	vmul.f32 v17, v7;
	v21 =	vld [tilespmem:s26+$0xFFFFFF90];
	v14 =	vadd.f32 v23, v14  }
0x8d: {  	v16 =	vadd.f32 v19, v16;
	v19 =	vld [tilespmem:s25+$0x60];
	v22 =	vperm.xlane v13, v3  }
0x8e: {  	v23 =	vld [tilespmem:s26+$0xFFFFFFA0];
	v14 =	vadd.f32 v15, v14;
	v15 =	vperm.xlane v17, v3  }
0x8f: {  	v16 =	vadd.f32 v20, v16;
	v20 =	vld [tilespmem:s25+$0x70];
	v13 =	vadd.f32 v13, v22  }
0x90: {  	v22 =	vld [tilespmem:s26+$0xFFFFFFB0];
	v14 =	vadd.f32 v18, v14;
	v15 =	vadd.f32 v15, v17  }
0x91: {  	v24 =	vmov s23;
	s23 =	smov.u32 s22;
	s22 =	smov.u32 s21;
	s21 =	smov.u32 s24;
	v16 =	vadd.f32 v21, v16;
	v17 =	vld [tilespmem:s25+$0x80];
	v13 =	vadd.f32 v13, v10  }
0x92: {  	s24 =	smov.u32 s20;
	s20 =	smov.u32 s28;
	vm0 =	veq.s32 v24, v0;
	v14 =	vadd.f32 v19, v14;
	v19 =	vld [tilespmem:s25+$0x90];
	v21 =	vperm.xlane v15, v4;
	v18 =	vpop (erf)  }
0x93: {  	v16 =	vadd.f32 v23, v16;
	v23 =	vld [tilespmem:s26+$0xFFFFFFC0];
	v13 =	vsub.f32 $0.0e+00, v13;
	v11 =	vsel vm0, v18, v11  }
0x94: {  	v14 =	vadd.f32 v20, v14;
	v20 =	vld [tilespmem:s25+$0xA0];
	v15 =	vadd.f32 v21, v15  }
0x95: {  	v16 =	vadd.f32 v22, v16;
	v21 =	vld [tilespmem:s26+$0xFFFFFFD0];
	v13 =	vmul.f32 $1.442695020e+00, v13  }
0x96: {  	v14 =	vadd.f32 v17, v14;
	v17 =	vld [tilespmem:s25+$0xB0];
	v15 =	vadd.f32 v15, v8;
	s25 =	smov.u32 s26  }
0x97: {  	v22 =	vld [tilespmem:s26+$0xFFFFFFE0];
	(erf) = vpow2.f32 v13  }
0x98: {  	s26 =	sadd.s32 $0x1A0, s26;
	v13 =	vadd.f32 v23, v16;
	v23 =	vld [tilespmem:s25+$0xFFFFFFF0];
	v14 =	vadd.f32 v19, v14;
	v15 =	vmax.f32 v15, $0.0e+00  }
0x99: {  	v16 =	vld [tilespmem:s26+$0xFFFFFF30];
	v24 =	vmul.f32 v15, v9  }
.Ltmp0:
0x9a: {  	v18 =	vld [tilespmem:s26+$0xFFFFFF40];
	v13 =	vadd.f32 v21, v13;
	v19 =	vadd.f32 v20, v14;
	(pc) =	sbr.rel @p0 .LBB2_3-.Ltmp0, $4  }
0x9b: {  	v15 =	vld [tilespmem:s25+$0x0];
	v20 =	vperm.xlane v24, v1  }
0x9c: {  	v21 =	vadd.f32 v22, v13;
	v14 =	vld [tilespmem:s25+$0x10];
	v17 =	vadd.f32 v17, v19  }
0x9d: {  	v19 =	vld [tilespmem:s26+$0xFFFFFF50];
	v13 =	vadd.f32 v24, v20  }
0x9e: {  	s28 =	sadd.s32 $0x1, s28;
	v20 =	vadd.f32 v23, v21;
	v17 =	vadd.f32 v12, v17;
	v12 =	vld [tilespmem:s25+$0xC0]  }
0x9f: {  	v21 =	vld [tilespmem:s26+$0xFFFFFF60]  }
0xa0: {  	v16 =	vadd.f32 v18, v16  }
0xa1: {  	v39 =	vld [tilespmem:s26+$0xFFFFFF70]  }
0xa2: {  	v16 =	vadd.f32 v19, v16  }
0xa3: {  	v40 =	vld [tilespmem:s26+$0xFFFFFF80]  }
0xa4: {  	v16 =	vadd.f32 v21, v16  }
0xa5: {  	v41 =	vld [tilespmem:s26+$0xFFFFFF90]  }
0xa6: {  	v16 =	vadd.f32 v39, v16  }
0xa7: {  	v42 =	vld [tilespmem:s26+$0xFFFFFFA0]  }
0xa8: {  	v43 =	vld [tilespmem:s26+$0xFFFFFFB0];
	v16 =	vadd.f32 v40, v16  }
0xa9: {  	v22 =	vld [tilespmem:s25+$0x20]  }
0xaa: {  	v44 =	vld [tilespmem:s26+$0xFFFFFFC0];
	v15 =	vadd.f32 v15, v20;
	v16 =	vadd.f32 v41, v16  }
0xab: {  	v45 =	vld [tilespmem:s25+$0x30]  }
0xac: {  	v46 =	vld [tilespmem:s26+$0xFFFFFFD0];
	v14 =	vadd.f32 v14, v15;
	v16 =	vadd.f32 v42, v16  }
0xad: {  	v47 =	vld [tilespmem:s25+$0x40]  }
0xae: {  	v48 =	vld [tilespmem:s26+$0xFFFFFFE0];
	v14 =	vadd.f32 v22, v14;
	v16 =	vadd.f32 v43, v16  }
0xaf: {  	v49 =	vld [tilespmem:s25+$0x50]  }
0xb0: {  	v50 =	vld [tilespmem:s26+$0xFFFFFFF0];
	v14 =	vadd.f32 v45, v14;
	v16 =	vadd.f32 v44, v16  }
0xb1: {  	v51 =	vld [tilespmem:s25+$0x60]  }
0xb2: {  	v52 =	vld [tilespmem:s26+$0x0];
	v14 =	vadd.f32 v47, v14;
	v15 =	vadd.f32 v46, v16  }
0xb3: {  	v53 =	vld [tilespmem:s25+$0x70]  }
0xb4: {  	v54 =	vld [tilespmem:s26+$0x10];
	v14 =	vadd.f32 v49, v14;
	v15 =	vadd.f32 v48, v15  }
0xb5: {  	v55 =	vld [tilespmem:s25+$0x80]  }
0xb6: {  	v56 =	vld [tilespmem:s26+$0x20];
	v14 =	vadd.f32 v51, v14;
	v15 =	vadd.f32 v50, v15  }
0xb7: {  	v57 =	vld [tilespmem:s25+$0x90];
	v17 =	vadd.f32 v17, v6  }
0xb8: {  	v59 =	vld [tilespmem:s26+$0x30];
	v14 =	vadd.f32 v53, v14;
	v15 =	vadd.f32 v52, v15  }
0xb9: {  	v60 =	vld [tilespmem:s25+$0xA0]  }
0xba: {  	v61 =	vld [tilespmem:s26+$0x40];
	v58 =	vmax.f32 v17, $0.0e+00;
	v14 =	vadd.f32 v55, v14;
	v15 =	vadd.f32 v54, v15  }
0xbb: {  	v62 =	vld [tilespmem:s25+$0xB0];
	v16 =	vperm.xlane v58, v2  }
0xbc: {  	v14 =	vadd.f32 v57, v14;
	v15 =	vadd.f32 v56, v15  }
0xbd: {  	v63 =	vld [tilespmem:s26+$0x50];
	v16 =	vmul.f32 v16, v7  }
0xbe: {  	v14 =	vadd.f32 v60, v14;
	v15 =	vadd.f32 v59, v15  }
0xbf: {  	v25 =	vld [tilespmem:s26+$0x60];
	v24 =	vperm.xlane v16, v3  }
0xc0: {  	v14 =	vadd.f32 v62, v14;
	v15 =	vadd.f32 v61, v15  }
0xc1: {  	v26 =	vperm.xlane v13, v5;
	v27 =	vld [tilespmem:s26+$0x70];
	v16 =	vadd.f32 v24, v16  }
0xc2: {  	v12 =	vadd.f32 v12, v14;
	v15 =	vadd.f32 v63, v15  }
0xc3: {  	v28 =	vld [tilespmem:s26+$0x80];
	v13 =	vadd.f32 v13, v26;
	v21 =	vperm.xlane v16, v4  }
0xc4: {  	v12 =	vadd.f32 v12, v6;
	v15 =	vadd.f32 v25, v15  }
0xc5: {  	v30 =	vld [tilespmem:s26+$0x90];
	v29 =	vperm.xlane v13, v4;
	v16 =	vadd.f32 v21, v16  }
0xc6: {  	v12 =	vmax.f32 v12, $0.0e+00;
	v15 =	vadd.f32 v27, v15  }
0xc7: {  	v31 =	vld [tilespmem:s26+$0xA0];
	v13 =	vadd.f32 v13, v29;
	v12 =	vperm.xlane v12, v2;
	v16 =	vadd.f32 v16, v8  }
0xc8: {  	v14 =	vadd.f32 v28, v15  }
0xc9: {  	v33 =	vld [tilespmem:s26+$0xB0];
	v32 =	vperm.xlane v13, v3;
	v12 =	vmul.f32 v12, v7;
	v16 =	vmax.f32 v16, $0.0e+00  }
0xca: {  	v16 =	vmul.f32 v16, v9;
	v14 =	vadd.f32 v30, v14  }
0xcb: {  	v35 =	vld [tilespmem:s26+$0xC0];
	v13 =	vadd.f32 v13, v32;
	v36 =	vperm.xlane v12, v3  }
0xcc: {  	v34 =	vperm.xlane v16, v1;
	v14 =	vadd.f32 v31, v14  }
0xcd: {  	v13 =	vadd.f32 v13, v10;
	v12 =	vadd.f32 v36, v12  }
0xce: {  	v15 =	vadd.f32 v16, v34;
	v14 =	vadd.f32 v33, v14  }
0xcf: {  	v39 =	vperm.xlane v12, v4  }
0xd0: {  	v37 =	vpop (erf);
	v13 =	vsub.f32 $0.0e+00, v13;
	v38 =	vperm.xlane v15, v5;
	v14 =	vadd.f32 v35, v14  }
0xd1: {  	v12 =	vadd.f32 v39, v12;
	v16 =	vadd.f32 $1.000000000e+00, v37  }
0xd2: {  	v15 =	vadd.f32 v15, v38;
	v14 =	vadd.f32 v14, v6  }
0xd3: {  	v13 =	vmul.f32 $1.442695020e+00, v13;
	v12 =	vadd.f32 v12, v8  }
0xd4: {  	(erf) = vrcp.f32 v16;
	v40 =	vperm.xlane v15, v4;
	v14 =	vmax.f32 v14, $0.0e+00  }
0xd5: {  	(erf) = vpow2.f32 v13;
	v12 =	vmax.f32 v12, $0.0e+00;
	v14 =	vperm.xlane v14, v2  }
0xd6: {  	v12 =	vmul.f32 v12, v9;
	v13 =	vadd.f32 v15, v40  }
0xd7: {  	v14 =	vmul.f32 v14, v7  }
0xd8: {  	v41 =	vperm.xlane v12, v1;
	v15 =	vperm.xlane v13, v3  }
0xd9: {  	v42 =	vperm.xlane v14, v3  }
0xda: {  	v12 =	vadd.f32 v12, v41;
	v13 =	vadd.f32 v13, v15  }
0xdb: {  	v14 =	vadd.f32 v42, v14  }
0xdc: {  	v45 =	vperm.xlane v12, v5;
	v13 =	vadd.f32 v13, v10  }
0xdd: {  	v43 =	vpop (erf);
	v46 =	vperm.xlane v14, v4  }
0xde: {  	v44 =	vpop (erf);
	v12 =	vadd.f32 v12, v45;
	v13 =	vsub.f32 $0.0e+00, v13  }
0xdf: {  	v16 =	vadd.f32 $1.000000000e+00, v44;
	v14 =	vadd.f32 v46, v14  }
0xe0: {  	v13 =	vmul.f32 $1.442695020e+00, v13  }
0xe1: {  	v47 =	vperm.xlane v12, v4;
	(erf) = vrcp.f32 v16;
	v14 =	vadd.f32 v14, v8  }
0xe2: {  	(erf) = vpow2.f32 v13  }
0xe3: {  	v12 =	vadd.f32 v12, v47;
	v48 =	vmax.f32 v14, $0.0e+00  }
0xe4: {  	v13 =	vmul.f32 v48, v9  }
0xe5: {  	v49 =	vperm.xlane v12, v3  }
0xe6: {  	v50 =	vperm.xlane v13, v1  }
0xe7: {  	v12 =	vadd.f32 v12, v49  }
0xe8: {  	v13 =	vadd.f32 v13, v50  }
0xe9: {  	v12 =	vadd.f32 v12, v10  }
0xea: {  	v51 =	vpop (erf);
	v16 =	vperm.xlane v13, v5  }
0xeb: {  	v12 =	vsub.f32 $0.0e+00, v12;
	v52 =	vpop (erf)  }
0xec: {  	v17 =	vadd.f32 $1.000000000e+00, v52;
	v13 =	vadd.f32 v13, v16  }
0xed: {  	v12 =	vmul.f32 $1.442695020e+00, v12  }
0xee: {  	(erf) = vrcp.f32 v17;
	v16 =	vperm.xlane v13, v4  }
0xef: {  	(erf) = vpow2.f32 v12  }
0xf0: {  	v53 =	vadd.f32 v13, v16;
	_ =	sdelay $0x1  }
0xf1: {  	v13 =	vperm.xlane v53, v3;
	_ =	sdelay $0x1  }
0xf2: {  	v12 =	vadd.f32 v53, v13;
	_ =	sdelay $0x1  }
0xf3: {  	v12 =	vadd.f32 v12, v10  }
0xf4: {  	v54 =	vpop (erf)  }
0xf5: {  	v55 =	vpop (erf);
	v12 =	vsub.f32 $0.0e+00, v12  }
0xf6: {  	v16 =	vadd.f32 $1.000000000e+00, v55  }
0xf7: {  	v12 =	vmul.f32 $1.442695020e+00, v12  }
0xf8: {  	(erf) = vrcp.f32 v16  }
0xf9: {  	(erf) = vpow2.f32 v12;
	_ =	sdelay $0x7  }
0xfa: {  	v56 =	vpop (erf)  }
0xfb: {  	v57 =	vpop (erf)  }
0xfc: {  	v16 =	vadd.f32 $1.000000000e+00, v57;
	_ =	sdelay $0x1  }
0xfd: {  	(erf) = vrcp.f32 v16;
	_ =	sdelay $0x3  }
0xfe: {  	v58 =	vmov s23  }
0xff: {  	s18 =	sadd.s32 $0x1, s18;
	vm0 =	veq.s32 v58, v0;
	v59 =	vmov s22  }
0x100: {  	p0 =	sne.s32 s18, $0x8;
	v60 =	vmov s21;
	vm12 =	veq.s32 v59, v0;
	v11 =	vsel vm0, v43, v11  }
.Ltmp1:
0x101: {  	vm13 =	veq.s32 v60, v0;
	v61 =	vmov s24;
	v11 =	vsel vm12, v51, v11;
	(pc) =	sbr.rel @p0 .LBB2_2-.Ltmp1, $4  }
0x102: {  	v62 =	vmov s20;
	vm14 =	veq.s32 v61, v0;
	v11 =	vsel vm13, v54, v11  }
0x103: {  	vm15 =	veq.s32 v62, v0;
	v11 =	vsel vm14, v56, v11;
	v63 =	vpop (erf)  }
0x104: {  	v11 =	vsel vm15, v63, v11  }
0x105: {  	s17 =	sadd.s32 $0x1A00, s17;
	[tilespmem:s19+$0xDD50] =	vst v11  }
0x106: {  	s17 =	simm.s32 $0x0  }
0x107: {  	[tilespmem:s17], [sflag:$0x2] =	stream.linear.gather [hbm4b:s6+s17], $0xD00, $0x38;
	[tilespmem:$0xDF50] =	vst v63  }
0x108: {  	_ =	swait.ge [sflag:s12], $0xD00  }
0x109: {  	[sflag:s12] =	ssyncset.done $0x0  }
0x10a: {  	[sflag:s12] =	ssyncadd.s32 $0xFFFFF300  }
0x10b: {  	[tilespmem:s13], [sflag:$0x1] =	stream.indirect.gather [hbm4b:s3+s13], $0x10, s17, s13, $0xb8;
	[tilespmem:$0xDF50] =	vst v63  }
0x10c: {  	_ =	swait.ge [sflag:s14], $0xD000  }
0x10d: {  	[sflag:s14] =	ssyncset.done $0x0  }
0x10e: {  	s18 =	simm.s32 $0xDD0;
	[sflag:s14] =	ssyncadd.s32 $0xFFFF3000  }
.LBB2_6:
0x10f: {  	v11 =	vld [tilespmem:s18+$0xFFFFFF30]  }
0x110: {  	v12 =	vld [tilespmem:s18+$0xFFFFFF40];
	_ =	sdelay $0x1  }
0x111: {  	v13 =	vld [tilespmem:s18+$0xFFFFFF50];
	_ =	sdelay $0x1  }
0x112: {  	v14 =	vld [tilespmem:s18+$0xFFFFFF60]  }
0x113: {  	v11 =	vadd.f32 v12, v11  }
0x114: {  	v12 =	vld [tilespmem:s18+$0xFFFFFF70]  }
0x115: {  	v11 =	vadd.f32 v13, v11  }
0x116: {  	v13 =	vld [tilespmem:s18+$0xFFFFFF80]  }
0x117: {  	v11 =	vadd.f32 v14, v11  }
0x118: {  	v15 =	vld [tilespmem:s18+$0xFFFFFF90]  }
0x119: {  	v16 =	vld [tilespmem:s18+$0xFFFFFFB0];
	v11 =	vadd.f32 v12, v11  }
0x11a: {  	v14 =	vld [tilespmem:s18+$0xFFFFFFA0]  }
0x11b: {  	v17 =	vld [tilespmem:s18+$0xFFFFFFD0];
	v11 =	vadd.f32 v13, v11  }
0x11c: {  	v18 =	vld [tilespmem:s18+$0xFFFFFFF0]  }
0x11d: {  	v20 =	vld [tilespmem:s18+$0x10];
	v11 =	vadd.f32 v15, v11  }
0x11e: {  	v12 =	vld [tilespmem:s18+$0xFFFFFFC0]  }
0x11f: {  	s20 =	sadd.s32 $0x1A0, s18;
	v21 =	vld [tilespmem:s18+$0xC0];
	v11 =	vadd.f32 v14, v11  }
0x120: {  	v19 =	vld [tilespmem:s20+$0xFFFFFF40]  }
0x121: {  	v22 =	vld [tilespmem:s20+$0xFFFFFF60];
	v11 =	vadd.f32 v16, v11  }
0x122: {  	v13 =	vld [tilespmem:s18+$0xFFFFFFE0]  }
0x123: {  	v15 =	vld [tilespmem:s20+$0xFFFFFF30];
	v11 =	vadd.f32 v12, v11  }
0x124: {  	v23 =	vld [tilespmem:s20+$0xFFFFFF70]  }
0x125: {  	v16 =	vld [tilespmem:s20+$0xFFFFFF50];
	v11 =	vadd.f32 v17, v11  }
0x126: {  	v14 =	vld [tilespmem:s18+$0x0]  }
0x127: {  	v12 =	vld [tilespmem:s18+$0x20];
	v11 =	vadd.f32 v13, v11  }
0x128: {  	v17 =	vld [tilespmem:s18+$0x30];
	v13 =	vadd.f32 v19, v15  }
0x129: {  	v15 =	vld [tilespmem:s18+$0x40];
	v11 =	vadd.f32 v18, v11  }
0x12a: {  	v19 =	vld [tilespmem:s20+$0xFFFFFF80];
	v13 =	vadd.f32 v16, v13  }
0x12b: {  	v16 =	vld [tilespmem:s18+$0x50];
	v11 =	vadd.f32 v14, v11  }
0x12c: {  	v18 =	vld [tilespmem:s20+$0xFFFFFF90];
	v13 =	vadd.f32 v22, v13  }
0x12d: {  	v14 =	vld [tilespmem:s18+$0x60];
	v11 =	vadd.f32 v20, v11  }
0x12e: {  	v22 =	vld [tilespmem:s20+$0xFFFFFFA0];
	v13 =	vadd.f32 v23, v13  }
0x12f: {  	v20 =	vld [tilespmem:s18+$0x70];
	v11 =	vadd.f32 v12, v11  }
0x130: {  	v23 =	vld [tilespmem:s20+$0xFFFFFFB0];
	v12 =	vadd.f32 v19, v13  }
0x131: {  	v13 =	vld [tilespmem:s18+$0x80];
	v11 =	vadd.f32 v17, v11  }
0x132: {  	v19 =	vld [tilespmem:s18+$0x90];
	v12 =	vadd.f32 v18, v12  }
0x133: {  	v17 =	vld [tilespmem:s20+$0xFFFFFFC0];
	v11 =	vadd.f32 v15, v11  }
0x134: {  	v18 =	vld [tilespmem:s18+$0xA0];
	v12 =	vadd.f32 v22, v12  }
0x135: {  	v15 =	vld [tilespmem:s20+$0xFFFFFFD0];
	v11 =	vadd.f32 v16, v11  }
0x136: {  	v22 =	vld [tilespmem:s18+$0xB0];
	v12 =	vadd.f32 v23, v12  }
0x137: {  	v16 =	vld [tilespmem:s20+$0xFFFFFFE0];
	v11 =	vadd.f32 v14, v11  }
0x138: {  	s19 =	sadd.s32 $0x1A0, s20;
	v23 =	vld [tilespmem:s20+$0xFFFFFFF0];
	v12 =	vadd.f32 v17, v12  }
0x139: {  	v14 =	vld [tilespmem:s19+$0xFFFFFF30];
	v11 =	vadd.f32 v20, v11  }
0x13a: {  	v17 =	vld [tilespmem:s19+$0xFFFFFF40];
	v12 =	vadd.f32 v15, v12  }
0x13b: {  	v15 =	vld [tilespmem:s20+$0x0];
	v11 =	vadd.f32 v13, v11  }
0x13c: {  	v20 =	vld [tilespmem:s20+$0x10];
	v12 =	vadd.f32 v16, v12  }
0x13d: {  	v13 =	vld [tilespmem:s19+$0xFFFFFF50];
	v11 =	vadd.f32 v19, v11  }
0x13e: {  	v16 =	vld [tilespmem:s20+$0xC0];
	v12 =	vadd.f32 v23, v12  }
0x13f: {  	v19 =	vld [tilespmem:s20+$0x20];
	v11 =	vadd.f32 v18, v11  }
0x140: {  	v23 =	vld [tilespmem:s19+$0xFFFFFF60];
	v12 =	vadd.f32 v15, v12  }
0x141: {  	v14 =	vadd.f32 v17, v14;
	v15 =	vld [tilespmem:s20+$0x30];
	v11 =	vadd.f32 v22, v11  }
0x142: {  	v17 =	vld [tilespmem:s19+$0xFFFFFF70];
	v12 =	vadd.f32 v20, v12  }
0x143: {  	v18 =	vld [tilespmem:s20+$0x40];
	v13 =	vadd.f32 v13, v14;
	v11 =	vadd.f32 v21, v11  }
0x144: {  	v14 =	vld [tilespmem:s19+$0xFFFFFF80];
	v12 =	vadd.f32 v19, v12  }
0x145: {  	v13 =	vadd.f32 v23, v13;
	v19 =	vld [tilespmem:s20+$0x50];
	v11 =	vadd.f32 v11, v6  }
0x146: {  	v20 =	vld [tilespmem:s19+$0xFFFFFF90];
	v12 =	vadd.f32 v15, v12  }
0x147: {  	v13 =	vadd.f32 v17, v13;
	v15 =	vld [tilespmem:s20+$0x60];
	v11 =	vmax.f32 v11, $0.0e+00  }
0x148: {  	v17 =	vld [tilespmem:s19+$0xFFFFFFA0];
	v12 =	vadd.f32 v18, v12;
	v11 =	vperm.xlane v11, v2  }
0x149: {  	v13 =	vadd.f32 v14, v13;
	v18 =	vld [tilespmem:s20+$0x70]  }
0x14a: {  	v14 =	vld [tilespmem:s19+$0xFFFFFFB0];
	v12 =	vadd.f32 v19, v12;
	v11 =	vmul.f32 v11, v7  }
0x14b: {  	v13 =	vadd.f32 v20, v13;
	v19 =	vld [tilespmem:s20+$0x80]  }
0x14c: {  	v12 =	vadd.f32 v15, v12;
	v15 =	vld [tilespmem:s19+$0xFFFFFFC0];
	v21 =	vperm.xlane v11, v3  }
0x14d: {  	v20 =	vld [tilespmem:s20+$0x90];
	v13 =	vadd.f32 v17, v13  }
0x14e: {  	v12 =	vadd.f32 v18, v12;
	v18 =	vld [tilespmem:s19+$0xFFFFFFD0];
	v11 =	vadd.f32 v21, v11  }
0x14f: {  	v17 =	vld [tilespmem:s20+$0xA0];
	v13 =	vadd.f32 v14, v13  }
0x150: {  	v12 =	vadd.f32 v19, v12;
	v19 =	vld [tilespmem:s19+$0xFFFFFFE0];
	v21 =	vperm.xlane v11, v4  }
0x151: {  	v14 =	vld [tilespmem:s20+$0xB0];
	v13 =	vadd.f32 v15, v13  }
0x152: {  	s25 =	sadd.s32 $0x1A0, s19;
	v15 =	vld [tilespmem:s19+$0xFFFFFFF0];
	v12 =	vadd.f32 v20, v12;
	v11 =	vadd.f32 v21, v11  }
0x153: {  	v20 =	vld [tilespmem:s25+$0xFFFFFF30];
	v13 =	vadd.f32 v18, v13  }
0x154: {  	v12 =	vadd.f32 v17, v12;
	v17 =	vld [tilespmem:s19+$0x0];
	v11 =	vadd.f32 v11, v8  }
0x155: {  	v21 =	vld [tilespmem:s25+$0xFFFFFF40];
	v13 =	vadd.f32 v19, v13  }
0x156: {  	v18 =	vld [tilespmem:s19+$0x10];
	v11 =	vmax.f32 v11, $0.0e+00  }
0x157: {  	v12 =	vadd.f32 v14, v12;
	v14 =	vld [tilespmem:s25+$0xFFFFFF50];
	v13 =	vadd.f32 v15, v13;
	v11 =	vmul.f32 v11, v9  }
0x158: {  	v15 =	vld [tilespmem:s19+$0x20]  }
0x159: {  	v12 =	vadd.f32 v16, v12;
	v16 =	vld [tilespmem:s25+$0xFFFFFF60];
	v13 =	vadd.f32 v17, v13;
	v17 =	vperm.xlane v11, v1  }
0x15a: {  	v19 =	vadd.f32 v21, v20;
	v20 =	vld [tilespmem:s19+$0x30]  }
0x15b: {  	v21 =	vld [tilespmem:s25+$0xFFFFFF70];
	v13 =	vadd.f32 v18, v13;
	v11 =	vadd.f32 v11, v17  }
0x15c: {  	v14 =	vadd.f32 v14, v19;
	v17 =	vld [tilespmem:s19+$0x40]  }
0x15d: {  	v18 =	vld [tilespmem:s25+$0xFFFFFF80];
	v13 =	vadd.f32 v15, v13;
	v15 =	vperm.xlane v11, v5  }
0x15e: {  	v12 =	vadd.f32 v12, v6;
	v14 =	vadd.f32 v16, v14;
	v16 =	vld [tilespmem:s19+$0x50]  }
0x15f: {  	v19 =	vld [tilespmem:s25+$0xFFFFFF90];
	v13 =	vadd.f32 v20, v13;
	v11 =	vadd.f32 v11, v15  }
0x160: {  	v14 =	vadd.f32 v21, v14;
	v15 =	vld [tilespmem:s19+$0x60]  }
0x161: {  	v12 =	vmax.f32 v12, $0.0e+00;
	v13 =	vadd.f32 v17, v13;
	v21 =	vperm.xlane v11, v4  }
0x162: {  	v12 =	vperm.xlane v12, v2;
	v14 =	vadd.f32 v18, v14;
	v18 =	vld [tilespmem:s19+$0x70]  }
0x163: {  	v13 =	vadd.f32 v16, v13;
	v11 =	vadd.f32 v11, v21  }
0x164: {  	v12 =	vmul.f32 v12, v7;
	v16 =	vld [tilespmem:s19+$0x80]  }
0x165: {  	v20 =	vld [tilespmem:s25+$0xFFFFFFA0];
	v14 =	vadd.f32 v19, v14;
	v13 =	vadd.f32 v15, v13;
	v19 =	vperm.xlane v11, v3  }
0x166: {  	v17 =	vperm.xlane v12, v3;
	v15 =	vld [tilespmem:s19+$0x90]  }
0x167: {  	v13 =	vadd.f32 v18, v13;
	v11 =	vadd.f32 v11, v19  }
0x168: {  	v12 =	vadd.f32 v17, v12;
	v21 =	vld [tilespmem:s19+$0xA0]  }
0x169: {  	v23 =	vld [tilespmem:s25+$0xFFFFFFB0];
	v13 =	vadd.f32 v16, v13;
	v11 =	vadd.f32 v11, v10  }
0x16a: {  	v17 =	vperm.xlane v12, v4;
	v14 =	vadd.f32 v20, v14  }
0x16b: {  	v20 =	vld [tilespmem:s25+$0xFFFFFFC0];
	v13 =	vadd.f32 v15, v13;
	v11 =	vsub.f32 $0.0e+00, v11  }
0x16c: {  	v22 =	vld [tilespmem:s19+$0xC0];
	v12 =	vadd.f32 v17, v12  }
0x16d: {  	v17 =	vld [tilespmem:s25+$0xFFFFFFD0];
	v13 =	vadd.f32 v21, v13;
	v21 =	vmul.f32 $1.442695020e+00, v11  }
0x16e: {  	v14 =	vadd.f32 v23, v14;
	v23 =	vld [tilespmem:s25+$0xFFFFFFE0];
	v12 =	vadd.f32 v12, v8  }
0x16f: {  	s26 =	sadd.s32 $0x1A0, s25;
	v19 =	vld [tilespmem:s19+$0xB0];
	(erf) = vpow2.f32 v21  }
0x170: {  	v18 =	vld [tilespmem:s26+$0xFFFFFF40];
	v14 =	vadd.f32 v20, v14;
	v12 =	vmax.f32 v12, $0.0e+00  }
0x171: {  	v20 =	vld [tilespmem:s25+$0xFFFFFFF0];
	v12 =	vmul.f32 v12, v9  }
0x172: {  	v16 =	vld [tilespmem:s26+$0xFFFFFF30];
	v14 =	vadd.f32 v17, v14  }
0x173: {  	v15 =	vld [tilespmem:s25+$0x0];
	v17 =	vperm.xlane v12, v1  }
0x174: {  	s22 =	simm.s32 $0x1;
	v23 =	vadd.f32 v23, v14;
	v14 =	vld [tilespmem:s25+$0x10];
	v24 =	vadd.f32 v19, v13  }
0x175: {  	s21 =	simm.s32 $0x2;
	s23 =	simm.s32 $0x3;
	s28 =	simm.s32 $0x5;
	v19 =	vld [tilespmem:s26+$0xFFFFFF50];
	v13 =	vadd.f32 v12, v17  }
0x176: {  	s24 =	simm.s32 $0x0;
	s20 =	simm.s32 $0x4;
	s19 =	sshll.u32 s17, $0x4;
	v11 =	vimm.f32 $0.0e+00;
	v20 =	vadd.f32 v20, v23;
	v12 =	vld [tilespmem:s25+$0xC0];
	v17 =	vadd.f32 v22, v24  }
.LBB2_7:
0x177: {  	p0 =	sne.s32 s28, $0xF;
	v16 =	vadd.f32 v18, v16;
	v18 =	vld [tilespmem:s25+$0x20];
	v21 =	vperm.xlane v13, v5  }
0x178: {  	v22 =	vld [tilespmem:s26+$0xFFFFFF60];
	v15 =	vadd.f32 v15, v20;
	v17 =	vadd.f32 v17, v6;
	v20 =	vpop (erf)  }
0x179: {  	v23 =	vld [tilespmem:s25+$0x30];
	v13 =	vadd.f32 v13, v21;
	v20 =	vadd.f32 $1.000000000e+00, v20  }
0x17a: {  	v16 =	vadd.f32 v19, v16;
	v19 =	vld [tilespmem:s26+$0xFFFFFF70];
	v14 =	vadd.f32 v14, v15  }
0x17b: {  	v17 =	vmax.f32 v17, $0.0e+00;
	v15 =	vld [tilespmem:s25+$0x40];
	v21 =	vperm.xlane v13, v4;
	(erf) = vrcp.f32 v20  }
0x17c: {  	v17 =	vperm.xlane v17, v2;
	v20 =	vld [tilespmem:s26+$0xFFFFFF80];
	v14 =	vadd.f32 v18, v14  }
0x17d: {  	v16 =	vadd.f32 v22, v16;
	v18 =	vld [tilespmem:s25+$0x50];
	v13 =	vadd.f32 v13, v21  }
0x17e: {  	v17 =	vmul.f32 v17, v7;
	v21 =	vld [tilespmem:s26+$0xFFFFFF90];
	v14 =	vadd.f32 v23, v14  }
0x17f: {  	v16 =	vadd.f32 v19, v16;
	v19 =	vld [tilespmem:s25+$0x60];
	v22 =	vperm.xlane v13, v3  }
0x180: {  	v23 =	vld [tilespmem:s26+$0xFFFFFFA0];
	v14 =	vadd.f32 v15, v14;
	v15 =	vperm.xlane v17, v3  }
0x181: {  	v16 =	vadd.f32 v20, v16;
	v20 =	vld [tilespmem:s25+$0x70];
	v13 =	vadd.f32 v13, v22  }
0x182: {  	v22 =	vld [tilespmem:s26+$0xFFFFFFB0];
	v14 =	vadd.f32 v18, v14;
	v15 =	vadd.f32 v15, v17  }
0x183: {  	v24 =	vmov s24;
	s24 =	smov.u32 s22;
	s22 =	smov.u32 s21;
	s21 =	smov.u32 s23;
	v16 =	vadd.f32 v21, v16;
	v17 =	vld [tilespmem:s25+$0x80];
	v13 =	vadd.f32 v13, v10  }
0x184: {  	s23 =	smov.u32 s20;
	s20 =	smov.u32 s28;
	vm0 =	veq.s32 v24, v0;
	v14 =	vadd.f32 v19, v14;
	v19 =	vld [tilespmem:s25+$0x90];
	v21 =	vperm.xlane v15, v4;
	v18 =	vpop (erf)  }
0x185: {  	v16 =	vadd.f32 v23, v16;
	v23 =	vld [tilespmem:s26+$0xFFFFFFC0];
	v13 =	vsub.f32 $0.0e+00, v13;
	v11 =	vsel vm0, v18, v11  }
0x186: {  	v14 =	vadd.f32 v20, v14;
	v20 =	vld [tilespmem:s25+$0xA0];
	v15 =	vadd.f32 v21, v15  }
0x187: {  	v16 =	vadd.f32 v22, v16;
	v21 =	vld [tilespmem:s26+$0xFFFFFFD0];
	v13 =	vmul.f32 $1.442695020e+00, v13  }
0x188: {  	v14 =	vadd.f32 v17, v14;
	v17 =	vld [tilespmem:s25+$0xB0];
	v15 =	vadd.f32 v15, v8;
	s25 =	smov.u32 s26  }
0x189: {  	v22 =	vld [tilespmem:s26+$0xFFFFFFE0];
	(erf) = vpow2.f32 v13  }
0x18a: {  	s26 =	sadd.s32 $0x1A0, s26;
	v13 =	vadd.f32 v23, v16;
	v23 =	vld [tilespmem:s25+$0xFFFFFFF0];
	v14 =	vadd.f32 v19, v14;
	v15 =	vmax.f32 v15, $0.0e+00  }
0x18b: {  	v16 =	vld [tilespmem:s26+$0xFFFFFF30];
	v24 =	vmul.f32 v15, v9  }
.Ltmp2:
0x18c: {  	v18 =	vld [tilespmem:s26+$0xFFFFFF40];
	v13 =	vadd.f32 v21, v13;
	v19 =	vadd.f32 v20, v14;
	(pc) =	sbr.rel @p0 .LBB2_7-.Ltmp2, $4  }
0x18d: {  	v15 =	vld [tilespmem:s25+$0x0];
	v20 =	vperm.xlane v24, v1  }
0x18e: {  	v21 =	vadd.f32 v22, v13;
	v14 =	vld [tilespmem:s25+$0x10];
	v17 =	vadd.f32 v17, v19  }
0x18f: {  	v19 =	vld [tilespmem:s26+$0xFFFFFF50];
	v13 =	vadd.f32 v24, v20  }
0x190: {  	s28 =	sadd.s32 $0x1, s28;
	v20 =	vadd.f32 v23, v21;
	v17 =	vadd.f32 v12, v17;
	v12 =	vld [tilespmem:s25+$0xC0]  }
0x191: {  	v21 =	vld [tilespmem:s26+$0xFFFFFF60]  }
0x192: {  	v16 =	vadd.f32 v18, v16  }
0x193: {  	v39 =	vld [tilespmem:s26+$0xFFFFFF70]  }
0x194: {  	v16 =	vadd.f32 v19, v16  }
0x195: {  	v40 =	vld [tilespmem:s26+$0xFFFFFF80]  }
0x196: {  	v16 =	vadd.f32 v21, v16  }
0x197: {  	v41 =	vld [tilespmem:s26+$0xFFFFFF90]  }
0x198: {  	v16 =	vadd.f32 v39, v16  }
0x199: {  	v42 =	vld [tilespmem:s26+$0xFFFFFFA0]  }
0x19a: {  	v43 =	vld [tilespmem:s26+$0xFFFFFFB0];
	v16 =	vadd.f32 v40, v16  }
0x19b: {  	v22 =	vld [tilespmem:s25+$0x20]  }
0x19c: {  	v44 =	vld [tilespmem:s26+$0xFFFFFFC0];
	v15 =	vadd.f32 v15, v20;
	v16 =	vadd.f32 v41, v16  }
0x19d: {  	v45 =	vld [tilespmem:s25+$0x30]  }
0x19e: {  	v46 =	vld [tilespmem:s26+$0xFFFFFFD0];
	v14 =	vadd.f32 v14, v15;
	v16 =	vadd.f32 v42, v16  }
0x19f: {  	v47 =	vld [tilespmem:s25+$0x40]  }
0x1a0: {  	v48 =	vld [tilespmem:s26+$0xFFFFFFE0];
	v14 =	vadd.f32 v22, v14;
	v16 =	vadd.f32 v43, v16  }
0x1a1: {  	v49 =	vld [tilespmem:s25+$0x50]  }
0x1a2: {  	v50 =	vld [tilespmem:s26+$0xFFFFFFF0];
	v14 =	vadd.f32 v45, v14;
	v16 =	vadd.f32 v44, v16  }
0x1a3: {  	v51 =	vld [tilespmem:s25+$0x60]  }
0x1a4: {  	v52 =	vld [tilespmem:s26+$0x0];
	v14 =	vadd.f32 v47, v14;
	v15 =	vadd.f32 v46, v16  }
0x1a5: {  	v53 =	vld [tilespmem:s25+$0x70]  }
0x1a6: {  	v54 =	vld [tilespmem:s26+$0x10];
	v14 =	vadd.f32 v49, v14;
	v15 =	vadd.f32 v48, v15  }
0x1a7: {  	v55 =	vld [tilespmem:s25+$0x80]  }
0x1a8: {  	v56 =	vld [tilespmem:s26+$0x20];
	v14 =	vadd.f32 v51, v14;
	v15 =	vadd.f32 v50, v15  }
0x1a9: {  	v57 =	vld [tilespmem:s25+$0x90];
	v17 =	vadd.f32 v17, v6  }
0x1aa: {  	v59 =	vld [tilespmem:s26+$0x30];
	v14 =	vadd.f32 v53, v14;
	v15 =	vadd.f32 v52, v15  }
0x1ab: {  	v60 =	vld [tilespmem:s25+$0xA0]  }
0x1ac: {  	v61 =	vld [tilespmem:s26+$0x40];
	v58 =	vmax.f32 v17, $0.0e+00;
	v14 =	vadd.f32 v55, v14;
	v15 =	vadd.f32 v54, v15  }
0x1ad: {  	v62 =	vld [tilespmem:s25+$0xB0];
	v16 =	vperm.xlane v58, v2  }
0x1ae: {  	v14 =	vadd.f32 v57, v14;
	v15 =	vadd.f32 v56, v15  }
0x1af: {  	v63 =	vld [tilespmem:s26+$0x50];
	v16 =	vmul.f32 v16, v7  }
0x1b0: {  	v14 =	vadd.f32 v60, v14;
	v15 =	vadd.f32 v59, v15  }
0x1b1: {  	v25 =	vld [tilespmem:s26+$0x60];
	v24 =	vperm.xlane v16, v3  }
0x1b2: {  	v14 =	vadd.f32 v62, v14;
	v15 =	vadd.f32 v61, v15  }
0x1b3: {  	v26 =	vperm.xlane v13, v5;
	v27 =	vld [tilespmem:s26+$0x70];
	v16 =	vadd.f32 v24, v16  }
0x1b4: {  	v12 =	vadd.f32 v12, v14;
	v15 =	vadd.f32 v63, v15  }
0x1b5: {  	v28 =	vld [tilespmem:s26+$0x80];
	v13 =	vadd.f32 v13, v26;
	v21 =	vperm.xlane v16, v4  }
0x1b6: {  	v12 =	vadd.f32 v12, v6;
	v15 =	vadd.f32 v25, v15  }
0x1b7: {  	v30 =	vld [tilespmem:s26+$0x90];
	v29 =	vperm.xlane v13, v4;
	v16 =	vadd.f32 v21, v16  }
0x1b8: {  	v12 =	vmax.f32 v12, $0.0e+00;
	v15 =	vadd.f32 v27, v15  }
0x1b9: {  	v31 =	vld [tilespmem:s26+$0xA0];
	v13 =	vadd.f32 v13, v29;
	v12 =	vperm.xlane v12, v2;
	v16 =	vadd.f32 v16, v8  }
0x1ba: {  	v14 =	vadd.f32 v28, v15  }
0x1bb: {  	v33 =	vld [tilespmem:s26+$0xB0];
	v32 =	vperm.xlane v13, v3;
	v12 =	vmul.f32 v12, v7;
	v16 =	vmax.f32 v16, $0.0e+00  }
0x1bc: {  	v16 =	vmul.f32 v16, v9;
	v14 =	vadd.f32 v30, v14  }
0x1bd: {  	v35 =	vld [tilespmem:s26+$0xC0];
	v13 =	vadd.f32 v13, v32;
	v36 =	vperm.xlane v12, v3  }
0x1be: {  	v34 =	vperm.xlane v16, v1;
	v14 =	vadd.f32 v31, v14  }
0x1bf: {  	v13 =	vadd.f32 v13, v10;
	v12 =	vadd.f32 v36, v12  }
0x1c0: {  	v15 =	vadd.f32 v16, v34;
	v14 =	vadd.f32 v33, v14  }
0x1c1: {  	v39 =	vperm.xlane v12, v4  }
0x1c2: {  	v37 =	vpop (erf);
	v13 =	vsub.f32 $0.0e+00, v13;
	v38 =	vperm.xlane v15, v5;
	v14 =	vadd.f32 v35, v14  }
0x1c3: {  	v12 =	vadd.f32 v39, v12;
	v16 =	vadd.f32 $1.000000000e+00, v37  }
0x1c4: {  	v15 =	vadd.f32 v15, v38;
	v14 =	vadd.f32 v14, v6  }
0x1c5: {  	v13 =	vmul.f32 $1.442695020e+00, v13;
	v12 =	vadd.f32 v12, v8  }
0x1c6: {  	(erf) = vrcp.f32 v16;
	v40 =	vperm.xlane v15, v4;
	v14 =	vmax.f32 v14, $0.0e+00  }
0x1c7: {  	(erf) = vpow2.f32 v13;
	v12 =	vmax.f32 v12, $0.0e+00;
	v14 =	vperm.xlane v14, v2  }
0x1c8: {  	v12 =	vmul.f32 v12, v9;
	v13 =	vadd.f32 v15, v40  }
0x1c9: {  	v14 =	vmul.f32 v14, v7  }
0x1ca: {  	v41 =	vperm.xlane v12, v1;
	v15 =	vperm.xlane v13, v3  }
0x1cb: {  	v42 =	vperm.xlane v14, v3  }
0x1cc: {  	v12 =	vadd.f32 v12, v41;
	v13 =	vadd.f32 v13, v15  }
0x1cd: {  	v14 =	vadd.f32 v42, v14  }
0x1ce: {  	v45 =	vperm.xlane v12, v5;
	v13 =	vadd.f32 v13, v10  }
0x1cf: {  	v43 =	vpop (erf);
	v46 =	vperm.xlane v14, v4  }
0x1d0: {  	v44 =	vpop (erf);
	v12 =	vadd.f32 v12, v45;
	v13 =	vsub.f32 $0.0e+00, v13  }
0x1d1: {  	v16 =	vadd.f32 $1.000000000e+00, v44;
	v14 =	vadd.f32 v46, v14  }
0x1d2: {  	v13 =	vmul.f32 $1.442695020e+00, v13  }
0x1d3: {  	v47 =	vperm.xlane v12, v4;
	(erf) = vrcp.f32 v16;
	v14 =	vadd.f32 v14, v8  }
0x1d4: {  	(erf) = vpow2.f32 v13  }
0x1d5: {  	v12 =	vadd.f32 v12, v47;
	v48 =	vmax.f32 v14, $0.0e+00  }
0x1d6: {  	v13 =	vmul.f32 v48, v9  }
0x1d7: {  	v49 =	vperm.xlane v12, v3  }
0x1d8: {  	v50 =	vperm.xlane v13, v1  }
0x1d9: {  	v12 =	vadd.f32 v12, v49  }
0x1da: {  	v13 =	vadd.f32 v13, v50  }
0x1db: {  	v12 =	vadd.f32 v12, v10  }
0x1dc: {  	v51 =	vpop (erf);
	v16 =	vperm.xlane v13, v5  }
0x1dd: {  	v12 =	vsub.f32 $0.0e+00, v12;
	v52 =	vpop (erf)  }
0x1de: {  	v17 =	vadd.f32 $1.000000000e+00, v52;
	v13 =	vadd.f32 v13, v16  }
0x1df: {  	v12 =	vmul.f32 $1.442695020e+00, v12  }
0x1e0: {  	(erf) = vrcp.f32 v17;
	v16 =	vperm.xlane v13, v4  }
0x1e1: {  	(erf) = vpow2.f32 v12  }
0x1e2: {  	v53 =	vadd.f32 v13, v16;
	_ =	sdelay $0x1  }
0x1e3: {  	v13 =	vperm.xlane v53, v3;
	_ =	sdelay $0x1  }
0x1e4: {  	v12 =	vadd.f32 v53, v13;
	_ =	sdelay $0x1  }
0x1e5: {  	v12 =	vadd.f32 v12, v10  }
0x1e6: {  	v54 =	vpop (erf)  }
0x1e7: {  	v55 =	vpop (erf);
	v12 =	vsub.f32 $0.0e+00, v12  }
0x1e8: {  	v16 =	vadd.f32 $1.000000000e+00, v55  }
0x1e9: {  	v12 =	vmul.f32 $1.442695020e+00, v12  }
0x1ea: {  	(erf) = vrcp.f32 v16  }
0x1eb: {  	(erf) = vpow2.f32 v12;
	_ =	sdelay $0x7  }
0x1ec: {  	v56 =	vpop (erf)  }
0x1ed: {  	v57 =	vpop (erf)  }
0x1ee: {  	v16 =	vadd.f32 $1.000000000e+00, v57;
	_ =	sdelay $0x1  }
0x1ef: {  	(erf) = vrcp.f32 v16;
	_ =	sdelay $0x3  }
0x1f0: {  	v58 =	vmov s24  }
0x1f1: {  	s17 =	sadd.s32 $0x1, s17;
	vm0 =	veq.s32 v58, v0;
	v59 =	vmov s22  }
0x1f2: {  	p0 =	sne.s32 s17, $0x8;
	v60 =	vmov s21;
	vm12 =	veq.s32 v59, v0;
	v11 =	vsel vm0, v43, v11  }
.Ltmp3:
0x1f3: {  	vm13 =	veq.s32 v60, v0;
	v61 =	vmov s23;
	v11 =	vsel vm12, v51, v11;
	(pc) =	sbr.rel @p0 .LBB2_6-.Ltmp3, $4  }
0x1f4: {  	v62 =	vmov s20;
	vm14 =	veq.s32 v61, v0;
	v11 =	vsel vm13, v54, v11  }
0x1f5: {  	vm15 =	veq.s32 v62, v0;
	v11 =	vsel vm14, v56, v11;
	v63 =	vpop (erf)  }
0x1f6: {  	v11 =	vsel vm15, v63, v11  }
0x1f7: {  	s18 =	sadd.s32 $0x1A00, s18;
	[tilespmem:s19+$0xDDD0] =	vst v11  }
0x1f8: {  	s17 =	simm.s32 $0x0  }
0x1f9: {  	[tilespmem:s17], [sflag:$0x2] =	stream.linear.gather [hbm4b:s7+s17], $0xD00, $0x38;
	[tilespmem:$0xDF50] =	vst v63  }
0x1fa: {  	_ =	swait.ge [sflag:s12], $0xD00  }
0x1fb: {  	[sflag:s12] =	ssyncset.done $0x0  }
0x1fc: {  	[sflag:s12] =	ssyncadd.s32 $0xFFFFF300  }
0x1fd: {  	[tilespmem:s13], [sflag:$0x1] =	stream.indirect.gather [hbm4b:s3+s13], $0x10, s17, s13, $0xb8;
	[tilespmem:$0xDF50] =	vst v63  }
0x1fe: {  	_ =	swait.ge [sflag:s14], $0xD000  }
0x1ff: {  	[sflag:s14] =	ssyncset.done $0x0  }
0x200: {  	s18 =	simm.s32 $0xDD0;
	[sflag:s14] =	ssyncadd.s32 $0xFFFF3000  }
.LBB2_10:
0x201: {  	v11 =	vld [tilespmem:s18+$0xFFFFFF30]  }
0x202: {  	v12 =	vld [tilespmem:s18+$0xFFFFFF40];
	_ =	sdelay $0x1  }
0x203: {  	v13 =	vld [tilespmem:s18+$0xFFFFFF50];
	_ =	sdelay $0x1  }
0x204: {  	v14 =	vld [tilespmem:s18+$0xFFFFFF60]  }
0x205: {  	v11 =	vadd.f32 v12, v11  }
0x206: {  	v12 =	vld [tilespmem:s18+$0xFFFFFF70]  }
0x207: {  	v11 =	vadd.f32 v13, v11  }
0x208: {  	v13 =	vld [tilespmem:s18+$0xFFFFFF80]  }
0x209: {  	v11 =	vadd.f32 v14, v11  }
0x20a: {  	v15 =	vld [tilespmem:s18+$0xFFFFFF90]  }
0x20b: {  	v16 =	vld [tilespmem:s18+$0xFFFFFFB0];
	v11 =	vadd.f32 v12, v11  }
0x20c: {  	v14 =	vld [tilespmem:s18+$0xFFFFFFA0]  }
0x20d: {  	v17 =	vld [tilespmem:s18+$0xFFFFFFD0];
	v11 =	vadd.f32 v13, v11  }
0x20e: {  	v18 =	vld [tilespmem:s18+$0xFFFFFFF0]  }
0x20f: {  	v20 =	vld [tilespmem:s18+$0x10];
	v11 =	vadd.f32 v15, v11  }
0x210: {  	v12 =	vld [tilespmem:s18+$0xFFFFFFC0]  }
0x211: {  	s20 =	sadd.s32 $0x1A0, s18;
	v21 =	vld [tilespmem:s18+$0xC0];
	v11 =	vadd.f32 v14, v11  }
0x212: {  	v19 =	vld [tilespmem:s20+$0xFFFFFF40]  }
0x213: {  	v22 =	vld [tilespmem:s20+$0xFFFFFF60];
	v11 =	vadd.f32 v16, v11  }
0x214: {  	v13 =	vld [tilespmem:s18+$0xFFFFFFE0]  }
0x215: {  	v15 =	vld [tilespmem:s20+$0xFFFFFF30];
	v11 =	vadd.f32 v12, v11  }
0x216: {  	v23 =	vld [tilespmem:s20+$0xFFFFFF70]  }
0x217: {  	v16 =	vld [tilespmem:s20+$0xFFFFFF50];
	v11 =	vadd.f32 v17, v11  }
0x218: {  	v14 =	vld [tilespmem:s18+$0x0]  }
0x219: {  	v12 =	vld [tilespmem:s18+$0x20];
	v11 =	vadd.f32 v13, v11  }
0x21a: {  	v17 =	vld [tilespmem:s18+$0x30];
	v13 =	vadd.f32 v19, v15  }
0x21b: {  	v15 =	vld [tilespmem:s18+$0x40];
	v11 =	vadd.f32 v18, v11  }
0x21c: {  	v19 =	vld [tilespmem:s20+$0xFFFFFF80];
	v13 =	vadd.f32 v16, v13  }
0x21d: {  	v16 =	vld [tilespmem:s18+$0x50];
	v11 =	vadd.f32 v14, v11  }
0x21e: {  	v18 =	vld [tilespmem:s20+$0xFFFFFF90];
	v13 =	vadd.f32 v22, v13  }
0x21f: {  	v14 =	vld [tilespmem:s18+$0x60];
	v11 =	vadd.f32 v20, v11  }
0x220: {  	v22 =	vld [tilespmem:s20+$0xFFFFFFA0];
	v13 =	vadd.f32 v23, v13  }
0x221: {  	v20 =	vld [tilespmem:s18+$0x70];
	v11 =	vadd.f32 v12, v11  }
0x222: {  	v23 =	vld [tilespmem:s20+$0xFFFFFFB0];
	v12 =	vadd.f32 v19, v13  }
0x223: {  	v13 =	vld [tilespmem:s18+$0x80];
	v11 =	vadd.f32 v17, v11  }
0x224: {  	v19 =	vld [tilespmem:s18+$0x90];
	v12 =	vadd.f32 v18, v12  }
0x225: {  	v17 =	vld [tilespmem:s20+$0xFFFFFFC0];
	v11 =	vadd.f32 v15, v11  }
0x226: {  	v18 =	vld [tilespmem:s18+$0xA0];
	v12 =	vadd.f32 v22, v12  }
0x227: {  	v15 =	vld [tilespmem:s20+$0xFFFFFFD0];
	v11 =	vadd.f32 v16, v11  }
0x228: {  	v22 =	vld [tilespmem:s18+$0xB0];
	v12 =	vadd.f32 v23, v12  }
0x229: {  	v16 =	vld [tilespmem:s20+$0xFFFFFFE0];
	v11 =	vadd.f32 v14, v11  }
0x22a: {  	s19 =	sadd.s32 $0x1A0, s20;
	v23 =	vld [tilespmem:s20+$0xFFFFFFF0];
	v12 =	vadd.f32 v17, v12  }
0x22b: {  	v14 =	vld [tilespmem:s19+$0xFFFFFF30];
	v11 =	vadd.f32 v20, v11  }
0x22c: {  	v17 =	vld [tilespmem:s19+$0xFFFFFF40];
	v12 =	vadd.f32 v15, v12  }
0x22d: {  	v15 =	vld [tilespmem:s20+$0x0];
	v11 =	vadd.f32 v13, v11  }
0x22e: {  	v20 =	vld [tilespmem:s20+$0x10];
	v12 =	vadd.f32 v16, v12  }
0x22f: {  	v13 =	vld [tilespmem:s19+$0xFFFFFF50];
	v11 =	vadd.f32 v19, v11  }
0x230: {  	v16 =	vld [tilespmem:s20+$0xC0];
	v12 =	vadd.f32 v23, v12  }
0x231: {  	v19 =	vld [tilespmem:s20+$0x20];
	v11 =	vadd.f32 v18, v11  }
0x232: {  	v23 =	vld [tilespmem:s19+$0xFFFFFF60];
	v12 =	vadd.f32 v15, v12  }
0x233: {  	v14 =	vadd.f32 v17, v14;
	v15 =	vld [tilespmem:s20+$0x30];
	v11 =	vadd.f32 v22, v11  }
0x234: {  	v17 =	vld [tilespmem:s19+$0xFFFFFF70];
	v12 =	vadd.f32 v20, v12  }
0x235: {  	v18 =	vld [tilespmem:s20+$0x40];
	v13 =	vadd.f32 v13, v14;
	v11 =	vadd.f32 v21, v11  }
0x236: {  	v14 =	vld [tilespmem:s19+$0xFFFFFF80];
	v12 =	vadd.f32 v19, v12  }
0x237: {  	v13 =	vadd.f32 v23, v13;
	v19 =	vld [tilespmem:s20+$0x50];
	v11 =	vadd.f32 v11, v6  }
0x238: {  	v20 =	vld [tilespmem:s19+$0xFFFFFF90];
	v12 =	vadd.f32 v15, v12  }
0x239: {  	v13 =	vadd.f32 v17, v13;
	v15 =	vld [tilespmem:s20+$0x60];
	v11 =	vmax.f32 v11, $0.0e+00  }
0x23a: {  	v17 =	vld [tilespmem:s19+$0xFFFFFFA0];
	v12 =	vadd.f32 v18, v12;
	v11 =	vperm.xlane v11, v2  }
0x23b: {  	v13 =	vadd.f32 v14, v13;
	v18 =	vld [tilespmem:s20+$0x70]  }
0x23c: {  	v14 =	vld [tilespmem:s19+$0xFFFFFFB0];
	v12 =	vadd.f32 v19, v12;
	v11 =	vmul.f32 v11, v7  }
0x23d: {  	v13 =	vadd.f32 v20, v13;
	v19 =	vld [tilespmem:s20+$0x80]  }
0x23e: {  	v12 =	vadd.f32 v15, v12;
	v15 =	vld [tilespmem:s19+$0xFFFFFFC0];
	v21 =	vperm.xlane v11, v3  }
0x23f: {  	v20 =	vld [tilespmem:s20+$0x90];
	v13 =	vadd.f32 v17, v13  }
0x240: {  	v12 =	vadd.f32 v18, v12;
	v18 =	vld [tilespmem:s19+$0xFFFFFFD0];
	v11 =	vadd.f32 v21, v11  }
0x241: {  	v17 =	vld [tilespmem:s20+$0xA0];
	v13 =	vadd.f32 v14, v13  }
0x242: {  	v12 =	vadd.f32 v19, v12;
	v19 =	vld [tilespmem:s19+$0xFFFFFFE0];
	v21 =	vperm.xlane v11, v4  }
0x243: {  	v14 =	vld [tilespmem:s20+$0xB0];
	v13 =	vadd.f32 v15, v13  }
0x244: {  	s25 =	sadd.s32 $0x1A0, s19;
	v15 =	vld [tilespmem:s19+$0xFFFFFFF0];
	v12 =	vadd.f32 v20, v12;
	v11 =	vadd.f32 v21, v11  }
0x245: {  	v20 =	vld [tilespmem:s25+$0xFFFFFF30];
	v13 =	vadd.f32 v18, v13  }
0x246: {  	v12 =	vadd.f32 v17, v12;
	v17 =	vld [tilespmem:s19+$0x0];
	v11 =	vadd.f32 v11, v8  }
0x247: {  	v21 =	vld [tilespmem:s25+$0xFFFFFF40];
	v13 =	vadd.f32 v19, v13  }
0x248: {  	v18 =	vld [tilespmem:s19+$0x10];
	v11 =	vmax.f32 v11, $0.0e+00  }
0x249: {  	v12 =	vadd.f32 v14, v12;
	v14 =	vld [tilespmem:s25+$0xFFFFFF50];
	v13 =	vadd.f32 v15, v13;
	v11 =	vmul.f32 v11, v9  }
0x24a: {  	v15 =	vld [tilespmem:s19+$0x20]  }
0x24b: {  	v12 =	vadd.f32 v16, v12;
	v16 =	vld [tilespmem:s25+$0xFFFFFF60];
	v13 =	vadd.f32 v17, v13;
	v17 =	vperm.xlane v11, v1  }
0x24c: {  	v19 =	vadd.f32 v21, v20;
	v20 =	vld [tilespmem:s19+$0x30]  }
0x24d: {  	v21 =	vld [tilespmem:s25+$0xFFFFFF70];
	v13 =	vadd.f32 v18, v13;
	v11 =	vadd.f32 v11, v17  }
0x24e: {  	v14 =	vadd.f32 v14, v19;
	v17 =	vld [tilespmem:s19+$0x40]  }
0x24f: {  	v18 =	vld [tilespmem:s25+$0xFFFFFF80];
	v13 =	vadd.f32 v15, v13;
	v15 =	vperm.xlane v11, v5  }
0x250: {  	v12 =	vadd.f32 v12, v6;
	v14 =	vadd.f32 v16, v14;
	v16 =	vld [tilespmem:s19+$0x50]  }
0x251: {  	v19 =	vld [tilespmem:s25+$0xFFFFFF90];
	v13 =	vadd.f32 v20, v13;
	v11 =	vadd.f32 v11, v15  }
0x252: {  	v14 =	vadd.f32 v21, v14;
	v15 =	vld [tilespmem:s19+$0x60]  }
0x253: {  	v12 =	vmax.f32 v12, $0.0e+00;
	v13 =	vadd.f32 v17, v13;
	v21 =	vperm.xlane v11, v4  }
0x254: {  	v12 =	vperm.xlane v12, v2;
	v14 =	vadd.f32 v18, v14;
	v18 =	vld [tilespmem:s19+$0x70]  }
0x255: {  	v13 =	vadd.f32 v16, v13;
	v11 =	vadd.f32 v11, v21  }
0x256: {  	v12 =	vmul.f32 v12, v7;
	v16 =	vld [tilespmem:s19+$0x80]  }
0x257: {  	v20 =	vld [tilespmem:s25+$0xFFFFFFA0];
	v14 =	vadd.f32 v19, v14;
	v13 =	vadd.f32 v15, v13;
	v19 =	vperm.xlane v11, v3  }
0x258: {  	v17 =	vperm.xlane v12, v3;
	v15 =	vld [tilespmem:s19+$0x90]  }
0x259: {  	v13 =	vadd.f32 v18, v13;
	v11 =	vadd.f32 v11, v19  }
0x25a: {  	v12 =	vadd.f32 v17, v12;
	v21 =	vld [tilespmem:s19+$0xA0]  }
0x25b: {  	v23 =	vld [tilespmem:s25+$0xFFFFFFB0];
	v13 =	vadd.f32 v16, v13;
	v11 =	vadd.f32 v11, v10  }
0x25c: {  	v17 =	vperm.xlane v12, v4;
	v14 =	vadd.f32 v20, v14  }
0x25d: {  	v20 =	vld [tilespmem:s25+$0xFFFFFFC0];
	v13 =	vadd.f32 v15, v13;
	v11 =	vsub.f32 $0.0e+00, v11  }
0x25e: {  	v22 =	vld [tilespmem:s19+$0xC0];
	v12 =	vadd.f32 v17, v12  }
0x25f: {  	v17 =	vld [tilespmem:s25+$0xFFFFFFD0];
	v13 =	vadd.f32 v21, v13;
	v21 =	vmul.f32 $1.442695020e+00, v11  }
0x260: {  	v14 =	vadd.f32 v23, v14;
	v23 =	vld [tilespmem:s25+$0xFFFFFFE0];
	v12 =	vadd.f32 v12, v8  }
0x261: {  	s26 =	sadd.s32 $0x1A0, s25;
	v19 =	vld [tilespmem:s19+$0xB0];
	(erf) = vpow2.f32 v21  }
0x262: {  	v18 =	vld [tilespmem:s26+$0xFFFFFF40];
	v14 =	vadd.f32 v20, v14;
	v12 =	vmax.f32 v12, $0.0e+00  }
0x263: {  	v20 =	vld [tilespmem:s25+$0xFFFFFFF0];
	v12 =	vmul.f32 v12, v9  }
0x264: {  	v16 =	vld [tilespmem:s26+$0xFFFFFF30];
	v14 =	vadd.f32 v17, v14  }
0x265: {  	v15 =	vld [tilespmem:s25+$0x0];
	v17 =	vperm.xlane v12, v1  }
0x266: {  	s22 =	simm.s32 $0x1;
	v23 =	vadd.f32 v23, v14;
	v14 =	vld [tilespmem:s25+$0x10];
	v24 =	vadd.f32 v19, v13  }
0x267: {  	s21 =	simm.s32 $0x2;
	s23 =	simm.s32 $0x3;
	s28 =	simm.s32 $0x5;
	v19 =	vld [tilespmem:s26+$0xFFFFFF50];
	v13 =	vadd.f32 v12, v17  }
0x268: {  	s24 =	simm.s32 $0x0;
	s20 =	simm.s32 $0x4;
	s19 =	sshll.u32 s17, $0x4;
	v11 =	vimm.f32 $0.0e+00;
	v20 =	vadd.f32 v20, v23;
	v12 =	vld [tilespmem:s25+$0xC0];
	v17 =	vadd.f32 v22, v24  }
.LBB2_11:
0x269: {  	p0 =	sne.s32 s28, $0xF;
	v16 =	vadd.f32 v18, v16;
	v18 =	vld [tilespmem:s25+$0x20];
	v21 =	vperm.xlane v13, v5  }
0x26a: {  	v22 =	vld [tilespmem:s26+$0xFFFFFF60];
	v15 =	vadd.f32 v15, v20;
	v17 =	vadd.f32 v17, v6;
	v20 =	vpop (erf)  }
0x26b: {  	v23 =	vld [tilespmem:s25+$0x30];
	v13 =	vadd.f32 v13, v21;
	v20 =	vadd.f32 $1.000000000e+00, v20  }
0x26c: {  	v16 =	vadd.f32 v19, v16;
	v19 =	vld [tilespmem:s26+$0xFFFFFF70];
	v14 =	vadd.f32 v14, v15  }
0x26d: {  	v17 =	vmax.f32 v17, $0.0e+00;
	v15 =	vld [tilespmem:s25+$0x40];
	v21 =	vperm.xlane v13, v4;
	(erf) = vrcp.f32 v20  }
0x26e: {  	v17 =	vperm.xlane v17, v2;
	v20 =	vld [tilespmem:s26+$0xFFFFFF80];
	v14 =	vadd.f32 v18, v14  }
0x26f: {  	v16 =	vadd.f32 v22, v16;
	v18 =	vld [tilespmem:s25+$0x50];
	v13 =	vadd.f32 v13, v21  }
0x270: {  	v17 =	vmul.f32 v17, v7;
	v21 =	vld [tilespmem:s26+$0xFFFFFF90];
	v14 =	vadd.f32 v23, v14  }
0x271: {  	v16 =	vadd.f32 v19, v16;
	v19 =	vld [tilespmem:s25+$0x60];
	v22 =	vperm.xlane v13, v3  }
0x272: {  	v23 =	vld [tilespmem:s26+$0xFFFFFFA0];
	v14 =	vadd.f32 v15, v14;
	v15 =	vperm.xlane v17, v3  }
0x273: {  	v16 =	vadd.f32 v20, v16;
	v20 =	vld [tilespmem:s25+$0x70];
	v13 =	vadd.f32 v13, v22  }
0x274: {  	v22 =	vld [tilespmem:s26+$0xFFFFFFB0];
	v14 =	vadd.f32 v18, v14;
	v15 =	vadd.f32 v15, v17  }
0x275: {  	v24 =	vmov s24;
	s24 =	smov.u32 s22;
	s22 =	smov.u32 s21;
	s21 =	smov.u32 s23;
	v16 =	vadd.f32 v21, v16;
	v17 =	vld [tilespmem:s25+$0x80];
	v13 =	vadd.f32 v13, v10  }
0x276: {  	s23 =	smov.u32 s20;
	s20 =	smov.u32 s28;
	vm0 =	veq.s32 v24, v0;
	v14 =	vadd.f32 v19, v14;
	v19 =	vld [tilespmem:s25+$0x90];
	v21 =	vperm.xlane v15, v4;
	v18 =	vpop (erf)  }
0x277: {  	v16 =	vadd.f32 v23, v16;
	v23 =	vld [tilespmem:s26+$0xFFFFFFC0];
	v13 =	vsub.f32 $0.0e+00, v13;
	v11 =	vsel vm0, v18, v11  }
0x278: {  	v14 =	vadd.f32 v20, v14;
	v20 =	vld [tilespmem:s25+$0xA0];
	v15 =	vadd.f32 v21, v15  }
0x279: {  	v16 =	vadd.f32 v22, v16;
	v21 =	vld [tilespmem:s26+$0xFFFFFFD0];
	v13 =	vmul.f32 $1.442695020e+00, v13  }
0x27a: {  	v14 =	vadd.f32 v17, v14;
	v17 =	vld [tilespmem:s25+$0xB0];
	v15 =	vadd.f32 v15, v8;
	s25 =	smov.u32 s26  }
0x27b: {  	v22 =	vld [tilespmem:s26+$0xFFFFFFE0];
	(erf) = vpow2.f32 v13  }
0x27c: {  	s26 =	sadd.s32 $0x1A0, s26;
	v13 =	vadd.f32 v23, v16;
	v23 =	vld [tilespmem:s25+$0xFFFFFFF0];
	v14 =	vadd.f32 v19, v14;
	v15 =	vmax.f32 v15, $0.0e+00  }
0x27d: {  	v16 =	vld [tilespmem:s26+$0xFFFFFF30];
	v24 =	vmul.f32 v15, v9  }
.Ltmp4:
0x27e: {  	v18 =	vld [tilespmem:s26+$0xFFFFFF40];
	v13 =	vadd.f32 v21, v13;
	v19 =	vadd.f32 v20, v14;
	(pc) =	sbr.rel @p0 .LBB2_11-.Ltmp4, $4  }
0x27f: {  	v15 =	vld [tilespmem:s25+$0x0];
	v20 =	vperm.xlane v24, v1  }
0x280: {  	v21 =	vadd.f32 v22, v13;
	v14 =	vld [tilespmem:s25+$0x10];
	v17 =	vadd.f32 v17, v19  }
0x281: {  	v19 =	vld [tilespmem:s26+$0xFFFFFF50];
	v13 =	vadd.f32 v24, v20  }
0x282: {  	s28 =	sadd.s32 $0x1, s28;
	v20 =	vadd.f32 v23, v21;
	v17 =	vadd.f32 v12, v17;
	v12 =	vld [tilespmem:s25+$0xC0]  }
0x283: {  	v21 =	vld [tilespmem:s26+$0xFFFFFF60]  }
0x284: {  	v16 =	vadd.f32 v18, v16  }
0x285: {  	v39 =	vld [tilespmem:s26+$0xFFFFFF70]  }
0x286: {  	v16 =	vadd.f32 v19, v16  }
0x287: {  	v40 =	vld [tilespmem:s26+$0xFFFFFF80]  }
0x288: {  	v16 =	vadd.f32 v21, v16  }
0x289: {  	v41 =	vld [tilespmem:s26+$0xFFFFFF90]  }
0x28a: {  	v16 =	vadd.f32 v39, v16  }
0x28b: {  	v42 =	vld [tilespmem:s26+$0xFFFFFFA0]  }
0x28c: {  	v43 =	vld [tilespmem:s26+$0xFFFFFFB0];
	v16 =	vadd.f32 v40, v16  }
0x28d: {  	v22 =	vld [tilespmem:s25+$0x20]  }
0x28e: {  	v44 =	vld [tilespmem:s26+$0xFFFFFFC0];
	v15 =	vadd.f32 v15, v20;
	v16 =	vadd.f32 v41, v16  }
0x28f: {  	v45 =	vld [tilespmem:s25+$0x30]  }
0x290: {  	v46 =	vld [tilespmem:s26+$0xFFFFFFD0];
	v14 =	vadd.f32 v14, v15;
	v16 =	vadd.f32 v42, v16  }
0x291: {  	v47 =	vld [tilespmem:s25+$0x40]  }
0x292: {  	v48 =	vld [tilespmem:s26+$0xFFFFFFE0];
	v14 =	vadd.f32 v22, v14;
	v16 =	vadd.f32 v43, v16  }
0x293: {  	v49 =	vld [tilespmem:s25+$0x50]  }
0x294: {  	v50 =	vld [tilespmem:s26+$0xFFFFFFF0];
	v14 =	vadd.f32 v45, v14;
	v16 =	vadd.f32 v44, v16  }
0x295: {  	v51 =	vld [tilespmem:s25+$0x60]  }
0x296: {  	v52 =	vld [tilespmem:s26+$0x0];
	v14 =	vadd.f32 v47, v14;
	v15 =	vadd.f32 v46, v16  }
0x297: {  	v53 =	vld [tilespmem:s25+$0x70]  }
0x298: {  	v54 =	vld [tilespmem:s26+$0x10];
	v14 =	vadd.f32 v49, v14;
	v15 =	vadd.f32 v48, v15  }
0x299: {  	v55 =	vld [tilespmem:s25+$0x80]  }
0x29a: {  	v56 =	vld [tilespmem:s26+$0x20];
	v14 =	vadd.f32 v51, v14;
	v15 =	vadd.f32 v50, v15  }
0x29b: {  	v57 =	vld [tilespmem:s25+$0x90];
	v17 =	vadd.f32 v17, v6  }
0x29c: {  	v59 =	vld [tilespmem:s26+$0x30];
	v14 =	vadd.f32 v53, v14;
	v15 =	vadd.f32 v52, v15  }
0x29d: {  	v60 =	vld [tilespmem:s25+$0xA0]  }
0x29e: {  	v61 =	vld [tilespmem:s26+$0x40];
	v58 =	vmax.f32 v17, $0.0e+00;
	v14 =	vadd.f32 v55, v14;
	v15 =	vadd.f32 v54, v15  }
0x29f: {  	v62 =	vld [tilespmem:s25+$0xB0];
	v16 =	vperm.xlane v58, v2  }
0x2a0: {  	v14 =	vadd.f32 v57, v14;
	v15 =	vadd.f32 v56, v15  }
0x2a1: {  	v63 =	vld [tilespmem:s26+$0x50];
	v16 =	vmul.f32 v16, v7  }
0x2a2: {  	v14 =	vadd.f32 v60, v14;
	v15 =	vadd.f32 v59, v15  }
0x2a3: {  	v25 =	vld [tilespmem:s26+$0x60];
	v24 =	vperm.xlane v16, v3  }
0x2a4: {  	v14 =	vadd.f32 v62, v14;
	v15 =	vadd.f32 v61, v15  }
0x2a5: {  	v26 =	vperm.xlane v13, v5;
	v27 =	vld [tilespmem:s26+$0x70];
	v16 =	vadd.f32 v24, v16  }
0x2a6: {  	v12 =	vadd.f32 v12, v14;
	v15 =	vadd.f32 v63, v15  }
0x2a7: {  	v28 =	vld [tilespmem:s26+$0x80];
	v13 =	vadd.f32 v13, v26;
	v21 =	vperm.xlane v16, v4  }
0x2a8: {  	v12 =	vadd.f32 v12, v6;
	v15 =	vadd.f32 v25, v15  }
0x2a9: {  	v30 =	vld [tilespmem:s26+$0x90];
	v29 =	vperm.xlane v13, v4;
	v16 =	vadd.f32 v21, v16  }
0x2aa: {  	v12 =	vmax.f32 v12, $0.0e+00;
	v15 =	vadd.f32 v27, v15  }
0x2ab: {  	v31 =	vld [tilespmem:s26+$0xA0];
	v13 =	vadd.f32 v13, v29;
	v12 =	vperm.xlane v12, v2;
	v16 =	vadd.f32 v16, v8  }
0x2ac: {  	v14 =	vadd.f32 v28, v15  }
0x2ad: {  	v33 =	vld [tilespmem:s26+$0xB0];
	v32 =	vperm.xlane v13, v3;
	v12 =	vmul.f32 v12, v7;
	v16 =	vmax.f32 v16, $0.0e+00  }
0x2ae: {  	v16 =	vmul.f32 v16, v9;
	v14 =	vadd.f32 v30, v14  }
0x2af: {  	v35 =	vld [tilespmem:s26+$0xC0];
	v13 =	vadd.f32 v13, v32;
	v36 =	vperm.xlane v12, v3  }
0x2b0: {  	v34 =	vperm.xlane v16, v1;
	v14 =	vadd.f32 v31, v14  }
0x2b1: {  	v13 =	vadd.f32 v13, v10;
	v12 =	vadd.f32 v36, v12  }
0x2b2: {  	v15 =	vadd.f32 v16, v34;
	v14 =	vadd.f32 v33, v14  }
0x2b3: {  	v39 =	vperm.xlane v12, v4  }
0x2b4: {  	v37 =	vpop (erf);
	v13 =	vsub.f32 $0.0e+00, v13;
	v38 =	vperm.xlane v15, v5;
	v14 =	vadd.f32 v35, v14  }
0x2b5: {  	v12 =	vadd.f32 v39, v12;
	v16 =	vadd.f32 $1.000000000e+00, v37  }
0x2b6: {  	v15 =	vadd.f32 v15, v38;
	v14 =	vadd.f32 v14, v6  }
0x2b7: {  	v13 =	vmul.f32 $1.442695020e+00, v13;
	v12 =	vadd.f32 v12, v8  }
0x2b8: {  	(erf) = vrcp.f32 v16;
	v40 =	vperm.xlane v15, v4;
	v14 =	vmax.f32 v14, $0.0e+00  }
0x2b9: {  	(erf) = vpow2.f32 v13;
	v12 =	vmax.f32 v12, $0.0e+00;
	v14 =	vperm.xlane v14, v2  }
0x2ba: {  	v12 =	vmul.f32 v12, v9;
	v13 =	vadd.f32 v15, v40  }
0x2bb: {  	v14 =	vmul.f32 v14, v7  }
0x2bc: {  	v41 =	vperm.xlane v12, v1;
	v15 =	vperm.xlane v13, v3  }
0x2bd: {  	v42 =	vperm.xlane v14, v3  }
0x2be: {  	v12 =	vadd.f32 v12, v41;
	v13 =	vadd.f32 v13, v15  }
0x2bf: {  	v14 =	vadd.f32 v42, v14  }
0x2c0: {  	v45 =	vperm.xlane v12, v5;
	v13 =	vadd.f32 v13, v10  }
0x2c1: {  	v43 =	vpop (erf);
	v46 =	vperm.xlane v14, v4  }
0x2c2: {  	v44 =	vpop (erf);
	v12 =	vadd.f32 v12, v45;
	v13 =	vsub.f32 $0.0e+00, v13  }
0x2c3: {  	v16 =	vadd.f32 $1.000000000e+00, v44;
	v14 =	vadd.f32 v46, v14  }
0x2c4: {  	v13 =	vmul.f32 $1.442695020e+00, v13  }
0x2c5: {  	v47 =	vperm.xlane v12, v4;
	(erf) = vrcp.f32 v16;
	v14 =	vadd.f32 v14, v8  }
0x2c6: {  	(erf) = vpow2.f32 v13  }
0x2c7: {  	v12 =	vadd.f32 v12, v47;
	v48 =	vmax.f32 v14, $0.0e+00  }
0x2c8: {  	v13 =	vmul.f32 v48, v9  }
0x2c9: {  	v49 =	vperm.xlane v12, v3  }
0x2ca: {  	v50 =	vperm.xlane v13, v1  }
0x2cb: {  	v12 =	vadd.f32 v12, v49  }
0x2cc: {  	v13 =	vadd.f32 v13, v50  }
0x2cd: {  	v12 =	vadd.f32 v12, v10  }
0x2ce: {  	v51 =	vpop (erf);
	v16 =	vperm.xlane v13, v5  }
0x2cf: {  	v12 =	vsub.f32 $0.0e+00, v12;
	v52 =	vpop (erf)  }
0x2d0: {  	v17 =	vadd.f32 $1.000000000e+00, v52;
	v13 =	vadd.f32 v13, v16  }
0x2d1: {  	v12 =	vmul.f32 $1.442695020e+00, v12  }
0x2d2: {  	(erf) = vrcp.f32 v17;
	v16 =	vperm.xlane v13, v4  }
0x2d3: {  	(erf) = vpow2.f32 v12  }
0x2d4: {  	v53 =	vadd.f32 v13, v16;
	_ =	sdelay $0x1  }
0x2d5: {  	v13 =	vperm.xlane v53, v3;
	_ =	sdelay $0x1  }
0x2d6: {  	v12 =	vadd.f32 v53, v13;
	_ =	sdelay $0x1  }
0x2d7: {  	v12 =	vadd.f32 v12, v10  }
0x2d8: {  	v54 =	vpop (erf)  }
0x2d9: {  	v55 =	vpop (erf);
	v12 =	vsub.f32 $0.0e+00, v12  }
0x2da: {  	v16 =	vadd.f32 $1.000000000e+00, v55  }
0x2db: {  	v12 =	vmul.f32 $1.442695020e+00, v12  }
0x2dc: {  	(erf) = vrcp.f32 v16  }
0x2dd: {  	(erf) = vpow2.f32 v12;
	_ =	sdelay $0x7  }
0x2de: {  	v56 =	vpop (erf)  }
0x2df: {  	v57 =	vpop (erf)  }
0x2e0: {  	v16 =	vadd.f32 $1.000000000e+00, v57;
	_ =	sdelay $0x1  }
0x2e1: {  	(erf) = vrcp.f32 v16;
	_ =	sdelay $0x3  }
0x2e2: {  	v58 =	vmov s24  }
0x2e3: {  	s17 =	sadd.s32 $0x1, s17;
	vm0 =	veq.s32 v58, v0;
	v59 =	vmov s22  }
0x2e4: {  	p0 =	sne.s32 s17, $0x8;
	v60 =	vmov s21;
	vm12 =	veq.s32 v59, v0;
	v11 =	vsel vm0, v43, v11  }
.Ltmp5:
0x2e5: {  	vm13 =	veq.s32 v60, v0;
	v61 =	vmov s23;
	v11 =	vsel vm12, v51, v11;
	(pc) =	sbr.rel @p0 .LBB2_10-.Ltmp5, $4  }
0x2e6: {  	v62 =	vmov s20;
	vm14 =	veq.s32 v61, v0;
	v11 =	vsel vm13, v54, v11  }
0x2e7: {  	vm15 =	veq.s32 v62, v0;
	v11 =	vsel vm14, v56, v11;
	v63 =	vpop (erf)  }
0x2e8: {  	v11 =	vsel vm15, v63, v11  }
0x2e9: {  	s18 =	sadd.s32 $0x1A00, s18;
	[tilespmem:s19+$0xDE50] =	vst v11  }
0x2ea: {  	s17 =	simm.s32 $0x0  }
0x2eb: {  	[tilespmem:s17], [sflag:$0x2] =	stream.linear.gather [hbm4b:s8+s17], $0xD00, $0x38;
	[tilespmem:$0xDF50] =	vst v63  }
0x2ec: {  	_ =	swait.ge [sflag:s12], $0xD00  }
0x2ed: {  	[sflag:s12] =	ssyncset.done $0x0  }
0x2ee: {  	[sflag:s12] =	ssyncadd.s32 $0xFFFFF300  }
0x2ef: {  	[tilespmem:s13], [sflag:$0x1] =	stream.indirect.gather [hbm4b:s3+s13], $0x10, s17, s13, $0xb8;
	[tilespmem:$0xDF50] =	vst v63  }
0x2f0: {  	_ =	swait.ge [sflag:s14], $0xD000  }
0x2f1: {  	[sflag:s14] =	ssyncset.done $0x0  }
0x2f2: {  	s18 =	simm.s32 $0xDD0;
	[sflag:s14] =	ssyncadd.s32 $0xFFFF3000  }
.LBB2_14:
0x2f3: {  	v11 =	vld [tilespmem:s18+$0xFFFFFF30]  }
0x2f4: {  	v12 =	vld [tilespmem:s18+$0xFFFFFF40];
	_ =	sdelay $0x1  }
0x2f5: {  	v13 =	vld [tilespmem:s18+$0xFFFFFF50];
	_ =	sdelay $0x1  }
0x2f6: {  	v14 =	vld [tilespmem:s18+$0xFFFFFF60]  }
0x2f7: {  	v11 =	vadd.f32 v12, v11  }
0x2f8: {  	v12 =	vld [tilespmem:s18+$0xFFFFFF70]  }
0x2f9: {  	v11 =	vadd.f32 v13, v11  }
0x2fa: {  	v13 =	vld [tilespmem:s18+$0xFFFFFF80]  }
0x2fb: {  	v11 =	vadd.f32 v14, v11  }
0x2fc: {  	v15 =	vld [tilespmem:s18+$0xFFFFFF90]  }
0x2fd: {  	v16 =	vld [tilespmem:s18+$0xFFFFFFB0];
	v11 =	vadd.f32 v12, v11  }
0x2fe: {  	v14 =	vld [tilespmem:s18+$0xFFFFFFA0]  }
0x2ff: {  	v17 =	vld [tilespmem:s18+$0xFFFFFFD0];
	v11 =	vadd.f32 v13, v11  }
0x300: {  	v18 =	vld [tilespmem:s18+$0xFFFFFFF0]  }
0x301: {  	v20 =	vld [tilespmem:s18+$0x10];
	v11 =	vadd.f32 v15, v11  }
0x302: {  	v12 =	vld [tilespmem:s18+$0xFFFFFFC0]  }
0x303: {  	s20 =	sadd.s32 $0x1A0, s18;
	v21 =	vld [tilespmem:s18+$0xC0];
	v11 =	vadd.f32 v14, v11  }
0x304: {  	v19 =	vld [tilespmem:s20+$0xFFFFFF40]  }
0x305: {  	v22 =	vld [tilespmem:s20+$0xFFFFFF60];
	v11 =	vadd.f32 v16, v11  }
0x306: {  	v13 =	vld [tilespmem:s18+$0xFFFFFFE0]  }
0x307: {  	v15 =	vld [tilespmem:s20+$0xFFFFFF30];
	v11 =	vadd.f32 v12, v11  }
0x308: {  	v23 =	vld [tilespmem:s20+$0xFFFFFF70]  }
0x309: {  	v16 =	vld [tilespmem:s20+$0xFFFFFF50];
	v11 =	vadd.f32 v17, v11  }
0x30a: {  	v14 =	vld [tilespmem:s18+$0x0]  }
0x30b: {  	v12 =	vld [tilespmem:s18+$0x20];
	v11 =	vadd.f32 v13, v11  }
0x30c: {  	v17 =	vld [tilespmem:s18+$0x30];
	v13 =	vadd.f32 v19, v15  }
0x30d: {  	v15 =	vld [tilespmem:s18+$0x40];
	v11 =	vadd.f32 v18, v11  }
0x30e: {  	v19 =	vld [tilespmem:s20+$0xFFFFFF80];
	v13 =	vadd.f32 v16, v13  }
0x30f: {  	v16 =	vld [tilespmem:s18+$0x50];
	v11 =	vadd.f32 v14, v11  }
0x310: {  	v18 =	vld [tilespmem:s20+$0xFFFFFF90];
	v13 =	vadd.f32 v22, v13  }
0x311: {  	v14 =	vld [tilespmem:s18+$0x60];
	v11 =	vadd.f32 v20, v11  }
0x312: {  	v22 =	vld [tilespmem:s20+$0xFFFFFFA0];
	v13 =	vadd.f32 v23, v13  }
0x313: {  	v20 =	vld [tilespmem:s18+$0x70];
	v11 =	vadd.f32 v12, v11  }
0x314: {  	v23 =	vld [tilespmem:s20+$0xFFFFFFB0];
	v12 =	vadd.f32 v19, v13  }
0x315: {  	v13 =	vld [tilespmem:s18+$0x80];
	v11 =	vadd.f32 v17, v11  }
0x316: {  	v19 =	vld [tilespmem:s18+$0x90];
	v12 =	vadd.f32 v18, v12  }
0x317: {  	v17 =	vld [tilespmem:s20+$0xFFFFFFC0];
	v11 =	vadd.f32 v15, v11  }
0x318: {  	v18 =	vld [tilespmem:s18+$0xA0];
	v12 =	vadd.f32 v22, v12  }
0x319: {  	v15 =	vld [tilespmem:s20+$0xFFFFFFD0];
	v11 =	vadd.f32 v16, v11  }
0x31a: {  	v22 =	vld [tilespmem:s18+$0xB0];
	v12 =	vadd.f32 v23, v12  }
0x31b: {  	v16 =	vld [tilespmem:s20+$0xFFFFFFE0];
	v11 =	vadd.f32 v14, v11  }
0x31c: {  	s19 =	sadd.s32 $0x1A0, s20;
	v23 =	vld [tilespmem:s20+$0xFFFFFFF0];
	v12 =	vadd.f32 v17, v12  }
0x31d: {  	v14 =	vld [tilespmem:s19+$0xFFFFFF30];
	v11 =	vadd.f32 v20, v11  }
0x31e: {  	v17 =	vld [tilespmem:s19+$0xFFFFFF40];
	v12 =	vadd.f32 v15, v12  }
0x31f: {  	v15 =	vld [tilespmem:s20+$0x0];
	v11 =	vadd.f32 v13, v11  }
0x320: {  	v20 =	vld [tilespmem:s20+$0x10];
	v12 =	vadd.f32 v16, v12  }
0x321: {  	v13 =	vld [tilespmem:s19+$0xFFFFFF50];
	v11 =	vadd.f32 v19, v11  }
0x322: {  	v16 =	vld [tilespmem:s20+$0xC0];
	v12 =	vadd.f32 v23, v12  }
0x323: {  	v19 =	vld [tilespmem:s20+$0x20];
	v11 =	vadd.f32 v18, v11  }
0x324: {  	v23 =	vld [tilespmem:s19+$0xFFFFFF60];
	v12 =	vadd.f32 v15, v12  }
0x325: {  	v14 =	vadd.f32 v17, v14;
	v15 =	vld [tilespmem:s20+$0x30];
	v11 =	vadd.f32 v22, v11  }
0x326: {  	v17 =	vld [tilespmem:s19+$0xFFFFFF70];
	v12 =	vadd.f32 v20, v12  }
0x327: {  	v18 =	vld [tilespmem:s20+$0x40];
	v13 =	vadd.f32 v13, v14;
	v11 =	vadd.f32 v21, v11  }
0x328: {  	v14 =	vld [tilespmem:s19+$0xFFFFFF80];
	v12 =	vadd.f32 v19, v12  }
0x329: {  	v13 =	vadd.f32 v23, v13;
	v19 =	vld [tilespmem:s20+$0x50];
	v11 =	vadd.f32 v11, v6  }
0x32a: {  	v20 =	vld [tilespmem:s19+$0xFFFFFF90];
	v12 =	vadd.f32 v15, v12  }
0x32b: {  	v13 =	vadd.f32 v17, v13;
	v15 =	vld [tilespmem:s20+$0x60];
	v11 =	vmax.f32 v11, $0.0e+00  }
0x32c: {  	v17 =	vld [tilespmem:s19+$0xFFFFFFA0];
	v12 =	vadd.f32 v18, v12;
	v11 =	vperm.xlane v11, v2  }
0x32d: {  	v13 =	vadd.f32 v14, v13;
	v18 =	vld [tilespmem:s20+$0x70]  }
0x32e: {  	v14 =	vld [tilespmem:s19+$0xFFFFFFB0];
	v12 =	vadd.f32 v19, v12;
	v11 =	vmul.f32 v11, v7  }
0x32f: {  	v13 =	vadd.f32 v20, v13;
	v19 =	vld [tilespmem:s20+$0x80]  }
0x330: {  	v12 =	vadd.f32 v15, v12;
	v15 =	vld [tilespmem:s19+$0xFFFFFFC0];
	v21 =	vperm.xlane v11, v3  }
0x331: {  	v20 =	vld [tilespmem:s20+$0x90];
	v13 =	vadd.f32 v17, v13  }
0x332: {  	v12 =	vadd.f32 v18, v12;
	v18 =	vld [tilespmem:s19+$0xFFFFFFD0];
	v11 =	vadd.f32 v21, v11  }
0x333: {  	v17 =	vld [tilespmem:s20+$0xA0];
	v13 =	vadd.f32 v14, v13  }
0x334: {  	v12 =	vadd.f32 v19, v12;
	v19 =	vld [tilespmem:s19+$0xFFFFFFE0];
	v21 =	vperm.xlane v11, v4  }
0x335: {  	v14 =	vld [tilespmem:s20+$0xB0];
	v13 =	vadd.f32 v15, v13  }
0x336: {  	s25 =	sadd.s32 $0x1A0, s19;
	v15 =	vld [tilespmem:s19+$0xFFFFFFF0];
	v12 =	vadd.f32 v20, v12;
	v11 =	vadd.f32 v21, v11  }
0x337: {  	v20 =	vld [tilespmem:s25+$0xFFFFFF30];
	v13 =	vadd.f32 v18, v13  }
0x338: {  	v12 =	vadd.f32 v17, v12;
	v17 =	vld [tilespmem:s19+$0x0];
	v11 =	vadd.f32 v11, v8  }
0x339: {  	v21 =	vld [tilespmem:s25+$0xFFFFFF40];
	v13 =	vadd.f32 v19, v13  }
0x33a: {  	v18 =	vld [tilespmem:s19+$0x10];
	v11 =	vmax.f32 v11, $0.0e+00  }
0x33b: {  	v12 =	vadd.f32 v14, v12;
	v14 =	vld [tilespmem:s25+$0xFFFFFF50];
	v13 =	vadd.f32 v15, v13;
	v11 =	vmul.f32 v11, v9  }
0x33c: {  	v15 =	vld [tilespmem:s19+$0x20]  }
0x33d: {  	v12 =	vadd.f32 v16, v12;
	v16 =	vld [tilespmem:s25+$0xFFFFFF60];
	v13 =	vadd.f32 v17, v13;
	v17 =	vperm.xlane v11, v1  }
0x33e: {  	v19 =	vadd.f32 v21, v20;
	v20 =	vld [tilespmem:s19+$0x30]  }
0x33f: {  	v21 =	vld [tilespmem:s25+$0xFFFFFF70];
	v13 =	vadd.f32 v18, v13;
	v11 =	vadd.f32 v11, v17  }
0x340: {  	v14 =	vadd.f32 v14, v19;
	v17 =	vld [tilespmem:s19+$0x40]  }
0x341: {  	v18 =	vld [tilespmem:s25+$0xFFFFFF80];
	v13 =	vadd.f32 v15, v13;
	v15 =	vperm.xlane v11, v5  }
0x342: {  	v12 =	vadd.f32 v12, v6;
	v14 =	vadd.f32 v16, v14;
	v16 =	vld [tilespmem:s19+$0x50]  }
0x343: {  	v19 =	vld [tilespmem:s25+$0xFFFFFF90];
	v13 =	vadd.f32 v20, v13;
	v11 =	vadd.f32 v11, v15  }
0x344: {  	v14 =	vadd.f32 v21, v14;
	v15 =	vld [tilespmem:s19+$0x60]  }
0x345: {  	v12 =	vmax.f32 v12, $0.0e+00;
	v13 =	vadd.f32 v17, v13;
	v21 =	vperm.xlane v11, v4  }
0x346: {  	v12 =	vperm.xlane v12, v2;
	v14 =	vadd.f32 v18, v14;
	v18 =	vld [tilespmem:s19+$0x70]  }
0x347: {  	v13 =	vadd.f32 v16, v13;
	v11 =	vadd.f32 v11, v21  }
0x348: {  	v12 =	vmul.f32 v12, v7;
	v16 =	vld [tilespmem:s19+$0x80]  }
0x349: {  	v20 =	vld [tilespmem:s25+$0xFFFFFFA0];
	v14 =	vadd.f32 v19, v14;
	v13 =	vadd.f32 v15, v13;
	v19 =	vperm.xlane v11, v3  }
0x34a: {  	v17 =	vperm.xlane v12, v3;
	v15 =	vld [tilespmem:s19+$0x90]  }
0x34b: {  	v13 =	vadd.f32 v18, v13;
	v11 =	vadd.f32 v11, v19  }
0x34c: {  	v12 =	vadd.f32 v17, v12;
	v21 =	vld [tilespmem:s19+$0xA0]  }
0x34d: {  	v23 =	vld [tilespmem:s25+$0xFFFFFFB0];
	v13 =	vadd.f32 v16, v13;
	v11 =	vadd.f32 v11, v10  }
0x34e: {  	v17 =	vperm.xlane v12, v4;
	v14 =	vadd.f32 v20, v14  }
0x34f: {  	v20 =	vld [tilespmem:s25+$0xFFFFFFC0];
	v13 =	vadd.f32 v15, v13;
	v11 =	vsub.f32 $0.0e+00, v11  }
0x350: {  	v22 =	vld [tilespmem:s19+$0xC0];
	v12 =	vadd.f32 v17, v12  }
0x351: {  	v17 =	vld [tilespmem:s25+$0xFFFFFFD0];
	v13 =	vadd.f32 v21, v13;
	v21 =	vmul.f32 $1.442695020e+00, v11  }
0x352: {  	v14 =	vadd.f32 v23, v14;
	v23 =	vld [tilespmem:s25+$0xFFFFFFE0];
	v12 =	vadd.f32 v12, v8  }
0x353: {  	s26 =	sadd.s32 $0x1A0, s25;
	v19 =	vld [tilespmem:s19+$0xB0];
	(erf) = vpow2.f32 v21  }
0x354: {  	v18 =	vld [tilespmem:s26+$0xFFFFFF40];
	v14 =	vadd.f32 v20, v14;
	v12 =	vmax.f32 v12, $0.0e+00  }
0x355: {  	v20 =	vld [tilespmem:s25+$0xFFFFFFF0];
	v12 =	vmul.f32 v12, v9  }
0x356: {  	v16 =	vld [tilespmem:s26+$0xFFFFFF30];
	v14 =	vadd.f32 v17, v14  }
0x357: {  	v15 =	vld [tilespmem:s25+$0x0];
	v17 =	vperm.xlane v12, v1  }
0x358: {  	s22 =	simm.s32 $0x1;
	v23 =	vadd.f32 v23, v14;
	v14 =	vld [tilespmem:s25+$0x10];
	v24 =	vadd.f32 v19, v13  }
0x359: {  	s21 =	simm.s32 $0x2;
	s23 =	simm.s32 $0x3;
	s28 =	simm.s32 $0x5;
	v19 =	vld [tilespmem:s26+$0xFFFFFF50];
	v13 =	vadd.f32 v12, v17  }
0x35a: {  	s24 =	simm.s32 $0x0;
	s20 =	simm.s32 $0x4;
	s19 =	sshll.u32 s17, $0x4;
	v11 =	vimm.f32 $0.0e+00;
	v20 =	vadd.f32 v20, v23;
	v12 =	vld [tilespmem:s25+$0xC0];
	v17 =	vadd.f32 v22, v24  }
.LBB2_15:
0x35b: {  	p0 =	sne.s32 s28, $0xF;
	v16 =	vadd.f32 v18, v16;
	v18 =	vld [tilespmem:s25+$0x20];
	v21 =	vperm.xlane v13, v5  }
0x35c: {  	v22 =	vld [tilespmem:s26+$0xFFFFFF60];
	v15 =	vadd.f32 v15, v20;
	v17 =	vadd.f32 v17, v6;
	v20 =	vpop (erf)  }
0x35d: {  	v23 =	vld [tilespmem:s25+$0x30];
	v13 =	vadd.f32 v13, v21;
	v20 =	vadd.f32 $1.000000000e+00, v20  }
0x35e: {  	v16 =	vadd.f32 v19, v16;
	v19 =	vld [tilespmem:s26+$0xFFFFFF70];
	v14 =	vadd.f32 v14, v15  }
0x35f: {  	v17 =	vmax.f32 v17, $0.0e+00;
	v15 =	vld [tilespmem:s25+$0x40];
	v21 =	vperm.xlane v13, v4;
	(erf) = vrcp.f32 v20  }
0x360: {  	v17 =	vperm.xlane v17, v2;
	v20 =	vld [tilespmem:s26+$0xFFFFFF80];
	v14 =	vadd.f32 v18, v14  }
0x361: {  	v16 =	vadd.f32 v22, v16;
	v18 =	vld [tilespmem:s25+$0x50];
	v13 =	vadd.f32 v13, v21  }
0x362: {  	v17 =	vmul.f32 v17, v7;
	v21 =	vld [tilespmem:s26+$0xFFFFFF90];
	v14 =	vadd.f32 v23, v14  }
0x363: {  	v16 =	vadd.f32 v19, v16;
	v19 =	vld [tilespmem:s25+$0x60];
	v22 =	vperm.xlane v13, v3  }
0x364: {  	v23 =	vld [tilespmem:s26+$0xFFFFFFA0];
	v14 =	vadd.f32 v15, v14;
	v15 =	vperm.xlane v17, v3  }
0x365: {  	v16 =	vadd.f32 v20, v16;
	v20 =	vld [tilespmem:s25+$0x70];
	v13 =	vadd.f32 v13, v22  }
0x366: {  	v22 =	vld [tilespmem:s26+$0xFFFFFFB0];
	v14 =	vadd.f32 v18, v14;
	v15 =	vadd.f32 v15, v17  }
0x367: {  	v24 =	vmov s24;
	s24 =	smov.u32 s22;
	s22 =	smov.u32 s21;
	s21 =	smov.u32 s23;
	v16 =	vadd.f32 v21, v16;
	v17 =	vld [tilespmem:s25+$0x80];
	v13 =	vadd.f32 v13, v10  }
0x368: {  	s23 =	smov.u32 s20;
	s20 =	smov.u32 s28;
	vm0 =	veq.s32 v24, v0;
	v14 =	vadd.f32 v19, v14;
	v19 =	vld [tilespmem:s25+$0x90];
	v21 =	vperm.xlane v15, v4;
	v18 =	vpop (erf)  }
0x369: {  	v16 =	vadd.f32 v23, v16;
	v23 =	vld [tilespmem:s26+$0xFFFFFFC0];
	v13 =	vsub.f32 $0.0e+00, v13;
	v11 =	vsel vm0, v18, v11  }
0x36a: {  	v14 =	vadd.f32 v20, v14;
	v20 =	vld [tilespmem:s25+$0xA0];
	v15 =	vadd.f32 v21, v15  }
0x36b: {  	v16 =	vadd.f32 v22, v16;
	v21 =	vld [tilespmem:s26+$0xFFFFFFD0];
	v13 =	vmul.f32 $1.442695020e+00, v13  }
0x36c: {  	v14 =	vadd.f32 v17, v14;
	v17 =	vld [tilespmem:s25+$0xB0];
	v15 =	vadd.f32 v15, v8;
	s25 =	smov.u32 s26  }
0x36d: {  	v22 =	vld [tilespmem:s26+$0xFFFFFFE0];
	(erf) = vpow2.f32 v13  }
0x36e: {  	s26 =	sadd.s32 $0x1A0, s26;
	v13 =	vadd.f32 v23, v16;
	v23 =	vld [tilespmem:s25+$0xFFFFFFF0];
	v14 =	vadd.f32 v19, v14;
	v15 =	vmax.f32 v15, $0.0e+00  }
0x36f: {  	v16 =	vld [tilespmem:s26+$0xFFFFFF30];
	v24 =	vmul.f32 v15, v9  }
.Ltmp6:
0x370: {  	v18 =	vld [tilespmem:s26+$0xFFFFFF40];
	v13 =	vadd.f32 v21, v13;
	v19 =	vadd.f32 v20, v14;
	(pc) =	sbr.rel @p0 .LBB2_15-.Ltmp6, $4  }
0x371: {  	v15 =	vld [tilespmem:s25+$0x0];
	v20 =	vperm.xlane v24, v1  }
0x372: {  	v21 =	vadd.f32 v22, v13;
	v14 =	vld [tilespmem:s25+$0x10];
	v17 =	vadd.f32 v17, v19  }
0x373: {  	v19 =	vld [tilespmem:s26+$0xFFFFFF50];
	v13 =	vadd.f32 v24, v20  }
0x374: {  	s28 =	sadd.s32 $0x1, s28;
	v20 =	vadd.f32 v23, v21;
	v17 =	vadd.f32 v12, v17;
	v12 =	vld [tilespmem:s25+$0xC0]  }
0x375: {  	v21 =	vld [tilespmem:s26+$0xFFFFFF60]  }
0x376: {  	v16 =	vadd.f32 v18, v16  }
0x377: {  	v39 =	vld [tilespmem:s26+$0xFFFFFF70]  }
0x378: {  	v16 =	vadd.f32 v19, v16  }
0x379: {  	v40 =	vld [tilespmem:s26+$0xFFFFFF80]  }
0x37a: {  	v16 =	vadd.f32 v21, v16  }
0x37b: {  	v41 =	vld [tilespmem:s26+$0xFFFFFF90]  }
0x37c: {  	v16 =	vadd.f32 v39, v16  }
0x37d: {  	v42 =	vld [tilespmem:s26+$0xFFFFFFA0]  }
0x37e: {  	v43 =	vld [tilespmem:s26+$0xFFFFFFB0];
	v16 =	vadd.f32 v40, v16  }
0x37f: {  	v22 =	vld [tilespmem:s25+$0x20]  }
0x380: {  	v44 =	vld [tilespmem:s26+$0xFFFFFFC0];
	v15 =	vadd.f32 v15, v20;
	v16 =	vadd.f32 v41, v16  }
0x381: {  	v45 =	vld [tilespmem:s25+$0x30]  }
0x382: {  	v46 =	vld [tilespmem:s26+$0xFFFFFFD0];
	v14 =	vadd.f32 v14, v15;
	v16 =	vadd.f32 v42, v16  }
0x383: {  	v47 =	vld [tilespmem:s25+$0x40]  }
0x384: {  	v48 =	vld [tilespmem:s26+$0xFFFFFFE0];
	v14 =	vadd.f32 v22, v14;
	v16 =	vadd.f32 v43, v16  }
0x385: {  	v49 =	vld [tilespmem:s25+$0x50]  }
0x386: {  	v50 =	vld [tilespmem:s26+$0xFFFFFFF0];
	v14 =	vadd.f32 v45, v14;
	v16 =	vadd.f32 v44, v16  }
0x387: {  	v51 =	vld [tilespmem:s25+$0x60]  }
0x388: {  	v52 =	vld [tilespmem:s26+$0x0];
	v14 =	vadd.f32 v47, v14;
	v15 =	vadd.f32 v46, v16  }
0x389: {  	v53 =	vld [tilespmem:s25+$0x70]  }
0x38a: {  	v54 =	vld [tilespmem:s26+$0x10];
	v14 =	vadd.f32 v49, v14;
	v15 =	vadd.f32 v48, v15  }
0x38b: {  	v55 =	vld [tilespmem:s25+$0x80]  }
0x38c: {  	v56 =	vld [tilespmem:s26+$0x20];
	v14 =	vadd.f32 v51, v14;
	v15 =	vadd.f32 v50, v15  }
0x38d: {  	v57 =	vld [tilespmem:s25+$0x90];
	v17 =	vadd.f32 v17, v6  }
0x38e: {  	v59 =	vld [tilespmem:s26+$0x30];
	v14 =	vadd.f32 v53, v14;
	v15 =	vadd.f32 v52, v15  }
0x38f: {  	v60 =	vld [tilespmem:s25+$0xA0]  }
0x390: {  	v61 =	vld [tilespmem:s26+$0x40];
	v58 =	vmax.f32 v17, $0.0e+00;
	v14 =	vadd.f32 v55, v14;
	v15 =	vadd.f32 v54, v15  }
0x391: {  	v62 =	vld [tilespmem:s25+$0xB0];
	v16 =	vperm.xlane v58, v2  }
0x392: {  	v14 =	vadd.f32 v57, v14;
	v15 =	vadd.f32 v56, v15  }
0x393: {  	v63 =	vld [tilespmem:s26+$0x50];
	v16 =	vmul.f32 v16, v7  }
0x394: {  	v14 =	vadd.f32 v60, v14;
	v15 =	vadd.f32 v59, v15  }
0x395: {  	v25 =	vld [tilespmem:s26+$0x60];
	v24 =	vperm.xlane v16, v3  }
0x396: {  	v14 =	vadd.f32 v62, v14;
	v15 =	vadd.f32 v61, v15  }
0x397: {  	v26 =	vperm.xlane v13, v5;
	v27 =	vld [tilespmem:s26+$0x70];
	v16 =	vadd.f32 v24, v16  }
0x398: {  	v12 =	vadd.f32 v12, v14;
	v15 =	vadd.f32 v63, v15  }
0x399: {  	v28 =	vld [tilespmem:s26+$0x80];
	v13 =	vadd.f32 v13, v26;
	v21 =	vperm.xlane v16, v4  }
0x39a: {  	v12 =	vadd.f32 v12, v6;
	v15 =	vadd.f32 v25, v15  }
0x39b: {  	v30 =	vld [tilespmem:s26+$0x90];
	v29 =	vperm.xlane v13, v4;
	v16 =	vadd.f32 v21, v16  }
0x39c: {  	v12 =	vmax.f32 v12, $0.0e+00;
	v15 =	vadd.f32 v27, v15  }
0x39d: {  	v31 =	vld [tilespmem:s26+$0xA0];
	v13 =	vadd.f32 v13, v29;
	v12 =	vperm.xlane v12, v2;
	v16 =	vadd.f32 v16, v8  }
0x39e: {  	v14 =	vadd.f32 v28, v15  }
0x39f: {  	v33 =	vld [tilespmem:s26+$0xB0];
	v32 =	vperm.xlane v13, v3;
	v12 =	vmul.f32 v12, v7;
	v16 =	vmax.f32 v16, $0.0e+00  }
0x3a0: {  	v16 =	vmul.f32 v16, v9;
	v14 =	vadd.f32 v30, v14  }
0x3a1: {  	v35 =	vld [tilespmem:s26+$0xC0];
	v13 =	vadd.f32 v13, v32;
	v36 =	vperm.xlane v12, v3  }
0x3a2: {  	v34 =	vperm.xlane v16, v1;
	v14 =	vadd.f32 v31, v14  }
0x3a3: {  	v13 =	vadd.f32 v13, v10;
	v12 =	vadd.f32 v36, v12  }
0x3a4: {  	v15 =	vadd.f32 v16, v34;
	v14 =	vadd.f32 v33, v14  }
0x3a5: {  	v39 =	vperm.xlane v12, v4  }
0x3a6: {  	v37 =	vpop (erf);
	v13 =	vsub.f32 $0.0e+00, v13;
	v38 =	vperm.xlane v15, v5;
	v14 =	vadd.f32 v35, v14  }
0x3a7: {  	v12 =	vadd.f32 v39, v12;
	v16 =	vadd.f32 $1.000000000e+00, v37  }
0x3a8: {  	v15 =	vadd.f32 v15, v38;
	v14 =	vadd.f32 v14, v6  }
0x3a9: {  	v13 =	vmul.f32 $1.442695020e+00, v13;
	v12 =	vadd.f32 v12, v8  }
0x3aa: {  	(erf) = vrcp.f32 v16;
	v40 =	vperm.xlane v15, v4;
	v14 =	vmax.f32 v14, $0.0e+00  }
0x3ab: {  	(erf) = vpow2.f32 v13;
	v12 =	vmax.f32 v12, $0.0e+00;
	v14 =	vperm.xlane v14, v2  }
0x3ac: {  	v12 =	vmul.f32 v12, v9;
	v13 =	vadd.f32 v15, v40  }
0x3ad: {  	v14 =	vmul.f32 v14, v7  }
0x3ae: {  	v41 =	vperm.xlane v12, v1;
	v15 =	vperm.xlane v13, v3  }
0x3af: {  	v42 =	vperm.xlane v14, v3  }
0x3b0: {  	v12 =	vadd.f32 v12, v41;
	v13 =	vadd.f32 v13, v15  }
0x3b1: {  	v14 =	vadd.f32 v42, v14  }
0x3b2: {  	v45 =	vperm.xlane v12, v5;
	v13 =	vadd.f32 v13, v10  }
0x3b3: {  	v43 =	vpop (erf);
	v46 =	vperm.xlane v14, v4  }
0x3b4: {  	v44 =	vpop (erf);
	v12 =	vadd.f32 v12, v45;
	v13 =	vsub.f32 $0.0e+00, v13  }
0x3b5: {  	v16 =	vadd.f32 $1.000000000e+00, v44;
	v14 =	vadd.f32 v46, v14  }
0x3b6: {  	v13 =	vmul.f32 $1.442695020e+00, v13  }
0x3b7: {  	v47 =	vperm.xlane v12, v4;
	(erf) = vrcp.f32 v16;
	v14 =	vadd.f32 v14, v8  }
0x3b8: {  	(erf) = vpow2.f32 v13  }
0x3b9: {  	v12 =	vadd.f32 v12, v47;
	v48 =	vmax.f32 v14, $0.0e+00  }
0x3ba: {  	v13 =	vmul.f32 v48, v9  }
0x3bb: {  	v49 =	vperm.xlane v12, v3  }
0x3bc: {  	v50 =	vperm.xlane v13, v1  }
0x3bd: {  	v12 =	vadd.f32 v12, v49  }
0x3be: {  	v13 =	vadd.f32 v13, v50  }
0x3bf: {  	v12 =	vadd.f32 v12, v10  }
0x3c0: {  	v51 =	vpop (erf);
	v16 =	vperm.xlane v13, v5  }
0x3c1: {  	v12 =	vsub.f32 $0.0e+00, v12;
	v52 =	vpop (erf)  }
0x3c2: {  	v17 =	vadd.f32 $1.000000000e+00, v52;
	v13 =	vadd.f32 v13, v16  }
0x3c3: {  	v12 =	vmul.f32 $1.442695020e+00, v12  }
0x3c4: {  	(erf) = vrcp.f32 v17;
	v16 =	vperm.xlane v13, v4  }
0x3c5: {  	(erf) = vpow2.f32 v12  }
0x3c6: {  	v53 =	vadd.f32 v13, v16;
	_ =	sdelay $0x1  }
0x3c7: {  	v13 =	vperm.xlane v53, v3;
	_ =	sdelay $0x1  }
0x3c8: {  	v12 =	vadd.f32 v53, v13;
	_ =	sdelay $0x1  }
0x3c9: {  	v12 =	vadd.f32 v12, v10  }
0x3ca: {  	v54 =	vpop (erf)  }
0x3cb: {  	v55 =	vpop (erf);
	v12 =	vsub.f32 $0.0e+00, v12  }
0x3cc: {  	v16 =	vadd.f32 $1.000000000e+00, v55  }
0x3cd: {  	v12 =	vmul.f32 $1.442695020e+00, v12  }
0x3ce: {  	(erf) = vrcp.f32 v16  }
0x3cf: {  	(erf) = vpow2.f32 v12;
	_ =	sdelay $0x7  }
0x3d0: {  	v56 =	vpop (erf)  }
0x3d1: {  	v57 =	vpop (erf)  }
0x3d2: {  	v16 =	vadd.f32 $1.000000000e+00, v57;
	_ =	sdelay $0x1  }
0x3d3: {  	(erf) = vrcp.f32 v16;
	_ =	sdelay $0x3  }
0x3d4: {  	v58 =	vmov s24  }
0x3d5: {  	s17 =	sadd.s32 $0x1, s17;
	vm0 =	veq.s32 v58, v0;
	v59 =	vmov s22  }
0x3d6: {  	p0 =	sne.s32 s17, $0x8;
	v60 =	vmov s21;
	vm12 =	veq.s32 v59, v0;
	v11 =	vsel vm0, v43, v11  }
.Ltmp7:
0x3d7: {  	vm13 =	veq.s32 v60, v0;
	v61 =	vmov s23;
	v11 =	vsel vm12, v51, v11;
	(pc) =	sbr.rel @p0 .LBB2_14-.Ltmp7, $4  }
0x3d8: {  	v62 =	vmov s20;
	vm14 =	veq.s32 v61, v0;
	v11 =	vsel vm13, v54, v11  }
0x3d9: {  	vm15 =	veq.s32 v62, v0;
	v11 =	vsel vm14, v56, v11;
	v63 =	vpop (erf)  }
0x3da: {  	v11 =	vsel vm15, v63, v11  }
0x3db: {  	s18 =	sadd.s32 $0x1A00, s18;
	[tilespmem:s19+$0xDED0] =	vst v11  }
0x3dc: {  	s16 =	sadd.s32 $0x1, s16  }
0x3dd: {  	p0 =	sne.s32 s16, s10  }
.Ltmp8:
0x3de: {  	_ = 	snop;
	(pc) =	sbr.rel @p0 .LBB2_1-.Ltmp8, $4  }
0x3df: {  	[hbm4b:s9+s2] =	stream.linear.scatter [tilespmem:s15], [sflag:$0x2], $0x200, $0x38;
	[tilespmem:$0xDF50] =	vst v63  }
0x3e0: {  	_ =	swait.ge [sflag:s12], $0x200  }
0x3e1: {  	[sflag:s12] =	ssyncset.done $0x0  }
0x3e2: {  	[sflag:s12] =	ssyncadd.s32 $0xFFFFFE00  }
0x3e3: {  	_ =	sfence.sel $0x180000  }
0x3e4: {  	[bflag:$0x0] =	sbarrier.arrive $0xFFFF  }
0x3e5: {  	p0 =	sne.s32 s0, $0x0;
	_ =	strace $0x90000047  }
0x3e6: {  	s0 =	sadd.s32 @!p0 $0x100000, s1;
	[bflag:$0x2] =	sbarrier.arrive $0xFFFF  }
0x3e7: {  	[sflag:s0] =	ssyncadd.tile.s32 @!p0 $0x1;
	_ =	shalt  }
.Lfunc_end2:
_tile_overlayer_lowered:
.L_overlay_start_2:
0x3e8: {  	(tag) =	ssettag $0x2  }
0x3e9: {  	s0 =	rddreg [dreg:$0x0];
	s2 =	stileid.u32  }
0x3ea: {  	s1 =	rddreg [dreg:$0x1];
	p0 =	sne.s32 s2, $0x0  }
0x3eb: {  	s3 =	rddreg [dreg:$0x2];
	[bflag:$0x3] =	sbarrier.arrive $0xFFFF;
	s2 =	simm.s32 @!p0 $0x1C02  }
0x3ec: {  	[timem:s3], [sflag:s2] =	dma.local @!p0 [hbm:s0], s1  }
0x3ed: {  	s0 =	simm.s32 @!p0 $0x2  }
0x3ee: {  	_ =	swait.ge @!p0 [sflag:s0], s1  }
0x3ef: {  	s1 =	ssub.s32 @!p0 $0x0, s1;
	[sflag:s0] =	ssyncset.done @!p0 $0x0  }
0x3f0: {  	[sflag:s0] =	ssyncadd.s32 @!p0 s1  }
0x3f1: {  	[bflag:$0x3] =	sbarrier.arrive $0xFFFF  }
0x3f2: {  	_ =	shalt  }

</sc_bundles>
